<compile_context>
chip_gen: v7x
topology: tpu7x:2x2x1
jax: 0.10.2.dev20260603
libtpu: 0.0.44.dev20260713+nightly
codegen_flags: <defaults>
</compile_context>

<pallas_src>
import functools

import jax
import jax.numpy as jnp
from jax import lax
from jax.experimental import pallas as pl
from jax.experimental.pallas import tpu as pltpu
from jax.experimental.pallas import tpu_sc as plsc

D = 64
B = 16384
NC = 2
NS = 16
L = 16
NW = NC * NS
BPW = B // NW
CW = 512
MAIN = 999936
NCHUNKS = MAIN // CW
CPW = -(-NCHUNKS // NW)
CAPH = 4096
RING = 4
EROWS = 2 * B + L
DUMP = 2 * B

_mesh = plsc.VectorSubcoreMesh(core_axis_name="c", subcore_axis_name="s")
_params = pltpu.CompilerParams(needs_layout_passes=False)


@functools.partial(
    pl.kernel,
    mesh=_mesh,
    compiler_params=_params,
    out_type=jax.ShapeDtypeStruct((EROWS, 2 * D), jnp.float32),
    scratch_types=[
        pltpu.VMEM((B,), jnp.int32),
        pltpu.VMEM((CAPH + L,), jnp.int32),
        pltpu.VMEM((CAPH + L,), jnp.int32),
        pltpu.VMEM((CAPH + L,), jnp.int32),
        pltpu.VMEM((CAPH + L,), jnp.int32),
        pltpu.VMEM((CAPH + L,), jnp.int32),
        pltpu.VMEM((CAPH + L,), jnp.int32),
        pltpu.VMEM((2 * D, CW), jnp.float32),
        pltpu.VMEM((D, 2 * D), jnp.float32),
        pltpu.VMEM((RING * L, 2 * D), jnp.float32),
        pltpu.SemaphoreType.DMA,
        pltpu.SemaphoreType.DMA,
        pltpu.SemaphoreType.DMA,
    ],
)
def _extract_sc(w_i_hbm, w_j_hbm, wt_hbm, wtail_hbm, e_hbm,
                idx_v, hit_r, hit_p, ch_r, ch_p, hit_r2, hit_p2, chunk_v,
                wtail_v, stage_v, sem_c0, sem_c1, sem_s):
    wid = lax.axis_index("s") * NC + lax.axis_index("c")
    lane = lax.iota(jnp.int32, L)

    lo = wid * CPW * CW
    nch = jnp.minimum(CPW, NCHUNKS - wid * CPW)
    hi = jnp.where(wid == NW - 1, 1000000, lo + nch * CW)

    def scan_list(pos_base, off0):
        def body(i, off):
            vals = idx_v[pl.ds(i * L, L)]
            mask = (vals >= lo) & (vals < hi)

            pc = jnp.cumsum(mask.astype(jnp.int32))
            dst = off + pc - 1

            @pl.when(off <= CAPH - L)
            def _():
                plsc.store_scatter(hit_r, [dst], vals, mask=mask)
                plsc.store_scatter(hit_p, [dst], i * L + lane + pos_base,
                                   mask=mask)

            return jnp.where(off <= CAPH - L, off + pc[L - 1], off)

        return lax.fori_loop(0, B // L, body, off0)

    pltpu.sync_copy(w_i_hbm, idx_v)
    nh = scan_list(0, 0)
    pltpu.sync_copy(w_j_hbm, idx_v)
    nh = scan_list(B, nh)
    nhv = -(-nh // L)

    nchlo = (nch + 1) // 2
    mid = lo + nchlo * CW

    def part_body(v, offs):
        off_lo, off_hi = offs
        vals = hit_r[pl.ds(v * L, L)]
        pos = hit_p[pl.ds(v * L, L)]
        valid = v * L + lane < nh
        mlo = valid & (vals < mid)
        mhi = valid & (vals >= mid)
        pclo = jnp.cumsum(mlo.astype(jnp.int32))
        plsc.store_scatter(hit_r, [off_lo + pclo - 1], vals, mask=mlo)
        plsc.store_scatter(hit_p, [off_lo + pclo - 1], pos, mask=mlo)
        pchi = jnp.cumsum(mhi.astype(jnp.int32))
        plsc.store_scatter(hit_r2, [off_hi + pchi - 1], vals, mask=mhi)
        plsc.store_scatter(hit_p2, [off_hi + pchi - 1], pos, mask=mhi)
        return (off_lo + pclo[L - 1], off_hi + pchi[L - 1])

    nh_lo, nh_hi = lax.fori_loop(0, nhv, part_body, (jnp.int32(0), jnp.int32(0)))
    big = jnp.full((L,), 1 << 29, jnp.int32)
    plsc.store_scatter(hit_r, [nh_lo + lane], big)
    plsc.store_scatter(hit_r2, [nh_hi + lane], big)
    nhv_lo = -(-nh_lo // L)
    nhv_hi = -(-nh_hi // L)

    pltpu.sync_copy(wtail_hbm, wtail_v)

    def issue_chunk(c, parity):
        start = pl.multiple_of((wid * CPW + c) * CW, 128)
        sem = sem_c1 if parity else sem_c0
        pltpu.async_copy(wt_hbm.at[:, pl.ds(start, CW)],
                         chunk_v.at[pl.ds(parity * D, D)], sem)

    def drain_chunk(parity):
        sem = sem_c1 if parity else sem_c0
        pltpu.make_async_copy(
            wt_hbm.at[:, pl.ds(0, CW)], chunk_v.at[pl.ds(0, D)], sem).wait()

    def compact_window(clo, width, src_r, src_p, nvregs):
        def body(v, off):
            vals = src_r[pl.ds(v * L, L)]
            pos = src_p[pl.ds(v * L, L)]
            mask = (vals >= clo) & (vals < clo + width)
            pc = jnp.cumsum(mask.astype(jnp.int32))
            dst = off + pc - 1
            plsc.store_scatter(ch_r, [dst], vals - clo, mask=mask)
            plsc.store_scatter(ch_p, [dst], pos, mask=mask)
            return off + pc[L - 1]

        return lax.fori_loop(0, nvregs, body, 0)

    def extract_and_scatter(coff, gather_from):
        def body(h, posvec):
            slot = lax.rem(h, L)
            grp = lax.rem(lax.div(h, L), RING)
            cl = ch_r[pl.ds(h, L)][0]
            pos = ch_p[pl.ds(h, L)][0]
            row = grp * L + slot
            for k in range(4):
                stage_v[row, pl.ds(k * L, L)] = gather_from(k * L + lane, cl)
            posvec = jnp.where(lane == slot, pos, posvec)

            @pl.when(slot == L - 1)
            def _():
                pltpu.async_copy(stage_v.at[pl.ds(grp * L, L)],
                                 e_hbm.at[posvec], sem_s)

            return jnp.where(slot == L - 1, DUMP + lane, posvec)

        posvec = lax.fori_loop(0, coff, body, DUMP + lane)

        nfull = lax.div(coff, L)
        rem = lax.rem(coff, L)

        @pl.when(rem > 0)
        def _():
            grp = lax.rem(nfull, RING)
            pltpu.async_copy(stage_v.at[pl.ds(grp * L, L)],
                             e_hbm.at[posvec], sem_s)

        nflush = jnp.minimum(nfull + jnp.where(rem > 0, 1, 0), RING)

        def drain(i, carry):
            pltpu.make_async_copy(stage_v.at[pl.ds(0, L)],
                                  e_hbm.at[pl.ds(0, L), :], sem_s).wait()
            return carry

        lax.fori_loop(0, nflush, drain, 0)

    issue_chunk(0, 0)

    def pair_body(it, carry):
        for k in (0, 1):
            c = it * 2 + k

            @pl.when(c < nch)
            def _(c=c, k=k):
                @pl.when(c + 1 < nch)
                def _():
                    issue_chunk(c + 1, 1 - k)

                drain_chunk(k)

                def gather_chunk(rowv, cl):
                    return plsc.load_gather(
                        chunk_v, [k * D + rowv, jnp.full((L,), cl, jnp.int32)])

                @pl.when(c < nchlo)
                def _():
                    coff = compact_window(lo + c * CW, CW,
                                          hit_r, hit_p, nhv_lo)
                    extract_and_scatter(coff, gather_chunk)

                @pl.when(c >= nchlo)
                def _():
                    coff = compact_window(lo + c * CW, CW,
                                          hit_r2, hit_p2, nhv_hi)
                    extract_and_scatter(coff, gather_chunk)

        return carry

    lax.fori_loop(0, (CPW + 1) // 2, pair_body, 0)

    @pl.when(wid == NW - 1)
    def _():
        coff = compact_window(jnp.int32(MAIN), jnp.int32(1000000 - MAIN),
                              hit_r2, hit_p2, nhv_hi)

        def gather_tail(rowv, cl):
            return plsc.load_gather(
                wtail_v, [rowv, jnp.full((L,), cl, jnp.int32)])

        extract_and_scatter(coff, gather_tail)


@functools.partial(
    pl.kernel,
    mesh=_mesh,
    compiler_params=_params,
    out_type=jax.ShapeDtypeStruct((B,), jnp.float32),
    scratch_types=[
        pltpu.VMEM((128, 2 * D), jnp.float32),
        pltpu.VMEM((128, 2 * D), jnp.float32),
        pltpu.VMEM((BPW,), jnp.float32),
        pltpu.SemaphoreType.DMA,
    ],
)
def _dot_sc(e_hbm, out_hbm, rows_i_v, rows_j_v, out_v, sem):
    wid = lax.axis_index("s") * NC + lax.axis_index("c")
    base = wid * BPW
    lane = lax.iota(jnp.int32, L)

    def block_body(t, carry):
        cp1 = pltpu.async_copy(
            e_hbm.at[pl.ds(base + t * 128, 128), :], rows_i_v, sem)
        cp2 = pltpu.async_copy(
            e_hbm.at[pl.ds(B + base + t * 128, 128), :], rows_j_v, sem)
        cp1.wait()
        cp2.wait()

        def group_body(g, carry2):
            acc = jnp.zeros((L,), jnp.float32)
            for b in range(L):
                rb = g * L + b
                s = (rows_i_v[rb, pl.ds(0, L)] * rows_j_v[rb, pl.ds(0, L)]
                     + rows_i_v[rb, pl.ds(L, L)] * rows_j_v[rb, pl.ds(L, L)]
                     + rows_i_v[rb, pl.ds(2 * L, L)] * rows_j_v[rb, pl.ds(2 * L, L)]
                     + rows_i_v[rb, pl.ds(3 * L, L)] * rows_j_v[rb, pl.ds(3 * L, L)])
                acc = jnp.where(lane == b, jnp.sum(s), acc)
            out_v[pl.ds(t * 128 + g * L, L)] = acc
            return carry2

        lax.fori_loop(0, 128 // L, group_body, 0)
        return carry

    lax.fori_loop(0, BPW // 128, block_body, 0)
    pltpu.sync_copy(out_v, out_hbm.at[pl.ds(base, BPW)])


def kernel(w_i, w_j, W):
    wt = W.T
    wtail = jnp.concatenate(
        [W[MAIN:].T, jnp.zeros((D, 2 * D - (1000000 - MAIN)), jnp.float32)],
        axis=1)
    e = _extract_sc(w_i.astype(jnp.int32), w_j.astype(jnp.int32), wt, wtail)
    out = _dot_sc(e)
    return out.reshape(B, 1)

# --- scband reference (transcript-rebuilt; emitter-appended) ---
"""Pipeline reference for scband-glo-ve-model-multi-input-31894427140791 (READ-ONLY COPY).

The authoritative reference and input builder live on the scoring server;
editing this copy changes nothing except your own understanding.
"""

import jax, jax.numpy as jnp
import numpy as np

CORPUS_SIZE = 1000000
PROPERTY_SIZE = 64
BATCH = 16384

def setup_inputs(seed: int = 0) -> dict:
    key = jax.random.key(seed)
    k1, k2, k3 = jax.random.split(key, 3)
    w_i = jax.random.randint(k1, (BATCH,), 0, CORPUS_SIZE, dtype=jnp.int64) if jax.config.jax_enable_x64 else jax.random.randint(k1, (BATCH,), 0, CORPUS_SIZE).astype(jnp.int32)
    w_j = jax.random.randint(k2, (BATCH,), 0, CORPUS_SIZE).astype(w_i.dtype)
    # GloVe word embedding table (the learned parameter of GloveEmbeddingLayer)
    W = jax.random.normal(k3, (CORPUS_SIZE, PROPERTY_SIZE), dtype=jnp.float32) * 0.02
    return {"w_i": w_i, "w_j": w_j, "W": W}

def reference(w_i, w_j, W):
    # GloveEmbeddingLayer: lookup embeddings for the center word (w_i) and
    # context word (w_j); original code used one-hot matmul, which is the
    # same math as a row gather from the table.
    x1 = jnp.take(W, w_i, axis=0)   # [B, d]
    x2 = jnp.take(W, w_j, axis=0)   # [B, d]
    # keras.layers.Dot(axes=1): per-pair dot product of the two embeddings
    out = jnp.sum(x1 * x2, axis=-1, keepdims=True)  # [B, 1]
    return out

if __name__ == "__main__":
    import jax
    _d = setup_inputs()
    print(jax.jit(kernel)(*tuple(_d.values())))

</pallas_src>

<mosaic_0001>
#map = affine_map<(d0, d1) -> (0)>
#map1 = affine_map<(d0, d1) -> (0, 0)>
module attributes {stable_mosaic.version = 14 : i64} {
  func.func @_extract_sc(%arg0: i32, %arg1: i32, %arg2: memref<16384xi32, #tpu.memory_space<hbm>>, %arg3: memref<16384xi32, #tpu.memory_space<hbm>>, %arg4: memref<64x1000000xf32, #tpu.memory_space<hbm>>, %arg5: memref<64x128xf32, #tpu.memory_space<hbm>>, %arg6: memref<32784x128xf32, #tpu.memory_space<hbm>>, %arg7: memref<16384xi32, #tpu.memory_space<vmem>>, %arg8: memref<4112xi32, #tpu.memory_space<vmem>>, %arg9: memref<4112xi32, #tpu.memory_space<vmem>>, %arg10: memref<4112xi32, #tpu.memory_space<vmem>>, %arg11: memref<4112xi32, #tpu.memory_space<vmem>>, %arg12: memref<4112xi32, #tpu.memory_space<vmem>>, %arg13: memref<4112xi32, #tpu.memory_space<vmem>>, %arg14: memref<128x512xf32, #tpu.memory_space<vmem>>, %arg15: memref<64x128xf32, #tpu.memory_space<vmem>>, %arg16: memref<64x128xf32, #tpu.memory_space<vmem>>, %arg17: memref<!tpu.dma_semaphore, #tpu.memory_space<semaphore_mem>>, %arg18: memref<!tpu.dma_semaphore, #tpu.memory_space<semaphore_mem>>, %arg19: memref<!tpu.dma_semaphore, #tpu.memory_space<semaphore_mem>>) attributes {dimension_semantics = [#tpu.dimension_semantics<core_parallel>, #tpu.dimension_semantics<subcore_parallel>], iteration_bounds = array<i64: 2, 16>, scalar_prefetch = 0 : i64, scratch_operands = 13 : i64, tpu.core_type = #tpu.core_type<sc_vector_subcore>, window_params = [{transform_indices = #map}, {transform_indices = #map}, {transform_indices = #map1}, {transform_indices = #map1}, {transform_indices = #map1}]} {
    %mul3A = arith.constant 2 : i32
    %mul3A_0 = arith.muli %arg1, %mul3A : i32
    %add3A = arith.addi %mul3A_0, %arg0 : i32
    %iota3A = tpu.iota {dimensions = array<i32: 0>} : vector<16xi32>
    %mul3A_1 = arith.constant 62 : i32
    %mul3A_2 = arith.muli %add3A, %mul3A_1 : i32
    %mul3A_3 = arith.constant 512 : i32
    %mul3A_4 = arith.muli %mul3A_2, %mul3A_3 : i32
    %mul3A_5 = arith.constant 62 : i32
    %mul3A_6 = arith.muli %add3A, %mul3A_5 : i32
    %sub3A = arith.constant 1953 : i32
    %sub3A_7 = arith.subi %sub3A, %mul3A_6 : i32
    %min3A = arith.constant 62 : i32
    %min3A_8 = arith.minsi %min3A, %sub3A_7 : i32
    %eq3A = arith.constant 31 : i32
    %eq3A_9 = arith.cmpi eq, %add3A, %eq3A : i32
    %mul3A_10 = arith.constant 512 : i32
    %mul3A_11 = arith.muli %min3A_8, %mul3A_10 : i32
    %add3A_12 = arith.addi %mul3A_4, %mul3A_11 : i32
    %jit3A = arith.constant 1000000 : i32
    %select_n3A = arith.select %eq3A_9, %jit3A, %add3A_12 : i32
    "tpu.region"() ({
      %run_scoped3A = tpu.sem_alloc : memref<!tpu.dma_semaphore, #tpu.memory_space<semaphore_mem>>
      tpu.enqueue_dma source(%arg2 : memref<16384xi32, #tpu.memory_space<hbm>>) target(%arg7 : memref<16384xi32, #tpu.memory_space<vmem>>) target_semaphore(%run_scoped3A : memref<!tpu.dma_semaphore, #tpu.memory_space<semaphore_mem>>)
      tpu.wait_dma2 semaphore(%run_scoped3A : memref<!tpu.dma_semaphore, #tpu.memory_space<semaphore_mem>>) src(%arg2 : memref<16384xi32, #tpu.memory_space<hbm>>) dst(%arg7 : memref<16384xi32, #tpu.memory_space<vmem>>)
      tpu.yield
    }) : () -> ()
    %scan3A = arith.constant 0 : i32
    %scan3A_13 = arith.constant 0 : i32
    %scan3A_14 = arith.constant 1024 : i32
    %scan3A_15 = arith.addi %scan3A_13, %scan3A_14 : i32
    %scan3A_16 = arith.constant 1 : i32
    %scan3A_17 = scf.for %scan3A_173 = %scan3A_13 to %scan3A_15 step %scan3A_16 iter_args(%scan3A_174 = %scan3A) -> (i32)  : i32 {
      %mul3A_175 = arith.constant 16 : i32
      %mul3A_176 = arith.muli %scan3A_173, %mul3A_175 : i32
      %get3A = arith.index_cast %mul3A_176 : i32 to index
      %get3A_177 = tpu.vector_load %arg7[%get3A] {strides = array<i32>} : memref<16384xi32, #tpu.memory_space<vmem>>, vector<16xi32>,
      %ge3A = vector.broadcast %mul3A_4 : i32 to vector<16xi32>
      %ge3A_178 = arith.cmpi sge, %get3A_177, %ge3A : vector<16xi32>
      %lt3A = vector.broadcast %select_n3A : i32 to vector<16xi32>
      %lt3A_179 = arith.cmpi slt, %get3A_177, %lt3A : vector<16xi32>
      %and3A_180 = arith.andi %ge3A_178, %lt3A_179 : vector<16xi1>
      %convert_element_type3A_181 = arith.extui %and3A_180 : vector<16xi1> to vector<16xi32>
      %cumsum3A = arith.constant true
      %cumsum3A_182 = vector.broadcast %cumsum3A : i1 to vector<16xi1>
      %cumsum3A_183 = tpu.scan <sum>, %convert_element_type3A_181 masked %cumsum3A_182 : vector<16xi32>, vector<16xi1> -> vector<16xi32>
      %add3A_184 = vector.broadcast %scan3A_174 : i32 to vector<16xi32>
      %add3A_185 = arith.addi %add3A_184, %cumsum3A_183 : vector<16xi32>
      %sub3A_186 = arith.constant 1 : i32
      %sub3A_187 = vector.broadcast %sub3A_186 : i32 to vector<16xi32>
      %sub3A_188 = arith.subi %add3A_185, %sub3A_187 : vector<16xi32>
      %le3A = arith.constant 4080 : i32
      %le3A_189 = arith.cmpi sle, %scan3A_174, %le3A : i32
      %convert_element_type3A_190 = arith.extui %le3A_189 : i1 to i32
      %cond3A_191 = arith.constant 0 : i32
      %cond3A_192 = arith.cmpi ne, %convert_element_type3A_190, %cond3A_191 : i32
      scf.if %cond3A_192 {
        tpu.vector_store_idx %arg8[%sub3A_188], %get3A_177 masked %and3A_180 : memref<4112xi32, #tpu.memory_space<vmem>>[vector<16xi32>], vector<16xi32>, vector<16xi1>
        %mul3A_197 = arith.constant 16 : i32
        %mul3A_198 = arith.muli %scan3A_173, %mul3A_197 : i32
        %add3A_199 = vector.broadcast %mul3A_198 : i32 to vector<16xi32>
        %add3A_200 = arith.addi %add3A_199, %iota3A : vector<16xi32>
        %add3A_201 = arith.constant 0 : i32
        %add3A_202 = vector.broadcast %add3A_201 : i32 to vector<16xi32>
        %add3A_203 = arith.addi %add3A_200, %add3A_202 : vector<16xi32>
        tpu.vector_store_idx %arg9[%sub3A_188], %add3A_203 masked %and3A_180 : memref<4112xi32, #tpu.memory_space<vmem>>[vector<16xi32>], vector<16xi32>, vector<16xi1>
      } else {
      }
      %le3A_193 = arith.constant 4080 : i32
      %le3A_194 = arith.cmpi sle, %scan3A_174, %le3A_193 : i32
      %slice3A = vector.extract_strided_slice %cumsum3A_183 {offsets = [15], sizes = [1], strides = [1]} : vector<16xi32> to vector<1xi32>
      %squeeze3A = vector.extract %slice3A[0] : i32 from vector<1xi32>
      %add3A_195 = arith.addi %scan3A_174, %squeeze3A : i32
      %select_n3A_196 = arith.select %le3A_194, %add3A_195, %scan3A_174 : i32
      scf.yield %select_n3A_196 : i32
    }
    %scan3A_18 = arith.constant 1024 : i32
    "tpu.region"() ({
      %run_scoped3A = tpu.sem_alloc : memref<!tpu.dma_semaphore, #tpu.memory_space<semaphore_mem>>
      tpu.enqueue_dma source(%arg3 : memref<16384xi32, #tpu.memory_space<hbm>>) target(%arg7 : memref<16384xi32, #tpu.memory_space<vmem>>) target_semaphore(%run_scoped3A : memref<!tpu.dma_semaphore, #tpu.memory_space<semaphore_mem>>)
      tpu.wait_dma2 semaphore(%run_scoped3A : memref<!tpu.dma_semaphore, #tpu.memory_space<semaphore_mem>>) src(%arg3 : memref<16384xi32, #tpu.memory_space<hbm>>) dst(%arg7 : memref<16384xi32, #tpu.memory_space<vmem>>)
      tpu.yield
    }) : () -> ()
    %scan3A_19 = arith.constant 0 : i32
    %scan3A_20 = arith.constant 1024 : i32
    %scan3A_21 = arith.addi %scan3A_19, %scan3A_20 : i32
    %scan3A_22 = arith.constant 1 : i32
    %scan3A_23 = scf.for %scan3A_173 = %scan3A_19 to %scan3A_21 step %scan3A_22 iter_args(%scan3A_174 = %scan3A_17) -> (i32)  : i32 {
      %mul3A_175 = arith.constant 16 : i32
      %mul3A_176 = arith.muli %scan3A_173, %mul3A_175 : i32
      %get3A = arith.index_cast %mul3A_176 : i32 to index
      %get3A_177 = tpu.vector_load %arg7[%get3A] {strides = array<i32>} : memref<16384xi32, #tpu.memory_space<vmem>>, vector<16xi32>,
      %ge3A = vector.broadcast %mul3A_4 : i32 to vector<16xi32>
      %ge3A_178 = arith.cmpi sge, %get3A_177, %ge3A : vector<16xi32>
      %lt3A = vector.broadcast %select_n3A : i32 to vector<16xi32>
      %lt3A_179 = arith.cmpi slt, %get3A_177, %lt3A : vector<16xi32>
      %and3A_180 = arith.andi %ge3A_178, %lt3A_179 : vector<16xi1>
      %convert_element_type3A_181 = arith.extui %and3A_180 : vector<16xi1> to vector<16xi32>
      %cumsum3A = arith.constant true
      %cumsum3A_182 = vector.broadcast %cumsum3A : i1 to vector<16xi1>
      %cumsum3A_183 = tpu.scan <sum>, %convert_element_type3A_181 masked %cumsum3A_182 : vector<16xi32>, vector<16xi1> -> vector<16xi32>
      %add3A_184 = vector.broadcast %scan3A_174 : i32 to vector<16xi32>
      %add3A_185 = arith.addi %add3A_184, %cumsum3A_183 : vector<16xi32>
      %sub3A_186 = arith.constant 1 : i32
      %sub3A_187 = vector.broadcast %sub3A_186 : i32 to vector<16xi32>
      %sub3A_188 = arith.subi %add3A_185, %sub3A_187 : vector<16xi32>
      %le3A = arith.constant 4080 : i32
      %le3A_189 = arith.cmpi sle, %scan3A_174, %le3A : i32
      %convert_element_type3A_190 = arith.extui %le3A_189 : i1 to i32
      %cond3A_191 = arith.constant 0 : i32
      %cond3A_192 = arith.cmpi ne, %convert_element_type3A_190, %cond3A_191 : i32
      scf.if %cond3A_192 {
        tpu.vector_store_idx %arg8[%sub3A_188], %get3A_177 masked %and3A_180 : memref<4112xi32, #tpu.memory_space<vmem>>[vector<16xi32>], vector<16xi32>, vector<16xi1>
        %mul3A_197 = arith.constant 16 : i32
        %mul3A_198 = arith.muli %scan3A_173, %mul3A_197 : i32
        %add3A_199 = vector.broadcast %mul3A_198 : i32 to vector<16xi32>
        %add3A_200 = arith.addi %add3A_199, %iota3A : vector<16xi32>
        %add3A_201 = arith.constant 16384 : i32
        %add3A_202 = vector.broadcast %add3A_201 : i32 to vector<16xi32>
        %add3A_203 = arith.addi %add3A_200, %add3A_202 : vector<16xi32>
        tpu.vector_store_idx %arg9[%sub3A_188], %add3A_203 masked %and3A_180 : memref<4112xi32, #tpu.memory_space<vmem>>[vector<16xi32>], vector<16xi32>, vector<16xi1>
      } else {
      }
      %le3A_193 = arith.constant 4080 : i32
      %le3A_194 = arith.cmpi sle, %scan3A_174, %le3A_193 : i32
      %slice3A = vector.extract_strided_slice %cumsum3A_183 {offsets = [15], sizes = [1], strides = [1]} : vector<16xi32> to vector<1xi32>
      %squeeze3A = vector.extract %slice3A[0] : i32 from vector<1xi32>
      %add3A_195 = arith.addi %scan3A_174, %squeeze3A : i32
      %select_n3A_196 = arith.select %le3A_194, %add3A_195, %scan3A_174 : i32
      scf.yield %select_n3A_196 : i32
    }
    %scan3A_24 = arith.constant 1024 : i32
    %neg3A = arith.constant 0 : i32
    %neg3A_25 = arith.subi %neg3A, %scan3A_23 : i32
    %jit3A_26 = arith.constant 16 : i32
    %div3A = arith.divsi %neg3A_25, %jit3A_26 : i32
    %sign3A = arith.constant 0 : i32
    %sign3A_27 = arith.cmpi sgt, %neg3A_25, %sign3A : i32
    %sign3A_28 = arith.extui %sign3A_27 : i1 to i32
    %sign3A_29 = arith.constant 0 : i32
    %sign3A_30 = arith.cmpi slt, %neg3A_25, %sign3A_29 : i32
    %sign3A_31 = arith.extui %sign3A_30 : i1 to i32
    %sign3A_32 = arith.subi %sign3A_28, %sign3A_31 : i32
    %sign3A_33 = arith.constant 0 : i32
    %sign3A_34 = arith.cmpi sgt, %jit3A_26, %sign3A_33 : i32
    %sign3A_35 = arith.extui %sign3A_34 : i1 to i32
    %sign3A_36 = arith.constant 0 : i32
    %sign3A_37 = arith.cmpi slt, %jit3A_26, %sign3A_36 : i32
    %sign3A_38 = arith.extui %sign3A_37 : i1 to i32
    %sign3A_39 = arith.subi %sign3A_35, %sign3A_38 : i32
    %ne3A = arith.cmpi ne, %sign3A_32, %sign3A_39 : i32
    %rem3A = arith.remsi %neg3A_25, %jit3A_26 : i32
    %ne3A_40 = arith.constant 0 : i32
    %ne3A_41 = arith.cmpi ne, %rem3A, %ne3A_40 : i32
    %and3A = arith.andi %ne3A, %ne3A_41 : i1
    %sub3A_42 = arith.constant 1 : i32
    %sub3A_43 = arith.subi %div3A, %sub3A_42 : i32
    %select_n3A_44 = arith.select %and3A, %sub3A_43, %div3A : i32
    %neg3A_45 = arith.constant 0 : i32
    %neg3A_46 = arith.subi %neg3A_45, %select_n3A_44 : i32
    %add3A_47 = arith.constant 1 : i32
    %add3A_48 = arith.addi %min3A_8, %add3A_47 : i32
    %jit3A_49 = arith.constant 2 : i32
    %div3A_50 = arith.divsi %add3A_48, %jit3A_49 : i32
    %sign3A_51 = arith.constant 0 : i32
    %sign3A_52 = arith.cmpi sgt, %add3A_48, %sign3A_51 : i32
    %sign3A_53 = arith.extui %sign3A_52 : i1 to i32
    %sign3A_54 = arith.constant 0 : i32
    %sign3A_55 = arith.cmpi slt, %add3A_48, %sign3A_54 : i32
    %sign3A_56 = arith.extui %sign3A_55 : i1 to i32
    %sign3A_57 = arith.subi %sign3A_53, %sign3A_56 : i32
    %sign3A_58 = arith.constant 0 : i32
    %sign3A_59 = arith.cmpi sgt, %jit3A_49, %sign3A_58 : i32
    %sign3A_60 = arith.extui %sign3A_59 : i1 to i32
    %sign3A_61 = arith.constant 0 : i32
    %sign3A_62 = arith.cmpi slt, %jit3A_49, %sign3A_61 : i32
    %sign3A_63 = arith.extui %sign3A_62 : i1 to i32
    %sign3A_64 = arith.subi %sign3A_60, %sign3A_63 : i32
    %ne3A_65 = arith.cmpi ne, %sign3A_57, %sign3A_64 : i32
    %rem3A_66 = arith.remsi %add3A_48, %jit3A_49 : i32
    %ne3A_67 = arith.constant 0 : i32
    %ne3A_68 = arith.cmpi ne, %rem3A_66, %ne3A_67 : i32
    %and3A_69 = arith.andi %ne3A_65, %ne3A_68 : i1
    %sub3A_70 = arith.constant 1 : i32
    %sub3A_71 = arith.subi %div3A_50, %sub3A_70 : i32
    %select_n3A_72 = arith.select %and3A_69, %sub3A_71, %div3A_50 : i32
    %mul3A_73 = arith.constant 512 : i32
    %mul3A_74 = arith.muli %select_n3A_72, %mul3A_73 : i32
    %add3A_75 = arith.addi %mul3A_4, %mul3A_74 : i32
    %while3A = arith.constant 0 : i32
    %while3A_76 = arith.constant 0 : i32
    %while3A_77 = arith.constant 0 : i32
    %while3A_78 = arith.subi %neg3A_46, %while3A : i32
    %while3A_79 = arith.addi %while3A, %while3A_78 : i32
    %while3A_80 = arith.constant 1 : i32
    %while3A_81 = arith.divsi %while3A_78, %while3A_80 : i32
    %while3A_82 = arith.muli %while3A_81, %while3A_80 : i32
    %while3A_83 = arith.addi %while3A, %while3A_82 : i32
    %while3A_84 = arith.constant 1 : i32
    %while3A_85:2 = scf.for %while3A_173 = %while3A to %while3A_83 step %while3A_84 iter_args(%while3A_174 = %while3A_76, %while3A_175 = %while3A_77) -> (i32, i32)  : i32 {
      %mul3A_176 = arith.constant 16 : i32
      %mul3A_177 = arith.muli %while3A_173, %mul3A_176 : i32
      %get3A = arith.index_cast %mul3A_177 : i32 to index
      %get3A_178 = tpu.vector_load %arg8[%get3A] {strides = array<i32>} : memref<4112xi32, #tpu.memory_space<vmem>>, vector<16xi32>,
      %mul3A_179 = arith.constant 16 : i32
      %mul3A_180 = arith.muli %while3A_173, %mul3A_179 : i32
      %get3A_181 = arith.index_cast %mul3A_180 : i32 to index
      %get3A_182 = tpu.vector_load %arg9[%get3A_181] {strides = array<i32>} : memref<4112xi32, #tpu.memory_space<vmem>>, vector<16xi32>,
      %mul3A_183 = arith.constant 16 : i32
      %mul3A_184 = arith.muli %while3A_173, %mul3A_183 : i32
      %add3A_185 = vector.broadcast %mul3A_184 : i32 to vector<16xi32>
      %add3A_186 = arith.addi %add3A_185, %iota3A : vector<16xi32>
      %lt3A = vector.broadcast %scan3A_23 : i32 to vector<16xi32>
      %lt3A_187 = arith.cmpi slt, %add3A_186, %lt3A : vector<16xi32>
      %lt3A_188 = vector.broadcast %add3A_75 : i32 to vector<16xi32>
      %lt3A_189 = arith.cmpi slt, %get3A_178, %lt3A_188 : vector<16xi32>
      %and3A_190 = arith.andi %lt3A_187, %lt3A_189 : vector<16xi1>
      %ge3A = vector.broadcast %add3A_75 : i32 to vector<16xi32>
      %ge3A_191 = arith.cmpi sge, %get3A_178, %ge3A : vector<16xi32>
      %and3A_192 = arith.andi %lt3A_187, %ge3A_191 : vector<16xi1>
      %convert_element_type3A_193 = arith.extui %and3A_190 : vector<16xi1> to vector<16xi32>
      %cumsum3A = arith.constant true
      %cumsum3A_194 = vector.broadcast %cumsum3A : i1 to vector<16xi1>
      %cumsum3A_195 = tpu.scan <sum>, %convert_element_type3A_193 masked %cumsum3A_194 : vector<16xi32>, vector<16xi1> -> vector<16xi32>
      %add3A_196 = vector.broadcast %while3A_174 : i32 to vector<16xi32>
      %add3A_197 = arith.addi %add3A_196, %cumsum3A_195 : vector<16xi32>
      %sub3A_198 = arith.constant 1 : i32
      %sub3A_199 = vector.broadcast %sub3A_198 : i32 to vector<16xi32>
      %sub3A_200 = arith.subi %add3A_197, %sub3A_199 : vector<16xi32>
      tpu.vector_store_idx %arg8[%sub3A_200], %get3A_178 masked %and3A_190 : memref<4112xi32, #tpu.memory_space<vmem>>[vector<16xi32>], vector<16xi32>, vector<16xi1>
      %add3A_201 = vector.broadcast %while3A_174 : i32 to vector<16xi32>
      %add3A_202 = arith.addi %add3A_201, %cumsum3A_195 : vector<16xi32>
      %sub3A_203 = arith.constant 1 : i32
      %sub3A_204 = vector.broadcast %sub3A_203 : i32 to vector<16xi32>
      %sub3A_205 = arith.subi %add3A_202, %sub3A_204 : vector<16xi32>
      tpu.vector_store_idx %arg9[%sub3A_205], %get3A_182 masked %and3A_190 : memref<4112xi32, #tpu.memory_space<vmem>>[vector<16xi32>], vector<16xi32>, vector<16xi1>
      %convert_element_type3A_206 = arith.extui %and3A_192 : vector<16xi1> to vector<16xi32>
      %cumsum3A_207 = arith.constant true
      %cumsum3A_208 = vector.broadcast %cumsum3A_207 : i1 to vector<16xi1>
      %cumsum3A_209 = tpu.scan <sum>, %convert_element_type3A_206 masked %cumsum3A_208 : vector<16xi32>, vector<16xi1> -> vector<16xi32>
      %add3A_210 = vector.broadcast %while3A_175 : i32 to vector<16xi32>
      %add3A_211 = arith.addi %add3A_210, %cumsum3A_209 : vector<16xi32>
      %sub3A_212 = arith.constant 1 : i32
      %sub3A_213 = vector.broadcast %sub3A_212 : i32 to vector<16xi32>
      %sub3A_214 = arith.subi %add3A_211, %sub3A_213 : vector<16xi32>
      tpu.vector_store_idx %arg12[%sub3A_214], %get3A_178 masked %and3A_192 : memref<4112xi32, #tpu.memory_space<vmem>>[vector<16xi32>], vector<16xi32>, vector<16xi1>
      %add3A_215 = vector.broadcast %while3A_175 : i32 to vector<16xi32>
      %add3A_216 = arith.addi %add3A_215, %cumsum3A_209 : vector<16xi32>
      %sub3A_217 = arith.constant 1 : i32
      %sub3A_218 = vector.broadcast %sub3A_217 : i32 to vector<16xi32>
      %sub3A_219 = arith.subi %add3A_216, %sub3A_218 : vector<16xi32>
      tpu.vector_store_idx %arg13[%sub3A_219], %get3A_182 masked %and3A_192 : memref<4112xi32, #tpu.memory_space<vmem>>[vector<16xi32>], vector<16xi32>, vector<16xi1>
      %slice3A = vector.extract_strided_slice %cumsum3A_195 {offsets = [15], sizes = [1], strides = [1]} : vector<16xi32> to vector<1xi32>
      %squeeze3A = vector.extract %slice3A[0] : i32 from vector<1xi32>
      %add3A_220 = arith.addi %while3A_174, %squeeze3A : i32
      %slice3A_221 = vector.extract_strided_slice %cumsum3A_209 {offsets = [15], sizes = [1], strides = [1]} : vector<16xi32> to vector<1xi32>
      %squeeze3A_222 = vector.extract %slice3A_221[0] : i32 from vector<1xi32>
      %add3A_223 = arith.addi %while3A_175, %squeeze3A_222 : i32
      scf.yield %add3A_220, %add3A_223 : i32, i32
    }
    %while3A_86 = arith.constant 1 : i32
    %while3A_87:2 = scf.for %while3A_173 = %while3A_83 to %while3A_79 step %while3A_86 iter_args(%while3A_174 = %while3A_85#0, %while3A_175 = %while3A_85#1) -> (i32, i32)  : i32 {
      %mul3A_176 = arith.constant 16 : i32
      %mul3A_177 = arith.muli %while3A_173, %mul3A_176 : i32
      %get3A = arith.index_cast %mul3A_177 : i32 to index
      %get3A_178 = tpu.vector_load %arg8[%get3A] {strides = array<i32>} : memref<4112xi32, #tpu.memory_space<vmem>>, vector<16xi32>,
      %mul3A_179 = arith.constant 16 : i32
      %mul3A_180 = arith.muli %while3A_173, %mul3A_179 : i32
      %get3A_181 = arith.index_cast %mul3A_180 : i32 to index
      %get3A_182 = tpu.vector_load %arg9[%get3A_181] {strides = array<i32>} : memref<4112xi32, #tpu.memory_space<vmem>>, vector<16xi32>,
      %mul3A_183 = arith.constant 16 : i32
      %mul3A_184 = arith.muli %while3A_173, %mul3A_183 : i32
      %add3A_185 = vector.broadcast %mul3A_184 : i32 to vector<16xi32>
      %add3A_186 = arith.addi %add3A_185, %iota3A : vector<16xi32>
      %lt3A = vector.broadcast %scan3A_23 : i32 to vector<16xi32>
      %lt3A_187 = arith.cmpi slt, %add3A_186, %lt3A : vector<16xi32>
      %lt3A_188 = vector.broadcast %add3A_75 : i32 to vector<16xi32>
      %lt3A_189 = arith.cmpi slt, %get3A_178, %lt3A_188 : vector<16xi32>
      %and3A_190 = arith.andi %lt3A_187, %lt3A_189 : vector<16xi1>
      %ge3A = vector.broadcast %add3A_75 : i32 to vector<16xi32>
      %ge3A_191 = arith.cmpi sge, %get3A_178, %ge3A : vector<16xi32>
      %and3A_192 = arith.andi %lt3A_187, %ge3A_191 : vector<16xi1>
      %convert_element_type3A_193 = arith.extui %and3A_190 : vector<16xi1> to vector<16xi32>
      %cumsum3A = arith.constant true
      %cumsum3A_194 = vector.broadcast %cumsum3A : i1 to vector<16xi1>
      %cumsum3A_195 = tpu.scan <sum>, %convert_element_type3A_193 masked %cumsum3A_194 : vector<16xi32>, vector<16xi1> -> vector<16xi32>
      %add3A_196 = vector.broadcast %while3A_174 : i32 to vector<16xi32>
      %add3A_197 = arith.addi %add3A_196, %cumsum3A_195 : vector<16xi32>
      %sub3A_198 = arith.constant 1 : i32
      %sub3A_199 = vector.broadcast %sub3A_198 : i32 to vector<16xi32>
      %sub3A_200 = arith.subi %add3A_197, %sub3A_199 : vector<16xi32>
      tpu.vector_store_idx %arg8[%sub3A_200], %get3A_178 masked %and3A_190 : memref<4112xi32, #tpu.memory_space<vmem>>[vector<16xi32>], vector<16xi32>, vector<16xi1>
      %add3A_201 = vector.broadcast %while3A_174 : i32 to vector<16xi32>
      %add3A_202 = arith.addi %add3A_201, %cumsum3A_195 : vector<16xi32>
      %sub3A_203 = arith.constant 1 : i32
      %sub3A_204 = vector.broadcast %sub3A_203 : i32 to vector<16xi32>
      %sub3A_205 = arith.subi %add3A_202, %sub3A_204 : vector<16xi32>
      tpu.vector_store_idx %arg9[%sub3A_205], %get3A_182 masked %and3A_190 : memref<4112xi32, #tpu.memory_space<vmem>>[vector<16xi32>], vector<16xi32>, vector<16xi1>
      %convert_element_type3A_206 = arith.extui %and3A_192 : vector<16xi1> to vector<16xi32>
      %cumsum3A_207 = arith.constant true
      %cumsum3A_208 = vector.broadcast %cumsum3A_207 : i1 to vector<16xi1>
      %cumsum3A_209 = tpu.scan <sum>, %convert_element_type3A_206 masked %cumsum3A_208 : vector<16xi32>, vector<16xi1> -> vector<16xi32>
      %add3A_210 = vector.broadcast %while3A_175 : i32 to vector<16xi32>
      %add3A_211 = arith.addi %add3A_210, %cumsum3A_209 : vector<16xi32>
      %sub3A_212 = arith.constant 1 : i32
      %sub3A_213 = vector.broadcast %sub3A_212 : i32 to vector<16xi32>
      %sub3A_214 = arith.subi %add3A_211, %sub3A_213 : vector<16xi32>
      tpu.vector_store_idx %arg12[%sub3A_214], %get3A_178 masked %and3A_192 : memref<4112xi32, #tpu.memory_space<vmem>>[vector<16xi32>], vector<16xi32>, vector<16xi1>
      %add3A_215 = vector.broadcast %while3A_175 : i32 to vector<16xi32>
      %add3A_216 = arith.addi %add3A_215, %cumsum3A_209 : vector<16xi32>
      %sub3A_217 = arith.constant 1 : i32
      %sub3A_218 = vector.broadcast %sub3A_217 : i32 to vector<16xi32>
      %sub3A_219 = arith.subi %add3A_216, %sub3A_218 : vector<16xi32>
      tpu.vector_store_idx %arg13[%sub3A_219], %get3A_182 masked %and3A_192 : memref<4112xi32, #tpu.memory_space<vmem>>[vector<16xi32>], vector<16xi32>, vector<16xi1>
      %slice3A = vector.extract_strided_slice %cumsum3A_195 {offsets = [15], sizes = [1], strides = [1]} : vector<16xi32> to vector<1xi32>
      %squeeze3A = vector.extract %slice3A[0] : i32 from vector<1xi32>
      %add3A_220 = arith.addi %while3A_174, %squeeze3A : i32
      %slice3A_221 = vector.extract_strided_slice %cumsum3A_209 {offsets = [15], sizes = [1], strides = [1]} : vector<16xi32> to vector<1xi32>
      %squeeze3A_222 = vector.extract %slice3A_221[0] : i32 from vector<1xi32>
      %add3A_223 = arith.addi %while3A_175, %squeeze3A_222 : i32
      scf.yield %add3A_220, %add3A_223 : i32, i32
    }
    %broadcast_in_dim3A = arith.constant 536870912 : i32
    %broadcast_in_dim3A_88 = vector.broadcast %broadcast_in_dim3A : i32 to vector<16xi32>
    %add3A_89 = vector.broadcast %while3A_87#0 : i32 to vector<16xi32>
    %add3A_90 = arith.addi %add3A_89, %iota3A : vector<16xi32>
    tpu.vector_store_idx %arg8[%add3A_90], %broadcast_in_dim3A_88 : memref<4112xi32, #tpu.memory_space<vmem>>[vector<16xi32>], vector<16xi32>,
    %add3A_91 = vector.broadcast %while3A_87#1 : i32 to vector<16xi32>
    %add3A_92 = arith.addi %add3A_91, %iota3A : vector<16xi32>
    tpu.vector_store_idx %arg12[%add3A_92], %broadcast_in_dim3A_88 : memref<4112xi32, #tpu.memory_space<vmem>>[vector<16xi32>], vector<16xi32>,
    %neg3A_93 = arith.constant 0 : i32
    %neg3A_94 = arith.subi %neg3A_93, %while3A_87#0 : i32
    %jit3A_95 = arith.constant 16 : i32
    %div3A_96 = arith.divsi %neg3A_94, %jit3A_95 : i32
    %sign3A_97 = arith.constant 0 : i32
    %sign3A_98 = arith.cmpi sgt, %neg3A_94, %sign3A_97 : i32
    %sign3A_99 = arith.extui %sign3A_98 : i1 to i32
    %sign3A_100 = arith.constant 0 : i32
    %sign3A_101 = arith.cmpi slt, %neg3A_94, %sign3A_100 : i32
    %sign3A_102 = arith.extui %sign3A_101 : i1 to i32
    %sign3A_103 = arith.subi %sign3A_99, %sign3A_102 : i32
    %sign3A_104 = arith.constant 0 : i32
    %sign3A_105 = arith.cmpi sgt, %jit3A_95, %sign3A_104 : i32
    %sign3A_106 = arith.extui %sign3A_105 : i1 to i32
    %sign3A_107 = arith.constant 0 : i32
    %sign3A_108 = arith.cmpi slt, %jit3A_95, %sign3A_107 : i32
    %sign3A_109 = arith.extui %sign3A_108 : i1 to i32
    %sign3A_110 = arith.subi %sign3A_106, %sign3A_109 : i32
    %ne3A_111 = arith.cmpi ne, %sign3A_103, %sign3A_110 : i32
    %rem3A_112 = arith.remsi %neg3A_94, %jit3A_95 : i32
    %ne3A_113 = arith.constant 0 : i32
    %ne3A_114 = arith.cmpi ne, %rem3A_112, %ne3A_113 : i32
    %and3A_115 = arith.andi %ne3A_111, %ne3A_114 : i1
    %sub3A_116 = arith.constant 1 : i32
    %sub3A_117 = arith.subi %div3A_96, %sub3A_116 : i32
    %select_n3A_118 = arith.select %and3A_115, %sub3A_117, %div3A_96 : i32
    %neg3A_119 = arith.constant 0 : i32
    %neg3A_120 = arith.subi %neg3A_119, %select_n3A_118 : i32
    %neg3A_121 = arith.constant 0 : i32
    %neg3A_122 = arith.subi %neg3A_121, %while3A_87#1 : i32
    %jit3A_123 = arith.constant 16 : i32
    %div3A_124 = arith.divsi %neg3A_122, %jit3A_123 : i32
    %sign3A_125 = arith.constant 0 : i32
    %sign3A_126 = arith.cmpi sgt, %neg3A_122, %sign3A_125 : i32
    %sign3A_127 = arith.extui %sign3A_126 : i1 to i32
    %sign3A_128 = arith.constant 0 : i32
    %sign3A_129 = arith.cmpi slt, %neg3A_122, %sign3A_128 : i32
    %sign3A_130 = arith.extui %sign3A_129 : i1 to i32
    %sign3A_131 = arith.subi %sign3A_127, %sign3A_130 : i32
    %sign3A_132 = arith.constant 0 : i32
    %sign3A_133 = arith.cmpi sgt, %jit3A_123, %sign3A_132 : i32
    %sign3A_134 = arith.extui %sign3A_133 : i1 to i32
    %sign3A_135 = arith.constant 0 : i32
    %sign3A_136 = arith.cmpi slt, %jit3A_123, %sign3A_135 : i32
    %sign3A_137 = arith.extui %sign3A_136 : i1 to i32
    %sign3A_138 = arith.subi %sign3A_134, %sign3A_137 : i32
    %ne3A_139 = arith.cmpi ne, %sign3A_131, %sign3A_138 : i32
    %rem3A_140 = arith.remsi %neg3A_122, %jit3A_123 : i32
    %ne3A_141 = arith.constant 0 : i32
    %ne3A_142 = arith.cmpi ne, %rem3A_140, %ne3A_141 : i32
    %and3A_143 = arith.andi %ne3A_139, %ne3A_142 : i1
    %sub3A_144 = arith.constant 1 : i32
    %sub3A_145 = arith.subi %div3A_124, %sub3A_144 : i32
    %select_n3A_146 = arith.select %and3A_143, %sub3A_145, %div3A_124 : i32
    %neg3A_147 = arith.constant 0 : i32
    %neg3A_148 = arith.subi %neg3A_147, %select_n3A_146 : i32
    "tpu.region"() ({
      %run_scoped3A = tpu.sem_alloc : memref<!tpu.dma_semaphore, #tpu.memory_space<semaphore_mem>>
      tpu.enqueue_dma source(%arg5 : memref<64x128xf32, #tpu.memory_space<hbm>>) target(%arg15 : memref<64x128xf32, #tpu.memory_space<vmem>>) target_semaphore(%run_scoped3A : memref<!tpu.dma_semaphore, #tpu.memory_space<semaphore_mem>>)
      tpu.wait_dma2 semaphore(%run_scoped3A : memref<!tpu.dma_semaphore, #tpu.memory_space<semaphore_mem>>) src(%arg5 : memref<64x128xf32, #tpu.memory_space<hbm>>) dst(%arg15 : memref<64x128xf32, #tpu.memory_space<vmem>>)
      tpu.yield
    }) : () -> ()
    %mul3A_149 = arith.constant 62 : i32
    %mul3A_150 = arith.muli %add3A, %mul3A_149 : i32
    %add3A_151 = arith.constant 0 : i32
    %add3A_152 = arith.addi %mul3A_150, %add3A_151 : i32
    %mul3A_153 = arith.constant 512 : i32
    %mul3A_154 = arith.muli %add3A_152, %mul3A_153 : i32
    %multiple_of3A = tpu.assume_multiple %mul3A_154, 128 : i32
    %dma_start3A = arith.constant 0 : i32
    %dma_start3A_155 = arith.constant 0 : i32
    %dma_start3A_156 = tpu.memref_slice %arg14[%dma_start3A, %dma_start3A_155] : memref<128x512xf32, #tpu.memory_space<vmem>> -> memref<64x512xf32, #tpu.memory_space<vmem>>
    %dma_start3A_157 = arith.constant 0 : i32
    %dma_start3A_158 = tpu.memref_slice %arg4[%dma_start3A_157, %multiple_of3A] : memref<64x1000000xf32, #tpu.memory_space<hbm>> -> memref<64x512xf32, #tpu.memory_space<hbm>>
    %dma_start3A_159 = arith.constant 0 : i32
    %dma_start3A_160 = arith.constant 0 : i32
    %dma_start3A_161 = tpu.memref_slice %arg14[%dma_start3A_159, %dma_start3A_160] : memref<128x512xf32, #tpu.memory_space<vmem>> -> memref<64x512xf32, #tpu.memory_space<vmem>>
    %dma_start3A_162 = arith.constant 0 : i32
    %dma_start3A_163 = tpu.memref_slice %arg4[%dma_start3A_162, %multiple_of3A] : memref<64x1000000xf32, #tpu.memory_space<hbm>> -> memref<64x512xf32, #tpu.memory_space<hbm>>
    tpu.enqueue_dma source(%dma_start3A_163 : memref<64x512xf32, #tpu.memory_space<hbm>>) target(%dma_start3A_161 : memref<64x512xf32, #tpu.memory_space<vmem>>) target_semaphore(%arg17 : memref<!tpu.dma_semaphore, #tpu.memory_space<semaphore_mem>>)
    %scan3A_164 = arith.constant 0 : i32
    %scan3A_165 = arith.constant 0 : i32
    %scan3A_166 = arith.constant 31 : i32
    %scan3A_167 = arith.addi %scan3A_165, %scan3A_166 : i32
    %scan3A_168 = arith.constant 1 : i32
    scf.for %scan3A_173 = %scan3A_165 to %scan3A_167 step %scan3A_168  : i32 {
      %mul3A_174 = arith.constant 2 : i32
      %mul3A_175 = arith.muli %scan3A_173, %mul3A_174 : i32
      %add3A_176 = arith.constant 0 : i32
      %add3A_177 = arith.addi %mul3A_175, %add3A_176 : i32
      %lt3A = arith.cmpi slt, %add3A_177, %min3A_8 : i32
      %convert_element_type3A_178 = arith.extui %lt3A : i1 to i32
      %cond3A_179 = arith.constant 0 : i32
      %cond3A_180 = arith.cmpi ne, %convert_element_type3A_178, %cond3A_179 : i32
      scf.if %cond3A_180 {
        %add3A_189 = arith.constant 1 : i32
        %add3A_190 = arith.addi %add3A_177, %add3A_189 : i32
        %lt3A_191 = arith.cmpi slt, %add3A_190, %min3A_8 : i32
        %convert_element_type3A_192 = arith.extui %lt3A_191 : i1 to i32
        %cond3A_193 = arith.constant 0 : i32
        %cond3A_194 = arith.cmpi ne, %convert_element_type3A_192, %cond3A_193 : i32
        scf.if %cond3A_194 {
          %add3A_213 = arith.constant 1 : i32
          %add3A_214 = arith.addi %add3A_177, %add3A_213 : i32
          %mul3A_215 = arith.constant 62 : i32
          %mul3A_216 = arith.muli %add3A, %mul3A_215 : i32
          %add3A_217 = arith.addi %mul3A_216, %add3A_214 : i32
          %mul3A_218 = arith.constant 512 : i32
          %mul3A_219 = arith.muli %add3A_217, %mul3A_218 : i32
          %multiple_of3A_220 = tpu.assume_multiple %mul3A_219, 128 : i32
          %dma_start3A_221 = arith.constant 64 : i32
          %dma_start3A_222 = arith.constant 0 : i32
          %dma_start3A_223 = tpu.memref_slice %arg14[%dma_start3A_221, %dma_start3A_222] : memref<128x512xf32, #tpu.memory_space<vmem>> -> memref<64x512xf32, #tpu.memory_space<vmem>>
          %dma_start3A_224 = arith.constant 0 : i32
          %dma_start3A_225 = tpu.memref_slice %arg4[%dma_start3A_224, %multiple_of3A_220] : memref<64x1000000xf32, #tpu.memory_space<hbm>> -> memref<64x512xf32, #tpu.memory_space<hbm>>
          %dma_start3A_226 = arith.constant 64 : i32
          %dma_start3A_227 = arith.constant 0 : i32
          %dma_start3A_228 = tpu.memref_slice %arg14[%dma_start3A_226, %dma_start3A_227] : memref<128x512xf32, #tpu.memory_space<vmem>> -> memref<64x512xf32, #tpu.memory_space<vmem>>
          %dma_start3A_229 = arith.constant 0 : i32
          %dma_start3A_230 = tpu.memref_slice %arg4[%dma_start3A_229, %multiple_of3A_220] : memref<64x1000000xf32, #tpu.memory_space<hbm>> -> memref<64x512xf32, #tpu.memory_space<hbm>>
          tpu.enqueue_dma source(%dma_start3A_230 : memref<64x512xf32, #tpu.memory_space<hbm>>) target(%dma_start3A_228 : memref<64x512xf32, #tpu.memory_space<vmem>>) target_semaphore(%arg18 : memref<!tpu.dma_semaphore, #tpu.memory_space<semaphore_mem>>)
        } else {
        }
        %dma_wait3A = arith.constant 0 : i32
        %dma_wait3A_195 = arith.constant 0 : i32
        %dma_wait3A_196 = tpu.memref_slice %arg14[%dma_wait3A, %dma_wait3A_195] : memref<128x512xf32, #tpu.memory_space<vmem>> -> memref<64x512xf32, #tpu.memory_space<vmem>>
        %dma_wait3A_197 = arith.constant 0 : i32
        %dma_wait3A_198 = arith.constant 0 : i32
        %dma_wait3A_199 = tpu.memref_slice %arg4[%dma_wait3A_197, %dma_wait3A_198] : memref<64x1000000xf32, #tpu.memory_space<hbm>> -> memref<64x512xf32, #tpu.memory_space<hbm>>
        %dma_wait3A_200 = arith.constant 0 : i32
        %dma_wait3A_201 = arith.constant 0 : i32
        %dma_wait3A_202 = tpu.memref_slice %arg14[%dma_wait3A_200, %dma_wait3A_201] : memref<128x512xf32, #tpu.memory_space<vmem>> -> memref<64x512xf32, #tpu.memory_space<vmem>>
        %dma_wait3A_203 = arith.constant 0 : i32
        %dma_wait3A_204 = arith.constant 0 : i32
        %dma_wait3A_205 = tpu.memref_slice %arg4[%dma_wait3A_203, %dma_wait3A_204] : memref<64x1000000xf32, #tpu.memory_space<hbm>> -> memref<64x512xf32, #tpu.memory_space<hbm>>
        tpu.wait_dma2 semaphore(%arg17 : memref<!tpu.dma_semaphore, #tpu.memory_space<semaphore_mem>>) src(%dma_wait3A_205 : memref<64x512xf32, #tpu.memory_space<hbm>>) dst(%dma_wait3A_202 : memref<64x512xf32, #tpu.memory_space<vmem>>)
        %lt3A_206 = arith.cmpi slt, %add3A_177, %select_n3A_72 : i32
        %convert_element_type3A_207 = arith.extui %lt3A_206 : i1 to i32
        %cond3A_208 = arith.constant 0 : i32
        %cond3A_209 = arith.cmpi ne, %convert_element_type3A_207, %cond3A_208 : i32
        scf.if %cond3A_209 {
          %mul3A_213 = arith.constant 512 : i32
          %mul3A_214 = arith.muli %add3A_177, %mul3A_213 : i32
          %add3A_215 = arith.addi %mul3A_4, %mul3A_214 : i32
          %while3A_216 = arith.constant 0 : i32
          %while3A_217 = arith.constant 0 : i32
          %while3A_218 = arith.subi %neg3A_120, %while3A_216 : i32
          %while3A_219 = arith.addi %while3A_216, %while3A_218 : i32
          %while3A_220 = arith.constant 1 : i32
          %while3A_221 = arith.divsi %while3A_218, %while3A_220 : i32
          %while3A_222 = arith.muli %while3A_221, %while3A_220 : i32
          %while3A_223 = arith.addi %while3A_216, %while3A_222 : i32
          %while3A_224 = arith.constant 1 : i32
          %while3A_225 = scf.for %while3A_268 = %while3A_216 to %while3A_223 step %while3A_224 iter_args(%while3A_269 = %while3A_217) -> (i32)  : i32 {
            %mul3A_270 = arith.constant 16 : i32
            %mul3A_271 = arith.muli %while3A_268, %mul3A_270 : i32
            %get3A = arith.index_cast %mul3A_271 : i32 to index
            %get3A_272 = tpu.vector_load %arg8[%get3A] {strides = array<i32>} : memref<4112xi32, #tpu.memory_space<vmem>>, vector<16xi32>,
            %mul3A_273 = arith.constant 16 : i32
            %mul3A_274 = arith.muli %while3A_268, %mul3A_273 : i32
            %get3A_275 = arith.index_cast %mul3A_274 : i32 to index
            %get3A_276 = tpu.vector_load %arg9[%get3A_275] {strides = array<i32>} : memref<4112xi32, #tpu.memory_space<vmem>>, vector<16xi32>,
            %ge3A_277 = vector.broadcast %add3A_215 : i32 to vector<16xi32>
            %ge3A_278 = arith.cmpi sge, %get3A_272, %ge3A_277 : vector<16xi32>
            %add3A_279 = arith.constant 512 : i32
            %add3A_280 = arith.addi %add3A_215, %add3A_279 : i32
            %lt3A_281 = vector.broadcast %add3A_280 : i32 to vector<16xi32>
            %lt3A_282 = arith.cmpi slt, %get3A_272, %lt3A_281 : vector<16xi32>
            %and3A_283 = arith.andi %ge3A_278, %lt3A_282 : vector<16xi1>
            %convert_element_type3A_284 = arith.extui %and3A_283 : vector<16xi1> to vector<16xi32>
            %cumsum3A = arith.constant true
            %cumsum3A_285 = vector.broadcast %cumsum3A : i1 to vector<16xi1>
            %cumsum3A_286 = tpu.scan <sum>, %convert_element_type3A_284 masked %cumsum3A_285 : vector<16xi32>, vector<16xi1> -> vector<16xi32>
            %add3A_287 = vector.broadcast %while3A_269 : i32 to vector<16xi32>
            %add3A_288 = arith.addi %add3A_287, %cumsum3A_286 : vector<16xi32>
            %sub3A_289 = arith.constant 1 : i32
            %sub3A_290 = vector.broadcast %sub3A_289 : i32 to vector<16xi32>
            %sub3A_291 = arith.subi %add3A_288, %sub3A_290 : vector<16xi32>
            %sub3A_292 = vector.broadcast %add3A_215 : i32 to vector<16xi32>
            %sub3A_293 = arith.subi %get3A_272, %sub3A_292 : vector<16xi32>
            tpu.vector_store_idx %arg10[%sub3A_291], %sub3A_293 masked %and3A_283 : memref<4112xi32, #tpu.memory_space<vmem>>[vector<16xi32>], vector<16xi32>, vector<16xi1>
            tpu.vector_store_idx %arg11[%sub3A_291], %get3A_276 masked %and3A_283 : memref<4112xi32, #tpu.memory_space<vmem>>[vector<16xi32>], vector<16xi32>, vector<16xi1>
            %slice3A = vector.extract_strided_slice %cumsum3A_286 {offsets = [15], sizes = [1], strides = [1]} : vector<16xi32> to vector<1xi32>
            %squeeze3A = vector.extract %slice3A[0] : i32 from vector<1xi32>
            %add3A_294 = arith.addi %while3A_269, %squeeze3A : i32
            scf.yield %add3A_294 : i32
          }
          %while3A_226 = arith.constant 1 : i32
          %while3A_227 = scf.for %while3A_268 = %while3A_223 to %while3A_219 step %while3A_226 iter_args(%while3A_269 = %while3A_225) -> (i32)  : i32 {
            %mul3A_270 = arith.constant 16 : i32
            %mul3A_271 = arith.muli %while3A_268, %mul3A_270 : i32
            %get3A = arith.index_cast %mul3A_271 : i32 to index
            %get3A_272 = tpu.vector_load %arg8[%get3A] {strides = array<i32>} : memref<4112xi32, #tpu.memory_space<vmem>>, vector<16xi32>,
            %mul3A_273 = arith.constant 16 : i32
            %mul3A_274 = arith.muli %while3A_268, %mul3A_273 : i32
            %get3A_275 = arith.index_cast %mul3A_274 : i32 to index
            %get3A_276 = tpu.vector_load %arg9[%get3A_275] {strides = array<i32>} : memref<4112xi32, #tpu.memory_space<vmem>>, vector<16xi32>,
            %ge3A_277 = vector.broadcast %add3A_215 : i32 to vector<16xi32>
            %ge3A_278 = arith.cmpi sge, %get3A_272, %ge3A_277 : vector<16xi32>
            %add3A_279 = arith.constant 512 : i32
            %add3A_280 = arith.addi %add3A_215, %add3A_279 : i32
            %lt3A_281 = vector.broadcast %add3A_280 : i32 to vector<16xi32>
            %lt3A_282 = arith.cmpi slt, %get3A_272, %lt3A_281 : vector<16xi32>
            %and3A_283 = arith.andi %ge3A_278, %lt3A_282 : vector<16xi1>
            %convert_element_type3A_284 = arith.extui %and3A_283 : vector<16xi1> to vector<16xi32>
            %cumsum3A = arith.constant true
            %cumsum3A_285 = vector.broadcast %cumsum3A : i1 to vector<16xi1>
            %cumsum3A_286 = tpu.scan <sum>, %convert_element_type3A_284 masked %cumsum3A_285 : vector<16xi32>, vector<16xi1> -> vector<16xi32>
            %add3A_287 = vector.broadcast %while3A_269 : i32 to vector<16xi32>
            %add3A_288 = arith.addi %add3A_287, %cumsum3A_286 : vector<16xi32>
            %sub3A_289 = arith.constant 1 : i32
            %sub3A_290 = vector.broadcast %sub3A_289 : i32 to vector<16xi32>
            %sub3A_291 = arith.subi %add3A_288, %sub3A_290 : vector<16xi32>
            %sub3A_292 = vector.broadcast %add3A_215 : i32 to vector<16xi32>
            %sub3A_293 = arith.subi %get3A_272, %sub3A_292 : vector<16xi32>
            tpu.vector_store_idx %arg10[%sub3A_291], %sub3A_293 masked %and3A_283 : memref<4112xi32, #tpu.memory_space<vmem>>[vector<16xi32>], vector<16xi32>, vector<16xi1>
            tpu.vector_store_idx %arg11[%sub3A_291], %get3A_276 masked %and3A_283 : memref<4112xi32, #tpu.memory_space<vmem>>[vector<16xi32>], vector<16xi32>, vector<16xi1>
            %slice3A = vector.extract_strided_slice %cumsum3A_286 {offsets = [15], sizes = [1], strides = [1]} : vector<16xi32> to vector<1xi32>
            %squeeze3A = vector.extract %slice3A[0] : i32 from vector<1xi32>
            %add3A_294 = arith.addi %while3A_269, %squeeze3A : i32
            scf.yield %add3A_294 : i32
          }
          %add3A_228 = arith.constant 32768 : i32
          %add3A_229 = vector.broadcast %add3A_228 : i32 to vector<16xi32>
          %add3A_230 = arith.addi %add3A_229, %iota3A : vector<16xi32>
          %while3A_231 = arith.constant 0 : i32
          %while3A_232 = arith.subi %while3A_227, %while3A_231 : i32
          %while3A_233 = arith.addi %while3A_231, %while3A_232 : i32
          %while3A_234 = arith.constant 1 : i32
          %while3A_235 = arith.divsi %while3A_232, %while3A_234 : i32
          %while3A_236 = arith.muli %while3A_235, %while3A_234 : i32
          %while3A_237 = arith.addi %while3A_231, %while3A_236 : i32
          %while3A_238 = arith.constant 1 : i32
          %while3A_239 = scf.for %while3A_268 = %while3A_231 to %while3A_237 step %while3A_238 iter_args(%while3A_269 = %add3A_230) -> (vector<16xi32>)  : i32 {
            %rem3A_270 = arith.constant 16 : i32
            %rem3A_271 = arith.remsi %while3A_268, %rem3A_270 : i32
            %div3A_272 = arith.constant 16 : i32
            %div3A_273 = arith.divsi %while3A_268, %div3A_272 : i32
            %rem3A_274 = arith.constant 4 : i32
            %rem3A_275 = arith.remsi %div3A_273, %rem3A_274 : i32
            %get3A = arith.index_cast %while3A_268 : i32 to index
            %get3A_276 = tpu.vector_load %arg10[%get3A] {strides = array<i32>} : memref<4112xi32, #tpu.memory_space<vmem>>, vector<16xi32>,
            %slice3A = vector.extract_strided_slice %get3A_276 {offsets = [0], sizes = [1], strides = [1]} : vector<16xi32> to vector<1xi32>
            %squeeze3A = vector.extract %slice3A[0] : i32 from vector<1xi32>
            %get3A_277 = arith.index_cast %while3A_268 : i32 to index
            %get3A_278 = tpu.vector_load %arg11[%get3A_277] {strides = array<i32>} : memref<4112xi32, #tpu.memory_space<vmem>>, vector<16xi32>,
            %slice3A_279 = vector.extract_strided_slice %get3A_278 {offsets = [0], sizes = [1], strides = [1]} : vector<16xi32> to vector<1xi32>
            %squeeze3A_280 = vector.extract %slice3A_279[0] : i32 from vector<1xi32>
            %mul3A_281 = arith.constant 16 : i32
            %mul3A_282 = arith.muli %rem3A_275, %mul3A_281 : i32
            %add3A_283 = arith.addi %mul3A_282, %rem3A_271 : i32
            %add3A_284 = arith.constant 0 : i32
            %add3A_285 = vector.broadcast %add3A_284 : i32 to vector<16xi32>
            %add3A_286 = arith.addi %add3A_285, %iota3A : vector<16xi32>
            %add3A_287 = arith.constant 0 : i32
            %add3A_288 = vector.broadcast %add3A_287 : i32 to vector<16xi32>
            %add3A_289 = arith.addi %add3A_288, %add3A_286 : vector<16xi32>
            %broadcast_in_dim3A_290 = vector.broadcast %squeeze3A : i32 to vector<16xi32>
            %gather3A = tpu.vector_load_idx %arg14[%add3A_289, %broadcast_in_dim3A_290] : memref<128x512xf32, #tpu.memory_space<vmem>>[vector<16xi32>, vector<16xi32>], vector<16xf32>,
            %swap3A = arith.index_cast %add3A_283 : i32 to index
            %swap3A_291 = arith.constant 0 : index
            %swap3A_292 = tpu.vector_load %arg16[%swap3A, %swap3A_291] {strides = array<i32>} : memref<64x128xf32, #tpu.memory_space<vmem>>, vector<16xf32>,
            tpu.vector_store %arg16[%swap3A, %swap3A_291], %gather3A {strides = array<i32>} : memref<64x128xf32, #tpu.memory_space<vmem>>, vector<16xf32>,
            %add3A_293 = arith.constant 16 : i32
            %add3A_294 = vector.broadcast %add3A_293 : i32 to vector<16xi32>
            %add3A_295 = arith.addi %add3A_294, %iota3A : vector<16xi32>
            %add3A_296 = arith.constant 0 : i32
            %add3A_297 = vector.broadcast %add3A_296 : i32 to vector<16xi32>
            %add3A_298 = arith.addi %add3A_297, %add3A_295 : vector<16xi32>
            %broadcast_in_dim3A_299 = vector.broadcast %squeeze3A : i32 to vector<16xi32>
            %gather3A_300 = tpu.vector_load_idx %arg14[%add3A_298, %broadcast_in_dim3A_299] : memref<128x512xf32, #tpu.memory_space<vmem>>[vector<16xi32>, vector<16xi32>], vector<16xf32>,
            %swap3A_301 = arith.index_cast %add3A_283 : i32 to index
            %swap3A_302 = arith.constant 16 : index
            %swap3A_303 = tpu.vector_load %arg16[%swap3A_301, %swap3A_302] {strides = array<i32>} : memref<64x128xf32, #tpu.memory_space<vmem>>, vector<16xf32>,
            tpu.vector_store %arg16[%swap3A_301, %swap3A_302], %gather3A_300 {strides = array<i32>} : memref<64x128xf32, #tpu.memory_space<vmem>>, vector<16xf32>,
            %add3A_304 = arith.constant 32 : i32
            %add3A_305 = vector.broadcast %add3A_304 : i32 to vector<16xi32>
            %add3A_306 = arith.addi %add3A_305, %iota3A : vector<16xi32>
            %add3A_307 = arith.constant 0 : i32
            %add3A_308 = vector.broadcast %add3A_307 : i32 to vector<16xi32>
            %add3A_309 = arith.addi %add3A_308, %add3A_306 : vector<16xi32>
            %broadcast_in_dim3A_310 = vector.broadcast %squeeze3A : i32 to vector<16xi32>
            %gather3A_311 = tpu.vector_load_idx %arg14[%add3A_309, %broadcast_in_dim3A_310] : memref<128x512xf32, #tpu.memory_space<vmem>>[vector<16xi32>, vector<16xi32>], vector<16xf32>,
            %swap3A_312 = arith.index_cast %add3A_283 : i32 to index
            %swap3A_313 = arith.constant 32 : index
            %swap3A_314 = tpu.vector_load %arg16[%swap3A_312, %swap3A_313] {strides = array<i32>} : memref<64x128xf32, #tpu.memory_space<vmem>>, vector<16xf32>,
            tpu.vector_store %arg16[%swap3A_312, %swap3A_313], %gather3A_311 {strides = array<i32>} : memref<64x128xf32, #tpu.memory_space<vmem>>, vector<16xf32>,
            %add3A_315 = arith.constant 48 : i32
            %add3A_316 = vector.broadcast %add3A_315 : i32 to vector<16xi32>
            %add3A_317 = arith.addi %add3A_316, %iota3A : vector<16xi32>
            %add3A_318 = arith.constant 0 : i32
            %add3A_319 = vector.broadcast %add3A_318 : i32 to vector<16xi32>
            %add3A_320 = arith.addi %add3A_319, %add3A_317 : vector<16xi32>
            %broadcast_in_dim3A_321 = vector.broadcast %squeeze3A : i32 to vector<16xi32>
            %gather3A_322 = tpu.vector_load_idx %arg14[%add3A_320, %broadcast_in_dim3A_321] : memref<128x512xf32, #tpu.memory_space<vmem>>[vector<16xi32>, vector<16xi32>], vector<16xf32>,
            %swap3A_323 = arith.index_cast %add3A_283 : i32 to index
            %swap3A_324 = arith.constant 48 : index
            %swap3A_325 = tpu.vector_load %arg16[%swap3A_323, %swap3A_324] {strides = array<i32>} : memref<64x128xf32, #tpu.memory_space<vmem>>, vector<16xf32>,
            tpu.vector_store %arg16[%swap3A_323, %swap3A_324], %gather3A_322 {strides = array<i32>} : memref<64x128xf32, #tpu.memory_space<vmem>>, vector<16xf32>,
            %eq3A_326 = vector.broadcast %rem3A_271 : i32 to vector<16xi32>
            %eq3A_327 = arith.cmpi eq, %iota3A, %eq3A_326 : vector<16xi32>
            %broadcast_in_dim3A_328 = vector.broadcast %squeeze3A_280 : i32 to vector<16xi32>
            %select_n3A_329 = arith.select %eq3A_327, %broadcast_in_dim3A_328, %while3A_269 : vector<16xi1>, vector<16xi32>
            %eq3A_330 = arith.constant 15 : i32
            %eq3A_331 = arith.cmpi eq, %rem3A_271, %eq3A_330 : i32
            %convert_element_type3A_332 = arith.extui %eq3A_331 : i1 to i32
            %cond3A_333 = arith.constant 0 : i32
            %cond3A_334 = arith.cmpi ne, %convert_element_type3A_332, %cond3A_333 : i32
            scf.if %cond3A_334 {
              %mul3A_341 = arith.constant 16 : i32
              %mul3A_342 = arith.muli %rem3A_275, %mul3A_341 : i32
              %dma_start3A_343 = arith.constant 0 : i32
              %dma_start3A_344 = tpu.memref_slice %arg16[%mul3A_342, %dma_start3A_343] : memref<64x128xf32, #tpu.memory_space<vmem>> -> memref<16x128xf32, #tpu.memory_space<vmem>>
              %dma_start3A_345 = arith.constant 0 : i32
              %dma_start3A_346 = arith.constant 0 : i32
              %dma_start3A_347 = tpu.memref_slice %arg6[%dma_start3A_345, %dma_start3A_346] : memref<32784x128xf32, #tpu.memory_space<hbm>> -> memref<32784x128xf32, #tpu.memory_space<hbm>>
              tpu.enqueue_indirect_dma source(%dma_start3A_344 : memref<16x128xf32, #tpu.memory_space<vmem>>) target(%dma_start3A_347 : memref<32784x128xf32, #tpu.memory_space<hbm>>) offsets(%select_n3A_329 : vector<16xi32>) semaphore(%arg19 : memref<!tpu.dma_semaphore, #tpu.memory_space<semaphore_mem>>)
            } else {
            }
            %eq3A_335 = arith.constant 15 : i32
            %eq3A_336 = arith.cmpi eq, %rem3A_271, %eq3A_335 : i32
            %add3A_337 = arith.constant 32768 : i32
            %add3A_338 = vector.broadcast %add3A_337 : i32 to vector<16xi32>
            %add3A_339 = arith.addi %add3A_338, %iota3A : vector<16xi32>
            %select_n3A_340 = arith.select %eq3A_336, %add3A_339, %select_n3A_329 : vector<16xi32>
            scf.yield %select_n3A_340 : vector<16xi32>
          }
          %while3A_240 = arith.constant 1 : i32
          %while3A_241 = scf.for %while3A_268 = %while3A_237 to %while3A_233 step %while3A_240 iter_args(%while3A_269 = %while3A_239) -> (vector<16xi32>)  : i32 {
            %rem3A_270 = arith.constant 16 : i32
            %rem3A_271 = arith.remsi %while3A_268, %rem3A_270 : i32
            %div3A_272 = arith.constant 16 : i32
            %div3A_273 = arith.divsi %while3A_268, %div3A_272 : i32
            %rem3A_274 = arith.constant 4 : i32
            %rem3A_275 = arith.remsi %div3A_273, %rem3A_274 : i32
            %get3A = arith.index_cast %while3A_268 : i32 to index
            %get3A_276 = tpu.vector_load %arg10[%get3A] {strides = array<i32>} : memref<4112xi32, #tpu.memory_space<vmem>>, vector<16xi32>,
            %slice3A = vector.extract_strided_slice %get3A_276 {offsets = [0], sizes = [1], strides = [1]} : vector<16xi32> to vector<1xi32>
            %squeeze3A = vector.extract %slice3A[0] : i32 from vector<1xi32>
            %get3A_277 = arith.index_cast %while3A_268 : i32 to index
            %get3A_278 = tpu.vector_load %arg11[%get3A_277] {strides = array<i32>} : memref<4112xi32, #tpu.memory_space<vmem>>, vector<16xi32>,
            %slice3A_279 = vector.extract_strided_slice %get3A_278 {offsets = [0], sizes = [1], strides = [1]} : vector<16xi32> to vector<1xi32>
            %squeeze3A_280 = vector.extract %slice3A_279[0] : i32 from vector<1xi32>
            %mul3A_281 = arith.constant 16 : i32
            %mul3A_282 = arith.muli %rem3A_275, %mul3A_281 : i32
            %add3A_283 = arith.addi %mul3A_282, %rem3A_271 : i32
            %add3A_284 = arith.constant 0 : i32
            %add3A_285 = vector.broadcast %add3A_284 : i32 to vector<16xi32>
            %add3A_286 = arith.addi %add3A_285, %iota3A : vector<16xi32>
            %add3A_287 = arith.constant 0 : i32
            %add3A_288 = vector.broadcast %add3A_287 : i32 to vector<16xi32>
            %add3A_289 = arith.addi %add3A_288, %add3A_286 : vector<16xi32>
            %broadcast_in_dim3A_290 = vector.broadcast %squeeze3A : i32 to vector<16xi32>
            %gather3A = tpu.vector_load_idx %arg14[%add3A_289, %broadcast_in_dim3A_290] : memref<128x512xf32, #tpu.memory_space<vmem>>[vector<16xi32>, vector<16xi32>], vector<16xf32>,
            %swap3A = arith.index_cast %add3A_283 : i32 to index
            %swap3A_291 = arith.constant 0 : index
            %swap3A_292 = tpu.vector_load %arg16[%swap3A, %swap3A_291] {strides = array<i32>} : memref<64x128xf32, #tpu.memory_space<vmem>>, vector<16xf32>,
            tpu.vector_store %arg16[%swap3A, %swap3A_291], %gather3A {strides = array<i32>} : memref<64x128xf32, #tpu.memory_space<vmem>>, vector<16xf32>,
            %add3A_293 = arith.constant 16 : i32
            %add3A_294 = vector.broadcast %add3A_293 : i32 to vector<16xi32>
            %add3A_295 = arith.addi %add3A_294, %iota3A : vector<16xi32>
            %add3A_296 = arith.constant 0 : i32
            %add3A_297 = vector.broadcast %add3A_296 : i32 to vector<16xi32>
            %add3A_298 = arith.addi %add3A_297, %add3A_295 : vector<16xi32>
            %broadcast_in_dim3A_299 = vector.broadcast %squeeze3A : i32 to vector<16xi32>
            %gather3A_300 = tpu.vector_load_idx %arg14[%add3A_298, %broadcast_in_dim3A_299] : memref<128x512xf32, #tpu.memory_space<vmem>>[vector<16xi32>, vector<16xi32>], vector<16xf32>,
            %swap3A_301 = arith.index_cast %add3A_283 : i32 to index
            %swap3A_302 = arith.constant 16 : index
            %swap3A_303 = tpu.vector_load %arg16[%swap3A_301, %swap3A_302] {strides = array<i32>} : memref<64x128xf32, #tpu.memory_space<vmem>>, vector<16xf32>,
            tpu.vector_store %arg16[%swap3A_301, %swap3A_302], %gather3A_300 {strides = array<i32>} : memref<64x128xf32, #tpu.memory_space<vmem>>, vector<16xf32>,
            %add3A_304 = arith.constant 32 : i32
            %add3A_305 = vector.broadcast %add3A_304 : i32 to vector<16xi32>
            %add3A_306 = arith.addi %add3A_305, %iota3A : vector<16xi32>
            %add3A_307 = arith.constant 0 : i32
            %add3A_308 = vector.broadcast %add3A_307 : i32 to vector<16xi32>
            %add3A_309 = arith.addi %add3A_308, %add3A_306 : vector<16xi32>
            %broadcast_in_dim3A_310 = vector.broadcast %squeeze3A : i32 to vector<16xi32>
            %gather3A_311 = tpu.vector_load_idx %arg14[%add3A_309, %broadcast_in_dim3A_310] : memref<128x512xf32, #tpu.memory_space<vmem>>[vector<16xi32>, vector<16xi32>], vector<16xf32>,
            %swap3A_312 = arith.index_cast %add3A_283 : i32 to index
            %swap3A_313 = arith.constant 32 : index
            %swap3A_314 = tpu.vector_load %arg16[%swap3A_312, %swap3A_313] {strides = array<i32>} : memref<64x128xf32, #tpu.memory_space<vmem>>, vector<16xf32>,
            tpu.vector_store %arg16[%swap3A_312, %swap3A_313], %gather3A_311 {strides = array<i32>} : memref<64x128xf32, #tpu.memory_space<vmem>>, vector<16xf32>,
            %add3A_315 = arith.constant 48 : i32
            %add3A_316 = vector.broadcast %add3A_315 : i32 to vector<16xi32>
            %add3A_317 = arith.addi %add3A_316, %iota3A : vector<16xi32>
            %add3A_318 = arith.constant 0 : i32
            %add3A_319 = vector.broadcast %add3A_318 : i32 to vector<16xi32>
            %add3A_320 = arith.addi %add3A_319, %add3A_317 : vector<16xi32>
            %broadcast_in_dim3A_321 = vector.broadcast %squeeze3A : i32 to vector<16xi32>
            %gather3A_322 = tpu.vector_load_idx %arg14[%add3A_320, %broadcast_in_dim3A_321] : memref<128x512xf32, #tpu.memory_space<vmem>>[vector<16xi32>, vector<16xi32>], vector<16xf32>,
            %swap3A_323 = arith.index_cast %add3A_283 : i32 to index
            %swap3A_324 = arith.constant 48 : index
            %swap3A_325 = tpu.vector_load %arg16[%swap3A_323, %swap3A_324] {strides = array<i32>} : memref<64x128xf32, #tpu.memory_space<vmem>>, vector<16xf32>,
            tpu.vector_store %arg16[%swap3A_323, %swap3A_324], %gather3A_322 {strides = array<i32>} : memref<64x128xf32, #tpu.memory_space<vmem>>, vector<16xf32>,
            %eq3A_326 = vector.broadcast %rem3A_271 : i32 to vector<16xi32>
            %eq3A_327 = arith.cmpi eq, %iota3A, %eq3A_326 : vector<16xi32>
            %broadcast_in_dim3A_328 = vector.broadcast %squeeze3A_280 : i32 to vector<16xi32>
            %select_n3A_329 = arith.select %eq3A_327, %broadcast_in_dim3A_328, %while3A_269 : vector<16xi1>, vector<16xi32>
            %eq3A_330 = arith.constant 15 : i32
            %eq3A_331 = arith.cmpi eq, %rem3A_271, %eq3A_330 : i32
            %convert_element_type3A_332 = arith.extui %eq3A_331 : i1 to i32
            %cond3A_333 = arith.constant 0 : i32
            %cond3A_334 = arith.cmpi ne, %convert_element_type3A_332, %cond3A_333 : i32
            scf.if %cond3A_334 {
              %mul3A_341 = arith.constant 16 : i32
              %mul3A_342 = arith.muli %rem3A_275, %mul3A_341 : i32
              %dma_start3A_343 = arith.constant 0 : i32
              %dma_start3A_344 = tpu.memref_slice %arg16[%mul3A_342, %dma_start3A_343] : memref<64x128xf32, #tpu.memory_space<vmem>> -> memref<16x128xf32, #tpu.memory_space<vmem>>
              %dma_start3A_345 = arith.constant 0 : i32
              %dma_start3A_346 = arith.constant 0 : i32
              %dma_start3A_347 = tpu.memref_slice %arg6[%dma_start3A_345, %dma_start3A_346] : memref<32784x128xf32, #tpu.memory_space<hbm>> -> memref<32784x128xf32, #tpu.memory_space<hbm>>
              tpu.enqueue_indirect_dma source(%dma_start3A_344 : memref<16x128xf32, #tpu.memory_space<vmem>>) target(%dma_start3A_347 : memref<32784x128xf32, #tpu.memory_space<hbm>>) offsets(%select_n3A_329 : vector<16xi32>) semaphore(%arg19 : memref<!tpu.dma_semaphore, #tpu.memory_space<semaphore_mem>>)
            } else {
            }
            %eq3A_335 = arith.constant 15 : i32
            %eq3A_336 = arith.cmpi eq, %rem3A_271, %eq3A_335 : i32
            %add3A_337 = arith.constant 32768 : i32
            %add3A_338 = vector.broadcast %add3A_337 : i32 to vector<16xi32>
            %add3A_339 = arith.addi %add3A_338, %iota3A : vector<16xi32>
            %select_n3A_340 = arith.select %eq3A_336, %add3A_339, %select_n3A_329 : vector<16xi32>
            scf.yield %select_n3A_340 : vector<16xi32>
          }
          %div3A_242 = arith.constant 16 : i32
          %div3A_243 = arith.divsi %while3A_227, %div3A_242 : i32
          %rem3A_244 = arith.constant 16 : i32
          %rem3A_245 = arith.remsi %while3A_227, %rem3A_244 : i32
          %gt3A = arith.constant 0 : i32
          %gt3A_246 = arith.cmpi sgt, %rem3A_245, %gt3A : i32
          %convert_element_type3A_247 = arith.extui %gt3A_246 : i1 to i32
          %cond3A_248 = arith.constant 0 : i32
          %cond3A_249 = arith.cmpi ne, %convert_element_type3A_247, %cond3A_248 : i32
          scf.if %cond3A_249 {
            %rem3A_268 = arith.constant 4 : i32
            %rem3A_269 = arith.remsi %div3A_243, %rem3A_268 : i32
            %mul3A_270 = arith.constant 16 : i32
            %mul3A_271 = arith.muli %rem3A_269, %mul3A_270 : i32
            %dma_start3A_272 = arith.constant 0 : i32
            %dma_start3A_273 = tpu.memref_slice %arg16[%mul3A_271, %dma_start3A_272] : memref<64x128xf32, #tpu.memory_space<vmem>> -> memref<16x128xf32, #tpu.memory_space<vmem>>
            %dma_start3A_274 = arith.constant 0 : i32
            %dma_start3A_275 = arith.constant 0 : i32
            %dma_start3A_276 = tpu.memref_slice %arg6[%dma_start3A_274, %dma_start3A_275] : memref<32784x128xf32, #tpu.memory_space<hbm>> -> memref<32784x128xf32, #tpu.memory_space<hbm>>
            tpu.enqueue_indirect_dma source(%dma_start3A_273 : memref<16x128xf32, #tpu.memory_space<vmem>>) target(%dma_start3A_276 : memref<32784x128xf32, #tpu.memory_space<hbm>>) offsets(%while3A_241 : vector<16xi32>) semaphore(%arg19 : memref<!tpu.dma_semaphore, #tpu.memory_space<semaphore_mem>>)
          } else {
          }
          %gt3A_250 = arith.constant 0 : i32
          %gt3A_251 = arith.cmpi sgt, %rem3A_245, %gt3A_250 : i32
          %jit3A_252 = arith.constant 1 : i32
          %jit3A_253 = arith.constant 0 : i32
          %select_n3A_254 = arith.select %gt3A_251, %jit3A_252, %jit3A_253 : i32
          %add3A_255 = arith.addi %div3A_243, %select_n3A_254 : i32
          %min3A_256 = arith.constant 4 : i32
          %min3A_257 = arith.minsi %add3A_255, %min3A_256 : i32
          %while3A_258 = arith.constant 0 : i32
          %while3A_259 = arith.constant 0 : i32
          %while3A_260 = arith.subi %min3A_257, %while3A_259 : i32
          %while3A_261 = arith.addi %while3A_259, %while3A_260 : i32
          %while3A_262 = arith.constant 1 : i32
          %while3A_263 = arith.divsi %while3A_260, %while3A_262 : i32
          %while3A_264 = arith.muli %while3A_263, %while3A_262 : i32
          %while3A_265 = arith.addi %while3A_259, %while3A_264 : i32
          %while3A_266 = arith.constant 1 : i32
          scf.for %while3A_268 = %while3A_259 to %while3A_265 step %while3A_266  : i32 {
            %dma_wait3A_269 = arith.constant 0 : i32
            %dma_wait3A_270 = arith.constant 0 : i32
            %dma_wait3A_271 = tpu.memref_slice %arg16[%dma_wait3A_269, %dma_wait3A_270] : memref<64x128xf32, #tpu.memory_space<vmem>> -> memref<16x128xf32, #tpu.memory_space<vmem>>
            %dma_wait3A_272 = arith.constant 0 : i32
            %dma_wait3A_273 = arith.constant 0 : i32
            %dma_wait3A_274 = tpu.memref_slice %arg6[%dma_wait3A_272, %dma_wait3A_273] : memref<32784x128xf32, #tpu.memory_space<hbm>> -> memref<16x128xf32, #tpu.memory_space<hbm>>
            %dma_wait3A_275 = arith.constant 0 : i32
            %dma_wait3A_276 = arith.constant 0 : i32
            %dma_wait3A_277 = tpu.memref_slice %arg6[%dma_wait3A_275, %dma_wait3A_276] : memref<32784x128xf32, #tpu.memory_space<hbm>> -> memref<16x128xf32, #tpu.memory_space<hbm>>
            %dma_wait3A_278 = arith.constant 0 : i32
            %dma_wait3A_279 = arith.constant 0 : i32
            %dma_wait3A_280 = tpu.memref_slice %arg16[%dma_wait3A_278, %dma_wait3A_279] : memref<64x128xf32, #tpu.memory_space<vmem>> -> memref<16x128xf32, #tpu.memory_space<vmem>>
            tpu.wait_dma2 semaphore(%arg19 : memref<!tpu.dma_semaphore, #tpu.memory_space<semaphore_mem>>) src(%dma_wait3A_280 : memref<16x128xf32, #tpu.memory_space<vmem>>) dst(%dma_wait3A_277 : memref<16x128xf32, #tpu.memory_space<hbm>>)
          }
          %while3A_267 = arith.constant 1 : i32
          scf.for %while3A_268 = %while3A_265 to %while3A_261 step %while3A_267  : i32 {
            %dma_wait3A_269 = arith.constant 0 : i32
            %dma_wait3A_270 = arith.constant 0 : i32
            %dma_wait3A_271 = tpu.memref_slice %arg16[%dma_wait3A_269, %dma_wait3A_270] : memref<64x128xf32, #tpu.memory_space<vmem>> -> memref<16x128xf32, #tpu.memory_space<vmem>>
            %dma_wait3A_272 = arith.constant 0 : i32
            %dma_wait3A_273 = arith.constant 0 : i32
            %dma_wait3A_274 = tpu.memref_slice %arg6[%dma_wait3A_272, %dma_wait3A_273] : memref<32784x128xf32, #tpu.memory_space<hbm>> -> memref<16x128xf32, #tpu.memory_space<hbm>>
            %dma_wait3A_275 = arith.constant 0 : i32
            %dma_wait3A_276 = arith.constant 0 : i32
            %dma_wait3A_277 = tpu.memref_slice %arg6[%dma_wait3A_275, %dma_wait3A_276] : memref<32784x128xf32, #tpu.memory_space<hbm>> -> memref<16x128xf32, #tpu.memory_space<hbm>>
            %dma_wait3A_278 = arith.constant 0 : i32
            %dma_wait3A_279 = arith.constant 0 : i32
            %dma_wait3A_280 = tpu.memref_slice %arg16[%dma_wait3A_278, %dma_wait3A_279] : memref<64x128xf32, #tpu.memory_space<vmem>> -> memref<16x128xf32, #tpu.memory_space<vmem>>
            tpu.wait_dma2 semaphore(%arg19 : memref<!tpu.dma_semaphore, #tpu.memory_space<semaphore_mem>>) src(%dma_wait3A_280 : memref<16x128xf32, #tpu.memory_space<vmem>>) dst(%dma_wait3A_277 : memref<16x128xf32, #tpu.memory_space<hbm>>)
          }
        } else {
        }
        %ge3A = arith.cmpi sge, %add3A_177, %select_n3A_72 : i32
        %convert_element_type3A_210 = arith.extui %ge3A : i1 to i32
        %cond3A_211 = arith.constant 0 : i32
        %cond3A_212 = arith.cmpi ne, %convert_element_type3A_210, %cond3A_211 : i32
        scf.if %cond3A_212 {
          %mul3A_213 = arith.constant 512 : i32
          %mul3A_214 = arith.muli %add3A_177, %mul3A_213 : i32
          %add3A_215 = arith.addi %mul3A_4, %mul3A_214 : i32
          %while3A_216 = arith.constant 0 : i32
          %while3A_217 = arith.constant 0 : i32
          %while3A_218 = arith.subi %neg3A_148, %while3A_216 : i32
          %while3A_219 = arith.addi %while3A_216, %while3A_218 : i32
          %while3A_220 = arith.constant 1 : i32
          %while3A_221 = arith.divsi %while3A_218, %while3A_220 : i32
          %while3A_222 = arith.muli %while3A_221, %while3A_220 : i32
          %while3A_223 = arith.addi %while3A_216, %while3A_222 : i32
          %while3A_224 = arith.constant 1 : i32
          %while3A_225 = scf.for %while3A_268 = %while3A_216 to %while3A_223 step %while3A_224 iter_args(%while3A_269 = %while3A_217) -> (i32)  : i32 {
            %mul3A_270 = arith.constant 16 : i32
            %mul3A_271 = arith.muli %while3A_268, %mul3A_270 : i32
            %get3A = arith.index_cast %mul3A_271 : i32 to index
            %get3A_272 = tpu.vector_load %arg12[%get3A] {strides = array<i32>} : memref<4112xi32, #tpu.memory_space<vmem>>, vector<16xi32>,
            %mul3A_273 = arith.constant 16 : i32
            %mul3A_274 = arith.muli %while3A_268, %mul3A_273 : i32
            %get3A_275 = arith.index_cast %mul3A_274 : i32 to index
            %get3A_276 = tpu.vector_load %arg13[%get3A_275] {strides = array<i32>} : memref<4112xi32, #tpu.memory_space<vmem>>, vector<16xi32>,
            %ge3A_277 = vector.broadcast %add3A_215 : i32 to vector<16xi32>
            %ge3A_278 = arith.cmpi sge, %get3A_272, %ge3A_277 : vector<16xi32>
            %add3A_279 = arith.constant 512 : i32
            %add3A_280 = arith.addi %add3A_215, %add3A_279 : i32
            %lt3A_281 = vector.broadcast %add3A_280 : i32 to vector<16xi32>
            %lt3A_282 = arith.cmpi slt, %get3A_272, %lt3A_281 : vector<16xi32>
            %and3A_283 = arith.andi %ge3A_278, %lt3A_282 : vector<16xi1>
            %convert_element_type3A_284 = arith.extui %and3A_283 : vector<16xi1> to vector<16xi32>
            %cumsum3A = arith.constant true
            %cumsum3A_285 = vector.broadcast %cumsum3A : i1 to vector<16xi1>
            %cumsum3A_286 = tpu.scan <sum>, %convert_element_type3A_284 masked %cumsum3A_285 : vector<16xi32>, vector<16xi1> -> vector<16xi32>
            %add3A_287 = vector.broadcast %while3A_269 : i32 to vector<16xi32>
            %add3A_288 = arith.addi %add3A_287, %cumsum3A_286 : vector<16xi32>
            %sub3A_289 = arith.constant 1 : i32
            %sub3A_290 = vector.broadcast %sub3A_289 : i32 to vector<16xi32>
            %sub3A_291 = arith.subi %add3A_288, %sub3A_290 : vector<16xi32>
            %sub3A_292 = vector.broadcast %add3A_215 : i32 to vector<16xi32>
            %sub3A_293 = arith.subi %get3A_272, %sub3A_292 : vector<16xi32>
            tpu.vector_store_idx %arg10[%sub3A_291], %sub3A_293 masked %and3A_283 : memref<4112xi32, #tpu.memory_space<vmem>>[vector<16xi32>], vector<16xi32>, vector<16xi1>
            tpu.vector_store_idx %arg11[%sub3A_291], %get3A_276 masked %and3A_283 : memref<4112xi32, #tpu.memory_space<vmem>>[vector<16xi32>], vector<16xi32>, vector<16xi1>
            %slice3A = vector.extract_strided_slice %cumsum3A_286 {offsets = [15], sizes = [1], strides = [1]} : vector<16xi32> to vector<1xi32>
            %squeeze3A = vector.extract %slice3A[0] : i32 from vector<1xi32>
            %add3A_294 = arith.addi %while3A_269, %squeeze3A : i32
            scf.yield %add3A_294 : i32
          }
          %while3A_226 = arith.constant 1 : i32
          %while3A_227 = scf.for %while3A_268 = %while3A_223 to %while3A_219 step %while3A_226 iter_args(%while3A_269 = %while3A_225) -> (i32)  : i32 {
            %mul3A_270 = arith.constant 16 : i32
            %mul3A_271 = arith.muli %while3A_268, %mul3A_270 : i32
            %get3A = arith.index_cast %mul3A_271 : i32 to index
            %get3A_272 = tpu.vector_load %arg12[%get3A] {strides = array<i32>} : memref<4112xi32, #tpu.memory_space<vmem>>, vector<16xi32>,
            %mul3A_273 = arith.constant 16 : i32
            %mul3A_274 = arith.muli %while3A_268, %mul3A_273 : i32
            %get3A_275 = arith.index_cast %mul3A_274 : i32 to index
            %get3A_276 = tpu.vector_load %arg13[%get3A_275] {strides = array<i32>} : memref<4112xi32, #tpu.memory_space<vmem>>, vector<16xi32>,
            %ge3A_277 = vector.broadcast %add3A_215 : i32 to vector<16xi32>
            %ge3A_278 = arith.cmpi sge, %get3A_272, %ge3A_277 : vector<16xi32>
            %add3A_279 = arith.constant 512 : i32
            %add3A_280 = arith.addi %add3A_215, %add3A_279 : i32
            %lt3A_281 = vector.broadcast %add3A_280 : i32 to vector<16xi32>
            %lt3A_282 = arith.cmpi slt, %get3A_272, %lt3A_281 : vector<16xi32>
            %and3A_283 = arith.andi %ge3A_278, %lt3A_282 : vector<16xi1>
            %convert_element_type3A_284 = arith.extui %and3A_283 : vector<16xi1> to vector<16xi32>
            %cumsum3A = arith.constant true
            %cumsum3A_285 = vector.broadcast %cumsum3A : i1 to vector<16xi1>
            %cumsum3A_286 = tpu.scan <sum>, %convert_element_type3A_284 masked %cumsum3A_285 : vector<16xi32>, vector<16xi1> -> vector<16xi32>
            %add3A_287 = vector.broadcast %while3A_269 : i32 to vector<16xi32>
            %add3A_288 = arith.addi %add3A_287, %cumsum3A_286 : vector<16xi32>
            %sub3A_289 = arith.constant 1 : i32
            %sub3A_290 = vector.broadcast %sub3A_289 : i32 to vector<16xi32>
            %sub3A_291 = arith.subi %add3A_288, %sub3A_290 : vector<16xi32>
            %sub3A_292 = vector.broadcast %add3A_215 : i32 to vector<16xi32>
            %sub3A_293 = arith.subi %get3A_272, %sub3A_292 : vector<16xi32>
            tpu.vector_store_idx %arg10[%sub3A_291], %sub3A_293 masked %and3A_283 : memref<4112xi32, #tpu.memory_space<vmem>>[vector<16xi32>], vector<16xi32>, vector<16xi1>
            tpu.vector_store_idx %arg11[%sub3A_291], %get3A_276 masked %and3A_283 : memref<4112xi32, #tpu.memory_space<vmem>>[vector<16xi32>], vector<16xi32>, vector<16xi1>
            %slice3A = vector.extract_strided_slice %cumsum3A_286 {offsets = [15], sizes = [1], strides = [1]} : vector<16xi32> to vector<1xi32>
            %squeeze3A = vector.extract %slice3A[0] : i32 from vector<1xi32>
            %add3A_294 = arith.addi %while3A_269, %squeeze3A : i32
            scf.yield %add3A_294 : i32
          }
          %add3A_228 = arith.constant 32768 : i32
          %add3A_229 = vector.broadcast %add3A_228 : i32 to vector<16xi32>
          %add3A_230 = arith.addi %add3A_229, %iota3A : vector<16xi32>
          %while3A_231 = arith.constant 0 : i32
          %while3A_232 = arith.subi %while3A_227, %while3A_231 : i32
          %while3A_233 = arith.addi %while3A_231, %while3A_232 : i32
          %while3A_234 = arith.constant 1 : i32
          %while3A_235 = arith.divsi %while3A_232, %while3A_234 : i32
          %while3A_236 = arith.muli %while3A_235, %while3A_234 : i32
          %while3A_237 = arith.addi %while3A_231, %while3A_236 : i32
          %while3A_238 = arith.constant 1 : i32
          %while3A_239 = scf.for %while3A_268 = %while3A_231 to %while3A_237 step %while3A_238 iter_args(%while3A_269 = %add3A_230) -> (vector<16xi32>)  : i32 {
            %rem3A_270 = arith.constant 16 : i32
            %rem3A_271 = arith.remsi %while3A_268, %rem3A_270 : i32
            %div3A_272 = arith.constant 16 : i32
            %div3A_273 = arith.divsi %while3A_268, %div3A_272 : i32
            %rem3A_274 = arith.constant 4 : i32
            %rem3A_275 = arith.remsi %div3A_273, %rem3A_274 : i32
            %get3A = arith.index_cast %while3A_268 : i32 to index
            %get3A_276 = tpu.vector_load %arg10[%get3A] {strides = array<i32>} : memref<4112xi32, #tpu.memory_space<vmem>>, vector<16xi32>,
            %slice3A = vector.extract_strided_slice %get3A_276 {offsets = [0], sizes = [1], strides = [1]} : vector<16xi32> to vector<1xi32>
            %squeeze3A = vector.extract %slice3A[0] : i32 from vector<1xi32>
            %get3A_277 = arith.index_cast %while3A_268 : i32 to index
            %get3A_278 = tpu.vector_load %arg11[%get3A_277] {strides = array<i32>} : memref<4112xi32, #tpu.memory_space<vmem>>, vector<16xi32>,
            %slice3A_279 = vector.extract_strided_slice %get3A_278 {offsets = [0], sizes = [1], strides = [1]} : vector<16xi32> to vector<1xi32>
            %squeeze3A_280 = vector.extract %slice3A_279[0] : i32 from vector<1xi32>
            %mul3A_281 = arith.constant 16 : i32
            %mul3A_282 = arith.muli %rem3A_275, %mul3A_281 : i32
            %add3A_283 = arith.addi %mul3A_282, %rem3A_271 : i32
            %add3A_284 = arith.constant 0 : i32
            %add3A_285 = vector.broadcast %add3A_284 : i32 to vector<16xi32>
            %add3A_286 = arith.addi %add3A_285, %iota3A : vector<16xi32>
            %add3A_287 = arith.constant 0 : i32
            %add3A_288 = vector.broadcast %add3A_287 : i32 to vector<16xi32>
            %add3A_289 = arith.addi %add3A_288, %add3A_286 : vector<16xi32>
            %broadcast_in_dim3A_290 = vector.broadcast %squeeze3A : i32 to vector<16xi32>
            %gather3A = tpu.vector_load_idx %arg14[%add3A_289, %broadcast_in_dim3A_290] : memref<128x512xf32, #tpu.memory_space<vmem>>[vector<16xi32>, vector<16xi32>], vector<16xf32>,
            %swap3A = arith.index_cast %add3A_283 : i32 to index
            %swap3A_291 = arith.constant 0 : index
            %swap3A_292 = tpu.vector_load %arg16[%swap3A, %swap3A_291] {strides = array<i32>} : memref<64x128xf32, #tpu.memory_space<vmem>>, vector<16xf32>,
            tpu.vector_store %arg16[%swap3A, %swap3A_291], %gather3A {strides = array<i32>} : memref<64x128xf32, #tpu.memory_space<vmem>>, vector<16xf32>,
            %add3A_293 = arith.constant 16 : i32
            %add3A_294 = vector.broadcast %add3A_293 : i32 to vector<16xi32>
            %add3A_295 = arith.addi %add3A_294, %iota3A : vector<16xi32>
            %add3A_296 = arith.constant 0 : i32
            %add3A_297 = vector.broadcast %add3A_296 : i32 to vector<16xi32>
            %add3A_298 = arith.addi %add3A_297, %add3A_295 : vector<16xi32>
            %broadcast_in_dim3A_299 = vector.broadcast %squeeze3A : i32 to vector<16xi32>
            %gather3A_300 = tpu.vector_load_idx %arg14[%add3A_298, %broadcast_in_dim3A_299] : memref<128x512xf32, #tpu.memory_space<vmem>>[vector<16xi32>, vector<16xi32>], vector<16xf32>,
            %swap3A_301 = arith.index_cast %add3A_283 : i32 to index
            %swap3A_302 = arith.constant 16 : index
            %swap3A_303 = tpu.vector_load %arg16[%swap3A_301, %swap3A_302] {strides = array<i32>} : memref<64x128xf32, #tpu.memory_space<vmem>>, vector<16xf32>,
            tpu.vector_store %arg16[%swap3A_301, %swap3A_302], %gather3A_300 {strides = array<i32>} : memref<64x128xf32, #tpu.memory_space<vmem>>, vector<16xf32>,
            %add3A_304 = arith.constant 32 : i32
            %add3A_305 = vector.broadcast %add3A_304 : i32 to vector<16xi32>
            %add3A_306 = arith.addi %add3A_305, %iota3A : vector<16xi32>
            %add3A_307 = arith.constant 0 : i32
            %add3A_308 = vector.broadcast %add3A_307 : i32 to vector<16xi32>
            %add3A_309 = arith.addi %add3A_308, %add3A_306 : vector<16xi32>
            %broadcast_in_dim3A_310 = vector.broadcast %squeeze3A : i32 to vector<16xi32>
            %gather3A_311 = tpu.vector_load_idx %arg14[%add3A_309, %broadcast_in_dim3A_310] : memref<128x512xf32, #tpu.memory_space<vmem>>[vector<16xi32>, vector<16xi32>], vector<16xf32>,
            %swap3A_312 = arith.index_cast %add3A_283 : i32 to index
            %swap3A_313 = arith.constant 32 : index
            %swap3A_314 = tpu.vector_load %arg16[%swap3A_312, %swap3A_313] {strides = array<i32>} : memref<64x128xf32, #tpu.memory_space<vmem>>, vector<16xf32>,
            tpu.vector_store %arg16[%swap3A_312, %swap3A_313], %gather3A_311 {strides = array<i32>} : memref<64x128xf32, #tpu.memory_space<vmem>>, vector<16xf32>,
            %add3A_315 = arith.constant 48 : i32
            %add3A_316 = vector.broadcast %add3A_315 : i32 to vector<16xi32>
            %add3A_317 = arith.addi %add3A_316, %iota3A : vector<16xi32>
            %add3A_318 = arith.constant 0 : i32
            %add3A_319 = vector.broadcast %add3A_318 : i32 to vector<16xi32>
            %add3A_320 = arith.addi %add3A_319, %add3A_317 : vector<16xi32>
            %broadcast_in_dim3A_321 = vector.broadcast %squeeze3A : i32 to vector<16xi32>
            %gather3A_322 = tpu.vector_load_idx %arg14[%add3A_320, %broadcast_in_dim3A_321] : memref<128x512xf32, #tpu.memory_space<vmem>>[vector<16xi32>, vector<16xi32>], vector<16xf32>,
            %swap3A_323 = arith.index_cast %add3A_283 : i32 to index
            %swap3A_324 = arith.constant 48 : index
            %swap3A_325 = tpu.vector_load %arg16[%swap3A_323, %swap3A_324] {strides = array<i32>} : memref<64x128xf32, #tpu.memory_space<vmem>>, vector<16xf32>,
            tpu.vector_store %arg16[%swap3A_323, %swap3A_324], %gather3A_322 {strides = array<i32>} : memref<64x128xf32, #tpu.memory_space<vmem>>, vector<16xf32>,
            %eq3A_326 = vector.broadcast %rem3A_271 : i32 to vector<16xi32>
            %eq3A_327 = arith.cmpi eq, %iota3A, %eq3A_326 : vector<16xi32>
            %broadcast_in_dim3A_328 = vector.broadcast %squeeze3A_280 : i32 to vector<16xi32>
            %select_n3A_329 = arith.select %eq3A_327, %broadcast_in_dim3A_328, %while3A_269 : vector<16xi1>, vector<16xi32>
            %eq3A_330 = arith.constant 15 : i32
            %eq3A_331 = arith.cmpi eq, %rem3A_271, %eq3A_330 : i32
            %convert_element_type3A_332 = arith.extui %eq3A_331 : i1 to i32
            %cond3A_333 = arith.constant 0 : i32
            %cond3A_334 = arith.cmpi ne, %convert_element_type3A_332, %cond3A_333 : i32
            scf.if %cond3A_334 {
              %mul3A_341 = arith.constant 16 : i32
              %mul3A_342 = arith.muli %rem3A_275, %mul3A_341 : i32
              %dma_start3A_343 = arith.constant 0 : i32
              %dma_start3A_344 = tpu.memref_slice %arg16[%mul3A_342, %dma_start3A_343] : memref<64x128xf32, #tpu.memory_space<vmem>> -> memref<16x128xf32, #tpu.memory_space<vmem>>
              %dma_start3A_345 = arith.constant 0 : i32
              %dma_start3A_346 = arith.constant 0 : i32
              %dma_start3A_347 = tpu.memref_slice %arg6[%dma_start3A_345, %dma_start3A_346] : memref<32784x128xf32, #tpu.memory_space<hbm>> -> memref<32784x128xf32, #tpu.memory_space<hbm>>
              tpu.enqueue_indirect_dma source(%dma_start3A_344 : memref<16x128xf32, #tpu.memory_space<vmem>>) target(%dma_start3A_347 : memref<32784x128xf32, #tpu.memory_space<hbm>>) offsets(%select_n3A_329 : vector<16xi32>) semaphore(%arg19 : memref<!tpu.dma_semaphore, #tpu.memory_space<semaphore_mem>>)
            } else {
            }
            %eq3A_335 = arith.constant 15 : i32
            %eq3A_336 = arith.cmpi eq, %rem3A_271, %eq3A_335 : i32
            %add3A_337 = arith.constant 32768 : i32
            %add3A_338 = vector.broadcast %add3A_337 : i32 to vector<16xi32>
            %add3A_339 = arith.addi %add3A_338, %iota3A : vector<16xi32>
            %select_n3A_340 = arith.select %eq3A_336, %add3A_339, %select_n3A_329 : vector<16xi32>
            scf.yield %select_n3A_340 : vector<16xi32>
          }
          %while3A_240 = arith.constant 1 : i32
          %while3A_241 = scf.for %while3A_268 = %while3A_237 to %while3A_233 step %while3A_240 iter_args(%while3A_269 = %while3A_239) -> (vector<16xi32>)  : i32 {
            %rem3A_270 = arith.constant 16 : i32
            %rem3A_271 = arith.remsi %while3A_268, %rem3A_270 : i32
            %div3A_272 = arith.constant 16 : i32
            %div3A_273 = arith.divsi %while3A_268, %div3A_272 : i32
            %rem3A_274 = arith.constant 4 : i32
            %rem3A_275 = arith.remsi %div3A_273, %rem3A_274 : i32
            %get3A = arith.index_cast %while3A_268 : i32 to index
            %get3A_276 = tpu.vector_load %arg10[%get3A] {strides = array<i32>} : memref<4112xi32, #tpu.memory_space<vmem>>, vector<16xi32>,
            %slice3A = vector.extract_strided_slice %get3A_276 {offsets = [0], sizes = [1], strides = [1]} : vector<16xi32> to vector<1xi32>
            %squeeze3A = vector.extract %slice3A[0] : i32 from vector<1xi32>
            %get3A_277 = arith.index_cast %while3A_268 : i32 to index
            %get3A_278 = tpu.vector_load %arg11[%get3A_277] {strides = array<i32>} : memref<4112xi32, #tpu.memory_space<vmem>>, vector<16xi32>,
            %slice3A_279 = vector.extract_strided_slice %get3A_278 {offsets = [0], sizes = [1], strides = [1]} : vector<16xi32> to vector<1xi32>
            %squeeze3A_280 = vector.extract %slice3A_279[0] : i32 from vector<1xi32>
            %mul3A_281 = arith.constant 16 : i32
            %mul3A_282 = arith.muli %rem3A_275, %mul3A_281 : i32
            %add3A_283 = arith.addi %mul3A_282, %rem3A_271 : i32
            %add3A_284 = arith.constant 0 : i32
            %add3A_285 = vector.broadcast %add3A_284 : i32 to vector<16xi32>
            %add3A_286 = arith.addi %add3A_285, %iota3A : vector<16xi32>
            %add3A_287 = arith.constant 0 : i32
            %add3A_288 = vector.broadcast %add3A_287 : i32 to vector<16xi32>
            %add3A_289 = arith.addi %add3A_288, %add3A_286 : vector<16xi32>
            %broadcast_in_dim3A_290 = vector.broadcast %squeeze3A : i32 to vector<16xi32>
            %gather3A = tpu.vector_load_idx %arg14[%add3A_289, %broadcast_in_dim3A_290] : memref<128x512xf32, #tpu.memory_space<vmem>>[vector<16xi32>, vector<16xi32>], vector<16xf32>,
            %swap3A = arith.index_cast %add3A_283 : i32 to index
            %swap3A_291 = arith.constant 0 : index
            %swap3A_292 = tpu.vector_load %arg16[%swap3A, %swap3A_291] {strides = array<i32>} : memref<64x128xf32, #tpu.memory_space<vmem>>, vector<16xf32>,
            tpu.vector_store %arg16[%swap3A, %swap3A_291], %gather3A {strides = array<i32>} : memref<64x128xf32, #tpu.memory_space<vmem>>, vector<16xf32>,
            %add3A_293 = arith.constant 16 : i32
            %add3A_294 = vector.broadcast %add3A_293 : i32 to vector<16xi32>
            %add3A_295 = arith.addi %add3A_294, %iota3A : vector<16xi32>
            %add3A_296 = arith.constant 0 : i32
            %add3A_297 = vector.broadcast %add3A_296 : i32 to vector<16xi32>
            %add3A_298 = arith.addi %add3A_297, %add3A_295 : vector<16xi32>
            %broadcast_in_dim3A_299 = vector.broadcast %squeeze3A : i32 to vector<16xi32>
            %gather3A_300 = tpu.vector_load_idx %arg14[%add3A_298, %broadcast_in_dim3A_299] : memref<128x512xf32, #tpu.memory_space<vmem>>[vector<16xi32>, vector<16xi32>], vector<16xf32>,
            %swap3A_301 = arith.index_cast %add3A_283 : i32 to index
            %swap3A_302 = arith.constant 16 : index
            %swap3A_303 = tpu.vector_load %arg16[%swap3A_301, %swap3A_302] {strides = array<i32>} : memref<64x128xf32, #tpu.memory_space<vmem>>, vector<16xf32>,
            tpu.vector_store %arg16[%swap3A_301, %swap3A_302], %gather3A_300 {strides = array<i32>} : memref<64x128xf32, #tpu.memory_space<vmem>>, vector<16xf32>,
            %add3A_304 = arith.constant 32 : i32
            %add3A_305 = vector.broadcast %add3A_304 : i32 to vector<16xi32>
            %add3A_306 = arith.addi %add3A_305, %iota3A : vector<16xi32>
            %add3A_307 = arith.constant 0 : i32
            %add3A_308 = vector.broadcast %add3A_307 : i32 to vector<16xi32>
            %add3A_309 = arith.addi %add3A_308, %add3A_306 : vector<16xi32>
            %broadcast_in_dim3A_310 = vector.broadcast %squeeze3A : i32 to vector<16xi32>
            %gather3A_311 = tpu.vector_load_idx %arg14[%add3A_309, %broadcast_in_dim3A_310] : memref<128x512xf32, #tpu.memory_space<vmem>>[vector<16xi32>, vector<16xi32>], vector<16xf32>,
            %swap3A_312 = arith.index_cast %add3A_283 : i32 to index
            %swap3A_313 = arith.constant 32 : index
            %swap3A_314 = tpu.vector_load %arg16[%swap3A_312, %swap3A_313] {strides = array<i32>} : memref<64x128xf32, #tpu.memory_space<vmem>>, vector<16xf32>,
            tpu.vector_store %arg16[%swap3A_312, %swap3A_313], %gather3A_311 {strides = array<i32>} : memref<64x128xf32, #tpu.memory_space<vmem>>, vector<16xf32>,
            %add3A_315 = arith.constant 48 : i32
            %add3A_316 = vector.broadcast %add3A_315 : i32 to vector<16xi32>
            %add3A_317 = arith.addi %add3A_316, %iota3A : vector<16xi32>
            %add3A_318 = arith.constant 0 : i32
            %add3A_319 = vector.broadcast %add3A_318 : i32 to vector<16xi32>
            %add3A_320 = arith.addi %add3A_319, %add3A_317 : vector<16xi32>
            %broadcast_in_dim3A_321 = vector.broadcast %squeeze3A : i32 to vector<16xi32>
            %gather3A_322 = tpu.vector_load_idx %arg14[%add3A_320, %broadcast_in_dim3A_321] : memref<128x512xf32, #tpu.memory_space<vmem>>[vector<16xi32>, vector<16xi32>], vector<16xf32>,
            %swap3A_323 = arith.index_cast %add3A_283 : i32 to index
            %swap3A_324 = arith.constant 48 : index
            %swap3A_325 = tpu.vector_load %arg16[%swap3A_323, %swap3A_324] {strides = array<i32>} : memref<64x128xf32, #tpu.memory_space<vmem>>, vector<16xf32>,
            tpu.vector_store %arg16[%swap3A_323, %swap3A_324], %gather3A_322 {strides = array<i32>} : memref<64x128xf32, #tpu.memory_space<vmem>>, vector<16xf32>,
            %eq3A_326 = vector.broadcast %rem3A_271 : i32 to vector<16xi32>
            %eq3A_327 = arith.cmpi eq, %iota3A, %eq3A_326 : vector<16xi32>
            %broadcast_in_dim3A_328 = vector.broadcast %squeeze3A_280 : i32 to vector<16xi32>
            %select_n3A_329 = arith.select %eq3A_327, %broadcast_in_dim3A_328, %while3A_269 : vector<16xi1>, vector<16xi32>
            %eq3A_330 = arith.constant 15 : i32
            %eq3A_331 = arith.cmpi eq, %rem3A_271, %eq3A_330 : i32
            %convert_element_type3A_332 = arith.extui %eq3A_331 : i1 to i32
            %cond3A_333 = arith.constant 0 : i32
            %cond3A_334 = arith.cmpi ne, %convert_element_type3A_332, %cond3A_333 : i32
            scf.if %cond3A_334 {
              %mul3A_341 = arith.constant 16 : i32
              %mul3A_342 = arith.muli %rem3A_275, %mul3A_341 : i32
              %dma_start3A_343 = arith.constant 0 : i32
              %dma_start3A_344 = tpu.memref_slice %arg16[%mul3A_342, %dma_start3A_343] : memref<64x128xf32, #tpu.memory_space<vmem>> -> memref<16x128xf32, #tpu.memory_space<vmem>>
              %dma_start3A_345 = arith.constant 0 : i32
              %dma_start3A_346 = arith.constant 0 : i32
              %dma_start3A_347 = tpu.memref_slice %arg6[%dma_start3A_345, %dma_start3A_346] : memref<32784x128xf32, #tpu.memory_space<hbm>> -> memref<32784x128xf32, #tpu.memory_space<hbm>>
              tpu.enqueue_indirect_dma source(%dma_start3A_344 : memref<16x128xf32, #tpu.memory_space<vmem>>) target(%dma_start3A_347 : memref<32784x128xf32, #tpu.memory_space<hbm>>) offsets(%select_n3A_329 : vector<16xi32>) semaphore(%arg19 : memref<!tpu.dma_semaphore, #tpu.memory_space<semaphore_mem>>)
            } else {
            }
            %eq3A_335 = arith.constant 15 : i32
            %eq3A_336 = arith.cmpi eq, %rem3A_271, %eq3A_335 : i32
            %add3A_337 = arith.constant 32768 : i32
            %add3A_338 = vector.broadcast %add3A_337 : i32 to vector<16xi32>
            %add3A_339 = arith.addi %add3A_338, %iota3A : vector<16xi32>
            %select_n3A_340 = arith.select %eq3A_336, %add3A_339, %select_n3A_329 : vector<16xi32>
            scf.yield %select_n3A_340 : vector<16xi32>
          }
          %div3A_242 = arith.constant 16 : i32
          %div3A_243 = arith.divsi %while3A_227, %div3A_242 : i32
          %rem3A_244 = arith.constant 16 : i32
          %rem3A_245 = arith.remsi %while3A_227, %rem3A_244 : i32
          %gt3A = arith.constant 0 : i32
          %gt3A_246 = arith.cmpi sgt, %rem3A_245, %gt3A : i32
          %convert_element_type3A_247 = arith.extui %gt3A_246 : i1 to i32
          %cond3A_248 = arith.constant 0 : i32
          %cond3A_249 = arith.cmpi ne, %convert_element_type3A_247, %cond3A_248 : i32
          scf.if %cond3A_249 {
            %rem3A_268 = arith.constant 4 : i32
            %rem3A_269 = arith.remsi %div3A_243, %rem3A_268 : i32
            %mul3A_270 = arith.constant 16 : i32
            %mul3A_271 = arith.muli %rem3A_269, %mul3A_270 : i32
            %dma_start3A_272 = arith.constant 0 : i32
            %dma_start3A_273 = tpu.memref_slice %arg16[%mul3A_271, %dma_start3A_272] : memref<64x128xf32, #tpu.memory_space<vmem>> -> memref<16x128xf32, #tpu.memory_space<vmem>>
            %dma_start3A_274 = arith.constant 0 : i32
            %dma_start3A_275 = arith.constant 0 : i32
            %dma_start3A_276 = tpu.memref_slice %arg6[%dma_start3A_274, %dma_start3A_275] : memref<32784x128xf32, #tpu.memory_space<hbm>> -> memref<32784x128xf32, #tpu.memory_space<hbm>>
            tpu.enqueue_indirect_dma source(%dma_start3A_273 : memref<16x128xf32, #tpu.memory_space<vmem>>) target(%dma_start3A_276 : memref<32784x128xf32, #tpu.memory_space<hbm>>) offsets(%while3A_241 : vector<16xi32>) semaphore(%arg19 : memref<!tpu.dma_semaphore, #tpu.memory_space<semaphore_mem>>)
          } else {
          }
          %gt3A_250 = arith.constant 0 : i32
          %gt3A_251 = arith.cmpi sgt, %rem3A_245, %gt3A_250 : i32
          %jit3A_252 = arith.constant 1 : i32
          %jit3A_253 = arith.constant 0 : i32
          %select_n3A_254 = arith.select %gt3A_251, %jit3A_252, %jit3A_253 : i32
          %add3A_255 = arith.addi %div3A_243, %select_n3A_254 : i32
          %min3A_256 = arith.constant 4 : i32
          %min3A_257 = arith.minsi %add3A_255, %min3A_256 : i32
          %while3A_258 = arith.constant 0 : i32
          %while3A_259 = arith.constant 0 : i32
          %while3A_260 = arith.subi %min3A_257, %while3A_259 : i32
          %while3A_261 = arith.addi %while3A_259, %while3A_260 : i32
          %while3A_262 = arith.constant 1 : i32
          %while3A_263 = arith.divsi %while3A_260, %while3A_262 : i32
          %while3A_264 = arith.muli %while3A_263, %while3A_262 : i32
          %while3A_265 = arith.addi %while3A_259, %while3A_264 : i32
          %while3A_266 = arith.constant 1 : i32
          scf.for %while3A_268 = %while3A_259 to %while3A_265 step %while3A_266  : i32 {
            %dma_wait3A_269 = arith.constant 0 : i32
            %dma_wait3A_270 = arith.constant 0 : i32
            %dma_wait3A_271 = tpu.memref_slice %arg16[%dma_wait3A_269, %dma_wait3A_270] : memref<64x128xf32, #tpu.memory_space<vmem>> -> memref<16x128xf32, #tpu.memory_space<vmem>>
            %dma_wait3A_272 = arith.constant 0 : i32
            %dma_wait3A_273 = arith.constant 0 : i32
            %dma_wait3A_274 = tpu.memref_slice %arg6[%dma_wait3A_272, %dma_wait3A_273] : memref<32784x128xf32, #tpu.memory_space<hbm>> -> memref<16x128xf32, #tpu.memory_space<hbm>>
            %dma_wait3A_275 = arith.constant 0 : i32
            %dma_wait3A_276 = arith.constant 0 : i32
            %dma_wait3A_277 = tpu.memref_slice %arg6[%dma_wait3A_275, %dma_wait3A_276] : memref<32784x128xf32, #tpu.memory_space<hbm>> -> memref<16x128xf32, #tpu.memory_space<hbm>>
            %dma_wait3A_278 = arith.constant 0 : i32
            %dma_wait3A_279 = arith.constant 0 : i32
            %dma_wait3A_280 = tpu.memref_slice %arg16[%dma_wait3A_278, %dma_wait3A_279] : memref<64x128xf32, #tpu.memory_space<vmem>> -> memref<16x128xf32, #tpu.memory_space<vmem>>
            tpu.wait_dma2 semaphore(%arg19 : memref<!tpu.dma_semaphore, #tpu.memory_space<semaphore_mem>>) src(%dma_wait3A_280 : memref<16x128xf32, #tpu.memory_space<vmem>>) dst(%dma_wait3A_277 : memref<16x128xf32, #tpu.memory_space<hbm>>)
          }
          %while3A_267 = arith.constant 1 : i32
          scf.for %while3A_268 = %while3A_265 to %while3A_261 step %while3A_267  : i32 {
            %dma_wait3A_269 = arith.constant 0 : i32
            %dma_wait3A_270 = arith.constant 0 : i32
            %dma_wait3A_271 = tpu.memref_slice %arg16[%dma_wait3A_269, %dma_wait3A_270] : memref<64x128xf32, #tpu.memory_space<vmem>> -> memref<16x128xf32, #tpu.memory_space<vmem>>
            %dma_wait3A_272 = arith.constant 0 : i32
            %dma_wait3A_273 = arith.constant 0 : i32
            %dma_wait3A_274 = tpu.memref_slice %arg6[%dma_wait3A_272, %dma_wait3A_273] : memref<32784x128xf32, #tpu.memory_space<hbm>> -> memref<16x128xf32, #tpu.memory_space<hbm>>
            %dma_wait3A_275 = arith.constant 0 : i32
            %dma_wait3A_276 = arith.constant 0 : i32
            %dma_wait3A_277 = tpu.memref_slice %arg6[%dma_wait3A_275, %dma_wait3A_276] : memref<32784x128xf32, #tpu.memory_space<hbm>> -> memref<16x128xf32, #tpu.memory_space<hbm>>
            %dma_wait3A_278 = arith.constant 0 : i32
            %dma_wait3A_279 = arith.constant 0 : i32
            %dma_wait3A_280 = tpu.memref_slice %arg16[%dma_wait3A_278, %dma_wait3A_279] : memref<64x128xf32, #tpu.memory_space<vmem>> -> memref<16x128xf32, #tpu.memory_space<vmem>>
            tpu.wait_dma2 semaphore(%arg19 : memref<!tpu.dma_semaphore, #tpu.memory_space<semaphore_mem>>) src(%dma_wait3A_280 : memref<16x128xf32, #tpu.memory_space<vmem>>) dst(%dma_wait3A_277 : memref<16x128xf32, #tpu.memory_space<hbm>>)
          }
        } else {
        }
      } else {
      }
      %mul3A_181 = arith.constant 2 : i32
      %mul3A_182 = arith.muli %scan3A_173, %mul3A_181 : i32
      %add3A_183 = arith.constant 1 : i32
      %add3A_184 = arith.addi %mul3A_182, %add3A_183 : i32
      %lt3A_185 = arith.cmpi slt, %add3A_184, %min3A_8 : i32
      %convert_element_type3A_186 = arith.extui %lt3A_185 : i1 to i32
      %cond3A_187 = arith.constant 0 : i32
      %cond3A_188 = arith.cmpi ne, %convert_element_type3A_186, %cond3A_187 : i32
      scf.if %cond3A_188 {
        %add3A_189 = arith.constant 1 : i32
        %add3A_190 = arith.addi %add3A_184, %add3A_189 : i32
        %lt3A_191 = arith.cmpi slt, %add3A_190, %min3A_8 : i32
        %convert_element_type3A_192 = arith.extui %lt3A_191 : i1 to i32
        %cond3A_193 = arith.constant 0 : i32
        %cond3A_194 = arith.cmpi ne, %convert_element_type3A_192, %cond3A_193 : i32
        scf.if %cond3A_194 {
          %add3A_213 = arith.constant 1 : i32
          %add3A_214 = arith.addi %add3A_184, %add3A_213 : i32
          %mul3A_215 = arith.constant 62 : i32
          %mul3A_216 = arith.muli %add3A, %mul3A_215 : i32
          %add3A_217 = arith.addi %mul3A_216, %add3A_214 : i32
          %mul3A_218 = arith.constant 512 : i32
          %mul3A_219 = arith.muli %add3A_217, %mul3A_218 : i32
          %multiple_of3A_220 = tpu.assume_multiple %mul3A_219, 128 : i32
          %dma_start3A_221 = arith.constant 0 : i32
          %dma_start3A_222 = arith.constant 0 : i32
          %dma_start3A_223 = tpu.memref_slice %arg14[%dma_start3A_221, %dma_start3A_222] : memref<128x512xf32, #tpu.memory_space<vmem>> -> memref<64x512xf32, #tpu.memory_space<vmem>>
          %dma_start3A_224 = arith.constant 0 : i32
          %dma_start3A_225 = tpu.memref_slice %arg4[%dma_start3A_224, %multiple_of3A_220] : memref<64x1000000xf32, #tpu.memory_space<hbm>> -> memref<64x512xf32, #tpu.memory_space<hbm>>
          %dma_start3A_226 = arith.constant 0 : i32
          %dma_start3A_227 = arith.constant 0 : i32
          %dma_start3A_228 = tpu.memref_slice %arg14[%dma_start3A_226, %dma_start3A_227] : memref<128x512xf32, #tpu.memory_space<vmem>> -> memref<64x512xf32, #tpu.memory_space<vmem>>
          %dma_start3A_229 = arith.constant 0 : i32
          %dma_start3A_230 = tpu.memref_slice %arg4[%dma_start3A_229, %multiple_of3A_220] : memref<64x1000000xf32, #tpu.memory_space<hbm>> -> memref<64x512xf32, #tpu.memory_space<hbm>>
          tpu.enqueue_dma source(%dma_start3A_230 : memref<64x512xf32, #tpu.memory_space<hbm>>) target(%dma_start3A_228 : memref<64x512xf32, #tpu.memory_space<vmem>>) target_semaphore(%arg17 : memref<!tpu.dma_semaphore, #tpu.memory_space<semaphore_mem>>)
        } else {
        }
        %dma_wait3A = arith.constant 0 : i32
        %dma_wait3A_195 = arith.constant 0 : i32
        %dma_wait3A_196 = tpu.memref_slice %arg14[%dma_wait3A, %dma_wait3A_195] : memref<128x512xf32, #tpu.memory_space<vmem>> -> memref<64x512xf32, #tpu.memory_space<vmem>>
        %dma_wait3A_197 = arith.constant 0 : i32
        %dma_wait3A_198 = arith.constant 0 : i32
        %dma_wait3A_199 = tpu.memref_slice %arg4[%dma_wait3A_197, %dma_wait3A_198] : memref<64x1000000xf32, #tpu.memory_space<hbm>> -> memref<64x512xf32, #tpu.memory_space<hbm>>
        %dma_wait3A_200 = arith.constant 0 : i32
        %dma_wait3A_201 = arith.constant 0 : i32
        %dma_wait3A_202 = tpu.memref_slice %arg14[%dma_wait3A_200, %dma_wait3A_201] : memref<128x512xf32, #tpu.memory_space<vmem>> -> memref<64x512xf32, #tpu.memory_space<vmem>>
        %dma_wait3A_203 = arith.constant 0 : i32
        %dma_wait3A_204 = arith.constant 0 : i32
        %dma_wait3A_205 = tpu.memref_slice %arg4[%dma_wait3A_203, %dma_wait3A_204] : memref<64x1000000xf32, #tpu.memory_space<hbm>> -> memref<64x512xf32, #tpu.memory_space<hbm>>
        tpu.wait_dma2 semaphore(%arg18 : memref<!tpu.dma_semaphore, #tpu.memory_space<semaphore_mem>>) src(%dma_wait3A_205 : memref<64x512xf32, #tpu.memory_space<hbm>>) dst(%dma_wait3A_202 : memref<64x512xf32, #tpu.memory_space<vmem>>)
        %lt3A_206 = arith.cmpi slt, %add3A_184, %select_n3A_72 : i32
        %convert_element_type3A_207 = arith.extui %lt3A_206 : i1 to i32
        %cond3A_208 = arith.constant 0 : i32
        %cond3A_209 = arith.cmpi ne, %convert_element_type3A_207, %cond3A_208 : i32
        scf.if %cond3A_209 {
          %mul3A_213 = arith.constant 512 : i32
          %mul3A_214 = arith.muli %add3A_184, %mul3A_213 : i32
          %add3A_215 = arith.addi %mul3A_4, %mul3A_214 : i32
          %while3A_216 = arith.constant 0 : i32
          %while3A_217 = arith.constant 0 : i32
          %while3A_218 = arith.subi %neg3A_120, %while3A_216 : i32
          %while3A_219 = arith.addi %while3A_216, %while3A_218 : i32
          %while3A_220 = arith.constant 1 : i32
          %while3A_221 = arith.divsi %while3A_218, %while3A_220 : i32
          %while3A_222 = arith.muli %while3A_221, %while3A_220 : i32
          %while3A_223 = arith.addi %while3A_216, %while3A_222 : i32
          %while3A_224 = arith.constant 1 : i32
          %while3A_225 = scf.for %while3A_268 = %while3A_216 to %while3A_223 step %while3A_224 iter_args(%while3A_269 = %while3A_217) -> (i32)  : i32 {
            %mul3A_270 = arith.constant 16 : i32
            %mul3A_271 = arith.muli %while3A_268, %mul3A_270 : i32
            %get3A = arith.index_cast %mul3A_271 : i32 to index
            %get3A_272 = tpu.vector_load %arg8[%get3A] {strides = array<i32>} : memref<4112xi32, #tpu.memory_space<vmem>>, vector<16xi32>,
            %mul3A_273 = arith.constant 16 : i32
            %mul3A_274 = arith.muli %while3A_268, %mul3A_273 : i32
            %get3A_275 = arith.index_cast %mul3A_274 : i32 to index
            %get3A_276 = tpu.vector_load %arg9[%get3A_275] {strides = array<i32>} : memref<4112xi32, #tpu.memory_space<vmem>>, vector<16xi32>,
            %ge3A_277 = vector.broadcast %add3A_215 : i32 to vector<16xi32>
            %ge3A_278 = arith.cmpi sge, %get3A_272, %ge3A_277 : vector<16xi32>
            %add3A_279 = arith.constant 512 : i32
            %add3A_280 = arith.addi %add3A_215, %add3A_279 : i32
            %lt3A_281 = vector.broadcast %add3A_280 : i32 to vector<16xi32>
            %lt3A_282 = arith.cmpi slt, %get3A_272, %lt3A_281 : vector<16xi32>
            %and3A_283 = arith.andi %ge3A_278, %lt3A_282 : vector<16xi1>
            %convert_element_type3A_284 = arith.extui %and3A_283 : vector<16xi1> to vector<16xi32>
            %cumsum3A = arith.constant true
            %cumsum3A_285 = vector.broadcast %cumsum3A : i1 to vector<16xi1>
            %cumsum3A_286 = tpu.scan <sum>, %convert_element_type3A_284 masked %cumsum3A_285 : vector<16xi32>, vector<16xi1> -> vector<16xi32>
            %add3A_287 = vector.broadcast %while3A_269 : i32 to vector<16xi32>
            %add3A_288 = arith.addi %add3A_287, %cumsum3A_286 : vector<16xi32>
            %sub3A_289 = arith.constant 1 : i32
            %sub3A_290 = vector.broadcast %sub3A_289 : i32 to vector<16xi32>
            %sub3A_291 = arith.subi %add3A_288, %sub3A_290 : vector<16xi32>
            %sub3A_292 = vector.broadcast %add3A_215 : i32 to vector<16xi32>
            %sub3A_293 = arith.subi %get3A_272, %sub3A_292 : vector<16xi32>
            tpu.vector_store_idx %arg10[%sub3A_291], %sub3A_293 masked %and3A_283 : memref<4112xi32, #tpu.memory_space<vmem>>[vector<16xi32>], vector<16xi32>, vector<16xi1>
            tpu.vector_store_idx %arg11[%sub3A_291], %get3A_276 masked %and3A_283 : memref<4112xi32, #tpu.memory_space<vmem>>[vector<16xi32>], vector<16xi32>, vector<16xi1>
            %slice3A = vector.extract_strided_slice %cumsum3A_286 {offsets = [15], sizes = [1], strides = [1]} : vector<16xi32> to vector<1xi32>
            %squeeze3A = vector.extract %slice3A[0] : i32 from vector<1xi32>
            %add3A_294 = arith.addi %while3A_269, %squeeze3A : i32
            scf.yield %add3A_294 : i32
          }
          %while3A_226 = arith.constant 1 : i32
          %while3A_227 = scf.for %while3A_268 = %while3A_223 to %while3A_219 step %while3A_226 iter_args(%while3A_269 = %while3A_225) -> (i32)  : i32 {
            %mul3A_270 = arith.constant 16 : i32
            %mul3A_271 = arith.muli %while3A_268, %mul3A_270 : i32
            %get3A = arith.index_cast %mul3A_271 : i32 to index
            %get3A_272 = tpu.vector_load %arg8[%get3A] {strides = array<i32>} : memref<4112xi32, #tpu.memory_space<vmem>>, vector<16xi32>,
            %mul3A_273 = arith.constant 16 : i32
            %mul3A_274 = arith.muli %while3A_268, %mul3A_273 : i32
            %get3A_275 = arith.index_cast %mul3A_274 : i32 to index
            %get3A_276 = tpu.vector_load %arg9[%get3A_275] {strides = array<i32>} : memref<4112xi32, #tpu.memory_space<vmem>>, vector<16xi32>,
            %ge3A_277 = vector.broadcast %add3A_215 : i32 to vector<16xi32>
            %ge3A_278 = arith.cmpi sge, %get3A_272, %ge3A_277 : vector<16xi32>
            %add3A_279 = arith.constant 512 : i32
            %add3A_280 = arith.addi %add3A_215, %add3A_279 : i32
            %lt3A_281 = vector.broadcast %add3A_280 : i32 to vector<16xi32>
            %lt3A_282 = arith.cmpi slt, %get3A_272, %lt3A_281 : vector<16xi32>
            %and3A_283 = arith.andi %ge3A_278, %lt3A_282 : vector<16xi1>
            %convert_element_type3A_284 = arith.extui %and3A_283 : vector<16xi1> to vector<16xi32>
            %cumsum3A = arith.constant true
            %cumsum3A_285 = vector.broadcast %cumsum3A : i1 to vector<16xi1>
            %cumsum3A_286 = tpu.scan <sum>, %convert_element_type3A_284 masked %cumsum3A_285 : vector<16xi32>, vector<16xi1> -> vector<16xi32>
            %add3A_287 = vector.broadcast %while3A_269 : i32 to vector<16xi32>
            %add3A_288 = arith.addi %add3A_287, %cumsum3A_286 : vector<16xi32>
            %sub3A_289 = arith.constant 1 : i32
            %sub3A_290 = vector.broadcast %sub3A_289 : i32 to vector<16xi32>
            %sub3A_291 = arith.subi %add3A_288, %sub3A_290 : vector<16xi32>
            %sub3A_292 = vector.broadcast %add3A_215 : i32 to vector<16xi32>
            %sub3A_293 = arith.subi %get3A_272, %sub3A_292 : vector<16xi32>
            tpu.vector_store_idx %arg10[%sub3A_291], %sub3A_293 masked %and3A_283 : memref<4112xi32, #tpu.memory_space<vmem>>[vector<16xi32>], vector<16xi32>, vector<16xi1>
            tpu.vector_store_idx %arg11[%sub3A_291], %get3A_276 masked %and3A_283 : memref<4112xi32, #tpu.memory_space<vmem>>[vector<16xi32>], vector<16xi32>, vector<16xi1>
            %slice3A = vector.extract_strided_slice %cumsum3A_286 {offsets = [15], sizes = [1], strides = [1]} : vector<16xi32> to vector<1xi32>
            %squeeze3A = vector.extract %slice3A[0] : i32 from vector<1xi32>
            %add3A_294 = arith.addi %while3A_269, %squeeze3A : i32
            scf.yield %add3A_294 : i32
          }
          %add3A_228 = arith.constant 32768 : i32
          %add3A_229 = vector.broadcast %add3A_228 : i32 to vector<16xi32>
          %add3A_230 = arith.addi %add3A_229, %iota3A : vector<16xi32>
          %while3A_231 = arith.constant 0 : i32
          %while3A_232 = arith.subi %while3A_227, %while3A_231 : i32
          %while3A_233 = arith.addi %while3A_231, %while3A_232 : i32
          %while3A_234 = arith.constant 1 : i32
          %while3A_235 = arith.divsi %while3A_232, %while3A_234 : i32
          %while3A_236 = arith.muli %while3A_235, %while3A_234 : i32
          %while3A_237 = arith.addi %while3A_231, %while3A_236 : i32
          %while3A_238 = arith.constant 1 : i32
          %while3A_239 = scf.for %while3A_268 = %while3A_231 to %while3A_237 step %while3A_238 iter_args(%while3A_269 = %add3A_230) -> (vector<16xi32>)  : i32 {
            %rem3A_270 = arith.constant 16 : i32
            %rem3A_271 = arith.remsi %while3A_268, %rem3A_270 : i32
            %div3A_272 = arith.constant 16 : i32
            %div3A_273 = arith.divsi %while3A_268, %div3A_272 : i32
            %rem3A_274 = arith.constant 4 : i32
            %rem3A_275 = arith.remsi %div3A_273, %rem3A_274 : i32
            %get3A = arith.index_cast %while3A_268 : i32 to index
            %get3A_276 = tpu.vector_load %arg10[%get3A] {strides = array<i32>} : memref<4112xi32, #tpu.memory_space<vmem>>, vector<16xi32>,
            %slice3A = vector.extract_strided_slice %get3A_276 {offsets = [0], sizes = [1], strides = [1]} : vector<16xi32> to vector<1xi32>
            %squeeze3A = vector.extract %slice3A[0] : i32 from vector<1xi32>
            %get3A_277 = arith.index_cast %while3A_268 : i32 to index
            %get3A_278 = tpu.vector_load %arg11[%get3A_277] {strides = array<i32>} : memref<4112xi32, #tpu.memory_space<vmem>>, vector<16xi32>,
            %slice3A_279 = vector.extract_strided_slice %get3A_278 {offsets = [0], sizes = [1], strides = [1]} : vector<16xi32> to vector<1xi32>
            %squeeze3A_280 = vector.extract %slice3A_279[0] : i32 from vector<1xi32>
            %mul3A_281 = arith.constant 16 : i32
            %mul3A_282 = arith.muli %rem3A_275, %mul3A_281 : i32
            %add3A_283 = arith.addi %mul3A_282, %rem3A_271 : i32
            %add3A_284 = arith.constant 0 : i32
            %add3A_285 = vector.broadcast %add3A_284 : i32 to vector<16xi32>
            %add3A_286 = arith.addi %add3A_285, %iota3A : vector<16xi32>
            %add3A_287 = arith.constant 64 : i32
            %add3A_288 = vector.broadcast %add3A_287 : i32 to vector<16xi32>
            %add3A_289 = arith.addi %add3A_288, %add3A_286 : vector<16xi32>
            %broadcast_in_dim3A_290 = vector.broadcast %squeeze3A : i32 to vector<16xi32>
            %gather3A = tpu.vector_load_idx %arg14[%add3A_289, %broadcast_in_dim3A_290] : memref<128x512xf32, #tpu.memory_space<vmem>>[vector<16xi32>, vector<16xi32>], vector<16xf32>,
            %swap3A = arith.index_cast %add3A_283 : i32 to index
            %swap3A_291 = arith.constant 0 : index
            %swap3A_292 = tpu.vector_load %arg16[%swap3A, %swap3A_291] {strides = array<i32>} : memref<64x128xf32, #tpu.memory_space<vmem>>, vector<16xf32>,
            tpu.vector_store %arg16[%swap3A, %swap3A_291], %gather3A {strides = array<i32>} : memref<64x128xf32, #tpu.memory_space<vmem>>, vector<16xf32>,
            %add3A_293 = arith.constant 16 : i32
            %add3A_294 = vector.broadcast %add3A_293 : i32 to vector<16xi32>
            %add3A_295 = arith.addi %add3A_294, %iota3A : vector<16xi32>
            %add3A_296 = arith.constant 64 : i32
            %add3A_297 = vector.broadcast %add3A_296 : i32 to vector<16xi32>
            %add3A_298 = arith.addi %add3A_297, %add3A_295 : vector<16xi32>
            %broadcast_in_dim3A_299 = vector.broadcast %squeeze3A : i32 to vector<16xi32>
            %gather3A_300 = tpu.vector_load_idx %arg14[%add3A_298, %broadcast_in_dim3A_299] : memref<128x512xf32, #tpu.memory_space<vmem>>[vector<16xi32>, vector<16xi32>], vector<16xf32>,
            %swap3A_301 = arith.index_cast %add3A_283 : i32 to index
            %swap3A_302 = arith.constant 16 : index
            %swap3A_303 = tpu.vector_load %arg16[%swap3A_301, %swap3A_302] {strides = array<i32>} : memref<64x128xf32, #tpu.memory_space<vmem>>, vector<16xf32>,
            tpu.vector_store %arg16[%swap3A_301, %swap3A_302], %gather3A_300 {strides = array<i32>} : memref<64x128xf32, #tpu.memory_space<vmem>>, vector<16xf32>,
            %add3A_304 = arith.constant 32 : i32
            %add3A_305 = vector.broadcast %add3A_304 : i32 to vector<16xi32>
            %add3A_306 = arith.addi %add3A_305, %iota3A : vector<16xi32>
            %add3A_307 = arith.constant 64 : i32
            %add3A_308 = vector.broadcast %add3A_307 : i32 to vector<16xi32>
            %add3A_309 = arith.addi %add3A_308, %add3A_306 : vector<16xi32>
            %broadcast_in_dim3A_310 = vector.broadcast %squeeze3A : i32 to vector<16xi32>
            %gather3A_311 = tpu.vector_load_idx %arg14[%add3A_309, %broadcast_in_dim3A_310] : memref<128x512xf32, #tpu.memory_space<vmem>>[vector<16xi32>, vector<16xi32>], vector<16xf32>,
            %swap3A_312 = arith.index_cast %add3A_283 : i32 to index
            %swap3A_313 = arith.constant 32 : index
            %swap3A_314 = tpu.vector_load %arg16[%swap3A_312, %swap3A_313] {strides = array<i32>} : memref<64x128xf32, #tpu.memory_space<vmem>>, vector<16xf32>,
            tpu.vector_store %arg16[%swap3A_312, %swap3A_313], %gather3A_311 {strides = array<i32>} : memref<64x128xf32, #tpu.memory_space<vmem>>, vector<16xf32>,
            %add3A_315 = arith.constant 48 : i32
            %add3A_316 = vector.broadcast %add3A_315 : i32 to vector<16xi32>
            %add3A_317 = arith.addi %add3A_316, %iota3A : vector<16xi32>
            %add3A_318 = arith.constant 64 : i32
            %add3A_319 = vector.broadcast %add3A_318 : i32 to vector<16xi32>
            %add3A_320 = arith.addi %add3A_319, %add3A_317 : vector<16xi32>
            %broadcast_in_dim3A_321 = vector.broadcast %squeeze3A : i32 to vector<16xi32>
            %gather3A_322 = tpu.vector_load_idx %arg14[%add3A_320, %broadcast_in_dim3A_321] : memref<128x512xf32, #tpu.memory_space<vmem>>[vector<16xi32>, vector<16xi32>], vector<16xf32>,
            %swap3A_323 = arith.index_cast %add3A_283 : i32 to index
            %swap3A_324 = arith.constant 48 : index
            %swap3A_325 = tpu.vector_load %arg16[%swap3A_323, %swap3A_324] {strides = array<i32>} : memref<64x128xf32, #tpu.memory_space<vmem>>, vector<16xf32>,
            tpu.vector_store %arg16[%swap3A_323, %swap3A_324], %gather3A_322 {strides = array<i32>} : memref<64x128xf32, #tpu.memory_space<vmem>>, vector<16xf32>,
            %eq3A_326 = vector.broadcast %rem3A_271 : i32 to vector<16xi32>
            %eq3A_327 = arith.cmpi eq, %iota3A, %eq3A_326 : vector<16xi32>
            %broadcast_in_dim3A_328 = vector.broadcast %squeeze3A_280 : i32 to vector<16xi32>
            %select_n3A_329 = arith.select %eq3A_327, %broadcast_in_dim3A_328, %while3A_269 : vector<16xi1>, vector<16xi32>
            %eq3A_330 = arith.constant 15 : i32
            %eq3A_331 = arith.cmpi eq, %rem3A_271, %eq3A_330 : i32
            %convert_element_type3A_332 = arith.extui %eq3A_331 : i1 to i32
            %cond3A_333 = arith.constant 0 : i32
            %cond3A_334 = arith.cmpi ne, %convert_element_type3A_332, %cond3A_333 : i32
            scf.if %cond3A_334 {
              %mul3A_341 = arith.constant 16 : i32
              %mul3A_342 = arith.muli %rem3A_275, %mul3A_341 : i32
              %dma_start3A_343 = arith.constant 0 : i32
              %dma_start3A_344 = tpu.memref_slice %arg16[%mul3A_342, %dma_start3A_343] : memref<64x128xf32, #tpu.memory_space<vmem>> -> memref<16x128xf32, #tpu.memory_space<vmem>>
              %dma_start3A_345 = arith.constant 0 : i32
              %dma_start3A_346 = arith.constant 0 : i32
              %dma_start3A_347 = tpu.memref_slice %arg6[%dma_start3A_345, %dma_start3A_346] : memref<32784x128xf32, #tpu.memory_space<hbm>> -> memref<32784x128xf32, #tpu.memory_space<hbm>>
              tpu.enqueue_indirect_dma source(%dma_start3A_344 : memref<16x128xf32, #tpu.memory_space<vmem>>) target(%dma_start3A_347 : memref<32784x128xf32, #tpu.memory_space<hbm>>) offsets(%select_n3A_329 : vector<16xi32>) semaphore(%arg19 : memref<!tpu.dma_semaphore, #tpu.memory_space<semaphore_mem>>)
            } else {
            }
            %eq3A_335 = arith.constant 15 : i32
            %eq3A_336 = arith.cmpi eq, %rem3A_271, %eq3A_335 : i32
            %add3A_337 = arith.constant 32768 : i32
            %add3A_338 = vector.broadcast %add3A_337 : i32 to vector<16xi32>
            %add3A_339 = arith.addi %add3A_338, %iota3A : vector<16xi32>
            %select_n3A_340 = arith.select %eq3A_336, %add3A_339, %select_n3A_329 : vector<16xi32>
            scf.yield %select_n3A_340 : vector<16xi32>
          }
          %while3A_240 = arith.constant 1 : i32
          %while3A_241 = scf.for %while3A_268 = %while3A_237 to %while3A_233 step %while3A_240 iter_args(%while3A_269 = %while3A_239) -> (vector<16xi32>)  : i32 {
            %rem3A_270 = arith.constant 16 : i32
            %rem3A_271 = arith.remsi %while3A_268, %rem3A_270 : i32
            %div3A_272 = arith.constant 16 : i32
            %div3A_273 = arith.divsi %while3A_268, %div3A_272 : i32
            %rem3A_274 = arith.constant 4 : i32
            %rem3A_275 = arith.remsi %div3A_273, %rem3A_274 : i32
            %get3A = arith.index_cast %while3A_268 : i32 to index
            %get3A_276 = tpu.vector_load %arg10[%get3A] {strides = array<i32>} : memref<4112xi32, #tpu.memory_space<vmem>>, vector<16xi32>,
            %slice3A = vector.extract_strided_slice %get3A_276 {offsets = [0], sizes = [1], strides = [1]} : vector<16xi32> to vector<1xi32>
            %squeeze3A = vector.extract %slice3A[0] : i32 from vector<1xi32>
            %get3A_277 = arith.index_cast %while3A_268 : i32 to index
            %get3A_278 = tpu.vector_load %arg11[%get3A_277] {strides = array<i32>} : memref<4112xi32, #tpu.memory_space<vmem>>, vector<16xi32>,
            %slice3A_279 = vector.extract_strided_slice %get3A_278 {offsets = [0], sizes = [1], strides = [1]} : vector<16xi32> to vector<1xi32>
            %squeeze3A_280 = vector.extract %slice3A_279[0] : i32 from vector<1xi32>
            %mul3A_281 = arith.constant 16 : i32
            %mul3A_282 = arith.muli %rem3A_275, %mul3A_281 : i32
            %add3A_283 = arith.addi %mul3A_282, %rem3A_271 : i32
            %add3A_284 = arith.constant 0 : i32
            %add3A_285 = vector.broadcast %add3A_284 : i32 to vector<16xi32>
            %add3A_286 = arith.addi %add3A_285, %iota3A : vector<16xi32>
            %add3A_287 = arith.constant 64 : i32
            %add3A_288 = vector.broadcast %add3A_287 : i32 to vector<16xi32>
            %add3A_289 = arith.addi %add3A_288, %add3A_286 : vector<16xi32>
            %broadcast_in_dim3A_290 = vector.broadcast %squeeze3A : i32 to vector<16xi32>
            %gather3A = tpu.vector_load_idx %arg14[%add3A_289, %broadcast_in_dim3A_290] : memref<128x512xf32, #tpu.memory_space<vmem>>[vector<16xi32>, vector<16xi32>], vector<16xf32>,
            %swap3A = arith.index_cast %add3A_283 : i32 to index
            %swap3A_291 = arith.constant 0 : index
            %swap3A_292 = tpu.vector_load %arg16[%swap3A, %swap3A_291] {strides = array<i32>} : memref<64x128xf32, #tpu.memory_space<vmem>>, vector<16xf32>,
            tpu.vector_store %arg16[%swap3A, %swap3A_291], %gather3A {strides = array<i32>} : memref<64x128xf32, #tpu.memory_space<vmem>>, vector<16xf32>,
            %add3A_293 = arith.constant 16 : i32
            %add3A_294 = vector.broadcast %add3A_293 : i32 to vector<16xi32>
            %add3A_295 = arith.addi %add3A_294, %iota3A : vector<16xi32>
            %add3A_296 = arith.constant 64 : i32
            %add3A_297 = vector.broadcast %add3A_296 : i32 to vector<16xi32>
            %add3A_298 = arith.addi %add3A_297, %add3A_295 : vector<16xi32>
            %broadcast_in_dim3A_299 = vector.broadcast %squeeze3A : i32 to vector<16xi32>
            %gather3A_300 = tpu.vector_load_idx %arg14[%add3A_298, %broadcast_in_dim3A_299] : memref<128x512xf32, #tpu.memory_space<vmem>>[vector<16xi32>, vector<16xi32>], vector<16xf32>,
            %swap3A_301 = arith.index_cast %add3A_283 : i32 to index
            %swap3A_302 = arith.constant 16 : index
            %swap3A_303 = tpu.vector_load %arg16[%swap3A_301, %swap3A_302] {strides = array<i32>} : memref<64x128xf32, #tpu.memory_space<vmem>>, vector<16xf32>,
            tpu.vector_store %arg16[%swap3A_301, %swap3A_302], %gather3A_300 {strides = array<i32>} : memref<64x128xf32, #tpu.memory_space<vmem>>, vector<16xf32>,
            %add3A_304 = arith.constant 32 : i32
            %add3A_305 = vector.broadcast %add3A_304 : i32 to vector<16xi32>
            %add3A_306 = arith.addi %add3A_305, %iota3A : vector<16xi32>
            %add3A_307 = arith.constant 64 : i32
            %add3A_308 = vector.broadcast %add3A_307 : i32 to vector<16xi32>
            %add3A_309 = arith.addi %add3A_308, %add3A_306 : vector<16xi32>
            %broadcast_in_dim3A_310 = vector.broadcast %squeeze3A : i32 to vector<16xi32>
            %gather3A_311 = tpu.vector_load_idx %arg14[%add3A_309, %broadcast_in_dim3A_310] : memref<128x512xf32, #tpu.memory_space<vmem>>[vector<16xi32>, vector<16xi32>], vector<16xf32>,
            %swap3A_312 = arith.index_cast %add3A_283 : i32 to index
            %swap3A_313 = arith.constant 32 : index
            %swap3A_314 = tpu.vector_load %arg16[%swap3A_312, %swap3A_313] {strides = array<i32>} : memref<64x128xf32, #tpu.memory_space<vmem>>, vector<16xf32>,
            tpu.vector_store %arg16[%swap3A_312, %swap3A_313], %gather3A_311 {strides = array<i32>} : memref<64x128xf32, #tpu.memory_space<vmem>>, vector<16xf32>,
            %add3A_315 = arith.constant 48 : i32
            %add3A_316 = vector.broadcast %add3A_315 : i32 to vector<16xi32>
            %add3A_317 = arith.addi %add3A_316, %iota3A : vector<16xi32>
            %add3A_318 = arith.constant 64 : i32
            %add3A_319 = vector.broadcast %add3A_318 : i32 to vector<16xi32>
            %add3A_320 = arith.addi %add3A_319, %add3A_317 : vector<16xi32>
            %broadcast_in_dim3A_321 = vector.broadcast %squeeze3A : i32 to vector<16xi32>
            %gather3A_322 = tpu.vector_load_idx %arg14[%add3A_320, %broadcast_in_dim3A_321] : memref<128x512xf32, #tpu.memory_space<vmem>>[vector<16xi32>, vector<16xi32>], vector<16xf32>,
            %swap3A_323 = arith.index_cast %add3A_283 : i32 to index
            %swap3A_324 = arith.constant 48 : index
            %swap3A_325 = tpu.vector_load %arg16[%swap3A_323, %swap3A_324] {strides = array<i32>} : memref<64x128xf32, #tpu.memory_space<vmem>>, vector<16xf32>,
            tpu.vector_store %arg16[%swap3A_323, %swap3A_324], %gather3A_322 {strides = array<i32>} : memref<64x128xf32, #tpu.memory_space<vmem>>, vector<16xf32>,
            %eq3A_326 = vector.broadcast %rem3A_271 : i32 to vector<16xi32>
            %eq3A_327 = arith.cmpi eq, %iota3A, %eq3A_326 : vector<16xi32>
            %broadcast_in_dim3A_328 = vector.broadcast %squeeze3A_280 : i32 to vector<16xi32>
            %select_n3A_329 = arith.select %eq3A_327, %broadcast_in_dim3A_328, %while3A_269 : vector<16xi1>, vector<16xi32>
            %eq3A_330 = arith.constant 15 : i32
            %eq3A_331 = arith.cmpi eq, %rem3A_271, %eq3A_330 : i32
            %convert_element_type3A_332 = arith.extui %eq3A_331 : i1 to i32
            %cond3A_333 = arith.constant 0 : i32
            %cond3A_334 = arith.cmpi ne, %convert_element_type3A_332, %cond3A_333 : i32
            scf.if %cond3A_334 {
              %mul3A_341 = arith.constant 16 : i32
              %mul3A_342 = arith.muli %rem3A_275, %mul3A_341 : i32
              %dma_start3A_343 = arith.constant 0 : i32
              %dma_start3A_344 = tpu.memref_slice %arg16[%mul3A_342, %dma_start3A_343] : memref<64x128xf32, #tpu.memory_space<vmem>> -> memref<16x128xf32, #tpu.memory_space<vmem>>
              %dma_start3A_345 = arith.constant 0 : i32
              %dma_start3A_346 = arith.constant 0 : i32
              %dma_start3A_347 = tpu.memref_slice %arg6[%dma_start3A_345, %dma_start3A_346] : memref<32784x128xf32, #tpu.memory_space<hbm>> -> memref<32784x128xf32, #tpu.memory_space<hbm>>
              tpu.enqueue_indirect_dma source(%dma_start3A_344 : memref<16x128xf32, #tpu.memory_space<vmem>>) target(%dma_start3A_347 : memref<32784x128xf32, #tpu.memory_space<hbm>>) offsets(%select_n3A_329 : vector<16xi32>) semaphore(%arg19 : memref<!tpu.dma_semaphore, #tpu.memory_space<semaphore_mem>>)
            } else {
            }
            %eq3A_335 = arith.constant 15 : i32
            %eq3A_336 = arith.cmpi eq, %rem3A_271, %eq3A_335 : i32
            %add3A_337 = arith.constant 32768 : i32
            %add3A_338 = vector.broadcast %add3A_337 : i32 to vector<16xi32>
            %add3A_339 = arith.addi %add3A_338, %iota3A : vector<16xi32>
            %select_n3A_340 = arith.select %eq3A_336, %add3A_339, %select_n3A_329 : vector<16xi32>
            scf.yield %select_n3A_340 : vector<16xi32>
          }
          %div3A_242 = arith.constant 16 : i32
          %div3A_243 = arith.divsi %while3A_227, %div3A_242 : i32
          %rem3A_244 = arith.constant 16 : i32
          %rem3A_245 = arith.remsi %while3A_227, %rem3A_244 : i32
          %gt3A = arith.constant 0 : i32
          %gt3A_246 = arith.cmpi sgt, %rem3A_245, %gt3A : i32
          %convert_element_type3A_247 = arith.extui %gt3A_246 : i1 to i32
          %cond3A_248 = arith.constant 0 : i32
          %cond3A_249 = arith.cmpi ne, %convert_element_type3A_247, %cond3A_248 : i32
          scf.if %cond3A_249 {
            %rem3A_268 = arith.constant 4 : i32
            %rem3A_269 = arith.remsi %div3A_243, %rem3A_268 : i32
            %mul3A_270 = arith.constant 16 : i32
            %mul3A_271 = arith.muli %rem3A_269, %mul3A_270 : i32
            %dma_start3A_272 = arith.constant 0 : i32
            %dma_start3A_273 = tpu.memref_slice %arg16[%mul3A_271, %dma_start3A_272] : memref<64x128xf32, #tpu.memory_space<vmem>> -> memref<16x128xf32, #tpu.memory_space<vmem>>
            %dma_start3A_274 = arith.constant 0 : i32
            %dma_start3A_275 = arith.constant 0 : i32
            %dma_start3A_276 = tpu.memref_slice %arg6[%dma_start3A_274, %dma_start3A_275] : memref<32784x128xf32, #tpu.memory_space<hbm>> -> memref<32784x128xf32, #tpu.memory_space<hbm>>
            tpu.enqueue_indirect_dma source(%dma_start3A_273 : memref<16x128xf32, #tpu.memory_space<vmem>>) target(%dma_start3A_276 : memref<32784x128xf32, #tpu.memory_space<hbm>>) offsets(%while3A_241 : vector<16xi32>) semaphore(%arg19 : memref<!tpu.dma_semaphore, #tpu.memory_space<semaphore_mem>>)
          } else {
          }
          %gt3A_250 = arith.constant 0 : i32
          %gt3A_251 = arith.cmpi sgt, %rem3A_245, %gt3A_250 : i32
          %jit3A_252 = arith.constant 1 : i32
          %jit3A_253 = arith.constant 0 : i32
          %select_n3A_254 = arith.select %gt3A_251, %jit3A_252, %jit3A_253 : i32
          %add3A_255 = arith.addi %div3A_243, %select_n3A_254 : i32
          %min3A_256 = arith.constant 4 : i32
          %min3A_257 = arith.minsi %add3A_255, %min3A_256 : i32
          %while3A_258 = arith.constant 0 : i32
          %while3A_259 = arith.constant 0 : i32
          %while3A_260 = arith.subi %min3A_257, %while3A_259 : i32
          %while3A_261 = arith.addi %while3A_259, %while3A_260 : i32
          %while3A_262 = arith.constant 1 : i32
          %while3A_263 = arith.divsi %while3A_260, %while3A_262 : i32
          %while3A_264 = arith.muli %while3A_263, %while3A_262 : i32
          %while3A_265 = arith.addi %while3A_259, %while3A_264 : i32
          %while3A_266 = arith.constant 1 : i32
          scf.for %while3A_268 = %while3A_259 to %while3A_265 step %while3A_266  : i32 {
            %dma_wait3A_269 = arith.constant 0 : i32
            %dma_wait3A_270 = arith.constant 0 : i32
            %dma_wait3A_271 = tpu.memref_slice %arg16[%dma_wait3A_269, %dma_wait3A_270] : memref<64x128xf32, #tpu.memory_space<vmem>> -> memref<16x128xf32, #tpu.memory_space<vmem>>
            %dma_wait3A_272 = arith.constant 0 : i32
            %dma_wait3A_273 = arith.constant 0 : i32
            %dma_wait3A_274 = tpu.memref_slice %arg6[%dma_wait3A_272, %dma_wait3A_273] : memref<32784x128xf32, #tpu.memory_space<hbm>> -> memref<16x128xf32, #tpu.memory_space<hbm>>
            %dma_wait3A_275 = arith.constant 0 : i32
            %dma_wait3A_276 = arith.constant 0 : i32
            %dma_wait3A_277 = tpu.memref_slice %arg6[%dma_wait3A_275, %dma_wait3A_276] : memref<32784x128xf32, #tpu.memory_space<hbm>> -> memref<16x128xf32, #tpu.memory_space<hbm>>
            %dma_wait3A_278 = arith.constant 0 : i32
            %dma_wait3A_279 = arith.constant 0 : i32
            %dma_wait3A_280 = tpu.memref_slice %arg16[%dma_wait3A_278, %dma_wait3A_279] : memref<64x128xf32, #tpu.memory_space<vmem>> -> memref<16x128xf32, #tpu.memory_space<vmem>>
            tpu.wait_dma2 semaphore(%arg19 : memref<!tpu.dma_semaphore, #tpu.memory_space<semaphore_mem>>) src(%dma_wait3A_280 : memref<16x128xf32, #tpu.memory_space<vmem>>) dst(%dma_wait3A_277 : memref<16x128xf32, #tpu.memory_space<hbm>>)
          }
          %while3A_267 = arith.constant 1 : i32
          scf.for %while3A_268 = %while3A_265 to %while3A_261 step %while3A_267  : i32 {
            %dma_wait3A_269 = arith.constant 0 : i32
            %dma_wait3A_270 = arith.constant 0 : i32
            %dma_wait3A_271 = tpu.memref_slice %arg16[%dma_wait3A_269, %dma_wait3A_270] : memref<64x128xf32, #tpu.memory_space<vmem>> -> memref<16x128xf32, #tpu.memory_space<vmem>>
            %dma_wait3A_272 = arith.constant 0 : i32
            %dma_wait3A_273 = arith.constant 0 : i32
            %dma_wait3A_274 = tpu.memref_slice %arg6[%dma_wait3A_272, %dma_wait3A_273] : memref<32784x128xf32, #tpu.memory_space<hbm>> -> memref<16x128xf32, #tpu.memory_space<hbm>>
            %dma_wait3A_275 = arith.constant 0 : i32
            %dma_wait3A_276 = arith.constant 0 : i32
            %dma_wait3A_277 = tpu.memref_slice %arg6[%dma_wait3A_275, %dma_wait3A_276] : memref<32784x128xf32, #tpu.memory_space<hbm>> -> memref<16x128xf32, #tpu.memory_space<hbm>>
            %dma_wait3A_278 = arith.constant 0 : i32
            %dma_wait3A_279 = arith.constant 0 : i32
            %dma_wait3A_280 = tpu.memref_slice %arg16[%dma_wait3A_278, %dma_wait3A_279] : memref<64x128xf32, #tpu.memory_space<vmem>> -> memref<16x128xf32, #tpu.memory_space<vmem>>
            tpu.wait_dma2 semaphore(%arg19 : memref<!tpu.dma_semaphore, #tpu.memory_space<semaphore_mem>>) src(%dma_wait3A_280 : memref<16x128xf32, #tpu.memory_space<vmem>>) dst(%dma_wait3A_277 : memref<16x128xf32, #tpu.memory_space<hbm>>)
          }
        } else {
        }
        %ge3A = arith.cmpi sge, %add3A_184, %select_n3A_72 : i32
        %convert_element_type3A_210 = arith.extui %ge3A : i1 to i32
        %cond3A_211 = arith.constant 0 : i32
        %cond3A_212 = arith.cmpi ne, %convert_element_type3A_210, %cond3A_211 : i32
        scf.if %cond3A_212 {
          %mul3A_213 = arith.constant 512 : i32
          %mul3A_214 = arith.muli %add3A_184, %mul3A_213 : i32
          %add3A_215 = arith.addi %mul3A_4, %mul3A_214 : i32
          %while3A_216 = arith.constant 0 : i32
          %while3A_217 = arith.constant 0 : i32
          %while3A_218 = arith.subi %neg3A_148, %while3A_216 : i32
          %while3A_219 = arith.addi %while3A_216, %while3A_218 : i32
          %while3A_220 = arith.constant 1 : i32
          %while3A_221 = arith.divsi %while3A_218, %while3A_220 : i32
          %while3A_222 = arith.muli %while3A_221, %while3A_220 : i32
          %while3A_223 = arith.addi %while3A_216, %while3A_222 : i32
          %while3A_224 = arith.constant 1 : i32
          %while3A_225 = scf.for %while3A_268 = %while3A_216 to %while3A_223 step %while3A_224 iter_args(%while3A_269 = %while3A_217) -> (i32)  : i32 {
            %mul3A_270 = arith.constant 16 : i32
            %mul3A_271 = arith.muli %while3A_268, %mul3A_270 : i32
            %get3A = arith.index_cast %mul3A_271 : i32 to index
            %get3A_272 = tpu.vector_load %arg12[%get3A] {strides = array<i32>} : memref<4112xi32, #tpu.memory_space<vmem>>, vector<16xi32>,
            %mul3A_273 = arith.constant 16 : i32
            %mul3A_274 = arith.muli %while3A_268, %mul3A_273 : i32
            %get3A_275 = arith.index_cast %mul3A_274 : i32 to index
            %get3A_276 = tpu.vector_load %arg13[%get3A_275] {strides = array<i32>} : memref<4112xi32, #tpu.memory_space<vmem>>, vector<16xi32>,
            %ge3A_277 = vector.broadcast %add3A_215 : i32 to vector<16xi32>
            %ge3A_278 = arith.cmpi sge, %get3A_272, %ge3A_277 : vector<16xi32>
            %add3A_279 = arith.constant 512 : i32
            %add3A_280 = arith.addi %add3A_215, %add3A_279 : i32
            %lt3A_281 = vector.broadcast %add3A_280 : i32 to vector<16xi32>
            %lt3A_282 = arith.cmpi slt, %get3A_272, %lt3A_281 : vector<16xi32>
            %and3A_283 = arith.andi %ge3A_278, %lt3A_282 : vector<16xi1>
            %convert_element_type3A_284 = arith.extui %and3A_283 : vector<16xi1> to vector<16xi32>
            %cumsum3A = arith.constant true
            %cumsum3A_285 = vector.broadcast %cumsum3A : i1 to vector<16xi1>
            %cumsum3A_286 = tpu.scan <sum>, %convert_element_type3A_284 masked %cumsum3A_285 : vector<16xi32>, vector<16xi1> -> vector<16xi32>
            %add3A_287 = vector.broadcast %while3A_269 : i32 to vector<16xi32>
            %add3A_288 = arith.addi %add3A_287, %cumsum3A_286 : vector<16xi32>
            %sub3A_289 = arith.constant 1 : i32
            %sub3A_290 = vector.broadcast %sub3A_289 : i32 to vector<16xi32>
            %sub3A_291 = arith.subi %add3A_288, %sub3A_290 : vector<16xi32>
            %sub3A_292 = vector.broadcast %add3A_215 : i32 to vector<16xi32>
            %sub3A_293 = arith.subi %get3A_272, %sub3A_292 : vector<16xi32>
            tpu.vector_store_idx %arg10[%sub3A_291], %sub3A_293 masked %and3A_283 : memref<4112xi32, #tpu.memory_space<vmem>>[vector<16xi32>], vector<16xi32>, vector<16xi1>
            tpu.vector_store_idx %arg11[%sub3A_291], %get3A_276 masked %and3A_283 : memref<4112xi32, #tpu.memory_space<vmem>>[vector<16xi32>], vector<16xi32>, vector<16xi1>
            %slice3A = vector.extract_strided_slice %cumsum3A_286 {offsets = [15], sizes = [1], strides = [1]} : vector<16xi32> to vector<1xi32>
            %squeeze3A = vector.extract %slice3A[0] : i32 from vector<1xi32>
            %add3A_294 = arith.addi %while3A_269, %squeeze3A : i32
            scf.yield %add3A_294 : i32
          }
          %while3A_226 = arith.constant 1 : i32
          %while3A_227 = scf.for %while3A_268 = %while3A_223 to %while3A_219 step %while3A_226 iter_args(%while3A_269 = %while3A_225) -> (i32)  : i32 {
            %mul3A_270 = arith.constant 16 : i32
            %mul3A_271 = arith.muli %while3A_268, %mul3A_270 : i32
            %get3A = arith.index_cast %mul3A_271 : i32 to index
            %get3A_272 = tpu.vector_load %arg12[%get3A] {strides = array<i32>} : memref<4112xi32, #tpu.memory_space<vmem>>, vector<16xi32>,
            %mul3A_273 = arith.constant 16 : i32
            %mul3A_274 = arith.muli %while3A_268, %mul3A_273 : i32
            %get3A_275 = arith.index_cast %mul3A_274 : i32 to index
            %get3A_276 = tpu.vector_load %arg13[%get3A_275] {strides = array<i32>} : memref<4112xi32, #tpu.memory_space<vmem>>, vector<16xi32>,
            %ge3A_277 = vector.broadcast %add3A_215 : i32 to vector<16xi32>
            %ge3A_278 = arith.cmpi sge, %get3A_272, %ge3A_277 : vector<16xi32>
            %add3A_279 = arith.constant 512 : i32
            %add3A_280 = arith.addi %add3A_215, %add3A_279 : i32
            %lt3A_281 = vector.broadcast %add3A_280 : i32 to vector<16xi32>
            %lt3A_282 = arith.cmpi slt, %get3A_272, %lt3A_281 : vector<16xi32>
            %and3A_283 = arith.andi %ge3A_278, %lt3A_282 : vector<16xi1>
            %convert_element_type3A_284 = arith.extui %and3A_283 : vector<16xi1> to vector<16xi32>
            %cumsum3A = arith.constant true
            %cumsum3A_285 = vector.broadcast %cumsum3A : i1 to vector<16xi1>
            %cumsum3A_286 = tpu.scan <sum>, %convert_element_type3A_284 masked %cumsum3A_285 : vector<16xi32>, vector<16xi1> -> vector<16xi32>
            %add3A_287 = vector.broadcast %while3A_269 : i32 to vector<16xi32>
            %add3A_288 = arith.addi %add3A_287, %cumsum3A_286 : vector<16xi32>
            %sub3A_289 = arith.constant 1 : i32
            %sub3A_290 = vector.broadcast %sub3A_289 : i32 to vector<16xi32>
            %sub3A_291 = arith.subi %add3A_288, %sub3A_290 : vector<16xi32>
            %sub3A_292 = vector.broadcast %add3A_215 : i32 to vector<16xi32>
            %sub3A_293 = arith.subi %get3A_272, %sub3A_292 : vector<16xi32>
            tpu.vector_store_idx %arg10[%sub3A_291], %sub3A_293 masked %and3A_283 : memref<4112xi32, #tpu.memory_space<vmem>>[vector<16xi32>], vector<16xi32>, vector<16xi1>
            tpu.vector_store_idx %arg11[%sub3A_291], %get3A_276 masked %and3A_283 : memref<4112xi32, #tpu.memory_space<vmem>>[vector<16xi32>], vector<16xi32>, vector<16xi1>
            %slice3A = vector.extract_strided_slice %cumsum3A_286 {offsets = [15], sizes = [1], strides = [1]} : vector<16xi32> to vector<1xi32>
            %squeeze3A = vector.extract %slice3A[0] : i32 from vector<1xi32>
            %add3A_294 = arith.addi %while3A_269, %squeeze3A : i32
            scf.yield %add3A_294 : i32
          }
          %add3A_228 = arith.constant 32768 : i32
          %add3A_229 = vector.broadcast %add3A_228 : i32 to vector<16xi32>
          %add3A_230 = arith.addi %add3A_229, %iota3A : vector<16xi32>
          %while3A_231 = arith.constant 0 : i32
          %while3A_232 = arith.subi %while3A_227, %while3A_231 : i32
          %while3A_233 = arith.addi %while3A_231, %while3A_232 : i32
          %while3A_234 = arith.constant 1 : i32
          %while3A_235 = arith.divsi %while3A_232, %while3A_234 : i32
          %while3A_236 = arith.muli %while3A_235, %while3A_234 : i32
          %while3A_237 = arith.addi %while3A_231, %while3A_236 : i32
          %while3A_238 = arith.constant 1 : i32
          %while3A_239 = scf.for %while3A_268 = %while3A_231 to %while3A_237 step %while3A_238 iter_args(%while3A_269 = %add3A_230) -> (vector<16xi32>)  : i32 {
            %rem3A_270 = arith.constant 16 : i32
            %rem3A_271 = arith.remsi %while3A_268, %rem3A_270 : i32
            %div3A_272 = arith.constant 16 : i32
            %div3A_273 = arith.divsi %while3A_268, %div3A_272 : i32
            %rem3A_274 = arith.constant 4 : i32
            %rem3A_275 = arith.remsi %div3A_273, %rem3A_274 : i32
            %get3A = arith.index_cast %while3A_268 : i32 to index
            %get3A_276 = tpu.vector_load %arg10[%get3A] {strides = array<i32>} : memref<4112xi32, #tpu.memory_space<vmem>>, vector<16xi32>,
            %slice3A = vector.extract_strided_slice %get3A_276 {offsets = [0], sizes = [1], strides = [1]} : vector<16xi32> to vector<1xi32>
            %squeeze3A = vector.extract %slice3A[0] : i32 from vector<1xi32>
            %get3A_277 = arith.index_cast %while3A_268 : i32 to index
            %get3A_278 = tpu.vector_load %arg11[%get3A_277] {strides = array<i32>} : memref<4112xi32, #tpu.memory_space<vmem>>, vector<16xi32>,
            %slice3A_279 = vector.extract_strided_slice %get3A_278 {offsets = [0], sizes = [1], strides = [1]} : vector<16xi32> to vector<1xi32>
            %squeeze3A_280 = vector.extract %slice3A_279[0] : i32 from vector<1xi32>
            %mul3A_281 = arith.constant 16 : i32
            %mul3A_282 = arith.muli %rem3A_275, %mul3A_281 : i32
            %add3A_283 = arith.addi %mul3A_282, %rem3A_271 : i32
            %add3A_284 = arith.constant 0 : i32
            %add3A_285 = vector.broadcast %add3A_284 : i32 to vector<16xi32>
            %add3A_286 = arith.addi %add3A_285, %iota3A : vector<16xi32>
            %add3A_287 = arith.constant 64 : i32
            %add3A_288 = vector.broadcast %add3A_287 : i32 to vector<16xi32>
            %add3A_289 = arith.addi %add3A_288, %add3A_286 : vector<16xi32>
            %broadcast_in_dim3A_290 = vector.broadcast %squeeze3A : i32 to vector<16xi32>
            %gather3A = tpu.vector_load_idx %arg14[%add3A_289, %broadcast_in_dim3A_290] : memref<128x512xf32, #tpu.memory_space<vmem>>[vector<16xi32>, vector<16xi32>], vector<16xf32>,
            %swap3A = arith.index_cast %add3A_283 : i32 to index
            %swap3A_291 = arith.constant 0 : index
            %swap3A_292 = tpu.vector_load %arg16[%swap3A, %swap3A_291] {strides = array<i32>} : memref<64x128xf32, #tpu.memory_space<vmem>>, vector<16xf32>,
            tpu.vector_store %arg16[%swap3A, %swap3A_291], %gather3A {strides = array<i32>} : memref<64x128xf32, #tpu.memory_space<vmem>>, vector<16xf32>,
            %add3A_293 = arith.constant 16 : i32
            %add3A_294 = vector.broadcast %add3A_293 : i32 to vector<16xi32>
            %add3A_295 = arith.addi %add3A_294, %iota3A : vector<16xi32>
            %add3A_296 = arith.constant 64 : i32
            %add3A_297 = vector.broadcast %add3A_296 : i32 to vector<16xi32>
            %add3A_298 = arith.addi %add3A_297, %add3A_295 : vector<16xi32>
            %broadcast_in_dim3A_299 = vector.broadcast %squeeze3A : i32 to vector<16xi32>
            %gather3A_300 = tpu.vector_load_idx %arg14[%add3A_298, %broadcast_in_dim3A_299] : memref<128x512xf32, #tpu.memory_space<vmem>>[vector<16xi32>, vector<16xi32>], vector<16xf32>,
            %swap3A_301 = arith.index_cast %add3A_283 : i32 to index
            %swap3A_302 = arith.constant 16 : index
            %swap3A_303 = tpu.vector_load %arg16[%swap3A_301, %swap3A_302] {strides = array<i32>} : memref<64x128xf32, #tpu.memory_space<vmem>>, vector<16xf32>,
            tpu.vector_store %arg16[%swap3A_301, %swap3A_302], %gather3A_300 {strides = array<i32>} : memref<64x128xf32, #tpu.memory_space<vmem>>, vector<16xf32>,
            %add3A_304 = arith.constant 32 : i32
            %add3A_305 = vector.broadcast %add3A_304 : i32 to vector<16xi32>
            %add3A_306 = arith.addi %add3A_305, %iota3A : vector<16xi32>
            %add3A_307 = arith.constant 64 : i32
            %add3A_308 = vector.broadcast %add3A_307 : i32 to vector<16xi32>
            %add3A_309 = arith.addi %add3A_308, %add3A_306 : vector<16xi32>
            %broadcast_in_dim3A_310 = vector.broadcast %squeeze3A : i32 to vector<16xi32>
            %gather3A_311 = tpu.vector_load_idx %arg14[%add3A_309, %broadcast_in_dim3A_310] : memref<128x512xf32, #tpu.memory_space<vmem>>[vector<16xi32>, vector<16xi32>], vector<16xf32>,
            %swap3A_312 = arith.index_cast %add3A_283 : i32 to index
            %swap3A_313 = arith.constant 32 : index
            %swap3A_314 = tpu.vector_load %arg16[%swap3A_312, %swap3A_313] {strides = array<i32>} : memref<64x128xf32, #tpu.memory_space<vmem>>, vector<16xf32>,
            tpu.vector_store %arg16[%swap3A_312, %swap3A_313], %gather3A_311 {strides = array<i32>} : memref<64x128xf32, #tpu.memory_space<vmem>>, vector<16xf32>,
            %add3A_315 = arith.constant 48 : i32
            %add3A_316 = vector.broadcast %add3A_315 : i32 to vector<16xi32>
            %add3A_317 = arith.addi %add3A_316, %iota3A : vector<16xi32>
            %add3A_318 = arith.constant 64 : i32
            %add3A_319 = vector.broadcast %add3A_318 : i32 to vector<16xi32>
            %add3A_320 = arith.addi %add3A_319, %add3A_317 : vector<16xi32>
            %broadcast_in_dim3A_321 = vector.broadcast %squeeze3A : i32 to vector<16xi32>
            %gather3A_322 = tpu.vector_load_idx %arg14[%add3A_320, %broadcast_in_dim3A_321] : memref<128x512xf32, #tpu.memory_space<vmem>>[vector<16xi32>, vector<16xi32>], vector<16xf32>,
            %swap3A_323 = arith.index_cast %add3A_283 : i32 to index
            %swap3A_324 = arith.constant 48 : index
            %swap3A_325 = tpu.vector_load %arg16[%swap3A_323, %swap3A_324] {strides = array<i32>} : memref<64x128xf32, #tpu.memory_space<vmem>>, vector<16xf32>,
            tpu.vector_store %arg16[%swap3A_323, %swap3A_324], %gather3A_322 {strides = array<i32>} : memref<64x128xf32, #tpu.memory_space<vmem>>, vector<16xf32>,
            %eq3A_326 = vector.broadcast %rem3A_271 : i32 to vector<16xi32>
            %eq3A_327 = arith.cmpi eq, %iota3A, %eq3A_326 : vector<16xi32>
            %broadcast_in_dim3A_328 = vector.broadcast %squeeze3A_280 : i32 to vector<16xi32>
            %select_n3A_329 = arith.select %eq3A_327, %broadcast_in_dim3A_328, %while3A_269 : vector<16xi1>, vector<16xi32>
            %eq3A_330 = arith.constant 15 : i32
            %eq3A_331 = arith.cmpi eq, %rem3A_271, %eq3A_330 : i32
            %convert_element_type3A_332 = arith.extui %eq3A_331 : i1 to i32
            %cond3A_333 = arith.constant 0 : i32
            %cond3A_334 = arith.cmpi ne, %convert_element_type3A_332, %cond3A_333 : i32
            scf.if %cond3A_334 {
              %mul3A_341 = arith.constant 16 : i32
              %mul3A_342 = arith.muli %rem3A_275, %mul3A_341 : i32
              %dma_start3A_343 = arith.constant 0 : i32
              %dma_start3A_344 = tpu.memref_slice %arg16[%mul3A_342, %dma_start3A_343] : memref<64x128xf32, #tpu.memory_space<vmem>> -> memref<16x128xf32, #tpu.memory_space<vmem>>
              %dma_start3A_345 = arith.constant 0 : i32
              %dma_start3A_346 = arith.constant 0 : i32
              %dma_start3A_347 = tpu.memref_slice %arg6[%dma_start3A_345, %dma_start3A_346] : memref<32784x128xf32, #tpu.memory_space<hbm>> -> memref<32784x128xf32, #tpu.memory_space<hbm>>
              tpu.enqueue_indirect_dma source(%dma_start3A_344 : memref<16x128xf32, #tpu.memory_space<vmem>>) target(%dma_start3A_347 : memref<32784x128xf32, #tpu.memory_space<hbm>>) offsets(%select_n3A_329 : vector<16xi32>) semaphore(%arg19 : memref<!tpu.dma_semaphore, #tpu.memory_space<semaphore_mem>>)
            } else {
            }
            %eq3A_335 = arith.constant 15 : i32
            %eq3A_336 = arith.cmpi eq, %rem3A_271, %eq3A_335 : i32
            %add3A_337 = arith.constant 32768 : i32
            %add3A_338 = vector.broadcast %add3A_337 : i32 to vector<16xi32>
            %add3A_339 = arith.addi %add3A_338, %iota3A : vector<16xi32>
            %select_n3A_340 = arith.select %eq3A_336, %add3A_339, %select_n3A_329 : vector<16xi32>
            scf.yield %select_n3A_340 : vector<16xi32>
          }
          %while3A_240 = arith.constant 1 : i32
          %while3A_241 = scf.for %while3A_268 = %while3A_237 to %while3A_233 step %while3A_240 iter_args(%while3A_269 = %while3A_239) -> (vector<16xi32>)  : i32 {
            %rem3A_270 = arith.constant 16 : i32
            %rem3A_271 = arith.remsi %while3A_268, %rem3A_270 : i32
            %div3A_272 = arith.constant 16 : i32
            %div3A_273 = arith.divsi %while3A_268, %div3A_272 : i32
            %rem3A_274 = arith.constant 4 : i32
            %rem3A_275 = arith.remsi %div3A_273, %rem3A_274 : i32
            %get3A = arith.index_cast %while3A_268 : i32 to index
            %get3A_276 = tpu.vector_load %arg10[%get3A] {strides = array<i32>} : memref<4112xi32, #tpu.memory_space<vmem>>, vector<16xi32>,
            %slice3A = vector.extract_strided_slice %get3A_276 {offsets = [0], sizes = [1], strides = [1]} : vector<16xi32> to vector<1xi32>
            %squeeze3A = vector.extract %slice3A[0] : i32 from vector<1xi32>
            %get3A_277 = arith.index_cast %while3A_268 : i32 to index
            %get3A_278 = tpu.vector_load %arg11[%get3A_277] {strides = array<i32>} : memref<4112xi32, #tpu.memory_space<vmem>>, vector<16xi32>,
            %slice3A_279 = vector.extract_strided_slice %get3A_278 {offsets = [0], sizes = [1], strides = [1]} : vector<16xi32> to vector<1xi32>
            %squeeze3A_280 = vector.extract %slice3A_279[0] : i32 from vector<1xi32>
            %mul3A_281 = arith.constant 16 : i32
            %mul3A_282 = arith.muli %rem3A_275, %mul3A_281 : i32
            %add3A_283 = arith.addi %mul3A_282, %rem3A_271 : i32
            %add3A_284 = arith.constant 0 : i32
            %add3A_285 = vector.broadcast %add3A_284 : i32 to vector<16xi32>
            %add3A_286 = arith.addi %add3A_285, %iota3A : vector<16xi32>
            %add3A_287 = arith.constant 64 : i32
            %add3A_288 = vector.broadcast %add3A_287 : i32 to vector<16xi32>
            %add3A_289 = arith.addi %add3A_288, %add3A_286 : vector<16xi32>
            %broadcast_in_dim3A_290 = vector.broadcast %squeeze3A : i32 to vector<16xi32>
            %gather3A = tpu.vector_load_idx %arg14[%add3A_289, %broadcast_in_dim3A_290] : memref<128x512xf32, #tpu.memory_space<vmem>>[vector<16xi32>, vector<16xi32>], vector<16xf32>,
            %swap3A = arith.index_cast %add3A_283 : i32 to index
            %swap3A_291 = arith.constant 0 : index
            %swap3A_292 = tpu.vector_load %arg16[%swap3A, %swap3A_291] {strides = array<i32>} : memref<64x128xf32, #tpu.memory_space<vmem>>, vector<16xf32>,
            tpu.vector_store %arg16[%swap3A, %swap3A_291], %gather3A {strides = array<i32>} : memref<64x128xf32, #tpu.memory_space<vmem>>, vector<16xf32>,
            %add3A_293 = arith.constant 16 : i32
            %add3A_294 = vector.broadcast %add3A_293 : i32 to vector<16xi32>
            %add3A_295 = arith.addi %add3A_294, %iota3A : vector<16xi32>
            %add3A_296 = arith.constant 64 : i32
            %add3A_297 = vector.broadcast %add3A_296 : i32 to vector<16xi32>
            %add3A_298 = arith.addi %add3A_297, %add3A_295 : vector<16xi32>
            %broadcast_in_dim3A_299 = vector.broadcast %squeeze3A : i32 to vector<16xi32>
            %gather3A_300 = tpu.vector_load_idx %arg14[%add3A_298, %broadcast_in_dim3A_299] : memref<128x512xf32, #tpu.memory_space<vmem>>[vector<16xi32>, vector<16xi32>], vector<16xf32>,
            %swap3A_301 = arith.index_cast %add3A_283 : i32 to index
            %swap3A_302 = arith.constant 16 : index
            %swap3A_303 = tpu.vector_load %arg16[%swap3A_301, %swap3A_302] {strides = array<i32>} : memref<64x128xf32, #tpu.memory_space<vmem>>, vector<16xf32>,
            tpu.vector_store %arg16[%swap3A_301, %swap3A_302], %gather3A_300 {strides = array<i32>} : memref<64x128xf32, #tpu.memory_space<vmem>>, vector<16xf32>,
            %add3A_304 = arith.constant 32 : i32
            %add3A_305 = vector.broadcast %add3A_304 : i32 to vector<16xi32>
            %add3A_306 = arith.addi %add3A_305, %iota3A : vector<16xi32>
            %add3A_307 = arith.constant 64 : i32
            %add3A_308 = vector.broadcast %add3A_307 : i32 to vector<16xi32>
            %add3A_309 = arith.addi %add3A_308, %add3A_306 : vector<16xi32>
            %broadcast_in_dim3A_310 = vector.broadcast %squeeze3A : i32 to vector<16xi32>
            %gather3A_311 = tpu.vector_load_idx %arg14[%add3A_309, %broadcast_in_dim3A_310] : memref<128x512xf32, #tpu.memory_space<vmem>>[vector<16xi32>, vector<16xi32>], vector<16xf32>,
            %swap3A_312 = arith.index_cast %add3A_283 : i32 to index
            %swap3A_313 = arith.constant 32 : index
            %swap3A_314 = tpu.vector_load %arg16[%swap3A_312, %swap3A_313] {strides = array<i32>} : memref<64x128xf32, #tpu.memory_space<vmem>>, vector<16xf32>,
            tpu.vector_store %arg16[%swap3A_312, %swap3A_313], %gather3A_311 {strides = array<i32>} : memref<64x128xf32, #tpu.memory_space<vmem>>, vector<16xf32>,
            %add3A_315 = arith.constant 48 : i32
            %add3A_316 = vector.broadcast %add3A_315 : i32 to vector<16xi32>
            %add3A_317 = arith.addi %add3A_316, %iota3A : vector<16xi32>
            %add3A_318 = arith.constant 64 : i32
            %add3A_319 = vector.broadcast %add3A_318 : i32 to vector<16xi32>
            %add3A_320 = arith.addi %add3A_319, %add3A_317 : vector<16xi32>
            %broadcast_in_dim3A_321 = vector.broadcast %squeeze3A : i32 to vector<16xi32>
            %gather3A_322 = tpu.vector_load_idx %arg14[%add3A_320, %broadcast_in_dim3A_321] : memref<128x512xf32, #tpu.memory_space<vmem>>[vector<16xi32>, vector<16xi32>], vector<16xf32>,
            %swap3A_323 = arith.index_cast %add3A_283 : i32 to index
            %swap3A_324 = arith.constant 48 : index
            %swap3A_325 = tpu.vector_load %arg16[%swap3A_323, %swap3A_324] {strides = array<i32>} : memref<64x128xf32, #tpu.memory_space<vmem>>, vector<16xf32>,
            tpu.vector_store %arg16[%swap3A_323, %swap3A_324], %gather3A_322 {strides = array<i32>} : memref<64x128xf32, #tpu.memory_space<vmem>>, vector<16xf32>,
            %eq3A_326 = vector.broadcast %rem3A_271 : i32 to vector<16xi32>
            %eq3A_327 = arith.cmpi eq, %iota3A, %eq3A_326 : vector<16xi32>
            %broadcast_in_dim3A_328 = vector.broadcast %squeeze3A_280 : i32 to vector<16xi32>
            %select_n3A_329 = arith.select %eq3A_327, %broadcast_in_dim3A_328, %while3A_269 : vector<16xi1>, vector<16xi32>
            %eq3A_330 = arith.constant 15 : i32
            %eq3A_331 = arith.cmpi eq, %rem3A_271, %eq3A_330 : i32
            %convert_element_type3A_332 = arith.extui %eq3A_331 : i1 to i32
            %cond3A_333 = arith.constant 0 : i32
            %cond3A_334 = arith.cmpi ne, %convert_element_type3A_332, %cond3A_333 : i32
            scf.if %cond3A_334 {
              %mul3A_341 = arith.constant 16 : i32
              %mul3A_342 = arith.muli %rem3A_275, %mul3A_341 : i32
              %dma_start3A_343 = arith.constant 0 : i32
              %dma_start3A_344 = tpu.memref_slice %arg16[%mul3A_342, %dma_start3A_343] : memref<64x128xf32, #tpu.memory_space<vmem>> -> memref<16x128xf32, #tpu.memory_space<vmem>>
              %dma_start3A_345 = arith.constant 0 : i32
              %dma_start3A_346 = arith.constant 0 : i32
              %dma_start3A_347 = tpu.memref_slice %arg6[%dma_start3A_345, %dma_start3A_346] : memref<32784x128xf32, #tpu.memory_space<hbm>> -> memref<32784x128xf32, #tpu.memory_space<hbm>>
              tpu.enqueue_indirect_dma source(%dma_start3A_344 : memref<16x128xf32, #tpu.memory_space<vmem>>) target(%dma_start3A_347 : memref<32784x128xf32, #tpu.memory_space<hbm>>) offsets(%select_n3A_329 : vector<16xi32>) semaphore(%arg19 : memref<!tpu.dma_semaphore, #tpu.memory_space<semaphore_mem>>)
            } else {
            }
            %eq3A_335 = arith.constant 15 : i32
            %eq3A_336 = arith.cmpi eq, %rem3A_271, %eq3A_335 : i32
            %add3A_337 = arith.constant 32768 : i32
            %add3A_338 = vector.broadcast %add3A_337 : i32 to vector<16xi32>
            %add3A_339 = arith.addi %add3A_338, %iota3A : vector<16xi32>
            %select_n3A_340 = arith.select %eq3A_336, %add3A_339, %select_n3A_329 : vector<16xi32>
            scf.yield %select_n3A_340 : vector<16xi32>
          }
          %div3A_242 = arith.constant 16 : i32
          %div3A_243 = arith.divsi %while3A_227, %div3A_242 : i32
          %rem3A_244 = arith.constant 16 : i32
          %rem3A_245 = arith.remsi %while3A_227, %rem3A_244 : i32
          %gt3A = arith.constant 0 : i32
          %gt3A_246 = arith.cmpi sgt, %rem3A_245, %gt3A : i32
          %convert_element_type3A_247 = arith.extui %gt3A_246 : i1 to i32
          %cond3A_248 = arith.constant 0 : i32
          %cond3A_249 = arith.cmpi ne, %convert_element_type3A_247, %cond3A_248 : i32
          scf.if %cond3A_249 {
            %rem3A_268 = arith.constant 4 : i32
            %rem3A_269 = arith.remsi %div3A_243, %rem3A_268 : i32
            %mul3A_270 = arith.constant 16 : i32
            %mul3A_271 = arith.muli %rem3A_269, %mul3A_270 : i32
            %dma_start3A_272 = arith.constant 0 : i32
            %dma_start3A_273 = tpu.memref_slice %arg16[%mul3A_271, %dma_start3A_272] : memref<64x128xf32, #tpu.memory_space<vmem>> -> memref<16x128xf32, #tpu.memory_space<vmem>>
            %dma_start3A_274 = arith.constant 0 : i32
            %dma_start3A_275 = arith.constant 0 : i32
            %dma_start3A_276 = tpu.memref_slice %arg6[%dma_start3A_274, %dma_start3A_275] : memref<32784x128xf32, #tpu.memory_space<hbm>> -> memref<32784x128xf32, #tpu.memory_space<hbm>>
            tpu.enqueue_indirect_dma source(%dma_start3A_273 : memref<16x128xf32, #tpu.memory_space<vmem>>) target(%dma_start3A_276 : memref<32784x128xf32, #tpu.memory_space<hbm>>) offsets(%while3A_241 : vector<16xi32>) semaphore(%arg19 : memref<!tpu.dma_semaphore, #tpu.memory_space<semaphore_mem>>)
          } else {
          }
          %gt3A_250 = arith.constant 0 : i32
          %gt3A_251 = arith.cmpi sgt, %rem3A_245, %gt3A_250 : i32
          %jit3A_252 = arith.constant 1 : i32
          %jit3A_253 = arith.constant 0 : i32
          %select_n3A_254 = arith.select %gt3A_251, %jit3A_252, %jit3A_253 : i32
          %add3A_255 = arith.addi %div3A_243, %select_n3A_254 : i32
          %min3A_256 = arith.constant 4 : i32
          %min3A_257 = arith.minsi %add3A_255, %min3A_256 : i32
          %while3A_258 = arith.constant 0 : i32
          %while3A_259 = arith.constant 0 : i32
          %while3A_260 = arith.subi %min3A_257, %while3A_259 : i32
          %while3A_261 = arith.addi %while3A_259, %while3A_260 : i32
          %while3A_262 = arith.constant 1 : i32
          %while3A_263 = arith.divsi %while3A_260, %while3A_262 : i32
          %while3A_264 = arith.muli %while3A_263, %while3A_262 : i32
          %while3A_265 = arith.addi %while3A_259, %while3A_264 : i32
          %while3A_266 = arith.constant 1 : i32
          scf.for %while3A_268 = %while3A_259 to %while3A_265 step %while3A_266  : i32 {
            %dma_wait3A_269 = arith.constant 0 : i32
            %dma_wait3A_270 = arith.constant 0 : i32
            %dma_wait3A_271 = tpu.memref_slice %arg16[%dma_wait3A_269, %dma_wait3A_270] : memref<64x128xf32, #tpu.memory_space<vmem>> -> memref<16x128xf32, #tpu.memory_space<vmem>>
            %dma_wait3A_272 = arith.constant 0 : i32
            %dma_wait3A_273 = arith.constant 0 : i32
            %dma_wait3A_274 = tpu.memref_slice %arg6[%dma_wait3A_272, %dma_wait3A_273] : memref<32784x128xf32, #tpu.memory_space<hbm>> -> memref<16x128xf32, #tpu.memory_space<hbm>>
            %dma_wait3A_275 = arith.constant 0 : i32
            %dma_wait3A_276 = arith.constant 0 : i32
            %dma_wait3A_277 = tpu.memref_slice %arg6[%dma_wait3A_275, %dma_wait3A_276] : memref<32784x128xf32, #tpu.memory_space<hbm>> -> memref<16x128xf32, #tpu.memory_space<hbm>>
            %dma_wait3A_278 = arith.constant 0 : i32
            %dma_wait3A_279 = arith.constant 0 : i32
            %dma_wait3A_280 = tpu.memref_slice %arg16[%dma_wait3A_278, %dma_wait3A_279] : memref<64x128xf32, #tpu.memory_space<vmem>> -> memref<16x128xf32, #tpu.memory_space<vmem>>
            tpu.wait_dma2 semaphore(%arg19 : memref<!tpu.dma_semaphore, #tpu.memory_space<semaphore_mem>>) src(%dma_wait3A_280 : memref<16x128xf32, #tpu.memory_space<vmem>>) dst(%dma_wait3A_277 : memref<16x128xf32, #tpu.memory_space<hbm>>)
          }
          %while3A_267 = arith.constant 1 : i32
          scf.for %while3A_268 = %while3A_265 to %while3A_261 step %while3A_267  : i32 {
            %dma_wait3A_269 = arith.constant 0 : i32
            %dma_wait3A_270 = arith.constant 0 : i32
            %dma_wait3A_271 = tpu.memref_slice %arg16[%dma_wait3A_269, %dma_wait3A_270] : memref<64x128xf32, #tpu.memory_space<vmem>> -> memref<16x128xf32, #tpu.memory_space<vmem>>
            %dma_wait3A_272 = arith.constant 0 : i32
            %dma_wait3A_273 = arith.constant 0 : i32
            %dma_wait3A_274 = tpu.memref_slice %arg6[%dma_wait3A_272, %dma_wait3A_273] : memref<32784x128xf32, #tpu.memory_space<hbm>> -> memref<16x128xf32, #tpu.memory_space<hbm>>
            %dma_wait3A_275 = arith.constant 0 : i32
            %dma_wait3A_276 = arith.constant 0 : i32
            %dma_wait3A_277 = tpu.memref_slice %arg6[%dma_wait3A_275, %dma_wait3A_276] : memref<32784x128xf32, #tpu.memory_space<hbm>> -> memref<16x128xf32, #tpu.memory_space<hbm>>
            %dma_wait3A_278 = arith.constant 0 : i32
            %dma_wait3A_279 = arith.constant 0 : i32
            %dma_wait3A_280 = tpu.memref_slice %arg16[%dma_wait3A_278, %dma_wait3A_279] : memref<64x128xf32, #tpu.memory_space<vmem>> -> memref<16x128xf32, #tpu.memory_space<vmem>>
            tpu.wait_dma2 semaphore(%arg19 : memref<!tpu.dma_semaphore, #tpu.memory_space<semaphore_mem>>) src(%dma_wait3A_280 : memref<16x128xf32, #tpu.memory_space<vmem>>) dst(%dma_wait3A_277 : memref<16x128xf32, #tpu.memory_space<hbm>>)
          }
        } else {
        }
      } else {
      }
    }
    %scan3A_169 = arith.constant 31 : i32
    %eq3A_170 = arith.constant 31 : i32
    %eq3A_171 = arith.cmpi eq, %add3A, %eq3A_170 : i32
    %convert_element_type3A = arith.extui %eq3A_171 : i1 to i32
    %cond3A = arith.constant 0 : i32
    %cond3A_172 = arith.cmpi ne, %convert_element_type3A, %cond3A : i32
    scf.if %cond3A_172 {
      %while3A_173 = arith.constant 999936 : i32
      %while3A_174 = arith.constant 64 : i32
      %while3A_175 = arith.constant 0 : i32
      %while3A_176 = arith.constant 0 : i32
      %while3A_177 = arith.subi %neg3A_148, %while3A_175 : i32
      %while3A_178 = arith.addi %while3A_175, %while3A_177 : i32
      %while3A_179 = arith.constant 1 : i32
      %while3A_180 = arith.divsi %while3A_177, %while3A_179 : i32
      %while3A_181 = arith.muli %while3A_180, %while3A_179 : i32
      %while3A_182 = arith.addi %while3A_175, %while3A_181 : i32
      %while3A_183 = arith.constant 1 : i32
      %while3A_184 = scf.for %while3A_227 = %while3A_175 to %while3A_182 step %while3A_183 iter_args(%while3A_228 = %while3A_176) -> (i32)  : i32 {
        %mul3A_229 = arith.constant 16 : i32
        %mul3A_230 = arith.muli %while3A_227, %mul3A_229 : i32
        %get3A = arith.index_cast %mul3A_230 : i32 to index
        %get3A_231 = tpu.vector_load %arg12[%get3A] {strides = array<i32>} : memref<4112xi32, #tpu.memory_space<vmem>>, vector<16xi32>,
        %mul3A_232 = arith.constant 16 : i32
        %mul3A_233 = arith.muli %while3A_227, %mul3A_232 : i32
        %get3A_234 = arith.index_cast %mul3A_233 : i32 to index
        %get3A_235 = tpu.vector_load %arg13[%get3A_234] {strides = array<i32>} : memref<4112xi32, #tpu.memory_space<vmem>>, vector<16xi32>,
        %ge3A = vector.broadcast %while3A_173 : i32 to vector<16xi32>
        %ge3A_236 = arith.cmpi sge, %get3A_231, %ge3A : vector<16xi32>
        %add3A_237 = arith.addi %while3A_173, %while3A_174 : i32
        %lt3A = vector.broadcast %add3A_237 : i32 to vector<16xi32>
        %lt3A_238 = arith.cmpi slt, %get3A_231, %lt3A : vector<16xi32>
        %and3A_239 = arith.andi %ge3A_236, %lt3A_238 : vector<16xi1>
        %convert_element_type3A_240 = arith.extui %and3A_239 : vector<16xi1> to vector<16xi32>
        %cumsum3A = arith.constant true
        %cumsum3A_241 = vector.broadcast %cumsum3A : i1 to vector<16xi1>
        %cumsum3A_242 = tpu.scan <sum>, %convert_element_type3A_240 masked %cumsum3A_241 : vector<16xi32>, vector<16xi1> -> vector<16xi32>
        %add3A_243 = vector.broadcast %while3A_228 : i32 to vector<16xi32>
        %add3A_244 = arith.addi %add3A_243, %cumsum3A_242 : vector<16xi32>
        %sub3A_245 = arith.constant 1 : i32
        %sub3A_246 = vector.broadcast %sub3A_245 : i32 to vector<16xi32>
        %sub3A_247 = arith.subi %add3A_244, %sub3A_246 : vector<16xi32>
        %sub3A_248 = vector.broadcast %while3A_173 : i32 to vector<16xi32>
        %sub3A_249 = arith.subi %get3A_231, %sub3A_248 : vector<16xi32>
        tpu.vector_store_idx %arg10[%sub3A_247], %sub3A_249 masked %and3A_239 : memref<4112xi32, #tpu.memory_space<vmem>>[vector<16xi32>], vector<16xi32>, vector<16xi1>
        tpu.vector_store_idx %arg11[%sub3A_247], %get3A_235 masked %and3A_239 : memref<4112xi32, #tpu.memory_space<vmem>>[vector<16xi32>], vector<16xi32>, vector<16xi1>
        %slice3A = vector.extract_strided_slice %cumsum3A_242 {offsets = [15], sizes = [1], strides = [1]} : vector<16xi32> to vector<1xi32>
        %squeeze3A = vector.extract %slice3A[0] : i32 from vector<1xi32>
        %add3A_250 = arith.addi %while3A_228, %squeeze3A : i32
        scf.yield %add3A_250 : i32
      }
      %while3A_185 = arith.constant 1 : i32
      %while3A_186 = scf.for %while3A_227 = %while3A_182 to %while3A_178 step %while3A_185 iter_args(%while3A_228 = %while3A_184) -> (i32)  : i32 {
        %mul3A_229 = arith.constant 16 : i32
        %mul3A_230 = arith.muli %while3A_227, %mul3A_229 : i32
        %get3A = arith.index_cast %mul3A_230 : i32 to index
        %get3A_231 = tpu.vector_load %arg12[%get3A] {strides = array<i32>} : memref<4112xi32, #tpu.memory_space<vmem>>, vector<16xi32>,
        %mul3A_232 = arith.constant 16 : i32
        %mul3A_233 = arith.muli %while3A_227, %mul3A_232 : i32
        %get3A_234 = arith.index_cast %mul3A_233 : i32 to index
        %get3A_235 = tpu.vector_load %arg13[%get3A_234] {strides = array<i32>} : memref<4112xi32, #tpu.memory_space<vmem>>, vector<16xi32>,
        %ge3A = vector.broadcast %while3A_173 : i32 to vector<16xi32>
        %ge3A_236 = arith.cmpi sge, %get3A_231, %ge3A : vector<16xi32>
        %add3A_237 = arith.addi %while3A_173, %while3A_174 : i32
        %lt3A = vector.broadcast %add3A_237 : i32 to vector<16xi32>
        %lt3A_238 = arith.cmpi slt, %get3A_231, %lt3A : vector<16xi32>
        %and3A_239 = arith.andi %ge3A_236, %lt3A_238 : vector<16xi1>
        %convert_element_type3A_240 = arith.extui %and3A_239 : vector<16xi1> to vector<16xi32>
        %cumsum3A = arith.constant true
        %cumsum3A_241 = vector.broadcast %cumsum3A : i1 to vector<16xi1>
        %cumsum3A_242 = tpu.scan <sum>, %convert_element_type3A_240 masked %cumsum3A_241 : vector<16xi32>, vector<16xi1> -> vector<16xi32>
        %add3A_243 = vector.broadcast %while3A_228 : i32 to vector<16xi32>
        %add3A_244 = arith.addi %add3A_243, %cumsum3A_242 : vector<16xi32>
        %sub3A_245 = arith.constant 1 : i32
        %sub3A_246 = vector.broadcast %sub3A_245 : i32 to vector<16xi32>
        %sub3A_247 = arith.subi %add3A_244, %sub3A_246 : vector<16xi32>
        %sub3A_248 = vector.broadcast %while3A_173 : i32 to vector<16xi32>
        %sub3A_249 = arith.subi %get3A_231, %sub3A_248 : vector<16xi32>
        tpu.vector_store_idx %arg10[%sub3A_247], %sub3A_249 masked %and3A_239 : memref<4112xi32, #tpu.memory_space<vmem>>[vector<16xi32>], vector<16xi32>, vector<16xi1>
        tpu.vector_store_idx %arg11[%sub3A_247], %get3A_235 masked %and3A_239 : memref<4112xi32, #tpu.memory_space<vmem>>[vector<16xi32>], vector<16xi32>, vector<16xi1>
        %slice3A = vector.extract_strided_slice %cumsum3A_242 {offsets = [15], sizes = [1], strides = [1]} : vector<16xi32> to vector<1xi32>
        %squeeze3A = vector.extract %slice3A[0] : i32 from vector<1xi32>
        %add3A_250 = arith.addi %while3A_228, %squeeze3A : i32
        scf.yield %add3A_250 : i32
      }
      %add3A_187 = arith.constant 32768 : i32
      %add3A_188 = vector.broadcast %add3A_187 : i32 to vector<16xi32>
      %add3A_189 = arith.addi %add3A_188, %iota3A : vector<16xi32>
      %while3A_190 = arith.constant 0 : i32
      %while3A_191 = arith.subi %while3A_186, %while3A_190 : i32
      %while3A_192 = arith.addi %while3A_190, %while3A_191 : i32
      %while3A_193 = arith.constant 1 : i32
      %while3A_194 = arith.divsi %while3A_191, %while3A_193 : i32
      %while3A_195 = arith.muli %while3A_194, %while3A_193 : i32
      %while3A_196 = arith.addi %while3A_190, %while3A_195 : i32
      %while3A_197 = arith.constant 1 : i32
      %while3A_198 = scf.for %while3A_227 = %while3A_190 to %while3A_196 step %while3A_197 iter_args(%while3A_228 = %add3A_189) -> (vector<16xi32>)  : i32 {
        %rem3A_229 = arith.constant 16 : i32
        %rem3A_230 = arith.remsi %while3A_227, %rem3A_229 : i32
        %div3A_231 = arith.constant 16 : i32
        %div3A_232 = arith.divsi %while3A_227, %div3A_231 : i32
        %rem3A_233 = arith.constant 4 : i32
        %rem3A_234 = arith.remsi %div3A_232, %rem3A_233 : i32
        %get3A = arith.index_cast %while3A_227 : i32 to index
        %get3A_235 = tpu.vector_load %arg10[%get3A] {strides = array<i32>} : memref<4112xi32, #tpu.memory_space<vmem>>, vector<16xi32>,
        %slice3A = vector.extract_strided_slice %get3A_235 {offsets = [0], sizes = [1], strides = [1]} : vector<16xi32> to vector<1xi32>
        %squeeze3A = vector.extract %slice3A[0] : i32 from vector<1xi32>
        %get3A_236 = arith.index_cast %while3A_227 : i32 to index
        %get3A_237 = tpu.vector_load %arg11[%get3A_236] {strides = array<i32>} : memref<4112xi32, #tpu.memory_space<vmem>>, vector<16xi32>,
        %slice3A_238 = vector.extract_strided_slice %get3A_237 {offsets = [0], sizes = [1], strides = [1]} : vector<16xi32> to vector<1xi32>
        %squeeze3A_239 = vector.extract %slice3A_238[0] : i32 from vector<1xi32>
        %mul3A_240 = arith.constant 16 : i32
        %mul3A_241 = arith.muli %rem3A_234, %mul3A_240 : i32
        %add3A_242 = arith.addi %mul3A_241, %rem3A_230 : i32
        %add3A_243 = arith.constant 0 : i32
        %add3A_244 = vector.broadcast %add3A_243 : i32 to vector<16xi32>
        %add3A_245 = arith.addi %add3A_244, %iota3A : vector<16xi32>
        %broadcast_in_dim3A_246 = vector.broadcast %squeeze3A : i32 to vector<16xi32>
        %gather3A = tpu.vector_load_idx %arg15[%add3A_245, %broadcast_in_dim3A_246] : memref<64x128xf32, #tpu.memory_space<vmem>>[vector<16xi32>, vector<16xi32>], vector<16xf32>,
        %swap3A = arith.index_cast %add3A_242 : i32 to index
        %swap3A_247 = arith.constant 0 : index
        %swap3A_248 = tpu.vector_load %arg16[%swap3A, %swap3A_247] {strides = array<i32>} : memref<64x128xf32, #tpu.memory_space<vmem>>, vector<16xf32>,
        tpu.vector_store %arg16[%swap3A, %swap3A_247], %gather3A {strides = array<i32>} : memref<64x128xf32, #tpu.memory_space<vmem>>, vector<16xf32>,
        %add3A_249 = arith.constant 16 : i32
        %add3A_250 = vector.broadcast %add3A_249 : i32 to vector<16xi32>
        %add3A_251 = arith.addi %add3A_250, %iota3A : vector<16xi32>
        %broadcast_in_dim3A_252 = vector.broadcast %squeeze3A : i32 to vector<16xi32>
        %gather3A_253 = tpu.vector_load_idx %arg15[%add3A_251, %broadcast_in_dim3A_252] : memref<64x128xf32, #tpu.memory_space<vmem>>[vector<16xi32>, vector<16xi32>], vector<16xf32>,
        %swap3A_254 = arith.index_cast %add3A_242 : i32 to index
        %swap3A_255 = arith.constant 16 : index
        %swap3A_256 = tpu.vector_load %arg16[%swap3A_254, %swap3A_255] {strides = array<i32>} : memref<64x128xf32, #tpu.memory_space<vmem>>, vector<16xf32>,
        tpu.vector_store %arg16[%swap3A_254, %swap3A_255], %gather3A_253 {strides = array<i32>} : memref<64x128xf32, #tpu.memory_space<vmem>>, vector<16xf32>,
        %add3A_257 = arith.constant 32 : i32
        %add3A_258 = vector.broadcast %add3A_257 : i32 to vector<16xi32>
        %add3A_259 = arith.addi %add3A_258, %iota3A : vector<16xi32>
        %broadcast_in_dim3A_260 = vector.broadcast %squeeze3A : i32 to vector<16xi32>
        %gather3A_261 = tpu.vector_load_idx %arg15[%add3A_259, %broadcast_in_dim3A_260] : memref<64x128xf32, #tpu.memory_space<vmem>>[vector<16xi32>, vector<16xi32>], vector<16xf32>,
        %swap3A_262 = arith.index_cast %add3A_242 : i32 to index
        %swap3A_263 = arith.constant 32 : index
        %swap3A_264 = tpu.vector_load %arg16[%swap3A_262, %swap3A_263] {strides = array<i32>} : memref<64x128xf32, #tpu.memory_space<vmem>>, vector<16xf32>,
        tpu.vector_store %arg16[%swap3A_262, %swap3A_263], %gather3A_261 {strides = array<i32>} : memref<64x128xf32, #tpu.memory_space<vmem>>, vector<16xf32>,
        %add3A_265 = arith.constant 48 : i32
        %add3A_266 = vector.broadcast %add3A_265 : i32 to vector<16xi32>
        %add3A_267 = arith.addi %add3A_266, %iota3A : vector<16xi32>
        %broadcast_in_dim3A_268 = vector.broadcast %squeeze3A : i32 to vector<16xi32>
        %gather3A_269 = tpu.vector_load_idx %arg15[%add3A_267, %broadcast_in_dim3A_268] : memref<64x128xf32, #tpu.memory_space<vmem>>[vector<16xi32>, vector<16xi32>], vector<16xf32>,
        %swap3A_270 = arith.index_cast %add3A_242 : i32 to index
        %swap3A_271 = arith.constant 48 : index
        %swap3A_272 = tpu.vector_load %arg16[%swap3A_270, %swap3A_271] {strides = array<i32>} : memref<64x128xf32, #tpu.memory_space<vmem>>, vector<16xf32>,
        tpu.vector_store %arg16[%swap3A_270, %swap3A_271], %gather3A_269 {strides = array<i32>} : memref<64x128xf32, #tpu.memory_space<vmem>>, vector<16xf32>,
        %eq3A_273 = vector.broadcast %rem3A_230 : i32 to vector<16xi32>
        %eq3A_274 = arith.cmpi eq, %iota3A, %eq3A_273 : vector<16xi32>
        %broadcast_in_dim3A_275 = vector.broadcast %squeeze3A_239 : i32 to vector<16xi32>
        %select_n3A_276 = arith.select %eq3A_274, %broadcast_in_dim3A_275, %while3A_228 : vector<16xi1>, vector<16xi32>
        %eq3A_277 = arith.constant 15 : i32
        %eq3A_278 = arith.cmpi eq, %rem3A_230, %eq3A_277 : i32
        %convert_element_type3A_279 = arith.extui %eq3A_278 : i1 to i32
        %cond3A_280 = arith.constant 0 : i32
        %cond3A_281 = arith.cmpi ne, %convert_element_type3A_279, %cond3A_280 : i32
        scf.if %cond3A_281 {
          %mul3A_288 = arith.constant 16 : i32
          %mul3A_289 = arith.muli %rem3A_234, %mul3A_288 : i32
          %dma_start3A_290 = arith.constant 0 : i32
          %dma_start3A_291 = tpu.memref_slice %arg16[%mul3A_289, %dma_start3A_290] : memref<64x128xf32, #tpu.memory_space<vmem>> -> memref<16x128xf32, #tpu.memory_space<vmem>>
          %dma_start3A_292 = arith.constant 0 : i32
          %dma_start3A_293 = arith.constant 0 : i32
          %dma_start3A_294 = tpu.memref_slice %arg6[%dma_start3A_292, %dma_start3A_293] : memref<32784x128xf32, #tpu.memory_space<hbm>> -> memref<32784x128xf32, #tpu.memory_space<hbm>>
          tpu.enqueue_indirect_dma source(%dma_start3A_291 : memref<16x128xf32, #tpu.memory_space<vmem>>) target(%dma_start3A_294 : memref<32784x128xf32, #tpu.memory_space<hbm>>) offsets(%select_n3A_276 : vector<16xi32>) semaphore(%arg19 : memref<!tpu.dma_semaphore, #tpu.memory_space<semaphore_mem>>)
        } else {
        }
        %eq3A_282 = arith.constant 15 : i32
        %eq3A_283 = arith.cmpi eq, %rem3A_230, %eq3A_282 : i32
        %add3A_284 = arith.constant 32768 : i32
        %add3A_285 = vector.broadcast %add3A_284 : i32 to vector<16xi32>
        %add3A_286 = arith.addi %add3A_285, %iota3A : vector<16xi32>
        %select_n3A_287 = arith.select %eq3A_283, %add3A_286, %select_n3A_276 : vector<16xi32>
        scf.yield %select_n3A_287 : vector<16xi32>
      }
      %while3A_199 = arith.constant 1 : i32
      %while3A_200 = scf.for %while3A_227 = %while3A_196 to %while3A_192 step %while3A_199 iter_args(%while3A_228 = %while3A_198) -> (vector<16xi32>)  : i32 {
        %rem3A_229 = arith.constant 16 : i32
        %rem3A_230 = arith.remsi %while3A_227, %rem3A_229 : i32
        %div3A_231 = arith.constant 16 : i32
        %div3A_232 = arith.divsi %while3A_227, %div3A_231 : i32
        %rem3A_233 = arith.constant 4 : i32
        %rem3A_234 = arith.remsi %div3A_232, %rem3A_233 : i32
        %get3A = arith.index_cast %while3A_227 : i32 to index
        %get3A_235 = tpu.vector_load %arg10[%get3A] {strides = array<i32>} : memref<4112xi32, #tpu.memory_space<vmem>>, vector<16xi32>,
        %slice3A = vector.extract_strided_slice %get3A_235 {offsets = [0], sizes = [1], strides = [1]} : vector<16xi32> to vector<1xi32>
        %squeeze3A = vector.extract %slice3A[0] : i32 from vector<1xi32>
        %get3A_236 = arith.index_cast %while3A_227 : i32 to index
        %get3A_237 = tpu.vector_load %arg11[%get3A_236] {strides = array<i32>} : memref<4112xi32, #tpu.memory_space<vmem>>, vector<16xi32>,
        %slice3A_238 = vector.extract_strided_slice %get3A_237 {offsets = [0], sizes = [1], strides = [1]} : vector<16xi32> to vector<1xi32>
        %squeeze3A_239 = vector.extract %slice3A_238[0] : i32 from vector<1xi32>
        %mul3A_240 = arith.constant 16 : i32
        %mul3A_241 = arith.muli %rem3A_234, %mul3A_240 : i32
        %add3A_242 = arith.addi %mul3A_241, %rem3A_230 : i32
        %add3A_243 = arith.constant 0 : i32
        %add3A_244 = vector.broadcast %add3A_243 : i32 to vector<16xi32>
        %add3A_245 = arith.addi %add3A_244, %iota3A : vector<16xi32>
        %broadcast_in_dim3A_246 = vector.broadcast %squeeze3A : i32 to vector<16xi32>
        %gather3A = tpu.vector_load_idx %arg15[%add3A_245, %broadcast_in_dim3A_246] : memref<64x128xf32, #tpu.memory_space<vmem>>[vector<16xi32>, vector<16xi32>], vector<16xf32>,
        %swap3A = arith.index_cast %add3A_242 : i32 to index
        %swap3A_247 = arith.constant 0 : index
        %swap3A_248 = tpu.vector_load %arg16[%swap3A, %swap3A_247] {strides = array<i32>} : memref<64x128xf32, #tpu.memory_space<vmem>>, vector<16xf32>,
        tpu.vector_store %arg16[%swap3A, %swap3A_247], %gather3A {strides = array<i32>} : memref<64x128xf32, #tpu.memory_space<vmem>>, vector<16xf32>,
        %add3A_249 = arith.constant 16 : i32
        %add3A_250 = vector.broadcast %add3A_249 : i32 to vector<16xi32>
        %add3A_251 = arith.addi %add3A_250, %iota3A : vector<16xi32>
        %broadcast_in_dim3A_252 = vector.broadcast %squeeze3A : i32 to vector<16xi32>
        %gather3A_253 = tpu.vector_load_idx %arg15[%add3A_251, %broadcast_in_dim3A_252] : memref<64x128xf32, #tpu.memory_space<vmem>>[vector<16xi32>, vector<16xi32>], vector<16xf32>,
        %swap3A_254 = arith.index_cast %add3A_242 : i32 to index
        %swap3A_255 = arith.constant 16 : index
        %swap3A_256 = tpu.vector_load %arg16[%swap3A_254, %swap3A_255] {strides = array<i32>} : memref<64x128xf32, #tpu.memory_space<vmem>>, vector<16xf32>,
        tpu.vector_store %arg16[%swap3A_254, %swap3A_255], %gather3A_253 {strides = array<i32>} : memref<64x128xf32, #tpu.memory_space<vmem>>, vector<16xf32>,
        %add3A_257 = arith.constant 32 : i32
        %add3A_258 = vector.broadcast %add3A_257 : i32 to vector<16xi32>
        %add3A_259 = arith.addi %add3A_258, %iota3A : vector<16xi32>
        %broadcast_in_dim3A_260 = vector.broadcast %squeeze3A : i32 to vector<16xi32>
        %gather3A_261 = tpu.vector_load_idx %arg15[%add3A_259, %broadcast_in_dim3A_260] : memref<64x128xf32, #tpu.memory_space<vmem>>[vector<16xi32>, vector<16xi32>], vector<16xf32>,
        %swap3A_262 = arith.index_cast %add3A_242 : i32 to index
        %swap3A_263 = arith.constant 32 : index
        %swap3A_264 = tpu.vector_load %arg16[%swap3A_262, %swap3A_263] {strides = array<i32>} : memref<64x128xf32, #tpu.memory_space<vmem>>, vector<16xf32>,
        tpu.vector_store %arg16[%swap3A_262, %swap3A_263], %gather3A_261 {strides = array<i32>} : memref<64x128xf32, #tpu.memory_space<vmem>>, vector<16xf32>,
        %add3A_265 = arith.constant 48 : i32
        %add3A_266 = vector.broadcast %add3A_265 : i32 to vector<16xi32>
        %add3A_267 = arith.addi %add3A_266, %iota3A : vector<16xi32>
        %broadcast_in_dim3A_268 = vector.broadcast %squeeze3A : i32 to vector<16xi32>
        %gather3A_269 = tpu.vector_load_idx %arg15[%add3A_267, %broadcast_in_dim3A_268] : memref<64x128xf32, #tpu.memory_space<vmem>>[vector<16xi32>, vector<16xi32>], vector<16xf32>,
        %swap3A_270 = arith.index_cast %add3A_242 : i32 to index
        %swap3A_271 = arith.constant 48 : index
        %swap3A_272 = tpu.vector_load %arg16[%swap3A_270, %swap3A_271] {strides = array<i32>} : memref<64x128xf32, #tpu.memory_space<vmem>>, vector<16xf32>,
        tpu.vector_store %arg16[%swap3A_270, %swap3A_271], %gather3A_269 {strides = array<i32>} : memref<64x128xf32, #tpu.memory_space<vmem>>, vector<16xf32>,
        %eq3A_273 = vector.broadcast %rem3A_230 : i32 to vector<16xi32>
        %eq3A_274 = arith.cmpi eq, %iota3A, %eq3A_273 : vector<16xi32>
        %broadcast_in_dim3A_275 = vector.broadcast %squeeze3A_239 : i32 to vector<16xi32>
        %select_n3A_276 = arith.select %eq3A_274, %broadcast_in_dim3A_275, %while3A_228 : vector<16xi1>, vector<16xi32>
        %eq3A_277 = arith.constant 15 : i32
        %eq3A_278 = arith.cmpi eq, %rem3A_230, %eq3A_277 : i32
        %convert_element_type3A_279 = arith.extui %eq3A_278 : i1 to i32
        %cond3A_280 = arith.constant 0 : i32
        %cond3A_281 = arith.cmpi ne, %convert_element_type3A_279, %cond3A_280 : i32
        scf.if %cond3A_281 {
          %mul3A_288 = arith.constant 16 : i32
          %mul3A_289 = arith.muli %rem3A_234, %mul3A_288 : i32
          %dma_start3A_290 = arith.constant 0 : i32
          %dma_start3A_291 = tpu.memref_slice %arg16[%mul3A_289, %dma_start3A_290] : memref<64x128xf32, #tpu.memory_space<vmem>> -> memref<16x128xf32, #tpu.memory_space<vmem>>
          %dma_start3A_292 = arith.constant 0 : i32
          %dma_start3A_293 = arith.constant 0 : i32
          %dma_start3A_294 = tpu.memref_slice %arg6[%dma_start3A_292, %dma_start3A_293] : memref<32784x128xf32, #tpu.memory_space<hbm>> -> memref<32784x128xf32, #tpu.memory_space<hbm>>
          tpu.enqueue_indirect_dma source(%dma_start3A_291 : memref<16x128xf32, #tpu.memory_space<vmem>>) target(%dma_start3A_294 : memref<32784x128xf32, #tpu.memory_space<hbm>>) offsets(%select_n3A_276 : vector<16xi32>) semaphore(%arg19 : memref<!tpu.dma_semaphore, #tpu.memory_space<semaphore_mem>>)
        } else {
        }
        %eq3A_282 = arith.constant 15 : i32
        %eq3A_283 = arith.cmpi eq, %rem3A_230, %eq3A_282 : i32
        %add3A_284 = arith.constant 32768 : i32
        %add3A_285 = vector.broadcast %add3A_284 : i32 to vector<16xi32>
        %add3A_286 = arith.addi %add3A_285, %iota3A : vector<16xi32>
        %select_n3A_287 = arith.select %eq3A_283, %add3A_286, %select_n3A_276 : vector<16xi32>
        scf.yield %select_n3A_287 : vector<16xi32>
      }
      %div3A_201 = arith.constant 16 : i32
      %div3A_202 = arith.divsi %while3A_186, %div3A_201 : i32
      %rem3A_203 = arith.constant 16 : i32
      %rem3A_204 = arith.remsi %while3A_186, %rem3A_203 : i32
      %gt3A = arith.constant 0 : i32
      %gt3A_205 = arith.cmpi sgt, %rem3A_204, %gt3A : i32
      %convert_element_type3A_206 = arith.extui %gt3A_205 : i1 to i32
      %cond3A_207 = arith.constant 0 : i32
      %cond3A_208 = arith.cmpi ne, %convert_element_type3A_206, %cond3A_207 : i32
      scf.if %cond3A_208 {
        %rem3A_227 = arith.constant 4 : i32
        %rem3A_228 = arith.remsi %div3A_202, %rem3A_227 : i32
        %mul3A_229 = arith.constant 16 : i32
        %mul3A_230 = arith.muli %rem3A_228, %mul3A_229 : i32
        %dma_start3A_231 = arith.constant 0 : i32
        %dma_start3A_232 = tpu.memref_slice %arg16[%mul3A_230, %dma_start3A_231] : memref<64x128xf32, #tpu.memory_space<vmem>> -> memref<16x128xf32, #tpu.memory_space<vmem>>
        %dma_start3A_233 = arith.constant 0 : i32
        %dma_start3A_234 = arith.constant 0 : i32
        %dma_start3A_235 = tpu.memref_slice %arg6[%dma_start3A_233, %dma_start3A_234] : memref<32784x128xf32, #tpu.memory_space<hbm>> -> memref<32784x128xf32, #tpu.memory_space<hbm>>
        tpu.enqueue_indirect_dma source(%dma_start3A_232 : memref<16x128xf32, #tpu.memory_space<vmem>>) target(%dma_start3A_235 : memref<32784x128xf32, #tpu.memory_space<hbm>>) offsets(%while3A_200 : vector<16xi32>) semaphore(%arg19 : memref<!tpu.dma_semaphore, #tpu.memory_space<semaphore_mem>>)
      } else {
      }
      %gt3A_209 = arith.constant 0 : i32
      %gt3A_210 = arith.cmpi sgt, %rem3A_204, %gt3A_209 : i32
      %jit3A_211 = arith.constant 1 : i32
      %jit3A_212 = arith.constant 0 : i32
      %select_n3A_213 = arith.select %gt3A_210, %jit3A_211, %jit3A_212 : i32
      %add3A_214 = arith.addi %div3A_202, %select_n3A_213 : i32
      %min3A_215 = arith.constant 4 : i32
      %min3A_216 = arith.minsi %add3A_214, %min3A_215 : i32
      %while3A_217 = arith.constant 0 : i32
      %while3A_218 = arith.constant 0 : i32
      %while3A_219 = arith.subi %min3A_216, %while3A_218 : i32
      %while3A_220 = arith.addi %while3A_218, %while3A_219 : i32
      %while3A_221 = arith.constant 1 : i32
      %while3A_222 = arith.divsi %while3A_219, %while3A_221 : i32
      %while3A_223 = arith.muli %while3A_222, %while3A_221 : i32
      %while3A_224 = arith.addi %while3A_218, %while3A_223 : i32
      %while3A_225 = arith.constant 1 : i32
      scf.for %while3A_227 = %while3A_218 to %while3A_224 step %while3A_225  : i32 {
        %dma_wait3A = arith.constant 0 : i32
        %dma_wait3A_228 = arith.constant 0 : i32
        %dma_wait3A_229 = tpu.memref_slice %arg16[%dma_wait3A, %dma_wait3A_228] : memref<64x128xf32, #tpu.memory_space<vmem>> -> memref<16x128xf32, #tpu.memory_space<vmem>>
        %dma_wait3A_230 = arith.constant 0 : i32
        %dma_wait3A_231 = arith.constant 0 : i32
        %dma_wait3A_232 = tpu.memref_slice %arg6[%dma_wait3A_230, %dma_wait3A_231] : memref<32784x128xf32, #tpu.memory_space<hbm>> -> memref<16x128xf32, #tpu.memory_space<hbm>>
        %dma_wait3A_233 = arith.constant 0 : i32
        %dma_wait3A_234 = arith.constant 0 : i32
        %dma_wait3A_235 = tpu.memref_slice %arg6[%dma_wait3A_233, %dma_wait3A_234] : memref<32784x128xf32, #tpu.memory_space<hbm>> -> memref<16x128xf32, #tpu.memory_space<hbm>>
        %dma_wait3A_236 = arith.constant 0 : i32
        %dma_wait3A_237 = arith.constant 0 : i32
        %dma_wait3A_238 = tpu.memref_slice %arg16[%dma_wait3A_236, %dma_wait3A_237] : memref<64x128xf32, #tpu.memory_space<vmem>> -> memref<16x128xf32, #tpu.memory_space<vmem>>
        tpu.wait_dma2 semaphore(%arg19 : memref<!tpu.dma_semaphore, #tpu.memory_space<semaphore_mem>>) src(%dma_wait3A_238 : memref<16x128xf32, #tpu.memory_space<vmem>>) dst(%dma_wait3A_235 : memref<16x128xf32, #tpu.memory_space<hbm>>)
      }
      %while3A_226 = arith.constant 1 : i32
      scf.for %while3A_227 = %while3A_224 to %while3A_220 step %while3A_226  : i32 {
        %dma_wait3A = arith.constant 0 : i32
        %dma_wait3A_228 = arith.constant 0 : i32
        %dma_wait3A_229 = tpu.memref_slice %arg16[%dma_wait3A, %dma_wait3A_228] : memref<64x128xf32, #tpu.memory_space<vmem>> -> memref<16x128xf32, #tpu.memory_space<vmem>>
        %dma_wait3A_230 = arith.constant 0 : i32
        %dma_wait3A_231 = arith.constant 0 : i32
        %dma_wait3A_232 = tpu.memref_slice %arg6[%dma_wait3A_230, %dma_wait3A_231] : memref<32784x128xf32, #tpu.memory_space<hbm>> -> memref<16x128xf32, #tpu.memory_space<hbm>>
        %dma_wait3A_233 = arith.constant 0 : i32
        %dma_wait3A_234 = arith.constant 0 : i32
        %dma_wait3A_235 = tpu.memref_slice %arg6[%dma_wait3A_233, %dma_wait3A_234] : memref<32784x128xf32, #tpu.memory_space<hbm>> -> memref<16x128xf32, #tpu.memory_space<hbm>>
        %dma_wait3A_236 = arith.constant 0 : i32
        %dma_wait3A_237 = arith.constant 0 : i32
        %dma_wait3A_238 = tpu.memref_slice %arg16[%dma_wait3A_236, %dma_wait3A_237] : memref<64x128xf32, #tpu.memory_space<vmem>> -> memref<16x128xf32, #tpu.memory_space<vmem>>
        tpu.wait_dma2 semaphore(%arg19 : memref<!tpu.dma_semaphore, #tpu.memory_space<semaphore_mem>>) src(%dma_wait3A_238 : memref<16x128xf32, #tpu.memory_space<vmem>>) dst(%dma_wait3A_235 : memref<16x128xf32, #tpu.memory_space<hbm>>)
      }
    } else {
    }
    return
  }
}

#map = affine_map<(d0, d1) -> (0, 0)>
#map1 = affine_map<(d0, d1) -> (0)>
module attributes {stable_mosaic.version = 14 : i64} {
  func.func @_dot_sc(%arg0: i32, %arg1: i32, %arg2: memref<32784x128xf32, #tpu.memory_space<hbm>>, %arg3: memref<16384xf32, #tpu.memory_space<hbm>>, %arg4: memref<128x128xf32, #tpu.memory_space<vmem>>, %arg5: memref<128x128xf32, #tpu.memory_space<vmem>>, %arg6: memref<512xf32, #tpu.memory_space<vmem>>, %arg7: memref<!tpu.dma_semaphore, #tpu.memory_space<semaphore_mem>>) attributes {dimension_semantics = [#tpu.dimension_semantics<core_parallel>, #tpu.dimension_semantics<subcore_parallel>], iteration_bounds = array<i64: 2, 16>, scalar_prefetch = 0 : i64, scratch_operands = 4 : i64, tpu.core_type = #tpu.core_type<sc_vector_subcore>, window_params = [{transform_indices = #map}, {transform_indices = #map1}]} {
    %mul3A = arith.constant 2 : i32
    %mul3A_0 = arith.muli %arg1, %mul3A : i32
    %add3A = arith.addi %mul3A_0, %arg0 : i32
    %mul3A_1 = arith.constant 512 : i32
    %mul3A_2 = arith.muli %add3A, %mul3A_1 : i32
    %iota3A = tpu.iota {dimensions = array<i32: 0>} : vector<16xi32>
    %scan3A = arith.constant 0 : i32
    %scan3A_3 = arith.constant 0 : i32
    %scan3A_4 = arith.constant 4 : i32
    %scan3A_5 = arith.addi %scan3A_3, %scan3A_4 : i32
    %scan3A_6 = arith.constant 1 : i32
    scf.for %scan3A_8 = %scan3A_3 to %scan3A_5 step %scan3A_6  : i32 {
      %mul3A_9 = arith.constant 128 : i32
      %mul3A_10 = arith.muli %scan3A_8, %mul3A_9 : i32
      %add3A_11 = arith.addi %mul3A_2, %mul3A_10 : i32
      %dma_start3A = arith.constant 0 : i32
      %dma_start3A_12 = tpu.memref_slice %arg2[%add3A_11, %dma_start3A] : memref<32784x128xf32, #tpu.memory_space<hbm>> -> memref<128x128xf32, #tpu.memory_space<hbm>>
      %dma_start3A_13 = arith.constant 0 : i32
      %dma_start3A_14 = tpu.memref_slice %arg2[%add3A_11, %dma_start3A_13] : memref<32784x128xf32, #tpu.memory_space<hbm>> -> memref<128x128xf32, #tpu.memory_space<hbm>>
      tpu.enqueue_dma source(%dma_start3A_14 : memref<128x128xf32, #tpu.memory_space<hbm>>) target(%arg4 : memref<128x128xf32, #tpu.memory_space<vmem>>) target_semaphore(%arg7 : memref<!tpu.dma_semaphore, #tpu.memory_space<semaphore_mem>>)
      %add3A_15 = arith.constant 16384 : i32
      %add3A_16 = arith.addi %add3A_15, %mul3A_2 : i32
      %mul3A_17 = arith.constant 128 : i32
      %mul3A_18 = arith.muli %scan3A_8, %mul3A_17 : i32
      %add3A_19 = arith.addi %add3A_16, %mul3A_18 : i32
      %dma_start3A_20 = arith.constant 0 : i32
      %dma_start3A_21 = tpu.memref_slice %arg2[%add3A_19, %dma_start3A_20] : memref<32784x128xf32, #tpu.memory_space<hbm>> -> memref<128x128xf32, #tpu.memory_space<hbm>>
      %dma_start3A_22 = arith.constant 0 : i32
      %dma_start3A_23 = tpu.memref_slice %arg2[%add3A_19, %dma_start3A_22] : memref<32784x128xf32, #tpu.memory_space<hbm>> -> memref<128x128xf32, #tpu.memory_space<hbm>>
      tpu.enqueue_dma source(%dma_start3A_23 : memref<128x128xf32, #tpu.memory_space<hbm>>) target(%arg5 : memref<128x128xf32, #tpu.memory_space<vmem>>) target_semaphore(%arg7 : memref<!tpu.dma_semaphore, #tpu.memory_space<semaphore_mem>>)
      %dma_wait3A = arith.constant 0 : i32
      %dma_wait3A_24 = tpu.memref_slice %arg2[%add3A_11, %dma_wait3A] : memref<32784x128xf32, #tpu.memory_space<hbm>> -> memref<128x128xf32, #tpu.memory_space<hbm>>
      %dma_wait3A_25 = arith.constant 0 : i32
      %dma_wait3A_26 = tpu.memref_slice %arg2[%add3A_11, %dma_wait3A_25] : memref<32784x128xf32, #tpu.memory_space<hbm>> -> memref<128x128xf32, #tpu.memory_space<hbm>>
      tpu.wait_dma2 semaphore(%arg7 : memref<!tpu.dma_semaphore, #tpu.memory_space<semaphore_mem>>) src(%dma_wait3A_26 : memref<128x128xf32, #tpu.memory_space<hbm>>) dst(%arg4 : memref<128x128xf32, #tpu.memory_space<vmem>>)
      %dma_wait3A_27 = arith.constant 0 : i32
      %dma_wait3A_28 = tpu.memref_slice %arg2[%add3A_19, %dma_wait3A_27] : memref<32784x128xf32, #tpu.memory_space<hbm>> -> memref<128x128xf32, #tpu.memory_space<hbm>>
      %dma_wait3A_29 = arith.constant 0 : i32
      %dma_wait3A_30 = tpu.memref_slice %arg2[%add3A_19, %dma_wait3A_29] : memref<32784x128xf32, #tpu.memory_space<hbm>> -> memref<128x128xf32, #tpu.memory_space<hbm>>
      tpu.wait_dma2 semaphore(%arg7 : memref<!tpu.dma_semaphore, #tpu.memory_space<semaphore_mem>>) src(%dma_wait3A_30 : memref<128x128xf32, #tpu.memory_space<hbm>>) dst(%arg5 : memref<128x128xf32, #tpu.memory_space<vmem>>)
      %scan3A_31 = arith.constant 0 : i32
      %scan3A_32 = arith.constant 0 : i32
      %scan3A_33 = arith.constant 8 : i32
      %scan3A_34 = arith.addi %scan3A_32, %scan3A_33 : i32
      %scan3A_35 = arith.constant 1 : i32
      scf.for %scan3A_37 = %scan3A_32 to %scan3A_34 step %scan3A_35  : i32 {
        %broadcast_in_dim3A = arith.constant 0.000000e+00 : f32
        %broadcast_in_dim3A_38 = vector.broadcast %broadcast_in_dim3A : f32 to vector<16xf32>
        %mul3A_39 = arith.constant 16 : i32
        %mul3A_40 = arith.muli %scan3A_37, %mul3A_39 : i32
        %add3A_41 = arith.constant 0 : i32
        %add3A_42 = arith.addi %mul3A_40, %add3A_41 : i32
        %get3A = arith.index_cast %add3A_42 : i32 to index
        %get3A_43 = arith.constant 0 : index
        %get3A_44 = tpu.vector_load %arg4[%get3A, %get3A_43] {strides = array<i32>} : memref<128x128xf32, #tpu.memory_space<vmem>>, vector<16xf32>,
        %get3A_45 = arith.index_cast %add3A_42 : i32 to index
        %get3A_46 = arith.constant 0 : index
        %get3A_47 = tpu.vector_load %arg5[%get3A_45, %get3A_46] {strides = array<i32>} : memref<128x128xf32, #tpu.memory_space<vmem>>, vector<16xf32>,
        %mul3A_48 = arith.mulf %get3A_44, %get3A_47 : vector<16xf32>
        %get3A_49 = arith.index_cast %add3A_42 : i32 to index
        %get3A_50 = arith.constant 16 : index
        %get3A_51 = tpu.vector_load %arg4[%get3A_49, %get3A_50] {strides = array<i32>} : memref<128x128xf32, #tpu.memory_space<vmem>>, vector<16xf32>,
        %get3A_52 = arith.index_cast %add3A_42 : i32 to index
        %get3A_53 = arith.constant 16 : index
        %get3A_54 = tpu.vector_load %arg5[%get3A_52, %get3A_53] {strides = array<i32>} : memref<128x128xf32, #tpu.memory_space<vmem>>, vector<16xf32>,
        %mul3A_55 = arith.mulf %get3A_51, %get3A_54 : vector<16xf32>
        %add3A_56 = arith.addf %mul3A_48, %mul3A_55 : vector<16xf32>
        %get3A_57 = arith.index_cast %add3A_42 : i32 to index
        %get3A_58 = arith.constant 32 : index
        %get3A_59 = tpu.vector_load %arg4[%get3A_57, %get3A_58] {strides = array<i32>} : memref<128x128xf32, #tpu.memory_space<vmem>>, vector<16xf32>,
        %get3A_60 = arith.index_cast %add3A_42 : i32 to index
        %get3A_61 = arith.constant 32 : index
        %get3A_62 = tpu.vector_load %arg5[%get3A_60, %get3A_61] {strides = array<i32>} : memref<128x128xf32, #tpu.memory_space<vmem>>, vector<16xf32>,
        %mul3A_63 = arith.mulf %get3A_59, %get3A_62 : vector<16xf32>
        %add3A_64 = arith.addf %add3A_56, %mul3A_63 : vector<16xf32>
        %get3A_65 = arith.index_cast %add3A_42 : i32 to index
        %get3A_66 = arith.constant 48 : index
        %get3A_67 = tpu.vector_load %arg4[%get3A_65, %get3A_66] {strides = array<i32>} : memref<128x128xf32, #tpu.memory_space<vmem>>, vector<16xf32>,
        %get3A_68 = arith.index_cast %add3A_42 : i32 to index
        %get3A_69 = arith.constant 48 : index
        %get3A_70 = tpu.vector_load %arg5[%get3A_68, %get3A_69] {strides = array<i32>} : memref<128x128xf32, #tpu.memory_space<vmem>>, vector<16xf32>,
        %mul3A_71 = arith.mulf %get3A_67, %get3A_70 : vector<16xf32>
        %add3A_72 = arith.addf %add3A_64, %mul3A_71 : vector<16xf32>
        %eq3A = arith.constant 0 : i32
        %eq3A_73 = vector.broadcast %eq3A : i32 to vector<16xi32>
        %eq3A_74 = arith.cmpi eq, %iota3A, %eq3A_73 : vector<16xi32>
        %reduce_sum3A = arith.constant true
        %reduce_sum3A_75 = vector.broadcast %reduce_sum3A : i1 to vector<16xi1>
        %reduce_sum3A_76 = tpu.scan <sum>, %add3A_72 masked %reduce_sum3A_75 : vector<16xf32>, vector<16xi1> -> vector<16xf32>
        %reduce_sum3A_77 = vector.extract %reduce_sum3A_76[15] : f32 from vector<16xf32>
        %broadcast_in_dim3A_78 = vector.broadcast %reduce_sum3A_77 : f32 to vector<16xf32>
        %select_n3A = arith.select %eq3A_74, %broadcast_in_dim3A_78, %broadcast_in_dim3A_38 : vector<16xi1>, vector<16xf32>
        %mul3A_79 = arith.constant 16 : i32
        %mul3A_80 = arith.muli %scan3A_37, %mul3A_79 : i32
        %add3A_81 = arith.constant 1 : i32
        %add3A_82 = arith.addi %mul3A_80, %add3A_81 : i32
        %get3A_83 = arith.index_cast %add3A_82 : i32 to index
        %get3A_84 = arith.constant 0 : index
        %get3A_85 = tpu.vector_load %arg4[%get3A_83, %get3A_84] {strides = array<i32>} : memref<128x128xf32, #tpu.memory_space<vmem>>, vector<16xf32>,
        %get3A_86 = arith.index_cast %add3A_82 : i32 to index
        %get3A_87 = arith.constant 0 : index
        %get3A_88 = tpu.vector_load %arg5[%get3A_86, %get3A_87] {strides = array<i32>} : memref<128x128xf32, #tpu.memory_space<vmem>>, vector<16xf32>,
        %mul3A_89 = arith.mulf %get3A_85, %get3A_88 : vector<16xf32>
        %get3A_90 = arith.index_cast %add3A_82 : i32 to index
        %get3A_91 = arith.constant 16 : index
        %get3A_92 = tpu.vector_load %arg4[%get3A_90, %get3A_91] {strides = array<i32>} : memref<128x128xf32, #tpu.memory_space<vmem>>, vector<16xf32>,
        %get3A_93 = arith.index_cast %add3A_82 : i32 to index
        %get3A_94 = arith.constant 16 : index
        %get3A_95 = tpu.vector_load %arg5[%get3A_93, %get3A_94] {strides = array<i32>} : memref<128x128xf32, #tpu.memory_space<vmem>>, vector<16xf32>,
        %mul3A_96 = arith.mulf %get3A_92, %get3A_95 : vector<16xf32>
        %add3A_97 = arith.addf %mul3A_89, %mul3A_96 : vector<16xf32>
        %get3A_98 = arith.index_cast %add3A_82 : i32 to index
        %get3A_99 = arith.constant 32 : index
        %get3A_100 = tpu.vector_load %arg4[%get3A_98, %get3A_99] {strides = array<i32>} : memref<128x128xf32, #tpu.memory_space<vmem>>, vector<16xf32>,
        %get3A_101 = arith.index_cast %add3A_82 : i32 to index
        %get3A_102 = arith.constant 32 : index
        %get3A_103 = tpu.vector_load %arg5[%get3A_101, %get3A_102] {strides = array<i32>} : memref<128x128xf32, #tpu.memory_space<vmem>>, vector<16xf32>,
        %mul3A_104 = arith.mulf %get3A_100, %get3A_103 : vector<16xf32>
        %add3A_105 = arith.addf %add3A_97, %mul3A_104 : vector<16xf32>
        %get3A_106 = arith.index_cast %add3A_82 : i32 to index
        %get3A_107 = arith.constant 48 : index
        %get3A_108 = tpu.vector_load %arg4[%get3A_106, %get3A_107] {strides = array<i32>} : memref<128x128xf32, #tpu.memory_space<vmem>>, vector<16xf32>,
        %get3A_109 = arith.index_cast %add3A_82 : i32 to index
        %get3A_110 = arith.constant 48 : index
        %get3A_111 = tpu.vector_load %arg5[%get3A_109, %get3A_110] {strides = array<i32>} : memref<128x128xf32, #tpu.memory_space<vmem>>, vector<16xf32>,
        %mul3A_112 = arith.mulf %get3A_108, %get3A_111 : vector<16xf32>
        %add3A_113 = arith.addf %add3A_105, %mul3A_112 : vector<16xf32>
        %eq3A_114 = arith.constant 1 : i32
        %eq3A_115 = vector.broadcast %eq3A_114 : i32 to vector<16xi32>
        %eq3A_116 = arith.cmpi eq, %iota3A, %eq3A_115 : vector<16xi32>
        %reduce_sum3A_117 = arith.constant true
        %reduce_sum3A_118 = vector.broadcast %reduce_sum3A_117 : i1 to vector<16xi1>
        %reduce_sum3A_119 = tpu.scan <sum>, %add3A_113 masked %reduce_sum3A_118 : vector<16xf32>, vector<16xi1> -> vector<16xf32>
        %reduce_sum3A_120 = vector.extract %reduce_sum3A_119[15] : f32 from vector<16xf32>
        %broadcast_in_dim3A_121 = vector.broadcast %reduce_sum3A_120 : f32 to vector<16xf32>
        %select_n3A_122 = arith.select %eq3A_116, %broadcast_in_dim3A_121, %select_n3A : vector<16xi1>, vector<16xf32>
        %mul3A_123 = arith.constant 16 : i32
        %mul3A_124 = arith.muli %scan3A_37, %mul3A_123 : i32
        %add3A_125 = arith.constant 2 : i32
        %add3A_126 = arith.addi %mul3A_124, %add3A_125 : i32
        %get3A_127 = arith.index_cast %add3A_126 : i32 to index
        %get3A_128 = arith.constant 0 : index
        %get3A_129 = tpu.vector_load %arg4[%get3A_127, %get3A_128] {strides = array<i32>} : memref<128x128xf32, #tpu.memory_space<vmem>>, vector<16xf32>,
        %get3A_130 = arith.index_cast %add3A_126 : i32 to index
        %get3A_131 = arith.constant 0 : index
        %get3A_132 = tpu.vector_load %arg5[%get3A_130, %get3A_131] {strides = array<i32>} : memref<128x128xf32, #tpu.memory_space<vmem>>, vector<16xf32>,
        %mul3A_133 = arith.mulf %get3A_129, %get3A_132 : vector<16xf32>
        %get3A_134 = arith.index_cast %add3A_126 : i32 to index
        %get3A_135 = arith.constant 16 : index
        %get3A_136 = tpu.vector_load %arg4[%get3A_134, %get3A_135] {strides = array<i32>} : memref<128x128xf32, #tpu.memory_space<vmem>>, vector<16xf32>,
        %get3A_137 = arith.index_cast %add3A_126 : i32 to index
        %get3A_138 = arith.constant 16 : index
        %get3A_139 = tpu.vector_load %arg5[%get3A_137, %get3A_138] {strides = array<i32>} : memref<128x128xf32, #tpu.memory_space<vmem>>, vector<16xf32>,
        %mul3A_140 = arith.mulf %get3A_136, %get3A_139 : vector<16xf32>
        %add3A_141 = arith.addf %mul3A_133, %mul3A_140 : vector<16xf32>
        %get3A_142 = arith.index_cast %add3A_126 : i32 to index
        %get3A_143 = arith.constant 32 : index
        %get3A_144 = tpu.vector_load %arg4[%get3A_142, %get3A_143] {strides = array<i32>} : memref<128x128xf32, #tpu.memory_space<vmem>>, vector<16xf32>,
        %get3A_145 = arith.index_cast %add3A_126 : i32 to index
        %get3A_146 = arith.constant 32 : index
        %get3A_147 = tpu.vector_load %arg5[%get3A_145, %get3A_146] {strides = array<i32>} : memref<128x128xf32, #tpu.memory_space<vmem>>, vector<16xf32>,
        %mul3A_148 = arith.mulf %get3A_144, %get3A_147 : vector<16xf32>
        %add3A_149 = arith.addf %add3A_141, %mul3A_148 : vector<16xf32>
        %get3A_150 = arith.index_cast %add3A_126 : i32 to index
        %get3A_151 = arith.constant 48 : index
        %get3A_152 = tpu.vector_load %arg4[%get3A_150, %get3A_151] {strides = array<i32>} : memref<128x128xf32, #tpu.memory_space<vmem>>, vector<16xf32>,
        %get3A_153 = arith.index_cast %add3A_126 : i32 to index
        %get3A_154 = arith.constant 48 : index
        %get3A_155 = tpu.vector_load %arg5[%get3A_153, %get3A_154] {strides = array<i32>} : memref<128x128xf32, #tpu.memory_space<vmem>>, vector<16xf32>,
        %mul3A_156 = arith.mulf %get3A_152, %get3A_155 : vector<16xf32>
        %add3A_157 = arith.addf %add3A_149, %mul3A_156 : vector<16xf32>
        %eq3A_158 = arith.constant 2 : i32
        %eq3A_159 = vector.broadcast %eq3A_158 : i32 to vector<16xi32>
        %eq3A_160 = arith.cmpi eq, %iota3A, %eq3A_159 : vector<16xi32>
        %reduce_sum3A_161 = arith.constant true
        %reduce_sum3A_162 = vector.broadcast %reduce_sum3A_161 : i1 to vector<16xi1>
        %reduce_sum3A_163 = tpu.scan <sum>, %add3A_157 masked %reduce_sum3A_162 : vector<16xf32>, vector<16xi1> -> vector<16xf32>
        %reduce_sum3A_164 = vector.extract %reduce_sum3A_163[15] : f32 from vector<16xf32>
        %broadcast_in_dim3A_165 = vector.broadcast %reduce_sum3A_164 : f32 to vector<16xf32>
        %select_n3A_166 = arith.select %eq3A_160, %broadcast_in_dim3A_165, %select_n3A_122 : vector<16xi1>, vector<16xf32>
        %mul3A_167 = arith.constant 16 : i32
        %mul3A_168 = arith.muli %scan3A_37, %mul3A_167 : i32
        %add3A_169 = arith.constant 3 : i32
        %add3A_170 = arith.addi %mul3A_168, %add3A_169 : i32
        %get3A_171 = arith.index_cast %add3A_170 : i32 to index
        %get3A_172 = arith.constant 0 : index
        %get3A_173 = tpu.vector_load %arg4[%get3A_171, %get3A_172] {strides = array<i32>} : memref<128x128xf32, #tpu.memory_space<vmem>>, vector<16xf32>,
        %get3A_174 = arith.index_cast %add3A_170 : i32 to index
        %get3A_175 = arith.constant 0 : index
        %get3A_176 = tpu.vector_load %arg5[%get3A_174, %get3A_175] {strides = array<i32>} : memref<128x128xf32, #tpu.memory_space<vmem>>, vector<16xf32>,
        %mul3A_177 = arith.mulf %get3A_173, %get3A_176 : vector<16xf32>
        %get3A_178 = arith.index_cast %add3A_170 : i32 to index
        %get3A_179 = arith.constant 16 : index
        %get3A_180 = tpu.vector_load %arg4[%get3A_178, %get3A_179] {strides = array<i32>} : memref<128x128xf32, #tpu.memory_space<vmem>>, vector<16xf32>,
        %get3A_181 = arith.index_cast %add3A_170 : i32 to index
        %get3A_182 = arith.constant 16 : index
        %get3A_183 = tpu.vector_load %arg5[%get3A_181, %get3A_182] {strides = array<i32>} : memref<128x128xf32, #tpu.memory_space<vmem>>, vector<16xf32>,
        %mul3A_184 = arith.mulf %get3A_180, %get3A_183 : vector<16xf32>
        %add3A_185 = arith.addf %mul3A_177, %mul3A_184 : vector<16xf32>
        %get3A_186 = arith.index_cast %add3A_170 : i32 to index
        %get3A_187 = arith.constant 32 : index
        %get3A_188 = tpu.vector_load %arg4[%get3A_186, %get3A_187] {strides = array<i32>} : memref<128x128xf32, #tpu.memory_space<vmem>>, vector<16xf32>,
        %get3A_189 = arith.index_cast %add3A_170 : i32 to index
        %get3A_190 = arith.constant 32 : index
        %get3A_191 = tpu.vector_load %arg5[%get3A_189, %get3A_190] {strides = array<i32>} : memref<128x128xf32, #tpu.memory_space<vmem>>, vector<16xf32>,
        %mul3A_192 = arith.mulf %get3A_188, %get3A_191 : vector<16xf32>
        %add3A_193 = arith.addf %add3A_185, %mul3A_192 : vector<16xf32>
        %get3A_194 = arith.index_cast %add3A_170 : i32 to index
        %get3A_195 = arith.constant 48 : index
        %get3A_196 = tpu.vector_load %arg4[%get3A_194, %get3A_195] {strides = array<i32>} : memref<128x128xf32, #tpu.memory_space<vmem>>, vector<16xf32>,
        %get3A_197 = arith.index_cast %add3A_170 : i32 to index
        %get3A_198 = arith.constant 48 : index
        %get3A_199 = tpu.vector_load %arg5[%get3A_197, %get3A_198] {strides = array<i32>} : memref<128x128xf32, #tpu.memory_space<vmem>>, vector<16xf32>,
        %mul3A_200 = arith.mulf %get3A_196, %get3A_199 : vector<16xf32>
        %add3A_201 = arith.addf %add3A_193, %mul3A_200 : vector<16xf32>
        %eq3A_202 = arith.constant 3 : i32
        %eq3A_203 = vector.broadcast %eq3A_202 : i32 to vector<16xi32>
        %eq3A_204 = arith.cmpi eq, %iota3A, %eq3A_203 : vector<16xi32>
        %reduce_sum3A_205 = arith.constant true
        %reduce_sum3A_206 = vector.broadcast %reduce_sum3A_205 : i1 to vector<16xi1>
        %reduce_sum3A_207 = tpu.scan <sum>, %add3A_201 masked %reduce_sum3A_206 : vector<16xf32>, vector<16xi1> -> vector<16xf32>
        %reduce_sum3A_208 = vector.extract %reduce_sum3A_207[15] : f32 from vector<16xf32>
        %broadcast_in_dim3A_209 = vector.broadcast %reduce_sum3A_208 : f32 to vector<16xf32>
        %select_n3A_210 = arith.select %eq3A_204, %broadcast_in_dim3A_209, %select_n3A_166 : vector<16xi1>, vector<16xf32>
        %mul3A_211 = arith.constant 16 : i32
        %mul3A_212 = arith.muli %scan3A_37, %mul3A_211 : i32
        %add3A_213 = arith.constant 4 : i32
        %add3A_214 = arith.addi %mul3A_212, %add3A_213 : i32
        %get3A_215 = arith.index_cast %add3A_214 : i32 to index
        %get3A_216 = arith.constant 0 : index
        %get3A_217 = tpu.vector_load %arg4[%get3A_215, %get3A_216] {strides = array<i32>} : memref<128x128xf32, #tpu.memory_space<vmem>>, vector<16xf32>,
        %get3A_218 = arith.index_cast %add3A_214 : i32 to index
        %get3A_219 = arith.constant 0 : index
        %get3A_220 = tpu.vector_load %arg5[%get3A_218, %get3A_219] {strides = array<i32>} : memref<128x128xf32, #tpu.memory_space<vmem>>, vector<16xf32>,
        %mul3A_221 = arith.mulf %get3A_217, %get3A_220 : vector<16xf32>
        %get3A_222 = arith.index_cast %add3A_214 : i32 to index
        %get3A_223 = arith.constant 16 : index
        %get3A_224 = tpu.vector_load %arg4[%get3A_222, %get3A_223] {strides = array<i32>} : memref<128x128xf32, #tpu.memory_space<vmem>>, vector<16xf32>,
        %get3A_225 = arith.index_cast %add3A_214 : i32 to index
        %get3A_226 = arith.constant 16 : index
        %get3A_227 = tpu.vector_load %arg5[%get3A_225, %get3A_226] {strides = array<i32>} : memref<128x128xf32, #tpu.memory_space<vmem>>, vector<16xf32>,
        %mul3A_228 = arith.mulf %get3A_224, %get3A_227 : vector<16xf32>
        %add3A_229 = arith.addf %mul3A_221, %mul3A_228 : vector<16xf32>
        %get3A_230 = arith.index_cast %add3A_214 : i32 to index
        %get3A_231 = arith.constant 32 : index
        %get3A_232 = tpu.vector_load %arg4[%get3A_230, %get3A_231] {strides = array<i32>} : memref<128x128xf32, #tpu.memory_space<vmem>>, vector<16xf32>,
        %get3A_233 = arith.index_cast %add3A_214 : i32 to index
        %get3A_234 = arith.constant 32 : index
        %get3A_235 = tpu.vector_load %arg5[%get3A_233, %get3A_234] {strides = array<i32>} : memref<128x128xf32, #tpu.memory_space<vmem>>, vector<16xf32>,
        %mul3A_236 = arith.mulf %get3A_232, %get3A_235 : vector<16xf32>
        %add3A_237 = arith.addf %add3A_229, %mul3A_236 : vector<16xf32>
        %get3A_238 = arith.index_cast %add3A_214 : i32 to index
        %get3A_239 = arith.constant 48 : index
        %get3A_240 = tpu.vector_load %arg4[%get3A_238, %get3A_239] {strides = array<i32>} : memref<128x128xf32, #tpu.memory_space<vmem>>, vector<16xf32>,
        %get3A_241 = arith.index_cast %add3A_214 : i32 to index
        %get3A_242 = arith.constant 48 : index
        %get3A_243 = tpu.vector_load %arg5[%get3A_241, %get3A_242] {strides = array<i32>} : memref<128x128xf32, #tpu.memory_space<vmem>>, vector<16xf32>,
        %mul3A_244 = arith.mulf %get3A_240, %get3A_243 : vector<16xf32>
        %add3A_245 = arith.addf %add3A_237, %mul3A_244 : vector<16xf32>
        %eq3A_246 = arith.constant 4 : i32
        %eq3A_247 = vector.broadcast %eq3A_246 : i32 to vector<16xi32>
        %eq3A_248 = arith.cmpi eq, %iota3A, %eq3A_247 : vector<16xi32>
        %reduce_sum3A_249 = arith.constant true
        %reduce_sum3A_250 = vector.broadcast %reduce_sum3A_249 : i1 to vector<16xi1>
        %reduce_sum3A_251 = tpu.scan <sum>, %add3A_245 masked %reduce_sum3A_250 : vector<16xf32>, vector<16xi1> -> vector<16xf32>
        %reduce_sum3A_252 = vector.extract %reduce_sum3A_251[15] : f32 from vector<16xf32>
        %broadcast_in_dim3A_253 = vector.broadcast %reduce_sum3A_252 : f32 to vector<16xf32>
        %select_n3A_254 = arith.select %eq3A_248, %broadcast_in_dim3A_253, %select_n3A_210 : vector<16xi1>, vector<16xf32>
        %mul3A_255 = arith.constant 16 : i32
        %mul3A_256 = arith.muli %scan3A_37, %mul3A_255 : i32
        %add3A_257 = arith.constant 5 : i32
        %add3A_258 = arith.addi %mul3A_256, %add3A_257 : i32
        %get3A_259 = arith.index_cast %add3A_258 : i32 to index
        %get3A_260 = arith.constant 0 : index
        %get3A_261 = tpu.vector_load %arg4[%get3A_259, %get3A_260] {strides = array<i32>} : memref<128x128xf32, #tpu.memory_space<vmem>>, vector<16xf32>,
        %get3A_262 = arith.index_cast %add3A_258 : i32 to index
        %get3A_263 = arith.constant 0 : index
        %get3A_264 = tpu.vector_load %arg5[%get3A_262, %get3A_263] {strides = array<i32>} : memref<128x128xf32, #tpu.memory_space<vmem>>, vector<16xf32>,
        %mul3A_265 = arith.mulf %get3A_261, %get3A_264 : vector<16xf32>
        %get3A_266 = arith.index_cast %add3A_258 : i32 to index
        %get3A_267 = arith.constant 16 : index
        %get3A_268 = tpu.vector_load %arg4[%get3A_266, %get3A_267] {strides = array<i32>} : memref<128x128xf32, #tpu.memory_space<vmem>>, vector<16xf32>,
        %get3A_269 = arith.index_cast %add3A_258 : i32 to index
        %get3A_270 = arith.constant 16 : index
        %get3A_271 = tpu.vector_load %arg5[%get3A_269, %get3A_270] {strides = array<i32>} : memref<128x128xf32, #tpu.memory_space<vmem>>, vector<16xf32>,
        %mul3A_272 = arith.mulf %get3A_268, %get3A_271 : vector<16xf32>
        %add3A_273 = arith.addf %mul3A_265, %mul3A_272 : vector<16xf32>
        %get3A_274 = arith.index_cast %add3A_258 : i32 to index
        %get3A_275 = arith.constant 32 : index
        %get3A_276 = tpu.vector_load %arg4[%get3A_274, %get3A_275] {strides = array<i32>} : memref<128x128xf32, #tpu.memory_space<vmem>>, vector<16xf32>,
        %get3A_277 = arith.index_cast %add3A_258 : i32 to index
        %get3A_278 = arith.constant 32 : index
        %get3A_279 = tpu.vector_load %arg5[%get3A_277, %get3A_278] {strides = array<i32>} : memref<128x128xf32, #tpu.memory_space<vmem>>, vector<16xf32>,
        %mul3A_280 = arith.mulf %get3A_276, %get3A_279 : vector<16xf32>
        %add3A_281 = arith.addf %add3A_273, %mul3A_280 : vector<16xf32>
        %get3A_282 = arith.index_cast %add3A_258 : i32 to index
        %get3A_283 = arith.constant 48 : index
        %get3A_284 = tpu.vector_load %arg4[%get3A_282, %get3A_283] {strides = array<i32>} : memref<128x128xf32, #tpu.memory_space<vmem>>, vector<16xf32>,
        %get3A_285 = arith.index_cast %add3A_258 : i32 to index
        %get3A_286 = arith.constant 48 : index
        %get3A_287 = tpu.vector_load %arg5[%get3A_285, %get3A_286] {strides = array<i32>} : memref<128x128xf32, #tpu.memory_space<vmem>>, vector<16xf32>,
        %mul3A_288 = arith.mulf %get3A_284, %get3A_287 : vector<16xf32>
        %add3A_289 = arith.addf %add3A_281, %mul3A_288 : vector<16xf32>
        %eq3A_290 = arith.constant 5 : i32
        %eq3A_291 = vector.broadcast %eq3A_290 : i32 to vector<16xi32>
        %eq3A_292 = arith.cmpi eq, %iota3A, %eq3A_291 : vector<16xi32>
        %reduce_sum3A_293 = arith.constant true
        %reduce_sum3A_294 = vector.broadcast %reduce_sum3A_293 : i1 to vector<16xi1>
        %reduce_sum3A_295 = tpu.scan <sum>, %add3A_289 masked %reduce_sum3A_294 : vector<16xf32>, vector<16xi1> -> vector<16xf32>
        %reduce_sum3A_296 = vector.extract %reduce_sum3A_295[15] : f32 from vector<16xf32>
        %broadcast_in_dim3A_297 = vector.broadcast %reduce_sum3A_296 : f32 to vector<16xf32>
        %select_n3A_298 = arith.select %eq3A_292, %broadcast_in_dim3A_297, %select_n3A_254 : vector<16xi1>, vector<16xf32>
        %mul3A_299 = arith.constant 16 : i32
        %mul3A_300 = arith.muli %scan3A_37, %mul3A_299 : i32
        %add3A_301 = arith.constant 6 : i32
        %add3A_302 = arith.addi %mul3A_300, %add3A_301 : i32
        %get3A_303 = arith.index_cast %add3A_302 : i32 to index
        %get3A_304 = arith.constant 0 : index
        %get3A_305 = tpu.vector_load %arg4[%get3A_303, %get3A_304] {strides = array<i32>} : memref<128x128xf32, #tpu.memory_space<vmem>>, vector<16xf32>,
        %get3A_306 = arith.index_cast %add3A_302 : i32 to index
        %get3A_307 = arith.constant 0 : index
        %get3A_308 = tpu.vector_load %arg5[%get3A_306, %get3A_307] {strides = array<i32>} : memref<128x128xf32, #tpu.memory_space<vmem>>, vector<16xf32>,
        %mul3A_309 = arith.mulf %get3A_305, %get3A_308 : vector<16xf32>
        %get3A_310 = arith.index_cast %add3A_302 : i32 to index
        %get3A_311 = arith.constant 16 : index
        %get3A_312 = tpu.vector_load %arg4[%get3A_310, %get3A_311] {strides = array<i32>} : memref<128x128xf32, #tpu.memory_space<vmem>>, vector<16xf32>,
        %get3A_313 = arith.index_cast %add3A_302 : i32 to index
        %get3A_314 = arith.constant 16 : index
        %get3A_315 = tpu.vector_load %arg5[%get3A_313, %get3A_314] {strides = array<i32>} : memref<128x128xf32, #tpu.memory_space<vmem>>, vector<16xf32>,
        %mul3A_316 = arith.mulf %get3A_312, %get3A_315 : vector<16xf32>
        %add3A_317 = arith.addf %mul3A_309, %mul3A_316 : vector<16xf32>
        %get3A_318 = arith.index_cast %add3A_302 : i32 to index
        %get3A_319 = arith.constant 32 : index
        %get3A_320 = tpu.vector_load %arg4[%get3A_318, %get3A_319] {strides = array<i32>} : memref<128x128xf32, #tpu.memory_space<vmem>>, vector<16xf32>,
        %get3A_321 = arith.index_cast %add3A_302 : i32 to index
        %get3A_322 = arith.constant 32 : index
        %get3A_323 = tpu.vector_load %arg5[%get3A_321, %get3A_322] {strides = array<i32>} : memref<128x128xf32, #tpu.memory_space<vmem>>, vector<16xf32>,
        %mul3A_324 = arith.mulf %get3A_320, %get3A_323 : vector<16xf32>
        %add3A_325 = arith.addf %add3A_317, %mul3A_324 : vector<16xf32>
        %get3A_326 = arith.index_cast %add3A_302 : i32 to index
        %get3A_327 = arith.constant 48 : index
        %get3A_328 = tpu.vector_load %arg4[%get3A_326, %get3A_327] {strides = array<i32>} : memref<128x128xf32, #tpu.memory_space<vmem>>, vector<16xf32>,
        %get3A_329 = arith.index_cast %add3A_302 : i32 to index
        %get3A_330 = arith.constant 48 : index
        %get3A_331 = tpu.vector_load %arg5[%get3A_329, %get3A_330] {strides = array<i32>} : memref<128x128xf32, #tpu.memory_space<vmem>>, vector<16xf32>,
        %mul3A_332 = arith.mulf %get3A_328, %get3A_331 : vector<16xf32>
        %add3A_333 = arith.addf %add3A_325, %mul3A_332 : vector<16xf32>
        %eq3A_334 = arith.constant 6 : i32
        %eq3A_335 = vector.broadcast %eq3A_334 : i32 to vector<16xi32>
        %eq3A_336 = arith.cmpi eq, %iota3A, %eq3A_335 : vector<16xi32>
        %reduce_sum3A_337 = arith.constant true
        %reduce_sum3A_338 = vector.broadcast %reduce_sum3A_337 : i1 to vector<16xi1>
        %reduce_sum3A_339 = tpu.scan <sum>, %add3A_333 masked %reduce_sum3A_338 : vector<16xf32>, vector<16xi1> -> vector<16xf32>
        %reduce_sum3A_340 = vector.extract %reduce_sum3A_339[15] : f32 from vector<16xf32>
        %broadcast_in_dim3A_341 = vector.broadcast %reduce_sum3A_340 : f32 to vector<16xf32>
        %select_n3A_342 = arith.select %eq3A_336, %broadcast_in_dim3A_341, %select_n3A_298 : vector<16xi1>, vector<16xf32>
        %mul3A_343 = arith.constant 16 : i32
        %mul3A_344 = arith.muli %scan3A_37, %mul3A_343 : i32
        %add3A_345 = arith.constant 7 : i32
        %add3A_346 = arith.addi %mul3A_344, %add3A_345 : i32
        %get3A_347 = arith.index_cast %add3A_346 : i32 to index
        %get3A_348 = arith.constant 0 : index
        %get3A_349 = tpu.vector_load %arg4[%get3A_347, %get3A_348] {strides = array<i32>} : memref<128x128xf32, #tpu.memory_space<vmem>>, vector<16xf32>,
        %get3A_350 = arith.index_cast %add3A_346 : i32 to index
        %get3A_351 = arith.constant 0 : index
        %get3A_352 = tpu.vector_load %arg5[%get3A_350, %get3A_351] {strides = array<i32>} : memref<128x128xf32, #tpu.memory_space<vmem>>, vector<16xf32>,
        %mul3A_353 = arith.mulf %get3A_349, %get3A_352 : vector<16xf32>
        %get3A_354 = arith.index_cast %add3A_346 : i32 to index
        %get3A_355 = arith.constant 16 : index
        %get3A_356 = tpu.vector_load %arg4[%get3A_354, %get3A_355] {strides = array<i32>} : memref<128x128xf32, #tpu.memory_space<vmem>>, vector<16xf32>,
        %get3A_357 = arith.index_cast %add3A_346 : i32 to index
        %get3A_358 = arith.constant 16 : index
        %get3A_359 = tpu.vector_load %arg5[%get3A_357, %get3A_358] {strides = array<i32>} : memref<128x128xf32, #tpu.memory_space<vmem>>, vector<16xf32>,
        %mul3A_360 = arith.mulf %get3A_356, %get3A_359 : vector<16xf32>
        %add3A_361 = arith.addf %mul3A_353, %mul3A_360 : vector<16xf32>
        %get3A_362 = arith.index_cast %add3A_346 : i32 to index
        %get3A_363 = arith.constant 32 : index
        %get3A_364 = tpu.vector_load %arg4[%get3A_362, %get3A_363] {strides = array<i32>} : memref<128x128xf32, #tpu.memory_space<vmem>>, vector<16xf32>,
        %get3A_365 = arith.index_cast %add3A_346 : i32 to index
        %get3A_366 = arith.constant 32 : index
        %get3A_367 = tpu.vector_load %arg5[%get3A_365, %get3A_366] {strides = array<i32>} : memref<128x128xf32, #tpu.memory_space<vmem>>, vector<16xf32>,
        %mul3A_368 = arith.mulf %get3A_364, %get3A_367 : vector<16xf32>
        %add3A_369 = arith.addf %add3A_361, %mul3A_368 : vector<16xf32>
        %get3A_370 = arith.index_cast %add3A_346 : i32 to index
        %get3A_371 = arith.constant 48 : index
        %get3A_372 = tpu.vector_load %arg4[%get3A_370, %get3A_371] {strides = array<i32>} : memref<128x128xf32, #tpu.memory_space<vmem>>, vector<16xf32>,
        %get3A_373 = arith.index_cast %add3A_346 : i32 to index
        %get3A_374 = arith.constant 48 : index
        %get3A_375 = tpu.vector_load %arg5[%get3A_373, %get3A_374] {strides = array<i32>} : memref<128x128xf32, #tpu.memory_space<vmem>>, vector<16xf32>,
        %mul3A_376 = arith.mulf %get3A_372, %get3A_375 : vector<16xf32>
        %add3A_377 = arith.addf %add3A_369, %mul3A_376 : vector<16xf32>
        %eq3A_378 = arith.constant 7 : i32
        %eq3A_379 = vector.broadcast %eq3A_378 : i32 to vector<16xi32>
        %eq3A_380 = arith.cmpi eq, %iota3A, %eq3A_379 : vector<16xi32>
        %reduce_sum3A_381 = arith.constant true
        %reduce_sum3A_382 = vector.broadcast %reduce_sum3A_381 : i1 to vector<16xi1>
        %reduce_sum3A_383 = tpu.scan <sum>, %add3A_377 masked %reduce_sum3A_382 : vector<16xf32>, vector<16xi1> -> vector<16xf32>
        %reduce_sum3A_384 = vector.extract %reduce_sum3A_383[15] : f32 from vector<16xf32>
        %broadcast_in_dim3A_385 = vector.broadcast %reduce_sum3A_384 : f32 to vector<16xf32>
        %select_n3A_386 = arith.select %eq3A_380, %broadcast_in_dim3A_385, %select_n3A_342 : vector<16xi1>, vector<16xf32>
        %mul3A_387 = arith.constant 16 : i32
        %mul3A_388 = arith.muli %scan3A_37, %mul3A_387 : i32
        %add3A_389 = arith.constant 8 : i32
        %add3A_390 = arith.addi %mul3A_388, %add3A_389 : i32
        %get3A_391 = arith.index_cast %add3A_390 : i32 to index
        %get3A_392 = arith.constant 0 : index
        %get3A_393 = tpu.vector_load %arg4[%get3A_391, %get3A_392] {strides = array<i32>} : memref<128x128xf32, #tpu.memory_space<vmem>>, vector<16xf32>,
        %get3A_394 = arith.index_cast %add3A_390 : i32 to index
        %get3A_395 = arith.constant 0 : index
        %get3A_396 = tpu.vector_load %arg5[%get3A_394, %get3A_395] {strides = array<i32>} : memref<128x128xf32, #tpu.memory_space<vmem>>, vector<16xf32>,
        %mul3A_397 = arith.mulf %get3A_393, %get3A_396 : vector<16xf32>
        %get3A_398 = arith.index_cast %add3A_390 : i32 to index
        %get3A_399 = arith.constant 16 : index
        %get3A_400 = tpu.vector_load %arg4[%get3A_398, %get3A_399] {strides = array<i32>} : memref<128x128xf32, #tpu.memory_space<vmem>>, vector<16xf32>,
        %get3A_401 = arith.index_cast %add3A_390 : i32 to index
        %get3A_402 = arith.constant 16 : index
        %get3A_403 = tpu.vector_load %arg5[%get3A_401, %get3A_402] {strides = array<i32>} : memref<128x128xf32, #tpu.memory_space<vmem>>, vector<16xf32>,
        %mul3A_404 = arith.mulf %get3A_400, %get3A_403 : vector<16xf32>
        %add3A_405 = arith.addf %mul3A_397, %mul3A_404 : vector<16xf32>
        %get3A_406 = arith.index_cast %add3A_390 : i32 to index
        %get3A_407 = arith.constant 32 : index
        %get3A_408 = tpu.vector_load %arg4[%get3A_406, %get3A_407] {strides = array<i32>} : memref<128x128xf32, #tpu.memory_space<vmem>>, vector<16xf32>,
        %get3A_409 = arith.index_cast %add3A_390 : i32 to index
        %get3A_410 = arith.constant 32 : index
        %get3A_411 = tpu.vector_load %arg5[%get3A_409, %get3A_410] {strides = array<i32>} : memref<128x128xf32, #tpu.memory_space<vmem>>, vector<16xf32>,
        %mul3A_412 = arith.mulf %get3A_408, %get3A_411 : vector<16xf32>
        %add3A_413 = arith.addf %add3A_405, %mul3A_412 : vector<16xf32>
        %get3A_414 = arith.index_cast %add3A_390 : i32 to index
        %get3A_415 = arith.constant 48 : index
        %get3A_416 = tpu.vector_load %arg4[%get3A_414, %get3A_415] {strides = array<i32>} : memref<128x128xf32, #tpu.memory_space<vmem>>, vector<16xf32>,
        %get3A_417 = arith.index_cast %add3A_390 : i32 to index
        %get3A_418 = arith.constant 48 : index
        %get3A_419 = tpu.vector_load %arg5[%get3A_417, %get3A_418] {strides = array<i32>} : memref<128x128xf32, #tpu.memory_space<vmem>>, vector<16xf32>,
        %mul3A_420 = arith.mulf %get3A_416, %get3A_419 : vector<16xf32>
        %add3A_421 = arith.addf %add3A_413, %mul3A_420 : vector<16xf32>
        %eq3A_422 = arith.constant 8 : i32
        %eq3A_423 = vector.broadcast %eq3A_422 : i32 to vector<16xi32>
        %eq3A_424 = arith.cmpi eq, %iota3A, %eq3A_423 : vector<16xi32>
        %reduce_sum3A_425 = arith.constant true
        %reduce_sum3A_426 = vector.broadcast %reduce_sum3A_425 : i1 to vector<16xi1>
        %reduce_sum3A_427 = tpu.scan <sum>, %add3A_421 masked %reduce_sum3A_426 : vector<16xf32>, vector<16xi1> -> vector<16xf32>
        %reduce_sum3A_428 = vector.extract %reduce_sum3A_427[15] : f32 from vector<16xf32>
        %broadcast_in_dim3A_429 = vector.broadcast %reduce_sum3A_428 : f32 to vector<16xf32>
        %select_n3A_430 = arith.select %eq3A_424, %broadcast_in_dim3A_429, %select_n3A_386 : vector<16xi1>, vector<16xf32>
        %mul3A_431 = arith.constant 16 : i32
        %mul3A_432 = arith.muli %scan3A_37, %mul3A_431 : i32
        %add3A_433 = arith.constant 9 : i32
        %add3A_434 = arith.addi %mul3A_432, %add3A_433 : i32
        %get3A_435 = arith.index_cast %add3A_434 : i32 to index
        %get3A_436 = arith.constant 0 : index
        %get3A_437 = tpu.vector_load %arg4[%get3A_435, %get3A_436] {strides = array<i32>} : memref<128x128xf32, #tpu.memory_space<vmem>>, vector<16xf32>,
        %get3A_438 = arith.index_cast %add3A_434 : i32 to index
        %get3A_439 = arith.constant 0 : index
        %get3A_440 = tpu.vector_load %arg5[%get3A_438, %get3A_439] {strides = array<i32>} : memref<128x128xf32, #tpu.memory_space<vmem>>, vector<16xf32>,
        %mul3A_441 = arith.mulf %get3A_437, %get3A_440 : vector<16xf32>
        %get3A_442 = arith.index_cast %add3A_434 : i32 to index
        %get3A_443 = arith.constant 16 : index
        %get3A_444 = tpu.vector_load %arg4[%get3A_442, %get3A_443] {strides = array<i32>} : memref<128x128xf32, #tpu.memory_space<vmem>>, vector<16xf32>,
        %get3A_445 = arith.index_cast %add3A_434 : i32 to index
        %get3A_446 = arith.constant 16 : index
        %get3A_447 = tpu.vector_load %arg5[%get3A_445, %get3A_446] {strides = array<i32>} : memref<128x128xf32, #tpu.memory_space<vmem>>, vector<16xf32>,
        %mul3A_448 = arith.mulf %get3A_444, %get3A_447 : vector<16xf32>
        %add3A_449 = arith.addf %mul3A_441, %mul3A_448 : vector<16xf32>
        %get3A_450 = arith.index_cast %add3A_434 : i32 to index
        %get3A_451 = arith.constant 32 : index
        %get3A_452 = tpu.vector_load %arg4[%get3A_450, %get3A_451] {strides = array<i32>} : memref<128x128xf32, #tpu.memory_space<vmem>>, vector<16xf32>,
        %get3A_453 = arith.index_cast %add3A_434 : i32 to index
        %get3A_454 = arith.constant 32 : index
        %get3A_455 = tpu.vector_load %arg5[%get3A_453, %get3A_454] {strides = array<i32>} : memref<128x128xf32, #tpu.memory_space<vmem>>, vector<16xf32>,
        %mul3A_456 = arith.mulf %get3A_452, %get3A_455 : vector<16xf32>
        %add3A_457 = arith.addf %add3A_449, %mul3A_456 : vector<16xf32>
        %get3A_458 = arith.index_cast %add3A_434 : i32 to index
        %get3A_459 = arith.constant 48 : index
        %get3A_460 = tpu.vector_load %arg4[%get3A_458, %get3A_459] {strides = array<i32>} : memref<128x128xf32, #tpu.memory_space<vmem>>, vector<16xf32>,
        %get3A_461 = arith.index_cast %add3A_434 : i32 to index
        %get3A_462 = arith.constant 48 : index
        %get3A_463 = tpu.vector_load %arg5[%get3A_461, %get3A_462] {strides = array<i32>} : memref<128x128xf32, #tpu.memory_space<vmem>>, vector<16xf32>,
        %mul3A_464 = arith.mulf %get3A_460, %get3A_463 : vector<16xf32>
        %add3A_465 = arith.addf %add3A_457, %mul3A_464 : vector<16xf32>
        %eq3A_466 = arith.constant 9 : i32
        %eq3A_467 = vector.broadcast %eq3A_466 : i32 to vector<16xi32>
        %eq3A_468 = arith.cmpi eq, %iota3A, %eq3A_467 : vector<16xi32>
        %reduce_sum3A_469 = arith.constant true
        %reduce_sum3A_470 = vector.broadcast %reduce_sum3A_469 : i1 to vector<16xi1>
        %reduce_sum3A_471 = tpu.scan <sum>, %add3A_465 masked %reduce_sum3A_470 : vector<16xf32>, vector<16xi1> -> vector<16xf32>
        %reduce_sum3A_472 = vector.extract %reduce_sum3A_471[15] : f32 from vector<16xf32>
        %broadcast_in_dim3A_473 = vector.broadcast %reduce_sum3A_472 : f32 to vector<16xf32>
        %select_n3A_474 = arith.select %eq3A_468, %broadcast_in_dim3A_473, %select_n3A_430 : vector<16xi1>, vector<16xf32>
        %mul3A_475 = arith.constant 16 : i32
        %mul3A_476 = arith.muli %scan3A_37, %mul3A_475 : i32
        %add3A_477 = arith.constant 10 : i32
        %add3A_478 = arith.addi %mul3A_476, %add3A_477 : i32
        %get3A_479 = arith.index_cast %add3A_478 : i32 to index
        %get3A_480 = arith.constant 0 : index
        %get3A_481 = tpu.vector_load %arg4[%get3A_479, %get3A_480] {strides = array<i32>} : memref<128x128xf32, #tpu.memory_space<vmem>>, vector<16xf32>,
        %get3A_482 = arith.index_cast %add3A_478 : i32 to index
        %get3A_483 = arith.constant 0 : index
        %get3A_484 = tpu.vector_load %arg5[%get3A_482, %get3A_483] {strides = array<i32>} : memref<128x128xf32, #tpu.memory_space<vmem>>, vector<16xf32>,
        %mul3A_485 = arith.mulf %get3A_481, %get3A_484 : vector<16xf32>
        %get3A_486 = arith.index_cast %add3A_478 : i32 to index
        %get3A_487 = arith.constant 16 : index
        %get3A_488 = tpu.vector_load %arg4[%get3A_486, %get3A_487] {strides = array<i32>} : memref<128x128xf32, #tpu.memory_space<vmem>>, vector<16xf32>,
        %get3A_489 = arith.index_cast %add3A_478 : i32 to index
        %get3A_490 = arith.constant 16 : index
        %get3A_491 = tpu.vector_load %arg5[%get3A_489, %get3A_490] {strides = array<i32>} : memref<128x128xf32, #tpu.memory_space<vmem>>, vector<16xf32>,
        %mul3A_492 = arith.mulf %get3A_488, %get3A_491 : vector<16xf32>
        %add3A_493 = arith.addf %mul3A_485, %mul3A_492 : vector<16xf32>
        %get3A_494 = arith.index_cast %add3A_478 : i32 to index
        %get3A_495 = arith.constant 32 : index
        %get3A_496 = tpu.vector_load %arg4[%get3A_494, %get3A_495] {strides = array<i32>} : memref<128x128xf32, #tpu.memory_space<vmem>>, vector<16xf32>,
        %get3A_497 = arith.index_cast %add3A_478 : i32 to index
        %get3A_498 = arith.constant 32 : index
        %get3A_499 = tpu.vector_load %arg5[%get3A_497, %get3A_498] {strides = array<i32>} : memref<128x128xf32, #tpu.memory_space<vmem>>, vector<16xf32>,
        %mul3A_500 = arith.mulf %get3A_496, %get3A_499 : vector<16xf32>
        %add3A_501 = arith.addf %add3A_493, %mul3A_500 : vector<16xf32>
        %get3A_502 = arith.index_cast %add3A_478 : i32 to index
        %get3A_503 = arith.constant 48 : index
        %get3A_504 = tpu.vector_load %arg4[%get3A_502, %get3A_503] {strides = array<i32>} : memref<128x128xf32, #tpu.memory_space<vmem>>, vector<16xf32>,
        %get3A_505 = arith.index_cast %add3A_478 : i32 to index
        %get3A_506 = arith.constant 48 : index
        %get3A_507 = tpu.vector_load %arg5[%get3A_505, %get3A_506] {strides = array<i32>} : memref<128x128xf32, #tpu.memory_space<vmem>>, vector<16xf32>,
        %mul3A_508 = arith.mulf %get3A_504, %get3A_507 : vector<16xf32>
        %add3A_509 = arith.addf %add3A_501, %mul3A_508 : vector<16xf32>
        %eq3A_510 = arith.constant 10 : i32
        %eq3A_511 = vector.broadcast %eq3A_510 : i32 to vector<16xi32>
        %eq3A_512 = arith.cmpi eq, %iota3A, %eq3A_511 : vector<16xi32>
        %reduce_sum3A_513 = arith.constant true
        %reduce_sum3A_514 = vector.broadcast %reduce_sum3A_513 : i1 to vector<16xi1>
        %reduce_sum3A_515 = tpu.scan <sum>, %add3A_509 masked %reduce_sum3A_514 : vector<16xf32>, vector<16xi1> -> vector<16xf32>
        %reduce_sum3A_516 = vector.extract %reduce_sum3A_515[15] : f32 from vector<16xf32>
        %broadcast_in_dim3A_517 = vector.broadcast %reduce_sum3A_516 : f32 to vector<16xf32>
        %select_n3A_518 = arith.select %eq3A_512, %broadcast_in_dim3A_517, %select_n3A_474 : vector<16xi1>, vector<16xf32>
        %mul3A_519 = arith.constant 16 : i32
        %mul3A_520 = arith.muli %scan3A_37, %mul3A_519 : i32
        %add3A_521 = arith.constant 11 : i32
        %add3A_522 = arith.addi %mul3A_520, %add3A_521 : i32
        %get3A_523 = arith.index_cast %add3A_522 : i32 to index
        %get3A_524 = arith.constant 0 : index
        %get3A_525 = tpu.vector_load %arg4[%get3A_523, %get3A_524] {strides = array<i32>} : memref<128x128xf32, #tpu.memory_space<vmem>>, vector<16xf32>,
        %get3A_526 = arith.index_cast %add3A_522 : i32 to index
        %get3A_527 = arith.constant 0 : index
        %get3A_528 = tpu.vector_load %arg5[%get3A_526, %get3A_527] {strides = array<i32>} : memref<128x128xf32, #tpu.memory_space<vmem>>, vector<16xf32>,
        %mul3A_529 = arith.mulf %get3A_525, %get3A_528 : vector<16xf32>
        %get3A_530 = arith.index_cast %add3A_522 : i32 to index
        %get3A_531 = arith.constant 16 : index
        %get3A_532 = tpu.vector_load %arg4[%get3A_530, %get3A_531] {strides = array<i32>} : memref<128x128xf32, #tpu.memory_space<vmem>>, vector<16xf32>,
        %get3A_533 = arith.index_cast %add3A_522 : i32 to index
        %get3A_534 = arith.constant 16 : index
        %get3A_535 = tpu.vector_load %arg5[%get3A_533, %get3A_534] {strides = array<i32>} : memref<128x128xf32, #tpu.memory_space<vmem>>, vector<16xf32>,
        %mul3A_536 = arith.mulf %get3A_532, %get3A_535 : vector<16xf32>
        %add3A_537 = arith.addf %mul3A_529, %mul3A_536 : vector<16xf32>
        %get3A_538 = arith.index_cast %add3A_522 : i32 to index
        %get3A_539 = arith.constant 32 : index
        %get3A_540 = tpu.vector_load %arg4[%get3A_538, %get3A_539] {strides = array<i32>} : memref<128x128xf32, #tpu.memory_space<vmem>>, vector<16xf32>,
        %get3A_541 = arith.index_cast %add3A_522 : i32 to index
        %get3A_542 = arith.constant 32 : index
        %get3A_543 = tpu.vector_load %arg5[%get3A_541, %get3A_542] {strides = array<i32>} : memref<128x128xf32, #tpu.memory_space<vmem>>, vector<16xf32>,
        %mul3A_544 = arith.mulf %get3A_540, %get3A_543 : vector<16xf32>
        %add3A_545 = arith.addf %add3A_537, %mul3A_544 : vector<16xf32>
        %get3A_546 = arith.index_cast %add3A_522 : i32 to index
        %get3A_547 = arith.constant 48 : index
        %get3A_548 = tpu.vector_load %arg4[%get3A_546, %get3A_547] {strides = array<i32>} : memref<128x128xf32, #tpu.memory_space<vmem>>, vector<16xf32>,
        %get3A_549 = arith.index_cast %add3A_522 : i32 to index
        %get3A_550 = arith.constant 48 : index
        %get3A_551 = tpu.vector_load %arg5[%get3A_549, %get3A_550] {strides = array<i32>} : memref<128x128xf32, #tpu.memory_space<vmem>>, vector<16xf32>,
        %mul3A_552 = arith.mulf %get3A_548, %get3A_551 : vector<16xf32>
        %add3A_553 = arith.addf %add3A_545, %mul3A_552 : vector<16xf32>
        %eq3A_554 = arith.constant 11 : i32
        %eq3A_555 = vector.broadcast %eq3A_554 : i32 to vector<16xi32>
        %eq3A_556 = arith.cmpi eq, %iota3A, %eq3A_555 : vector<16xi32>
        %reduce_sum3A_557 = arith.constant true
        %reduce_sum3A_558 = vector.broadcast %reduce_sum3A_557 : i1 to vector<16xi1>
        %reduce_sum3A_559 = tpu.scan <sum>, %add3A_553 masked %reduce_sum3A_558 : vector<16xf32>, vector<16xi1> -> vector<16xf32>
        %reduce_sum3A_560 = vector.extract %reduce_sum3A_559[15] : f32 from vector<16xf32>
        %broadcast_in_dim3A_561 = vector.broadcast %reduce_sum3A_560 : f32 to vector<16xf32>
        %select_n3A_562 = arith.select %eq3A_556, %broadcast_in_dim3A_561, %select_n3A_518 : vector<16xi1>, vector<16xf32>
        %mul3A_563 = arith.constant 16 : i32
        %mul3A_564 = arith.muli %scan3A_37, %mul3A_563 : i32
        %add3A_565 = arith.constant 12 : i32
        %add3A_566 = arith.addi %mul3A_564, %add3A_565 : i32
        %get3A_567 = arith.index_cast %add3A_566 : i32 to index
        %get3A_568 = arith.constant 0 : index
        %get3A_569 = tpu.vector_load %arg4[%get3A_567, %get3A_568] {strides = array<i32>} : memref<128x128xf32, #tpu.memory_space<vmem>>, vector<16xf32>,
        %get3A_570 = arith.index_cast %add3A_566 : i32 to index
        %get3A_571 = arith.constant 0 : index
        %get3A_572 = tpu.vector_load %arg5[%get3A_570, %get3A_571] {strides = array<i32>} : memref<128x128xf32, #tpu.memory_space<vmem>>, vector<16xf32>,
        %mul3A_573 = arith.mulf %get3A_569, %get3A_572 : vector<16xf32>
        %get3A_574 = arith.index_cast %add3A_566 : i32 to index
        %get3A_575 = arith.constant 16 : index
        %get3A_576 = tpu.vector_load %arg4[%get3A_574, %get3A_575] {strides = array<i32>} : memref<128x128xf32, #tpu.memory_space<vmem>>, vector<16xf32>,
        %get3A_577 = arith.index_cast %add3A_566 : i32 to index
        %get3A_578 = arith.constant 16 : index
        %get3A_579 = tpu.vector_load %arg5[%get3A_577, %get3A_578] {strides = array<i32>} : memref<128x128xf32, #tpu.memory_space<vmem>>, vector<16xf32>,
        %mul3A_580 = arith.mulf %get3A_576, %get3A_579 : vector<16xf32>
        %add3A_581 = arith.addf %mul3A_573, %mul3A_580 : vector<16xf32>
        %get3A_582 = arith.index_cast %add3A_566 : i32 to index
        %get3A_583 = arith.constant 32 : index
        %get3A_584 = tpu.vector_load %arg4[%get3A_582, %get3A_583] {strides = array<i32>} : memref<128x128xf32, #tpu.memory_space<vmem>>, vector<16xf32>,
        %get3A_585 = arith.index_cast %add3A_566 : i32 to index
        %get3A_586 = arith.constant 32 : index
        %get3A_587 = tpu.vector_load %arg5[%get3A_585, %get3A_586] {strides = array<i32>} : memref<128x128xf32, #tpu.memory_space<vmem>>, vector<16xf32>,
        %mul3A_588 = arith.mulf %get3A_584, %get3A_587 : vector<16xf32>
        %add3A_589 = arith.addf %add3A_581, %mul3A_588 : vector<16xf32>
        %get3A_590 = arith.index_cast %add3A_566 : i32 to index
        %get3A_591 = arith.constant 48 : index
        %get3A_592 = tpu.vector_load %arg4[%get3A_590, %get3A_591] {strides = array<i32>} : memref<128x128xf32, #tpu.memory_space<vmem>>, vector<16xf32>,
        %get3A_593 = arith.index_cast %add3A_566 : i32 to index
        %get3A_594 = arith.constant 48 : index
        %get3A_595 = tpu.vector_load %arg5[%get3A_593, %get3A_594] {strides = array<i32>} : memref<128x128xf32, #tpu.memory_space<vmem>>, vector<16xf32>,
        %mul3A_596 = arith.mulf %get3A_592, %get3A_595 : vector<16xf32>
        %add3A_597 = arith.addf %add3A_589, %mul3A_596 : vector<16xf32>
        %eq3A_598 = arith.constant 12 : i32
        %eq3A_599 = vector.broadcast %eq3A_598 : i32 to vector<16xi32>
        %eq3A_600 = arith.cmpi eq, %iota3A, %eq3A_599 : vector<16xi32>
        %reduce_sum3A_601 = arith.constant true
        %reduce_sum3A_602 = vector.broadcast %reduce_sum3A_601 : i1 to vector<16xi1>
        %reduce_sum3A_603 = tpu.scan <sum>, %add3A_597 masked %reduce_sum3A_602 : vector<16xf32>, vector<16xi1> -> vector<16xf32>
        %reduce_sum3A_604 = vector.extract %reduce_sum3A_603[15] : f32 from vector<16xf32>
        %broadcast_in_dim3A_605 = vector.broadcast %reduce_sum3A_604 : f32 to vector<16xf32>
        %select_n3A_606 = arith.select %eq3A_600, %broadcast_in_dim3A_605, %select_n3A_562 : vector<16xi1>, vector<16xf32>
        %mul3A_607 = arith.constant 16 : i32
        %mul3A_608 = arith.muli %scan3A_37, %mul3A_607 : i32
        %add3A_609 = arith.constant 13 : i32
        %add3A_610 = arith.addi %mul3A_608, %add3A_609 : i32
        %get3A_611 = arith.index_cast %add3A_610 : i32 to index
        %get3A_612 = arith.constant 0 : index
        %get3A_613 = tpu.vector_load %arg4[%get3A_611, %get3A_612] {strides = array<i32>} : memref<128x128xf32, #tpu.memory_space<vmem>>, vector<16xf32>,
        %get3A_614 = arith.index_cast %add3A_610 : i32 to index
        %get3A_615 = arith.constant 0 : index
        %get3A_616 = tpu.vector_load %arg5[%get3A_614, %get3A_615] {strides = array<i32>} : memref<128x128xf32, #tpu.memory_space<vmem>>, vector<16xf32>,
        %mul3A_617 = arith.mulf %get3A_613, %get3A_616 : vector<16xf32>
        %get3A_618 = arith.index_cast %add3A_610 : i32 to index
        %get3A_619 = arith.constant 16 : index
        %get3A_620 = tpu.vector_load %arg4[%get3A_618, %get3A_619] {strides = array<i32>} : memref<128x128xf32, #tpu.memory_space<vmem>>, vector<16xf32>,
        %get3A_621 = arith.index_cast %add3A_610 : i32 to index
        %get3A_622 = arith.constant 16 : index
        %get3A_623 = tpu.vector_load %arg5[%get3A_621, %get3A_622] {strides = array<i32>} : memref<128x128xf32, #tpu.memory_space<vmem>>, vector<16xf32>,
        %mul3A_624 = arith.mulf %get3A_620, %get3A_623 : vector<16xf32>
        %add3A_625 = arith.addf %mul3A_617, %mul3A_624 : vector<16xf32>
        %get3A_626 = arith.index_cast %add3A_610 : i32 to index
        %get3A_627 = arith.constant 32 : index
        %get3A_628 = tpu.vector_load %arg4[%get3A_626, %get3A_627] {strides = array<i32>} : memref<128x128xf32, #tpu.memory_space<vmem>>, vector<16xf32>,
        %get3A_629 = arith.index_cast %add3A_610 : i32 to index
        %get3A_630 = arith.constant 32 : index
        %get3A_631 = tpu.vector_load %arg5[%get3A_629, %get3A_630] {strides = array<i32>} : memref<128x128xf32, #tpu.memory_space<vmem>>, vector<16xf32>,
        %mul3A_632 = arith.mulf %get3A_628, %get3A_631 : vector<16xf32>
        %add3A_633 = arith.addf %add3A_625, %mul3A_632 : vector<16xf32>
        %get3A_634 = arith.index_cast %add3A_610 : i32 to index
        %get3A_635 = arith.constant 48 : index
        %get3A_636 = tpu.vector_load %arg4[%get3A_634, %get3A_635] {strides = array<i32>} : memref<128x128xf32, #tpu.memory_space<vmem>>, vector<16xf32>,
        %get3A_637 = arith.index_cast %add3A_610 : i32 to index
        %get3A_638 = arith.constant 48 : index
        %get3A_639 = tpu.vector_load %arg5[%get3A_637, %get3A_638] {strides = array<i32>} : memref<128x128xf32, #tpu.memory_space<vmem>>, vector<16xf32>,
        %mul3A_640 = arith.mulf %get3A_636, %get3A_639 : vector<16xf32>
        %add3A_641 = arith.addf %add3A_633, %mul3A_640 : vector<16xf32>
        %eq3A_642 = arith.constant 13 : i32
        %eq3A_643 = vector.broadcast %eq3A_642 : i32 to vector<16xi32>
        %eq3A_644 = arith.cmpi eq, %iota3A, %eq3A_643 : vector<16xi32>
        %reduce_sum3A_645 = arith.constant true
        %reduce_sum3A_646 = vector.broadcast %reduce_sum3A_645 : i1 to vector<16xi1>
        %reduce_sum3A_647 = tpu.scan <sum>, %add3A_641 masked %reduce_sum3A_646 : vector<16xf32>, vector<16xi1> -> vector<16xf32>
        %reduce_sum3A_648 = vector.extract %reduce_sum3A_647[15] : f32 from vector<16xf32>
        %broadcast_in_dim3A_649 = vector.broadcast %reduce_sum3A_648 : f32 to vector<16xf32>
        %select_n3A_650 = arith.select %eq3A_644, %broadcast_in_dim3A_649, %select_n3A_606 : vector<16xi1>, vector<16xf32>
        %mul3A_651 = arith.constant 16 : i32
        %mul3A_652 = arith.muli %scan3A_37, %mul3A_651 : i32
        %add3A_653 = arith.constant 14 : i32
        %add3A_654 = arith.addi %mul3A_652, %add3A_653 : i32
        %get3A_655 = arith.index_cast %add3A_654 : i32 to index
        %get3A_656 = arith.constant 0 : index
        %get3A_657 = tpu.vector_load %arg4[%get3A_655, %get3A_656] {strides = array<i32>} : memref<128x128xf32, #tpu.memory_space<vmem>>, vector<16xf32>,
        %get3A_658 = arith.index_cast %add3A_654 : i32 to index
        %get3A_659 = arith.constant 0 : index
        %get3A_660 = tpu.vector_load %arg5[%get3A_658, %get3A_659] {strides = array<i32>} : memref<128x128xf32, #tpu.memory_space<vmem>>, vector<16xf32>,
        %mul3A_661 = arith.mulf %get3A_657, %get3A_660 : vector<16xf32>
        %get3A_662 = arith.index_cast %add3A_654 : i32 to index
        %get3A_663 = arith.constant 16 : index
        %get3A_664 = tpu.vector_load %arg4[%get3A_662, %get3A_663] {strides = array<i32>} : memref<128x128xf32, #tpu.memory_space<vmem>>, vector<16xf32>,
        %get3A_665 = arith.index_cast %add3A_654 : i32 to index
        %get3A_666 = arith.constant 16 : index
        %get3A_667 = tpu.vector_load %arg5[%get3A_665, %get3A_666] {strides = array<i32>} : memref<128x128xf32, #tpu.memory_space<vmem>>, vector<16xf32>,
        %mul3A_668 = arith.mulf %get3A_664, %get3A_667 : vector<16xf32>
        %add3A_669 = arith.addf %mul3A_661, %mul3A_668 : vector<16xf32>
        %get3A_670 = arith.index_cast %add3A_654 : i32 to index
        %get3A_671 = arith.constant 32 : index
        %get3A_672 = tpu.vector_load %arg4[%get3A_670, %get3A_671] {strides = array<i32>} : memref<128x128xf32, #tpu.memory_space<vmem>>, vector<16xf32>,
        %get3A_673 = arith.index_cast %add3A_654 : i32 to index
        %get3A_674 = arith.constant 32 : index
        %get3A_675 = tpu.vector_load %arg5[%get3A_673, %get3A_674] {strides = array<i32>} : memref<128x128xf32, #tpu.memory_space<vmem>>, vector<16xf32>,
        %mul3A_676 = arith.mulf %get3A_672, %get3A_675 : vector<16xf32>
        %add3A_677 = arith.addf %add3A_669, %mul3A_676 : vector<16xf32>
        %get3A_678 = arith.index_cast %add3A_654 : i32 to index
        %get3A_679 = arith.constant 48 : index
        %get3A_680 = tpu.vector_load %arg4[%get3A_678, %get3A_679] {strides = array<i32>} : memref<128x128xf32, #tpu.memory_space<vmem>>, vector<16xf32>,
        %get3A_681 = arith.index_cast %add3A_654 : i32 to index
        %get3A_682 = arith.constant 48 : index
        %get3A_683 = tpu.vector_load %arg5[%get3A_681, %get3A_682] {strides = array<i32>} : memref<128x128xf32, #tpu.memory_space<vmem>>, vector<16xf32>,
        %mul3A_684 = arith.mulf %get3A_680, %get3A_683 : vector<16xf32>
        %add3A_685 = arith.addf %add3A_677, %mul3A_684 : vector<16xf32>
        %eq3A_686 = arith.constant 14 : i32
        %eq3A_687 = vector.broadcast %eq3A_686 : i32 to vector<16xi32>
        %eq3A_688 = arith.cmpi eq, %iota3A, %eq3A_687 : vector<16xi32>
        %reduce_sum3A_689 = arith.constant true
        %reduce_sum3A_690 = vector.broadcast %reduce_sum3A_689 : i1 to vector<16xi1>
        %reduce_sum3A_691 = tpu.scan <sum>, %add3A_685 masked %reduce_sum3A_690 : vector<16xf32>, vector<16xi1> -> vector<16xf32>
        %reduce_sum3A_692 = vector.extract %reduce_sum3A_691[15] : f32 from vector<16xf32>
        %broadcast_in_dim3A_693 = vector.broadcast %reduce_sum3A_692 : f32 to vector<16xf32>
        %select_n3A_694 = arith.select %eq3A_688, %broadcast_in_dim3A_693, %select_n3A_650 : vector<16xi1>, vector<16xf32>
        %mul3A_695 = arith.constant 16 : i32
        %mul3A_696 = arith.muli %scan3A_37, %mul3A_695 : i32
        %add3A_697 = arith.constant 15 : i32
        %add3A_698 = arith.addi %mul3A_696, %add3A_697 : i32
        %get3A_699 = arith.index_cast %add3A_698 : i32 to index
        %get3A_700 = arith.constant 0 : index
        %get3A_701 = tpu.vector_load %arg4[%get3A_699, %get3A_700] {strides = array<i32>} : memref<128x128xf32, #tpu.memory_space<vmem>>, vector<16xf32>,
        %get3A_702 = arith.index_cast %add3A_698 : i32 to index
        %get3A_703 = arith.constant 0 : index
        %get3A_704 = tpu.vector_load %arg5[%get3A_702, %get3A_703] {strides = array<i32>} : memref<128x128xf32, #tpu.memory_space<vmem>>, vector<16xf32>,
        %mul3A_705 = arith.mulf %get3A_701, %get3A_704 : vector<16xf32>
        %get3A_706 = arith.index_cast %add3A_698 : i32 to index
        %get3A_707 = arith.constant 16 : index
        %get3A_708 = tpu.vector_load %arg4[%get3A_706, %get3A_707] {strides = array<i32>} : memref<128x128xf32, #tpu.memory_space<vmem>>, vector<16xf32>,
        %get3A_709 = arith.index_cast %add3A_698 : i32 to index
        %get3A_710 = arith.constant 16 : index
        %get3A_711 = tpu.vector_load %arg5[%get3A_709, %get3A_710] {strides = array<i32>} : memref<128x128xf32, #tpu.memory_space<vmem>>, vector<16xf32>,
        %mul3A_712 = arith.mulf %get3A_708, %get3A_711 : vector<16xf32>
        %add3A_713 = arith.addf %mul3A_705, %mul3A_712 : vector<16xf32>
        %get3A_714 = arith.index_cast %add3A_698 : i32 to index
        %get3A_715 = arith.constant 32 : index
        %get3A_716 = tpu.vector_load %arg4[%get3A_714, %get3A_715] {strides = array<i32>} : memref<128x128xf32, #tpu.memory_space<vmem>>, vector<16xf32>,
        %get3A_717 = arith.index_cast %add3A_698 : i32 to index
        %get3A_718 = arith.constant 32 : index
        %get3A_719 = tpu.vector_load %arg5[%get3A_717, %get3A_718] {strides = array<i32>} : memref<128x128xf32, #tpu.memory_space<vmem>>, vector<16xf32>,
        %mul3A_720 = arith.mulf %get3A_716, %get3A_719 : vector<16xf32>
        %add3A_721 = arith.addf %add3A_713, %mul3A_720 : vector<16xf32>
        %get3A_722 = arith.index_cast %add3A_698 : i32 to index
        %get3A_723 = arith.constant 48 : index
        %get3A_724 = tpu.vector_load %arg4[%get3A_722, %get3A_723] {strides = array<i32>} : memref<128x128xf32, #tpu.memory_space<vmem>>, vector<16xf32>,
        %get3A_725 = arith.index_cast %add3A_698 : i32 to index
        %get3A_726 = arith.constant 48 : index
        %get3A_727 = tpu.vector_load %arg5[%get3A_725, %get3A_726] {strides = array<i32>} : memref<128x128xf32, #tpu.memory_space<vmem>>, vector<16xf32>,
        %mul3A_728 = arith.mulf %get3A_724, %get3A_727 : vector<16xf32>
        %add3A_729 = arith.addf %add3A_721, %mul3A_728 : vector<16xf32>
        %eq3A_730 = arith.constant 15 : i32
        %eq3A_731 = vector.broadcast %eq3A_730 : i32 to vector<16xi32>
        %eq3A_732 = arith.cmpi eq, %iota3A, %eq3A_731 : vector<16xi32>
        %reduce_sum3A_733 = arith.constant true
        %reduce_sum3A_734 = vector.broadcast %reduce_sum3A_733 : i1 to vector<16xi1>
        %reduce_sum3A_735 = tpu.scan <sum>, %add3A_729 masked %reduce_sum3A_734 : vector<16xf32>, vector<16xi1> -> vector<16xf32>
        %reduce_sum3A_736 = vector.extract %reduce_sum3A_735[15] : f32 from vector<16xf32>
        %broadcast_in_dim3A_737 = vector.broadcast %reduce_sum3A_736 : f32 to vector<16xf32>
        %select_n3A_738 = arith.select %eq3A_732, %broadcast_in_dim3A_737, %select_n3A_694 : vector<16xi1>, vector<16xf32>
        %mul3A_739 = arith.constant 128 : i32
        %mul3A_740 = arith.muli %scan3A_8, %mul3A_739 : i32
        %mul3A_741 = arith.constant 16 : i32
        %mul3A_742 = arith.muli %scan3A_37, %mul3A_741 : i32
        %add3A_743 = arith.addi %mul3A_740, %mul3A_742 : i32
        %swap3A = arith.index_cast %add3A_743 : i32 to index
        %swap3A_744 = tpu.vector_load %arg6[%swap3A] {strides = array<i32>} : memref<512xf32, #tpu.memory_space<vmem>>, vector<16xf32>,
        tpu.vector_store %arg6[%swap3A], %select_n3A_738 {strides = array<i32>} : memref<512xf32, #tpu.memory_space<vmem>>, vector<16xf32>,
      }
      %scan3A_36 = arith.constant 8 : i32
    }
    %scan3A_7 = arith.constant 4 : i32
    "tpu.region"() ({
      %run_scoped3A = tpu.sem_alloc : memref<!tpu.dma_semaphore, #tpu.memory_space<semaphore_mem>>
      %dma_start3A = tpu.memref_slice %arg3[%mul3A_2] : memref<16384xf32, #tpu.memory_space<hbm>> -> memref<512xf32, #tpu.memory_space<hbm>>
      %dma_start3A_8 = tpu.memref_slice %arg3[%mul3A_2] : memref<16384xf32, #tpu.memory_space<hbm>> -> memref<512xf32, #tpu.memory_space<hbm>>
      tpu.enqueue_dma source(%arg6 : memref<512xf32, #tpu.memory_space<vmem>>) target(%dma_start3A_8 : memref<512xf32, #tpu.memory_space<hbm>>) target_semaphore(%run_scoped3A : memref<!tpu.dma_semaphore, #tpu.memory_space<semaphore_mem>>)
      %dma_wait3A = tpu.memref_slice %arg3[%mul3A_2] : memref<16384xf32, #tpu.memory_space<hbm>> -> memref<512xf32, #tpu.memory_space<hbm>>
      %dma_wait3A_9 = tpu.memref_slice %arg3[%mul3A_2] : memref<16384xf32, #tpu.memory_space<hbm>> -> memref<512xf32, #tpu.memory_space<hbm>>
      tpu.wait_dma2 semaphore(%run_scoped3A : memref<!tpu.dma_semaphore, #tpu.memory_space<semaphore_mem>>) src(%arg6 : memref<512xf32, #tpu.memory_space<vmem>>) dst(%dma_wait3A_9 : memref<512xf32, #tpu.memory_space<hbm>>)
      tpu.yield
    }) : () -> ()
    return
  }
}

</mosaic_0001>

<sc_bundles>
// kernel: kernel.4.cloned.1.call-start
scs
__scs_entry_jumppad:
0x0: {  	(pc) =	sbr.rel $0x88, $3  }
0x1: {  	(tag) =	ssettag $0x0;
	lr =	simm.s32 $0x1  }
0x2: {  	[smem:$0x3F9E] =	sst lr;
	_ =	strace $0xD0000000  }
0x3: {  	_ = 	snop  }
0x4: {  	_ = 	snop  }
0x5: {  	_ = 	snop  }
0x6: {  	_ = 	snop  }
0x7: {  	_ = 	snop  }
__scs_overlays_trampoline_lowered:
0x8: {  	[smem:$0x3FAD] =	sst s0  }
0x9: {  	[smem:$0x3FAE] =	sst s1  }
0xa: {  	[smem:$0x3FAF] =	sst s2  }
0xb: {  	[smem:$0x3FB0] =	sst s3  }
0xc: {  	[smem:$0x3FB1] =	sst s4  }
0xd: {  	[smem:$0x3FB2] =	sst s5  }
0xe: {  	[smem:$0x3FB3] =	sst s6  }
0xf: {  	[smem:$0x3FB4] =	sst s7  }
0x10: {  	[smem:$0x3FB5] =	sst s8  }
0x11: {  	[smem:$0x3FB6] =	sst s9;
	s0 =	simm.s32 @!p0 $0x0  }
0x12: {  	s1 =	sld [smem:$0x3F9C];
	s0 =	simm.s32 @p0 $0x1  }
0x13: {  	[smem:$0x3FB7] =	sst s0;
	s0 =	simm.s32 @!p1 $0x0  }
0x14: {  	s2 =	sld [smem:$0x3F9B];
	s0 =	simm.s32 @p1 $0x1  }
0x15: {  	[smem:$0x3FB8] =	sst s0;
	s0 =	simm.s32 @!p2 $0x0  }
0x16: {  	s3 =	sld [smem:$0x3FDB];
	s0 =	simm.s32 @p2 $0x1  }
0x17: {  	s4 =	simm.s32 $0x1BF5;
	[smem:$0x3FBA] =	sst s0  }
0x18: {  	s0 =	sld [smem:$0x3F9D];
	_ =	swait.ge [sflag:s4], $0x0  }
0x19: {  	s7 =	sld [smem:$0x3F9E]  }
0x1a: {  	s8 =	sadd.s32 $0xFFFFE003, lr  }
0x1b: {  	s9 =	sadd.s32 $0xFFFFFEF7, lr;
	s5 =	simm.s32 $0xFFFFFFFF;
	p2 =	slt.u32 s8, $0xFFFFF086  }
0x1c: {  	p1 =	slt.u32 s9, $0xF7A;
	s5 =	simm.s32 @!p2 $0x0  }
0x1d: {  	s5 =	simm.s32 @p1 $0x1;
	p0 =	seq.s32 s7, s2  }
0x1e: {  	s7 =	smul.u32 @!p0 $0xF7A, s2;
	p2 =	seq.s32 @!p0 s5, $0x0  }
0x1f: {  	s9 =	smul.u32 $0xF7A, s1;
	s8 =	simm.s32 @!p0 $0x1BF5;
	p2 =	por !p2, p0  }
0x20: {  	[sflag:s8] =	ssyncset.s32 @!p0 $0xFFFFF086;
	s6 =	sadd.s32 @!p0 s3, s7;
	s7 =	simm.s32 @!p0 $0x108  }
0x21: {  	s3 =	sadd.s32 s3, s9;
	s6 =	sadd.s32 @!p0 $0x88, s6;
	s7 =	simm.s32 @p2 $0x1082  }
0x22: {  	[simem:s7], [sflag:s8] =	dma.local @!p0 [hbm:s6], $0xF7A  }
0x23: {  	s9 =	sor.u32 $0xD0000000, s2;
	s6 =	simm.s32 $0x108;
	_ =	swait.ge @!p0 [sflag:s8], $0x0  }
0x24: {  	s3 =	sadd.s32 $0x88, s3;
	s6 =	simm.s32 @!p1 $0x1082;
	[sflag:s4] =	ssyncset.s32 $0xFFFFF086  }
0x25: {  	[simem:s6], [sflag:s4] =	dma.local [hbm:s3], $0xF7A  }
0x26: {  	[smem:$0x3F9E] =	sst s1;
	(tag) =	ssettag s2;
	_ =	strace s9  }
0x27: {  	s1 =	sld [smem:$0x3FAE]  }
0x28: {  	s2 =	sld [smem:$0x3FAF]  }
0x29: {  	s4 =	sld [smem:$0x3FB1]  }
0x2a: {  	p0 =	seq.s32 s5, $0x0;
	s5 =	sld [smem:$0x3FB2]  }
0x2b: {  	s6 =	sld [smem:$0x3FB3]  }
0x2c: {  	s7 =	sld [smem:$0x3FB4]  }
0x2d: {  	s3 =	simm.s32 $0x108;
	s8 =	sld [smem:$0x3FB5]  }
0x2e: {  	s3 =	simm.s32 @!p0 $0x1082;
	s9 =	sld [smem:$0x3FB6]  }
0x2f: {  	lr =	sadd.s32 s0, s3;
	s0 =	sld [smem:$0x3FAD]  }
0x30: {  	s3 =	sld [smem:$0x3FB0]  }
0x31: {  	[smem:$0x3FB9] =	sst s10  }
0x32: {  	s10 =	sld [smem:$0x3FB7];
	_ =	sdelay $0x3  }
0x33: {  	p0 =	seq.s32 s10, $0x1;
	s10 =	sld [smem:$0x3FB9];
	_ =	sdelay $0x3  }
0x34: {  	[smem:$0x3FB9] =	sst s10  }
0x35: {  	s10 =	sld [smem:$0x3FB8];
	_ =	sdelay $0x3  }
0x36: {  	p1 =	seq.s32 s10, $0x1;
	s10 =	sld [smem:$0x3FB9];
	_ =	sdelay $0x3  }
0x37: {  	[smem:$0x3FB9] =	sst s10  }
0x38: {  	s10 =	sld [smem:$0x3FBA]  }
0x39: {  	_ = 	snop;
	(pc) =	sbr.ind lr, $3  }
0x3a: {  	_ = 	snop  }
0x3b: {  	_ = 	snop  }
0x3c: {  	p2 =	seq.s32 s10, $0x1;
	s10 =	sld [smem:$0x3FB9]  }
0x3d: {  	_ =	shalt  }
0x3e: {  	_ =	shalt  }
0x3f: {  	_ =	shalt  }
0x40: {  	_ =	shalt  }
0x41: {  	_ =	shalt  }
0x42: {  	_ =	shalt  }
0x43: {  	_ =	shalt  }
0x44: {  	_ =	shalt  }
0x45: {  	_ =	shalt  }
0x46: {  	_ =	shalt  }
0x47: {  	_ =	shalt  }
0x48: {  	_ =	shalt  }
0x49: {  	_ =	shalt  }
0x4a: {  	_ =	shalt  }
0x4b: {  	_ =	shalt  }
0x4c: {  	_ =	shalt  }
0x4d: {  	_ =	shalt  }
0x4e: {  	_ =	shalt  }
0x4f: {  	_ =	shalt  }
0x50: {  	_ =	shalt  }
0x51: {  	_ =	shalt  }
0x52: {  	_ =	shalt  }
0x53: {  	_ =	shalt  }
0x54: {  	_ =	shalt  }
0x55: {  	_ =	shalt  }
0x56: {  	_ =	shalt  }
0x57: {  	_ =	shalt  }
0x58: {  	_ =	shalt  }
0x59: {  	_ =	shalt  }
0x5a: {  	_ =	shalt  }
0x5b: {  	_ =	shalt  }
0x5c: {  	_ =	shalt  }
0x5d: {  	_ =	shalt  }
0x5e: {  	_ =	shalt  }
0x5f: {  	_ =	shalt  }
0x60: {  	_ =	shalt  }
0x61: {  	_ =	shalt  }
0x62: {  	_ =	shalt  }
0x63: {  	_ =	shalt  }
0x64: {  	_ =	shalt  }
0x65: {  	_ =	shalt  }
0x66: {  	_ =	shalt  }
0x67: {  	_ =	shalt  }
0x68: {  	_ =	shalt  }
0x69: {  	_ =	shalt  }
0x6a: {  	_ =	shalt  }
0x6b: {  	_ =	shalt  }
0x6c: {  	_ =	shalt  }
0x6d: {  	_ =	shalt  }
0x6e: {  	_ =	shalt  }
0x6f: {  	_ =	shalt  }
0x70: {  	_ =	shalt  }
0x71: {  	_ =	shalt  }
0x72: {  	_ =	shalt  }
0x73: {  	_ =	shalt  }
0x74: {  	_ =	shalt  }
0x75: {  	_ =	shalt  }
0x76: {  	_ =	shalt  }
0x77: {  	_ =	shalt  }
0x78: {  	_ =	shalt  }
0x79: {  	_ =	shalt  }
0x7a: {  	_ =	shalt  }
0x7b: {  	_ =	shalt  }
0x7c: {  	_ =	shalt  }
0x7d: {  	_ =	shalt  }
0x7e: {  	_ =	shalt  }
0x7f: {  	_ =	shalt  }
0x80: {  	_ =	shalt  }
0x81: {  	_ =	shalt  }
0x82: {  	_ =	shalt  }
0x83: {  	_ =	shalt  }
0x84: {  	_ =	shalt  }
0x85: {  	_ =	shalt  }
0x86: {  	_ =	shalt  }
0x87: {  	_ =	shalt  }
.Lfunc_end0:
.L_simem_size_0:
called_computation_lowered:
.L_overlay_start_0:
0x88: {  	s2 =	sld [smem:$0x3FD9]  }
0x89: {  	s3 =	sld [smem:$0x3FFE];
	_ =	sdelay $0x1  }
0x8a: {  	s1 =	srdreg.scid  }
0x8b: {  	s0 =	sand.u32 $0x1, s1  }
0x8c: {  	s17 =	sshll.u32 s0, $0xA;
	s2 =	sadd.s32 s3, s2  }
0x8d: {  	s2 =	sadd.s32 s2, s17  }
0x8e: {  	[smem:$0x3FC5] =	sst s2  }
0x8f: {  	_ = 	snop  }
0x90: {  	s2 =	sld [smem:$0x3FC9]  }
0x91: {  	s18 =	sld [smem:$0x3FC8]  }
0x92: {  	s4 =	sld [smem:$0x3FC7]  }
0x93: {  	s5 =	sld [smem:$0x3FD0];
	(tm) =	ssettm $0x1  }
0x94: {  	s6 =	sld [smem:$0x3FFB];
	_ =	sdelay $0x3  }
0x95: {  	_ =	strace s6  }
0x96: {  	s6 =	sld [smem:$0x3FFC];
	_ =	sdelay $0x3  }
0x97: {  	_ =	strace s6  }
0x98: {  	s6 =	sld [smem:$0x3FFD];
	_ =	sdelay $0x3  }
0x99: {  	_ =	strace s6  }
0x9a: {  	_ =	strace $0x8FFFFFFF  }
0x9b: {  	s19 =	sld [smem:$0x3FDB];
	_ =	sdelay $0x1  }
0x9c: {  	s7 =	simm.s32 $_scs_section_size  }
0x9d: {  	s8 =	simm.s32 $_size__tile_overlayer_lowered;
	s9 =	simm.s32 $_tile_overlayer_lowered  }
0x9e: {  	s22 =	simm.s32 $0x1BFF;
	s21 =	sshll.u32 s9, $0x1;
	s6 =	sadd.s32 s7, s19  }
0x9f: {  	s10 =	simm.s32 $0x0;
	s20 =	sshll.u32 s8, $0x1;
	s8 =	sadd.s32 s21, s6  }
0xa0: {  	[timem:s10], [sflag:s22] =	dma.local [hbm:s8], s20  }
0xa1: {  	_ =	swait.ge [sflag:s22], s20  }
0xa2: {  	s7 =	ssub.s32 $0x0, s20;
	[sflag:s22] =	ssyncset.done $0x0  }
0xa3: {  	[sflag:s22] =	ssyncadd.s32 s7;
	_ =	sdelay $0x1  }
0xa4: {  	s23 =	simm.s32 $0x1B8B  }
0xa5: {  	_ =	swait.ge [sflag:s23], $0x1  }
0xa6: {  	[sflag:s23] =	ssyncset.done $0x0  }
0xa7: {  	s25 =	simm.s32 $0x1B8E;
	s24 =	sld [smem:$0x3FFE];
	[sflag:s23] =	ssyncadd.s32 $0xFFFFFFFF  }
0xa8: {  	s26 =	simm.s32 $execute0_lowered;
	[smem:$0x3FD2] =	sst s25  }
0xa9: {  	s8 =	sshll.u32 s26, $0x1;
	_ =	strace $0x80000046;
	[dreg:$0x1] =	wrdreg $0xFFFFFFFF  }
0xaa: {  	s28 =	simm.s32 $_size_execute0_lowered;
	s6 =	sadd.s32 s6, s8;
	[dreg:$0x0] =	wrdreg $0x0  }
0xab: {  	s8 =	sshll.u32 s28, $0x1;
	[dreg:$0x2] =	wrdreg s6  }
0xac: {  	[dreg:$0x3] =	wrdreg s8  }
0xad: {  	[dreg:$0x4] =	wrdreg $0xC0  }
0xae: {  	_ =	task [dreg:s10], $0x5FFFF  }
0xaf: {  	[dreg:$0x1] =	wrdreg $0xFFFFFFFF  }
0xb0: {  	[dreg:$0x0] =	wrdreg $0x60  }
0xb1: {  	[dreg:$0x2] =	wrdreg s2  }
0xb2: {  	[dreg:$0x3] =	wrdreg s18  }
0xb3: {  	[dreg:$0x4] =	wrdreg s4  }
0xb4: {  	[dreg:$0x5] =	wrdreg s5  }
0xb5: {  	[dreg:$0x6] =	wrdreg s24  }
0xb6: {  	[dreg:$0x7] =	wrdreg $0x9  }
0xb7: {  	_ =	task.clear_ibuf [dreg:s10], $0x8FFFF;
	_ =	strace $0x90000046  }
0xb8: {  	s29 =	simm.s32 $0x9;
	_ =	strace $0x80000048  }
0xb9: {  	_ =	swait.ge [sflag:s29], $0x1  }
0xba: {  	[sflag:s29] =	ssyncadd.s32 $0xFFFFFFFF  }
0xbb: {  	_ =	strace $0x90000048  }
0xbc: {  	_ =	sfence  }
0xbd: {  	s30 =	sld [smem:$0x0];
	_ =	sdelay $0x2  }
0xbe: {  	s31 =	sshll.u32 s1, $0xD;
	s1 =	sshrl.u32 s1, $0x2  }
0xbf: {  	s3 =	sand.u32 $0x4000, s31;
	s1 =	sadd.s32 s1, s30  }
0xc0: {  	s0 =	sor.u32 s3, s0;
	s1 =	sshll.u32 s1, $0x11  }
0xc1: {  	s0 =	sor.u32 s1, s0  }
0xc2: {  	s0 =	sadd.s32 $0x8F2B, s0  }
0xc3: {  	[sflag:s0] =	ssyncadd.remote.s32 $0x1  }
0xc4: {  	_ =	sfence.sel $0xFFFF  }
0xc5: {  	[dreg:$0x0] =	wrdreg $0xFFFFFFFF;
	(pc) =	sbr.abs _section_cstart, $3  }
0xc6: {  	[dreg:$0x1] =	wrdreg $0xFFFFFFFF  }
0xc7: {  	_ =	task.clear_ibuf [dreg:s10], $0x2FFFF;
	_ =	strace $0x9FFFFFFF  }
0xc8: {  	(tm) =	ssettm $0x7FFFFFFF  }
0xc9: {  	_ =	shalt  }
tec
execute0_lowered:
.L_overlay_start_1:
0x0: {  	(tag) =	ssettag $0x1  }
0x1: {  	v3 =	vlaneseq.u32  }
0x2: {  	v4 =	vimm.s32 $0x0;
	v5 =	vimm.s32 $0x20000000;
	v7 =	vimm.s32 $0x1380  }
0x3: {  	vm14 =	vcmask $0x300;
	v8 =	vimm.s32 $0x3380;
	vm13 =	vcmask $0x704  }
0x4: {  	vm12 =	vcmask $0xB08;
	vm11 =	vcmask $0xF0C;
	vm10 =	vcmask $0x1310  }
0x5: {  	vm9 =	vcmask $0x1714;
	vm8 =	vcmask $0x1B18;
	vm7 =	vcmask $0x1F1C  }
0x6: {  	vm6 =	vcmask $0x2320;
	vm5 =	vcmask $0x2724;
	vm4 =	vcmask $0x2B28  }
0x7: {  	vm3 =	vcmask $0x2F2C;
	vm2 =	vcmask $0x3330;
	vm0 =	vcmask $0x3734  }
0x8: {  	vm1 =	vcmask $0x3B38;
	v9 =	vimm.s32 $0x5380;
	v10 =	vimm.s32 $0x7380  }
0x9: {  	v11 =	vimm.s32 $0x9380;
	v12 =	vimm.s32 $0xB380;
	v13 =	vimm.s32 $0xD380  }
0xa: {  	v14 =	vimm.s32 $0xF380;
	v6 =	vor.u32 $0x8000, v3;
	v7 =	vsel vm14, $0x0, v7  }
0xb: {  	v8 =	vsel vm14, $0x2000, v8;
	v9 =	vsel vm14, $0x4000, v9;
	v10 =	vsel vm14, $0x6000, v10  }
0xc: {  	v11 =	vsel vm14, $0x8000, v11;
	v12 =	vsel vm14, $0xA000, v12;
	v13 =	vsel vm14, $0xC000, v13  }
0xd: {  	v14 =	vsel vm14, $0xE000, v14;
	v15 =	vmul.u32 $0x80, v3;
	v7 =	vsel vm13, $0x80, v7  }
0xe: {  	v8 =	vsel vm13, $0x2080, v8;
	v9 =	vsel vm13, $0x4080, v9;
	v10 =	vsel vm13, $0x6080, v10  }
0xf: {  	v11 =	vsel vm13, $0x8080, v11;
	v12 =	vsel vm13, $0xA080, v12;
	v13 =	vsel vm13, $0xC080, v13  }
0x10: {  	s0 =	srdreg.scid;
	s1 =	stileid.u32;
	v14 =	vsel vm13, $0xE080, v14;
	v7 =	vsel vm12, $0x100, v7;
	v8 =	vsel vm12, $0x2100, v8  }
0x11: {  	s5 =	sand.u32 $0x1, s0;
	s26 =	sshll.u32 s1, $0x1;
	v9 =	vsel vm12, $0x4100, v9;
	v10 =	vsel vm12, $0x6100, v10;
	v11 =	vsel vm12, $0x8100, v11  }
0x12: {  	s0 =	sor.u32 s5, s26;
	v12 =	vsel vm12, $0xA100, v12;
	v13 =	vsel vm12, $0xC100, v13;
	v14 =	vsel vm12, $0xE100, v14  }
0x13: {  	s3 =	smul.u32 $0x7C00, s0;
	v7 =	vsel vm11, $0x180, v7;
	v8 =	vsel vm11, $0x2180, v8;
	v9 =	vsel vm11, $0x4180, v9  }
0x14: {  	v10 =	vsel vm11, $0x6180, v10;
	v11 =	vsel vm11, $0x8180, v11;
	v12 =	vsel vm11, $0xA180, v12  }
0x15: {  	v13 =	vsel vm11, $0xC180, v13;
	v14 =	vsel vm11, $0xE180, v14;
	v0 =	vmov s3  }
0x16: {  	v7 =	vsel vm10, $0x200, v7;
	v8 =	vsel vm10, $0x2200, v8;
	v9 =	vsel vm10, $0x4200, v9  }
0x17: {  	v10 =	vsel vm10, $0x6200, v10;
	v11 =	vsel vm10, $0x8200, v11;
	v12 =	vsel vm10, $0xA200, v12  }
0x18: {  	v13 =	vsel vm10, $0xC200, v13;
	v14 =	vsel vm10, $0xE200, v14;
	v7 =	vsel vm9, $0x280, v7  }
0x19: {  	v8 =	vsel vm9, $0x2280, v8;
	v9 =	vsel vm9, $0x4280, v9;
	v10 =	vsel vm9, $0x6280, v10  }
0x1a: {  	v11 =	vsel vm9, $0x8280, v11;
	v12 =	vsel vm9, $0xA280, v12;
	v13 =	vsel vm9, $0xC280, v13  }
0x1b: {  	v14 =	vsel vm9, $0xE280, v14;
	v7 =	vsel vm8, $0x300, v7;
	v8 =	vsel vm8, $0x2300, v8  }
0x1c: {  	s1 =	smul.u32 $0x3E, s0;
	v9 =	vsel vm8, $0x4300, v9;
	v10 =	vsel vm8, $0x6300, v10;
	v11 =	vsel vm8, $0x8300, v11  }
0x1d: {  	v12 =	vsel vm8, $0xA300, v12;
	v13 =	vsel vm8, $0xC300, v13;
	v14 =	vsel vm8, $0xE300, v14  }
0x1e: {  	s2 =	ssub.s32 $0x7A1, s1;
	v7 =	vsel vm7, $0x380, v7;
	v8 =	vsel vm7, $0x2380, v8;
	v9 =	vsel vm7, $0x4380, v9  }
0x1f: {  	s2 =	smin.u32 s2, $0x3E;
	v10 =	vsel vm7, $0x6380, v10;
	v11 =	vsel vm7, $0x8380, v11;
	v12 =	vsel vm7, $0xA380, v12  }
0x20: {  	s6 =	sshll.u32 s2, $0x9;
	v13 =	vsel vm7, $0xC380, v13;
	v14 =	vsel vm7, $0xE380, v14;
	v7 =	vsel vm6, $0x1000, v7  }
0x21: {  	p0 =	seq.s32 s0, $0x1F;
	s6 =	sadd.s32 s3, s6;
	v8 =	vsel vm6, $0x3000, v8;
	v9 =	vsel vm6, $0x5000, v9;
	v10 =	vsel vm6, $0x7000, v10  }
0x22: {  	s4 =	sadd.s32 $0x1, s2;
	s6 =	simm.s32 @p0 $0xF4240;
	v11 =	vsel vm6, $0x9000, v11;
	v12 =	vsel vm6, $0xB000, v12;
	v13 =	vsel vm6, $0xD000, v13  }
0x23: {  	s4 =	sshrl.u32 s4, $0x1;
	v14 =	vsel vm6, $0xF000, v14;
	v1 =	vmov s6;
	v7 =	vsel vm5, $0x1080, v7  }
0x24: {  	s7 =	sshll.u32 s4, $0x9;
	v8 =	vsel vm5, $0x3080, v8;
	v9 =	vsel vm5, $0x5080, v9;
	v10 =	vsel vm5, $0x7080, v10  }
0x25: {  	s7 =	sadd.s32 s3, s7;
	v11 =	vsel vm5, $0x9080, v11;
	v12 =	vsel vm5, $0xB080, v12;
	v13 =	vsel vm5, $0xD080, v13  }
0x26: {  	v14 =	vsel vm5, $0xF080, v14;
	v2 =	vmov s7;
	v7 =	vsel vm4, $0x1100, v7  }
0x27: {  	v8 =	vsel vm4, $0x3100, v8;
	v9 =	vsel vm4, $0x5100, v9;
	v10 =	vsel vm4, $0x7100, v10  }
0x28: {  	v11 =	vsel vm4, $0x9100, v11;
	v12 =	vsel vm4, $0xB100, v12;
	v13 =	vsel vm4, $0xD100, v13  }
0x29: {  	v14 =	vsel vm4, $0xF100, v14;
	v7 =	vsel vm3, $0x1180, v7;
	v8 =	vsel vm3, $0x3180, v8  }
0x2a: {  	s29 =	rddreg [dreg:$0x4];
	v9 =	vsel vm3, $0x5180, v9;
	v10 =	vsel vm3, $0x7180, v10;
	v11 =	vsel vm3, $0x9180, v11  }
0x2b: {  	s8 =	simm.s32 $0x0;
	s10 =	simm.s32 $0x4;
	s15 =	simm.s32 $0x4000;
	v12 =	vsel vm3, $0xB180, v12;
	v13 =	vsel vm3, $0xD180, v13;
	v14 =	vsel vm3, $0xF180, v14  }
0x2c: {  	s16 =	simm.s32 $0x5080;
	s17 =	simm.s32 $0x8200;
	s18 =	simm.s32 $0x9280;
	v7 =	vsel vm2, $0x1200, v7;
	v8 =	vsel vm2, $0x3200, v8;
	v9 =	vsel vm2, $0x5200, v9  }
0x2d: {  	s19 =	simm.s32 $0x1A300;
	s21 =	simm.s32 $0x1;
	s23 =	simm.s32 $0xA300;
	v10 =	vsel vm2, $0x7200, v10;
	v11 =	vsel vm2, $0x9200, v11;
	v12 =	vsel vm2, $0xB200, v12  }
0x2e: {  	s24 =	simm.s32 $0x6100;
	s25 =	simm.s32 $0x7180;
	s5 =	ssub.s32 $0x2, s5;
	v13 =	vsel vm2, $0xD200, v13;
	v14 =	vsel vm2, $0xF200, v14;
	v7 =	vsel vm0, $0x1280, v7  }
.Ltmp0:
0x2f: {  	s28 =	simm.s32 $0x2;
	s30 =	sshrl.u32 s5, $0x1;
	v8 =	vsel vm0, $0x3280, v8;
	v9 =	vsel vm0, $0x5280, v9;
	v10 =	vsel vm0, $0x7280, v10;
	(pc) =	sbr.rel .LBB2_1-.Ltmp0, $4  }
0x30: {  	s20 =	simm.s32 $0x0;
	[smem:$0x7FF] =	sst s8;
	s5 =	ssub.s32 s5, s30;
	v11 =	vsel vm0, $0x9280, v11;
	v12 =	vsel vm0, $0xB280, v12;
	v13 =	vsel vm0, $0xD280, v13  }
0x31: {  	s11 =	sadd.s32 $0x800, s29;
	s5 =	smax.u32 s5, $0x1;
	s7 =	rddreg [dreg:$0x2];
	v14 =	vsel vm0, $0xF280, v14;
	v7 =	vsel vm1, $0x1300, v7;
	v8 =	vsel vm1, $0x3300, v8  }
0x32: {  	_ =	strace $0x80000047;
	[dreg:$0x7] =	wrdreg s5;
	s31 =	sadd.s32 s7, s3;
	v9 =	vsel vm1, $0x5300, v9;
	v10 =	vsel vm1, $0x7300, v10;
	v11 =	vsel vm1, $0x9300, v11  }
0x33: {  	s26 =	simm.s32 $0x3;
	p0 =	sne.s32 s0, $0x1F;
	[dreg:$0x6] =	wrdreg s31;
	v12 =	vsel vm1, $0xB300, v12;
	v13 =	vsel vm1, $0xD300, v13;
	v14 =	vsel vm1, $0xF300, v14  }
.LBB2_92:
0x34: {  	[sflag:s26] =	ssyncadd.s32 $0xFFFFF800  }
.LBB2_93:
0x35: {  	s20 =	sadd.s32 $0x1, s20;
	s0 =	rddreg [dreg:$0x7]  }
0x36: {  	p1 =	sne.s32 s20, s0  }
.Ltmp1:
0x37: {  	_ = 	snop;
	(pc) =	sbr.rel @!p1 .LBB2_94-.Ltmp1, $2  }
0x38: {  	_ =	sdelay $0x2  }
0x39: {  	s10 =	simm.s32 $0x4  }
.LBB2_1:
0x3a: {  	s0 =	rddreg [dreg:$0x0];
	s5 =	simm.s32 $0x0  }
0x3b: {  	[tilespmem:s5], [sflag:$0x4] =	stream.linear.gather [hbm4b:s0+s5], $0x4000, $0x38;
	[tilespmem:$0x1E300] =	vst v63  }
0x3c: {  	_ =	swait.ge [sflag:s10], $0x4000  }
0x3d: {  	[sflag:s10] =	ssyncset.done $0x0  }
0x3e: {  	[sflag:s10] =	ssyncadd.s32 $0xFFFFC000  }
0x3f: {  	v16 =	vld [tilespmem:s5+$0x0];
	_ =	sdelay $0x4  }
0x40: {  	vm0 =	vge.s32 v16, v0;
	vm1 =	vlt.s32 v16, v1  }
0x41: {  	vm0 =	vmand vm0, vm1  }
0x42: {  	v17 =	vsel vm0, $0x1, v4  }
0x43: {  	(xrf0) =	vadd.scan.msk.s32 $0xffff, v17;
	_ =	sdelay $0x2  }
0x44: {  	p1 =	por $0x0, $0x0  }
0x45: {  	v17 =	vmov @!p1 s5  }
0x46: {  	v17 =	vadd.s32 @!p1 $0xFFFFFFFF, v17  }
0x47: {  	v17 =	vbroadcast @!p1 v17, $0x0;
	v18, _, _ =	vpop (xrf0)  }
0x48: {  	(v2sf) =	vpush v18, $0xF  }
0x49: {  	v17 =	vadd.s32 @!p1 v18, v17;
	_ =	sdelay $0x3  }
0x4a: {  	s0 =	simm.s32 @!p1 $0x4000;
	v19 =	vlaneseq.u32 @!p1  }
0x4b: {  	s6 =	simm.s32 @!p1 $0x5080;
	v19 =	vor.u32 @!p1 s5, v19;
	[tilespmem:v17+s0+$0x0] =	vst.idx.msk @!p1 vm0, v16  }
0x4c: {  	s5 =	simm.s32 $0x10;
	s0 =	simm.s32 $0x0;
	[tilespmem:v17+s6+$0x0] =	vst.idx.msk @!p1 vm0, v19;
	s6 =	simm.s32 $0x10  }
.LBB2_2:
0x4d: {  	v16 =	vld [tilespmem:s5+$0x0];
	s8 =	smov.u32 s6;
	s6 =	sadd.s32 $0x10, s6  }
0x4e: {  	p1 =	sne.s32 s6, $0x4000;
	_ =	sdelay $0x3  }
0x4f: {  	vm0 =	vge.s32 v16, v0;
	vm1 =	vlt.s32 v16, v1  }
0x50: {  	vm0 =	vmand vm0, vm1  }
0x51: {  	p2 =	slt.s32 s0, $0xFF1;
	v17 =	vsel vm0, $0x1, v4;
	s9 =	spop (v2sf)  }
0x52: {  	(xrf0) =	vadd.scan.msk.s32 $0xffff, v17;
	s9 =	simm.s32 @!p2 $0x0  }
0x53: {  	s0 =	sadd.s32 s0, s9  }
0x54: {  	p2 =	sgt.s32 s0, $0xFF0  }
0x55: {  	v17 =	vmov @!p2 s0;
	s9 =	simm.s32 @!p2 $0x4000;
	v18 =	vlaneseq.u32 @!p2;
	s12 =	simm.s32 @!p2 $0x5080  }
0x56: {  	v17 =	vadd.s32 @!p2 $0xFFFFFFFF, v17;
	v18 =	vor.u32 @!p2 s8, v18  }
0x57: {  	v17 =	vbroadcast @!p2 v17, $0x0  }
0x58: {  	v19, _, _ =	vpop (xrf0)  }
0x59: {  	v17 =	vadd.s32 @!p2 v19, v17;
	(v2sf) =	vpush v19, $0xF;
	_ =	sdelay $0x2  }
.Ltmp2:
0x5a: {  	(pc) =	sbr.rel @p1 .LBB2_2-.Ltmp2, $4  }
0x5b: {  	_ = 	snop  }
0x5c: {  	[tilespmem:v17+s9+$0x0] =	vst.idx.msk @!p2 vm0, v16  }
0x5d: {  	[tilespmem:v17+s12+$0x0] =	vst.idx.msk @!p2 vm0, v18  }
0x5e: {  	s5 =	sadd.s32 $0x10, s5  }
0x5f: {  	_ =	sdelay $0x4  }
0x60: {  	s6 =	simm.s32 $0x0;
	s8 =	rddreg [dreg:$0x1]  }
0x61: {  	[tilespmem:s6], [sflag:$0x4] =	stream.linear.gather [hbm4b:s8+s6], $0x4000, $0x38;
	[tilespmem:$0x1E300] =	vst v63  }
0x62: {  	[dreg:$0x8] =	wrdreg s20;
	s5 =	spop (v2sf)  }
0x63: {  	_ =	swait.ge [sflag:s10], $0x4000  }
0x64: {  	[sflag:s10] =	ssyncset.done $0x0  }
0x65: {  	[sflag:s10] =	ssyncadd.s32 $0xFFFFC000  }
0x66: {  	v16 =	vld [tilespmem:s6+$0x0];
	_ =	sdelay $0x4  }
0x67: {  	vm0 =	vge.s32 v16, v0;
	vm1 =	vlt.s32 v16, v1  }
0x68: {  	vm0 =	vmand vm0, vm1  }
0x69: {  	v17 =	vsel vm0, $0x1, v4  }
0x6a: {  	p1 =	slt.s32 s0, $0xFF1;
	(xrf0) =	vadd.scan.msk.s32 $0xffff, v17  }
0x6b: {  	s5 =	simm.s32 @!p1 $0x0  }
0x6c: {  	s0 =	sadd.s32 s0, s5  }
0x6d: {  	p1 =	sgt.s32 s0, $0xFF0  }
0x6e: {  	v17 =	vmov @!p1 s0  }
0x6f: {  	v17 =	vadd.s32 @!p1 $0xFFFFFFFF, v17  }
0x70: {  	v17 =	vbroadcast @!p1 v17, $0x0;
	v18, _, _ =	vpop (xrf0)  }
0x71: {  	(v2sf) =	vpush v18, $0xF  }
0x72: {  	v17 =	vadd.s32 @!p1 v18, v17;
	_ =	sdelay $0x2  }
0x73: {  	v19 =	vlaneseq.u32 @!p1  }
0x74: {  	s5 =	simm.s32 @!p1 $0x4000;
	v19 =	vor.u32 @!p1 $0x4000, v19  }
0x75: {  	s8 =	simm.s32 @!p1 $0x5080;
	v19 =	vor.u32 @!p1 s6, v19;
	[tilespmem:v17+s5+$0x0] =	vst.idx.msk @!p1 vm0, v16  }
0x76: {  	s6 =	simm.s32 $0x10;
	s5 =	simm.s32 $0x10;
	[tilespmem:v17+s8+$0x0] =	vst.idx.msk @!p1 vm0, v19  }
.LBB2_4:
0x77: {  	v16 =	vld [tilespmem:s5+$0x0];
	s8 =	smov.u32 s6;
	s6 =	sadd.s32 $0x10, s6  }
0x78: {  	p1 =	sne.s32 s6, $0x4000;
	_ =	sdelay $0x3  }
0x79: {  	vm0 =	vge.s32 v16, v0;
	vm1 =	vlt.s32 v16, v1  }
0x7a: {  	vm0 =	vmand vm0, vm1  }
0x7b: {  	p2 =	slt.s32 s0, $0xFF1;
	v17 =	vsel vm0, $0x1, v4;
	s9 =	spop (v2sf)  }
0x7c: {  	(xrf0) =	vadd.scan.msk.s32 $0xffff, v17;
	s9 =	simm.s32 @!p2 $0x0  }
0x7d: {  	s0 =	sadd.s32 s0, s9  }
0x7e: {  	p2 =	sgt.s32 s0, $0xFF0  }
0x7f: {  	v17 =	vmov @!p2 s0;
	s9 =	simm.s32 @!p2 $0x4000;
	v18 =	vlaneseq.u32 @!p2;
	s12 =	simm.s32 @!p2 $0x5080  }
0x80: {  	v17 =	vadd.s32 @!p2 $0xFFFFFFFF, v17;
	v18 =	vor.u32 @!p2 $0x4000, v18  }
0x81: {  	v17 =	vbroadcast @!p2 v17, $0x0;
	v18 =	vor.u32 @!p2 s8, v18  }
0x82: {  	v19, _, _ =	vpop (xrf0)  }
0x83: {  	v17 =	vadd.s32 @!p2 v19, v17;
	(v2sf) =	vpush v19, $0xF;
	_ =	sdelay $0x2  }
.Ltmp3:
0x84: {  	(pc) =	sbr.rel @p1 .LBB2_4-.Ltmp3, $4  }
0x85: {  	_ = 	snop  }
0x86: {  	[tilespmem:v17+s9+$0x0] =	vst.idx.msk @!p2 vm0, v16  }
0x87: {  	[tilespmem:v17+s12+$0x0] =	vst.idx.msk @!p2 vm0, v18  }
0x88: {  	s5 =	sadd.s32 $0x10, s5  }
0x89: {  	_ =	sdelay $0x6  }
0x8a: {  	p1 =	slt.s32 s0, $0xFF1;
	s5 =	spop (v2sf)  }
0x8b: {  	s5 =	simm.s32 @!p1 $0x0  }
0x8c: {  	s5 =	sadd.s32 s0, s5  }
0x8d: {  	s6 =	simm.s32 $0x1;
	s0 =	ssub.s32 $0x0, s5;
	p1 =	sne.s32 s5, $0x0  }
0x8e: {  	s8 =	sshra.s32 s0, $0x1F;
	s6 =	simm.s32 @!p1 $0x0  }
0x8f: {  	s0 =	sand.u32 $0xF, s0;
	s6 =	sor.u32 s6, s8  }
0x90: {  	p2 =	sne.s32 s0, $0x0;
	p6 =	sne.s32 s6, $0x1  }
0x91: {  	s31 =	sshrl.u32 s8, $0x1C;
	p1 =	por !p2, !p6  }
0x92: {  	s0 =	ssub.s32 s31, s5;
	s6 =	simm.s32 $0x1;
	p1 =	por !p1, !p1  }
0x93: {  	s0 =	sshra.s32 s0, $0x4;
	s6 =	simm.s32 @!p1 $0x0  }
0x94: {  	s8 =	ssub.s32 s6, s0  }
0x95: {  	p1 =	slt.s32 s8, $0x1  }
.Ltmp4:
0x96: {  	_ = 	snop;
	(pc) =	sbr.rel @p1 .LBB2_12-.Ltmp4, $2  }
0x97: {  	_ =	sdelay $0x2  }
0x98: {  	s30 =	simm.s32 $0x0;
	s6 =	simm.s32 $0x0;
	s0 =	simm.s32 $0x0  }
0x99: {  	s0 =	simm.s32 $0x4000  }
0x9a: {  	v16 =	vld [tilespmem:s0+$0x0]  }
0x9b: {  	p2 =	sne.s32 s8, $0x1  }
.Ltmp5:
0x9c: {  	_ = 	snop;
	(pc) =	sbr.rel @!p2 .LBB2_7-.Ltmp5, $4  }
0x9d: {  	s0 =	simm.s32 $0x0  }
0x9e: {  	v17 =	vmov s5;
	v18 =	vor.u32 s0, v3  }
0x9f: {  	vm0 =	vlt.s32 v18, v17;
	vm1 =	vlt.s32 v16, v2;
	vm2 =	vge.s32 v16, v2  }
0xa0: {  	s5 =	simm.s32 $0x5080;
	s6 =	sadd.s32 $0xFFFFFFFF, s8;
	p1 =	por $0x0, $0x0;
	vm1 =	vmand vm0, vm1;
	vm0 =	vmand vm0, vm2  }
0xa1: {  	v18 =	vsel vm1, $0x1, v4  }
0xa2: {  	(xrf0) =	vadd.scan.msk.s32 $0xffff, v18;
	_ =	sdelay $0x5  }
0xa3: {  	v19, _, _ =	vpop (xrf0)  }
0xa4: {  	(v2sf) =	vpush v19, $0xF;
	_ =	sdelay $0x6  }
0xa5: {  	v18 =	vsel vm0, $0x1, v4  }
0xa6: {  	(xrf0) =	vadd.scan.msk.s32 $0xffff, v18;
	_ =	sdelay $0x1  }
0xa7: {  	v18 =	vmov s0  }
0xa8: {  	v18 =	vadd.s32 $0xFFFFFFFF, v18  }
0xa9: {  	v18 =	vbroadcast v18, $0x0;
	_ =	sdelay $0x1  }
0xaa: {  	v19 =	vadd.s32 v19, v18;
	v20, _, _ =	vpop (xrf0)  }
0xab: {  	v21 =	vld [tilespmem:s5+$0x0];
	s22 =	spop (v2sf);
	(v2sf) =	vpush v20, $0xF  }
0xac: {  	v18 =	vadd.s32 v20, v18;
	_ =	sdelay $0x2  }
0xad: {  	[tilespmem:v19+s15+$0x0] =	vst.idx.msk vm1, v16  }
0xae: {  	[tilespmem:v19+s16+$0x0] =	vst.idx.msk vm1, v21  }
0xaf: {  	[tilespmem:v18+s17+$0x0] =	vst.idx.msk vm0, v16  }
0xb0: {  	s12 =	simm.s32 $0x4010;
	[tilespmem:v18+s18+$0x0] =	vst.idx.msk vm0, v21  }
0xb1: {  	v16 =	vld [tilespmem:s12+$0x0]  }
0xb2: {  	p2 =	sne.s32 s6, $0x1  }
.Ltmp6:
0xb3: {  	_ = 	snop;
	(pc) =	sbr.rel @!p2 .LBB2_9-.Ltmp6, $4  }
0xb4: {  	s13 =	simm.s32 $0x10  }
0xb5: {  	v18 =	vor.u32 s13, v3  }
0xb6: {  	s20 =	sadd.s32 $0xFFFFFFFF, s6;
	p1 =	por $0x1, $0x1;
	vm0 =	vlt.s32 v18, v17;
	vm1 =	vlt.s32 v16, v2;
	vm2 =	vge.s32 v16, v2  }
0xb7: {  	s8 =	simm.s32 $0x0;
	s6 =	simm.s32 $0x5080;
	s9 =	simm.s32 $0x0;
	vm1 =	vmand vm0, vm1;
	vm0 =	vmand vm0, vm2  }
.LBB2_10:
0xb8: {  	v18 =	vsel vm1, $0x1, v4;
	v19 =	vsel vm0, $0x1, v4;
	s8 =	sadd.s32 s8, s22;
	s6 =	sadd.s32 $0x10, s6;
	s22 =	spop (v2sf)  }
0xb9: {  	p2 =	sne.s32 s20, $0x1;
	s20 =	sadd.s32 $0xFFFFFFFF, s20;
	v20 =	vmov s8;
	(xrf0) =	vadd.scan.msk.s32 $0xffff, v18;
	s9 =	sadd.s32 s9, s22  }
0xba: {  	v18 =	vadd.s32 $0xFFFFFFFF, v20;
	v20 =	vmov s9;
	(xrf0) =	vadd.scan.msk.s32 $0xffff, v19  }
0xbb: {  	v19 =	vadd.s32 $0xFFFFFFFF, v20;
	_ =	sdelay $0x2  }
0xbc: {  	v18 =	vbroadcast v18, $0x0  }
0xbd: {  	v20, _, _ =	vpop (xrf0)  }
0xbe: {  	v19 =	vbroadcast v19, $0x0;
	v18 =	vadd.s32 v20, v18;
	v21, _, _ =	vpop (xrf0);
	(v2sf) =	vpush v20, $0xF  }
0xbf: {  	v20 =	vld [tilespmem:s6+$0x0];
	(v2sf) =	vpush v21, $0xF  }
0xc0: {  	v19 =	vadd.s32 v21, v19;
	_ =	sdelay $0x2  }
0xc1: {  	[tilespmem:v18+s15+$0x0] =	vst.idx.msk vm1, v16  }
0xc2: {  	[tilespmem:v18+s16+$0x0] =	vst.idx.msk vm1, v20  }
0xc3: {  	[tilespmem:v19+s17+$0x0] =	vst.idx.msk vm0, v16  }
0xc4: {  	s12 =	sadd.s32 $0x10, s12;
	[tilespmem:v19+s18+$0x0] =	vst.idx.msk vm0, v20  }
0xc5: {  	v16 =	vld [tilespmem:s12+$0x0];
	_ =	sdelay $0x1  }
.Ltmp7:
0xc6: {  	(pc) =	sbr.rel @p2 .LBB2_10-.Ltmp7, $4  }
0xc7: {  	s13 =	sadd.s32 $0x10, s13  }
0xc8: {  	v18 =	vor.u32 s13, v3  }
0xc9: {  	vm0 =	vlt.s32 v18, v17;
	vm1 =	vlt.s32 v16, v2;
	vm2 =	vge.s32 v16, v2  }
0xca: {  	vm1 =	vmand vm0, vm1;
	vm0 =	vmand vm0, vm2;
	s22 =	spop (v2sf)  }
.LBB2_11:
0xcb: {  	v17 =	vsel vm1, $0x1, v4  }
0xcc: {  	v18 =	vsel vm0, $0x1, v4;
	(xrf0) =	vadd.scan.msk.s32 $0xffff, v17  }
0xcd: {  	(xrf0) =	vadd.scan.msk.s32 $0xffff, v18;
	_ =	sdelay $0x4  }
0xce: {  	v17, _, _ =	vpop (xrf0)  }
0xcf: {  	v18, _, _ =	vpop (xrf0);
	(v2sf) =	vpush v17, $0xF  }
0xd0: {  	(v2sf) =	vpush v18, $0xF;
	_ =	sdelay $0x1  }
0xd1: {  	s8 =	sadd.s32 @p1 s8, s22;
	s12 =	simm.s32 $0x0  }
0xd2: {  	s13 =	spop @p1 (v2sf);
	s12 =	smov.u32 @p1 s8  }
0xd3: {  	s8 =	sadd.s32 @p1 s9, s13;
	v19 =	vmov s12  }
0xd4: {  	s0 =	smov.u32 @p1 s8;
	v19 =	vadd.s32 $0xFFFFFFFF, v19  }
0xd5: {  	v20 =	vmov s0;
	v19 =	vbroadcast v19, $0x0  }
0xd6: {  	s6 =	sadd.s32 @p1 $0x10, s6;
	v20 =	vadd.s32 $0xFFFFFFFF, v20  }
0xd7: {  	s5 =	smov.u32 @p1 s6;
	v62 =	vbroadcast v20, $0x0;
	v17 =	vadd.s32 v17, v19  }
0xd8: {  	v63 =	vld [tilespmem:s5+$0x0]  }
0xd9: {  	v18 =	vadd.s32 v18, v62;
	_ =	sdelay $0x2  }
0xda: {  	[tilespmem:v17+s15+$0x0] =	vst.idx.msk vm1, v16  }
0xdb: {  	[tilespmem:v17+s16+$0x0] =	vst.idx.msk vm1, v63;
	s29 =	spop (v2sf)  }
0xdc: {  	[tilespmem:v18+s17+$0x0] =	vst.idx.msk vm0, v16;
	s31 =	spop (v2sf)  }
0xdd: {  	[tilespmem:v18+s18+$0x0] =	vst.idx.msk vm0, v63;
	s6 =	sadd.s32 s12, s29;
	s0 =	sadd.s32 s0, s31  }
.LBB2_12:
0xde: {  	s5 =	ssub.s32 $0x0, s6  }
0xdf: {  	p1 =	sne.s32 s6, $0x0;
	s8 =	simm.s32 $0x1;
	s12 =	ssub.s32 $0x0, s0  }
0xe0: {  	s14 =	rddreg [dreg:$0x3];
	s9 =	sshra.s32 s5, $0x1F;
	s8 =	simm.s32 @!p1 $0x0  }
0xe1: {  	s29 =	simm.s32 $0x1000;
	s5 =	sand.u32 $0xF, s5;
	s8 =	sor.u32 s8, s9  }
0xe2: {  	v16 =	vadd.s32 s6, v3;
	s13 =	sshra.s32 s12, $0x1F;
	p2 =	sne.s32 s5, $0x0;
	p4 =	sne.s32 s8, $0x1  }
0xe3: {  	v17 =	vadd.s32 s0, v3;
	s8 =	sshrl.u32 s9, $0x1C;
	s9 =	simm.s32 $0x1;
	p1 =	por !p2, !p4  }
0xe4: {  	p2 =	sne.s32 s0, $0x0;
	s5 =	ssub.s32 s8, s6;
	s8 =	sand.u32 $0xF, s12  }
0xe5: {  	s6 =	sshrl.u32 s13, $0x1C;
	s12 =	simm.s32 $0x7A1400;
	s9 =	simm.s32 @!p2 $0x0  }
0xe6: {  	s5 =	sshra.s32 s5, $0x4;
	p1 =	por !p1, !p1;
	p6 =	sne.s32 s8, $0x0  }
0xe7: {  	[tilespmem:v16+s15+$0x0] =	vst.idx.msk $0xffff, v5;
	s20 =	ssub.s32 s6, s0;
	s6 =	simm.s32 $0x1;
	s9 =	sor.u32 s9, s13  }
0xe8: {  	[tilespmem:v17+s17+$0x0] =	vst.idx.msk $0xffff, v5;
	s0 =	sshra.s32 s20, $0x4;
	p5 =	sne.s32 s9, $0x1;
	s9 =	simm.s32 $0x1  }
0xe9: {  	[tilespmem:s19], [sflag:$0x4] =	stream.linear.gather [hbm4b:s14+s30], $0x2000, $0x38;
	[tilespmem:$0x1E300] =	vst v63  }
0xea: {  	s9 =	simm.s32 @!p1 $0x0;
	p1 =	por !p6, !p5;
	_ =	swait.ge [sflag:s10], $0x2000  }
.Ltmp8:
0xeb: {  	p1 =	por !p1, !p1;
	[sflag:s10] =	ssyncset.done $0x0;
	(pc) =	sbr.rel .LBB2_13-.Ltmp8, $4  }
0xec: {  	s22 =	rddreg [dreg:$0x6];
	s6 =	simm.s32 @!p1 $0x0;
	[sflag:s10] =	ssyncadd.s32 $0xFFFFE000  }
0xed: {  	[tilespmem:s23], [sflag:$0x1] =	stream.strided.gather [hbm4b:s22+s29], $0x8000, s12, s29, $0x38;
	[tilespmem:$0x1E300] =	vst v63  }
0xee: {  	s9 =	ssub.s32 s9, s5;
	s31 =	ssub.s32 s6, s0  }
0xef: {  	p1 =	slt.s32 s9, $0x1;
	p2 =	slt.s32 s31, $0x1  }
.LBB2_78:
0xf0: {  	[sflag:s26] =	ssyncadd.s32 $0xFFFFF800  }
.LBB2_59:
0xf1: {  	s30 =	sadd.s32 $0x1, s30  }
0xf2: {  	p3 =	sne.s32 s30, $0x1F  }
.Ltmp9:
0xf3: {  	_ = 	snop;
	(pc) =	sbr.rel @!p3 .LBB2_60-.Ltmp9, $1  }
0xf4: {  	_ =	sdelay $0x3  }
.LBB2_13:
0xf5: {  	s5 =	sshll.u32 s30, $0x1  }
0xf6: {  	p4 =	sge.u32 s5, s2  }
.Ltmp10:
0xf7: {  	_ = 	snop;
	(pc) =	sbr.rel @p4 .LBB2_25-.Ltmp10, $3  }
0xf8: {  	_ =	sdelay $0x1  }
0xf9: {  	s0 =	sshllo.u32 s30, $0x1  }
0xfa: {  	p3 =	sge.u32 s0, s2  }
0xfb: {  	s6 =	sadd.s32 @!p3 s1, s0  }
0xfc: {  	s8 =	simm.s32 @!p3 $0x1000;
	s6 =	sshll.u32 @!p3 s6, $0x9  }
0xfd: {  	s12 =	simm.s32 @!p3 $0x7A1400;
	p4 =	sge.u32 s5, s4;
	s6 =	sand.u32 @!p3 $0x1FFFFE00, s6  }
.Ltmp11:
0xfe: {  	s13 =	simm.s32 @!p3 $0x12300;
	s6 =	sadd.s32 @!p3 s7, s6;
	(pc) =	sbr.rel @p4 .LBB2_35-.Ltmp11, $4  }
0xff: {  	[tilespmem:s13], [sflag:$0x2] =	stream.strided.gather @!p3 [hbm4b:s6+s8], $0x8000, s12, s8, $0x38;
	[tilespmem:$0x1E300] =	vst v63  }
0x100: {  	_ =	swait.ge [sflag:s21], $0x8000  }
0x101: {  	[sflag:s21] =	ssyncset.done $0x0  }
0x102: {  	[sflag:s21] =	ssyncadd.s32 $0xFFFF8000  }
.Ltmp12:
0x103: {  	(pc) =	sbr.rel @p1 .LBB2_16-.Ltmp12, $1  }
0x104: {  	_ =	sdelay $0x3  }
0x105: {  	p5 =	seq.s32 s9, $0x1  }
.Ltmp13:
0x106: {  	_ = 	snop;
	(pc) =	sbr.rel @p5 .LBB2_30-.Ltmp13, $4  }
0x107: {  	s6 =	sshll.u32 s30, $0xA  }
0x108: {  	s6 =	sadd.s32 s3, s6  }
0x109: {  	s12 =	simm.s32 $0x4000;
	p4 =	por $0x0, $0x0;
	s8 =	sor.u32 $0x200, s6  }
0x10a: {  	v18 =	vld [tilespmem:s12+$0x0];
	s12 =	sadd.s32 $0xFFFFFFFF, s9;
	v16 =	vmov s6;
	s6 =	simm.s32 $0x0;
	v17 =	vmov s8;
	s8 =	simm.s32 $0x5080  }
0x10b: {  	_ =	sdelay $0x3  }
0x10c: {  	vm0 =	vge.s32 v18, v16;
	vm1 =	vlt.s32 v18, v17  }
0x10d: {  	vm0 =	vmand vm0, vm1  }
0x10e: {  	v19 =	vsel vm0, $0x1, v4  }
0x10f: {  	(xrf0) =	vadd.scan.msk.s32 $0xffff, v19;
	_ =	sdelay $0x2  }
0x110: {  	v19 =	vmov s6  }
0x111: {  	v19 =	vadd.s32 $0xFFFFFFFF, v19  }
0x112: {  	v19 =	vbroadcast v19, $0x0  }
0x113: {  	v20, _, _ =	vpop (xrf0)  }
0x114: {  	v19 =	vadd.s32 v20, v19;
	(v2sf) =	vpush v20, $0xF  }
0x115: {  	v21 =	vld [tilespmem:s8+$0x0]  }
0x116: {  	p5 =	seq.s32 s12, $0x1  }
.Ltmp14:
0x117: {  	_ = 	snop;
	(pc) =	sbr.rel @p5 .LBB2_32-.Ltmp14, $4  }
0x118: {  	v18 =	vsub.s32 v18, v16  }
0x119: {  	[tilespmem:v19+s24+$0x0] =	vst.idx.msk vm0, v18  }
0x11a: {  	s20 =	simm.s32 $0x4010;
	s22 =	sadd.s32 $0xFFFFFFFF, s12;
	[tilespmem:v19+s25+$0x0] =	vst.idx.msk vm0, v21  }
0x11b: {  	p4 =	por $0x1, $0x1;
	s13 =	simm.s32 $0x0;
	s12 =	simm.s32 $0x5080;
	v18 =	vld [tilespmem:s20+$0x0]  }
.LBB2_33:
0x11c: {  	p5 =	seq.s32 s22, $0x1;
	_ =	sdelay $0x3  }
0x11d: {  	vm0 =	vge.s32 v18, v16;
	vm1 =	vlt.s32 v18, v17;
	v18 =	vsub.s32 v18, v16  }
0x11e: {  	vm0 =	vmand vm0, vm1  }
0x11f: {  	v19 =	vsel vm0, $0x1, v4  }
0x120: {  	(xrf0) =	vadd.scan.msk.s32 $0xffff, v19;
	s10 =	spop (v2sf)  }
0x121: {  	s13 =	sadd.s32 s13, s10  }
0x122: {  	v19 =	vmov s13  }
0x123: {  	v19 =	vadd.s32 $0xFFFFFFFF, v19  }
0x124: {  	v19 =	vbroadcast v19, $0x0;
	_ =	sdelay $0x1  }
0x125: {  	v20, _, _ =	vpop (xrf0)  }
0x126: {  	s12 =	sadd.s32 $0x10, s12;
	v19 =	vadd.s32 v20, v19;
	(v2sf) =	vpush v20, $0xF  }
0x127: {  	v20 =	vld [tilespmem:s12+$0x0];
	_ =	sdelay $0x1  }
.Ltmp15:
0x128: {  	(pc) =	sbr.rel @!p5 .LBB2_33-.Ltmp15, $4  }
0x129: {  	_ = 	snop  }
0x12a: {  	[tilespmem:v19+s24+$0x0] =	vst.idx.msk vm0, v18  }
0x12b: {  	s20 =	sadd.s32 $0x10, s20;
	[tilespmem:v19+s25+$0x0] =	vst.idx.msk vm0, v20  }
0x12c: {  	s22 =	sadd.s32 $0xFFFFFFFF, s22;
	v18 =	vld [tilespmem:s20+$0x0]  }
.LBB2_34:
0x12d: {  	_ =	sdelay $0x3  }
0x12e: {  	vm0 =	vge.s32 v18, v16;
	vm1 =	vlt.s32 v18, v17  }
0x12f: {  	vm0 =	vmand vm0, vm1  }
0x130: {  	v17 =	vsel vm0, $0x1, v4  }
0x131: {  	(xrf0) =	vadd.scan.msk.s32 $0xffff, v17;
	_ =	sdelay $0x5  }
0x132: {  	v17, _, _ =	vpop (xrf0)  }
0x133: {  	(v2sf) =	vpush v17, $0xF;
	_ =	sdelay $0x2  }
0x134: {  	s10 =	spop @p4 (v2sf)  }
0x135: {  	s10 =	sadd.s32 @p4 s13, s10  }
0x136: {  	s6 =	smov.u32 @p4 s10  }
0x137: {  	v19 =	vmov s6  }
0x138: {  	v19 =	vadd.s32 $0xFFFFFFFF, v19  }
0x139: {  	v19 =	vbroadcast v19, $0x0  }
0x13a: {  	s10 =	sadd.s32 @p4 $0x10, s12  }
0x13b: {  	s8 =	smov.u32 @p4 s10;
	v17 =	vadd.s32 v17, v19  }
0x13c: {  	v63 =	vld [tilespmem:s8+$0x0];
	_ =	sdelay $0x2  }
0x13d: {  	v16 =	vsub.s32 v18, v16  }
0x13e: {  	[tilespmem:v17+s24+$0x0] =	vst.idx.msk vm0, v16;
	s29 =	spop (v2sf)  }
0x13f: {  	[tilespmem:v17+s25+$0x0] =	vst.idx.msk vm0, v63;
	s6 =	sadd.s32 s6, s29  }
0x140: {  	p4 =	slt.s32 s6, $0x1  }
.Ltmp16:
0x141: {  	_ = 	snop;
	(pc) =	sbr.rel @p4 .LBB2_20-.Ltmp16, $2  }
0x142: {  	_ =	sdelay $0x2  }
0x143: {  	v16 =	vmov v6  }
0x144: {  	s12 =	simm.s32 $0x6100  }
0x145: {  	v16 =	vld.msk [tilespmem:s12+$0x0 ss:$0x0], $0xffff;
	_ =	sdelay $0x4  }
0x146: {  	v17 =	vshll.u32 v16, $0x3  }
0x147: {  	v16 =	vand.u32 $0x7F, v16;
	v17 =	vand.u32 $0xFFFFFC00, v17  }
0x148: {  	v16 =	vor.u32 v16, v17  }
0x149: {  	v17 =	vadd.s32 v7, v16;
	_ =	sdelay $0x4  }
0x14a: {  	v17 =	vld.idx.msk [tilespmem:v17+s23+$0x0], $0xffff  }
0x14b: {  	v18 =	vadd.s32 v8, v16;
	_ =	sdelay $0x1  }
0x14c: {  	s20 =	simm.s32 $0x0  }
0x14d: {  	s8 =	simm.s32 $0x7180;
	s10 =	sand.u32 $0x1F80, s20  }
0x14e: {  	v19 =	vld.msk [tilespmem:s8+$0x0 ss:$0x0], $0xffff;
	[tilespmem:s10+$0x1C300] =	vst v17  }
0x14f: {  	v17 =	vld.idx.msk [tilespmem:v18+s23+$0x0], $0xffff  }
0x150: {  	v18 =	vadd.s32 v9, v16;
	_ =	sdelay $0x3  }
0x151: {  	[tilespmem:s10+$0x1C310] =	vst v17  }
0x152: {  	v17 =	vld.idx.msk [tilespmem:v18+s23+$0x0], $0xffff  }
0x153: {  	v16 =	vadd.s32 v10, v16;
	_ =	sdelay $0x2  }
0x154: {  	s29 =	sand.u32 $0xF, s20  }
0x155: {  	v18 =	vmov s29;
	[tilespmem:s10+$0x1C320] =	vst v17  }
0x156: {  	vm0 =	veq.s32 v18, v3;
	v16 =	vld.idx.msk [tilespmem:v16+s23+$0x0], $0xffff  }
0x157: {  	v17 =	vsel vm0, v19, v6  }
0x158: {  	p5 =	sne.s32 s6, $0x1;
	p4 =	sne.s32 s29, $0xF  }
.Ltmp17:
0x159: {  	s12 =	sand.u32 @!p4 $0x6000, s20;
	(pc) =	sbr.rel @!p5 .LBB2_20-.Ltmp17, $4  }
0x15a: {  	s12 =	sshrl.u32 @!p4 s12, $0x2  }
0x15b: {  	s13 =	simm.s32 @!p4 $0x0;
	s12 =	sor.u32 @!p4 $0x1C300, s12;
	vm0 =	vmmov @!p4 $0xffff;
	[tilespmem:s10+$0x1C330] =	vst v16;
	v16 =	vlaneseq.u32 @!p4  }
0x15c: {  	[hbm4b:s11+s13] =	stream.indirect_vreg.scatter @!p4 [tilespmem:s12], [sflag:$0x3], $0x80, v17, vm0, $0xb8;
	v16 =	vor.u32 @!p4 $0x8000, v16;
	[tilespmem:$0x1E300] =	vst v63  }
0x15d: {  	s22 =	simm.s32 $0x1;
	s12 =	simm.s32 $0x6101;
	s13 =	simm.s32 $0x0;
	v16 =	vpsel p4, v17, v16  }
.LBB2_19:
0x15e: {  	v17 =	vld.msk [tilespmem:s12+$0x0 ss:$0x0], $0xffff;
	s10 =	smov.u32 s22;
	s22 =	sadd.s32 $0x1, s22  }
0x15f: {  	p4 =	sne.s32 s6, s22;
	_ =	sdelay $0x4  }
0x160: {  	v18 =	vshll.u32 v17, $0x3  }
0x161: {  	v17 =	vand.u32 $0x7F, v17;
	v18 =	vand.u32 $0xFFFFFC00, v18  }
0x162: {  	v17 =	vor.u32 v17, v18  }
0x163: {  	v18 =	vadd.s32 v7, v17;
	_ =	sdelay $0x4  }
0x164: {  	v18 =	vld.idx.msk [tilespmem:v18+s23+$0x0], $0xffff;
	_ =	sdelay $0x1  }
0x165: {  	v19 =	vadd.s32 v8, v17;
	_ =	sdelay $0x1  }
0x166: {  	s20 =	sadd.s32 $0x80, s20  }
0x167: {  	s8 =	sadd.s32 $0x1, s8;
	s14 =	sand.u32 $0x1F80, s20  }
0x168: {  	v20 =	vld.msk [tilespmem:s8+$0x0 ss:$0x0], $0xffff;
	[tilespmem:s14+$0x1C300] =	vst v18  }
0x169: {  	v18 =	vld.idx.msk [tilespmem:v19+s23+$0x0], $0xffff;
	_ =	sdelay $0x1  }
0x16a: {  	s10 =	sand.u32 $0xF, s10;
	v19 =	vadd.s32 v9, v17  }
0x16b: {  	v21 =	vmov s10;
	p5 =	sne.s32 s10, $0xF  }
0x16c: {  	vm0 =	veq.s32 v21, v3;
	v21 =	vlaneseq.u32 @!p5  }
0x16d: {  	v20 =	vsel vm0, v20, v16;
	v16 =	vor.u32 @!p5 $0x8000, v21  }
0x16e: {  	v16 =	vpsel p5, v20, v16;
	[tilespmem:s14+$0x1C310] =	vst v18  }
0x16f: {  	v18 =	vld.idx.msk [tilespmem:v19+s23+$0x0], $0xffff;
	_ =	sdelay $0x1  }
0x170: {  	v17 =	vadd.s32 v10, v17;
	_ =	sdelay $0x3  }
0x171: {  	[tilespmem:s14+$0x1C320] =	vst v18  }
0x172: {  	v17 =	vld.idx.msk [tilespmem:v17+s23+$0x0], $0xffff;
	_ =	sdelay $0x1  }
.Ltmp18:
0x173: {  	s13 =	sadd.s32 $0x200, s13;
	(pc) =	sbr.rel @p4 .LBB2_19-.Ltmp18, $4  }
0x174: {  	s10 =	sand.u32 @!p5 $0x6000, s13  }
0x175: {  	s10 =	sshrl.u32 @!p5 s10, $0x2  }
0x176: {  	s12 =	sadd.s32 $0x1, s12;
	s29 =	simm.s32 @!p5 $0x0;
	s10 =	sor.u32 @!p5 $0x1C300, s10;
	vm0 =	vmmov @!p5 $0xffff  }
0x177: {  	[tilespmem:s14+$0x1C330] =	vst v17;
	[hbm4b:s11+s29] =	stream.indirect_vreg.scatter @!p5 [tilespmem:s10], [sflag:$0x3], $0x80, v20, vm0, $0xb8  }
.LBB2_20:
0x178: {  	s8 =	sshra.s32 s6, $0x1F  }
0x179: {  	s8 =	sshrl.u32 s8, $0x1C  }
0x17a: {  	s10 =	sand.u32 $0x8000000F, s6;
	s8 =	sadd.s32 s8, s6  }
0x17b: {  	p4 =	slt.s32 s10, $0x1;
	s6 =	sshra.s32 s8, $0x4  }
0x17c: {  	s8 =	sshrl.u32 @!p4 s6, $0x1E  }
0x17d: {  	s8 =	sadd.s32 @!p4 s8, s6  }
0x17e: {  	s8 =	sand.u32 @!p4 $0x7FFFC, s8  }
0x17f: {  	s8 =	ssub.s32 @!p4 s6, s8  }
0x180: {  	s8 =	sshll.u32 @!p4 s8, $0xD  }
.Ltmp19:
0x181: {  	s8 =	sshra.s32 @!p4 s8, $0x2;
	(pc) =	sbr.rel .LBB2_21-.Ltmp19, $4  }
0x182: {  	vm0 =	vmmov @!p4 $0xffff;
	s10 =	simm.s32 @!p4 $0x0;
	s8 =	sadd.s32 @!p4 $0x1C300, s8  }
0x183: {  	[hbm4b:s11+s10] =	stream.indirect_vreg.scatter @!p4 [tilespmem:s8], [sflag:$0x3], $0x80, v16, vm0, $0xb8;
	[tilespmem:$0x1E300] =	vst v63  }
0x184: {  	s8 =	simm.s32 @!p4 $0x1  }
0x185: {  	s8 =	simm.s32 @p4 $0x0  }
.LBB2_35:
.Ltmp20:
0x186: {  	(pc) =	sbr.rel @p2 .LBB2_36-.Ltmp20, $1  }
0x187: {  	_ =	sdelay $0x3  }
0x188: {  	p5 =	seq.s32 s31, $0x1  }
.Ltmp21:
0x189: {  	_ = 	snop;
	(pc) =	sbr.rel @p5 .LBB2_46-.Ltmp21, $4  }
0x18a: {  	s6 =	sshll.u32 s30, $0xA  }
0x18b: {  	s6 =	sadd.s32 s3, s6  }
0x18c: {  	s12 =	simm.s32 $0x8200;
	p4 =	por $0x0, $0x0;
	s8 =	sor.u32 $0x200, s6  }
0x18d: {  	v18 =	vld [tilespmem:s12+$0x0];
	s12 =	sadd.s32 $0xFFFFFFFF, s31;
	v16 =	vmov s6;
	s6 =	simm.s32 $0x0;
	v17 =	vmov s8;
	s8 =	simm.s32 $0x9280  }
0x18e: {  	_ =	sdelay $0x3  }
0x18f: {  	vm0 =	vge.s32 v18, v16;
	vm1 =	vlt.s32 v18, v17  }
0x190: {  	vm0 =	vmand vm0, vm1  }
0x191: {  	v19 =	vsel vm0, $0x1, v4  }
0x192: {  	(xrf0) =	vadd.scan.msk.s32 $0xffff, v19;
	_ =	sdelay $0x2  }
0x193: {  	v19 =	vmov s6  }
0x194: {  	v19 =	vadd.s32 $0xFFFFFFFF, v19  }
0x195: {  	v19 =	vbroadcast v19, $0x0  }
0x196: {  	v20, _, _ =	vpop (xrf0)  }
0x197: {  	v19 =	vadd.s32 v20, v19;
	(v2sf) =	vpush v20, $0xF  }
0x198: {  	v21 =	vld [tilespmem:s8+$0x0]  }
0x199: {  	p5 =	seq.s32 s12, $0x1  }
.Ltmp22:
0x19a: {  	_ = 	snop;
	(pc) =	sbr.rel @p5 .LBB2_48-.Ltmp22, $4  }
0x19b: {  	v18 =	vsub.s32 v18, v16  }
0x19c: {  	[tilespmem:v19+s24+$0x0] =	vst.idx.msk vm0, v18  }
0x19d: {  	s20 =	simm.s32 $0x8210;
	s22 =	sadd.s32 $0xFFFFFFFF, s12;
	[tilespmem:v19+s25+$0x0] =	vst.idx.msk vm0, v21  }
0x19e: {  	p4 =	por $0x1, $0x1;
	s13 =	simm.s32 $0x0;
	s12 =	simm.s32 $0x9280;
	v18 =	vld [tilespmem:s20+$0x0]  }
.LBB2_49:
0x19f: {  	p5 =	seq.s32 s22, $0x1;
	_ =	sdelay $0x3  }
0x1a0: {  	vm0 =	vge.s32 v18, v16;
	vm1 =	vlt.s32 v18, v17;
	v18 =	vsub.s32 v18, v16  }
0x1a1: {  	vm0 =	vmand vm0, vm1  }
0x1a2: {  	v19 =	vsel vm0, $0x1, v4  }
0x1a3: {  	(xrf0) =	vadd.scan.msk.s32 $0xffff, v19;
	s10 =	spop (v2sf)  }
0x1a4: {  	s13 =	sadd.s32 s13, s10  }
0x1a5: {  	v19 =	vmov s13  }
0x1a6: {  	v19 =	vadd.s32 $0xFFFFFFFF, v19  }
0x1a7: {  	v19 =	vbroadcast v19, $0x0;
	_ =	sdelay $0x1  }
0x1a8: {  	v20, _, _ =	vpop (xrf0)  }
0x1a9: {  	s12 =	sadd.s32 $0x10, s12;
	v19 =	vadd.s32 v20, v19;
	(v2sf) =	vpush v20, $0xF  }
0x1aa: {  	v20 =	vld [tilespmem:s12+$0x0];
	_ =	sdelay $0x1  }
.Ltmp23:
0x1ab: {  	(pc) =	sbr.rel @!p5 .LBB2_49-.Ltmp23, $4  }
0x1ac: {  	_ = 	snop  }
0x1ad: {  	[tilespmem:v19+s24+$0x0] =	vst.idx.msk vm0, v18  }
0x1ae: {  	s20 =	sadd.s32 $0x10, s20;
	[tilespmem:v19+s25+$0x0] =	vst.idx.msk vm0, v20  }
0x1af: {  	s22 =	sadd.s32 $0xFFFFFFFF, s22;
	v18 =	vld [tilespmem:s20+$0x0]  }
.LBB2_50:
0x1b0: {  	_ =	sdelay $0x3  }
0x1b1: {  	vm0 =	vge.s32 v18, v16;
	vm1 =	vlt.s32 v18, v17  }
0x1b2: {  	vm0 =	vmand vm0, vm1  }
0x1b3: {  	v17 =	vsel vm0, $0x1, v4  }
0x1b4: {  	(xrf0) =	vadd.scan.msk.s32 $0xffff, v17;
	_ =	sdelay $0x5  }
0x1b5: {  	v17, _, _ =	vpop (xrf0)  }
0x1b6: {  	(v2sf) =	vpush v17, $0xF;
	_ =	sdelay $0x2  }
0x1b7: {  	s10 =	spop @p4 (v2sf)  }
0x1b8: {  	s10 =	sadd.s32 @p4 s13, s10  }
0x1b9: {  	s6 =	smov.u32 @p4 s10  }
0x1ba: {  	v19 =	vmov s6  }
0x1bb: {  	v19 =	vadd.s32 $0xFFFFFFFF, v19  }
0x1bc: {  	v19 =	vbroadcast v19, $0x0  }
0x1bd: {  	s10 =	sadd.s32 @p4 $0x10, s12  }
0x1be: {  	s8 =	smov.u32 @p4 s10;
	v17 =	vadd.s32 v17, v19  }
0x1bf: {  	v63 =	vld [tilespmem:s8+$0x0];
	_ =	sdelay $0x2  }
0x1c0: {  	v16 =	vsub.s32 v18, v16  }
0x1c1: {  	[tilespmem:v17+s24+$0x0] =	vst.idx.msk vm0, v16;
	s29 =	spop (v2sf)  }
0x1c2: {  	[tilespmem:v17+s25+$0x0] =	vst.idx.msk vm0, v63;
	s6 =	sadd.s32 s6, s29  }
0x1c3: {  	p4 =	slt.s32 s6, $0x1  }
.Ltmp24:
0x1c4: {  	_ = 	snop;
	(pc) =	sbr.rel @p4 .LBB2_40-.Ltmp24, $2  }
0x1c5: {  	_ =	sdelay $0x2  }
0x1c6: {  	v16 =	vmov v6  }
0x1c7: {  	s12 =	simm.s32 $0x6100  }
0x1c8: {  	v16 =	vld.msk [tilespmem:s12+$0x0 ss:$0x0], $0xffff;
	_ =	sdelay $0x4  }
0x1c9: {  	v17 =	vshll.u32 v16, $0x3  }
0x1ca: {  	v16 =	vand.u32 $0x7F, v16;
	v17 =	vand.u32 $0xFFFFFC00, v17  }
0x1cb: {  	v16 =	vor.u32 v16, v17  }
0x1cc: {  	v17 =	vadd.s32 v7, v16;
	_ =	sdelay $0x4  }
0x1cd: {  	v17 =	vld.idx.msk [tilespmem:v17+s23+$0x0], $0xffff  }
0x1ce: {  	v18 =	vadd.s32 v8, v16;
	_ =	sdelay $0x1  }
0x1cf: {  	s20 =	simm.s32 $0x0  }
0x1d0: {  	s8 =	simm.s32 $0x7180;
	s10 =	sand.u32 $0x1F80, s20  }
0x1d1: {  	v19 =	vld.msk [tilespmem:s8+$0x0 ss:$0x0], $0xffff;
	[tilespmem:s10+$0x1C300] =	vst v17  }
0x1d2: {  	v17 =	vld.idx.msk [tilespmem:v18+s23+$0x0], $0xffff  }
0x1d3: {  	v18 =	vadd.s32 v9, v16;
	_ =	sdelay $0x3  }
0x1d4: {  	[tilespmem:s10+$0x1C310] =	vst v17  }
0x1d5: {  	v17 =	vld.idx.msk [tilespmem:v18+s23+$0x0], $0xffff  }
0x1d6: {  	v16 =	vadd.s32 v10, v16;
	_ =	sdelay $0x2  }
0x1d7: {  	s29 =	sand.u32 $0xF, s20  }
0x1d8: {  	v18 =	vmov s29;
	[tilespmem:s10+$0x1C320] =	vst v17  }
0x1d9: {  	vm0 =	veq.s32 v18, v3;
	v16 =	vld.idx.msk [tilespmem:v16+s23+$0x0], $0xffff  }
0x1da: {  	v17 =	vsel vm0, v19, v6  }
0x1db: {  	p5 =	sne.s32 s6, $0x1;
	p4 =	sne.s32 s29, $0xF  }
.Ltmp25:
0x1dc: {  	s12 =	sand.u32 @!p4 $0x6000, s20;
	(pc) =	sbr.rel @!p5 .LBB2_40-.Ltmp25, $4  }
0x1dd: {  	s12 =	sshrl.u32 @!p4 s12, $0x2  }
0x1de: {  	s13 =	simm.s32 @!p4 $0x0;
	s12 =	sor.u32 @!p4 $0x1C300, s12;
	vm0 =	vmmov @!p4 $0xffff;
	[tilespmem:s10+$0x1C330] =	vst v16;
	v16 =	vlaneseq.u32 @!p4  }
0x1df: {  	[hbm4b:s11+s13] =	stream.indirect_vreg.scatter @!p4 [tilespmem:s12], [sflag:$0x3], $0x80, v17, vm0, $0xb8;
	v16 =	vor.u32 @!p4 $0x8000, v16;
	[tilespmem:$0x1E300] =	vst v63  }
0x1e0: {  	s22 =	simm.s32 $0x1;
	s12 =	simm.s32 $0x6101;
	s13 =	simm.s32 $0x0;
	v16 =	vpsel p4, v17, v16  }
.LBB2_39:
0x1e1: {  	v17 =	vld.msk [tilespmem:s12+$0x0 ss:$0x0], $0xffff;
	s10 =	smov.u32 s22;
	s22 =	sadd.s32 $0x1, s22  }
0x1e2: {  	p4 =	sne.s32 s6, s22;
	_ =	sdelay $0x4  }
0x1e3: {  	v18 =	vshll.u32 v17, $0x3  }
0x1e4: {  	v17 =	vand.u32 $0x7F, v17;
	v18 =	vand.u32 $0xFFFFFC00, v18  }
0x1e5: {  	v17 =	vor.u32 v17, v18  }
0x1e6: {  	v18 =	vadd.s32 v7, v17;
	_ =	sdelay $0x4  }
0x1e7: {  	v18 =	vld.idx.msk [tilespmem:v18+s23+$0x0], $0xffff;
	_ =	sdelay $0x1  }
0x1e8: {  	v19 =	vadd.s32 v8, v17;
	_ =	sdelay $0x1  }
0x1e9: {  	s20 =	sadd.s32 $0x80, s20  }
0x1ea: {  	s8 =	sadd.s32 $0x1, s8;
	s14 =	sand.u32 $0x1F80, s20  }
0x1eb: {  	v20 =	vld.msk [tilespmem:s8+$0x0 ss:$0x0], $0xffff;
	[tilespmem:s14+$0x1C300] =	vst v18  }
0x1ec: {  	v18 =	vld.idx.msk [tilespmem:v19+s23+$0x0], $0xffff;
	_ =	sdelay $0x1  }
0x1ed: {  	s10 =	sand.u32 $0xF, s10;
	v19 =	vadd.s32 v9, v17  }
0x1ee: {  	v21 =	vmov s10;
	p5 =	sne.s32 s10, $0xF  }
0x1ef: {  	vm0 =	veq.s32 v21, v3;
	v21 =	vlaneseq.u32 @!p5  }
0x1f0: {  	v20 =	vsel vm0, v20, v16;
	v16 =	vor.u32 @!p5 $0x8000, v21  }
0x1f1: {  	v16 =	vpsel p5, v20, v16;
	[tilespmem:s14+$0x1C310] =	vst v18  }
0x1f2: {  	v18 =	vld.idx.msk [tilespmem:v19+s23+$0x0], $0xffff;
	_ =	sdelay $0x1  }
0x1f3: {  	v17 =	vadd.s32 v10, v17;
	_ =	sdelay $0x3  }
0x1f4: {  	[tilespmem:s14+$0x1C320] =	vst v18  }
0x1f5: {  	v17 =	vld.idx.msk [tilespmem:v17+s23+$0x0], $0xffff;
	_ =	sdelay $0x1  }
.Ltmp26:
0x1f6: {  	s13 =	sadd.s32 $0x200, s13;
	(pc) =	sbr.rel @p4 .LBB2_39-.Ltmp26, $4  }
0x1f7: {  	s10 =	sand.u32 @!p5 $0x6000, s13  }
0x1f8: {  	s10 =	sshrl.u32 @!p5 s10, $0x2  }
0x1f9: {  	s12 =	sadd.s32 $0x1, s12;
	s29 =	simm.s32 @!p5 $0x0;
	s10 =	sor.u32 @!p5 $0x1C300, s10;
	vm0 =	vmmov @!p5 $0xffff  }
0x1fa: {  	[tilespmem:s14+$0x1C330] =	vst v17;
	[hbm4b:s11+s29] =	stream.indirect_vreg.scatter @!p5 [tilespmem:s10], [sflag:$0x3], $0x80, v20, vm0, $0xb8  }
.LBB2_40:
0x1fb: {  	s8 =	sshra.s32 s6, $0x1F  }
0x1fc: {  	s8 =	sshrl.u32 s8, $0x1C  }
0x1fd: {  	s10 =	sand.u32 $0x8000000F, s6;
	s8 =	sadd.s32 s8, s6  }
0x1fe: {  	p4 =	slt.s32 s10, $0x1;
	s6 =	sshra.s32 s8, $0x4  }
0x1ff: {  	s8 =	sshrl.u32 @!p4 s6, $0x1E  }
0x200: {  	s8 =	sadd.s32 @!p4 s8, s6  }
0x201: {  	s8 =	sand.u32 @!p4 $0x7FFFC, s8  }
0x202: {  	s8 =	ssub.s32 @!p4 s6, s8  }
0x203: {  	s8 =	sshll.u32 @!p4 s8, $0xD  }
.Ltmp27:
0x204: {  	s8 =	sshra.s32 @!p4 s8, $0x2;
	(pc) =	sbr.rel .LBB2_41-.Ltmp27, $4  }
0x205: {  	vm0 =	vmmov @!p4 $0xffff;
	s10 =	simm.s32 @!p4 $0x0;
	s8 =	sadd.s32 @!p4 $0x1C300, s8  }
0x206: {  	[hbm4b:s11+s10] =	stream.indirect_vreg.scatter @!p4 [tilespmem:s8], [sflag:$0x3], $0x80, v16, vm0, $0xb8;
	[tilespmem:$0x1E300] =	vst v63  }
0x207: {  	s8 =	simm.s32 @!p4 $0x1  }
0x208: {  	s8 =	simm.s32 @p4 $0x0  }
.LBB2_16:
0x209: {  	s8 =	simm.s32 $0x0;
	s6 =	simm.s32 $0x0  }
.LBB2_21:
0x20a: {  	s6 =	sadd.s32 s8, s6  }
0x20b: {  	p4 =	slt.s32 s6, $0x1  }
.Ltmp28:
0x20c: {  	_ = 	snop;
	(pc) =	sbr.rel @p4 .LBB2_25-.Ltmp28, $1  }
0x20d: {  	_ =	sdelay $0x3  }
0x20e: {  	s6 =	smin.u32 s6, $0x4  }
0x20f: {  	p4 =	seq.s32 s6, $0x1  }
.Ltmp29:
0x210: {  	_ = 	snop;
	(pc) =	sbr.rel @p4 .LBB2_24-.Ltmp29, $3  }
0x211: {  	_ =	sdelay $0x1  }
0x212: {  	_ =	swait.ge [sflag:s26], $0x800  }
0x213: {  	s6 =	sadd.s32 $0xFFFFFFFF, s6;
	[sflag:s26] =	ssyncset.done $0x0  }
.LBB2_23:
0x214: {  	p4 =	seq.s32 s6, $0x1;
	s6 =	sadd.s32 $0xFFFFFFFF, s6;
	[sflag:s26] =	ssyncadd.s32 $0xFFFFF800  }
.Ltmp30:
0x215: {  	(pc) =	sbr.rel @!p4 .LBB2_23-.Ltmp30, $3  }
0x216: {  	_ =	sdelay $0x1  }
0x217: {  	_ =	swait.ge [sflag:s26], $0x800  }
0x218: {  	[sflag:s26] =	ssyncset.done $0x0  }
.LBB2_24:
.Ltmp31:
0x219: {  	(pc) =	sbr.rel .LBB2_25-.Ltmp31, $2  }
0x21a: {  	_ =	sdelay $0x2  }
0x21b: {  	[sflag:s26] =	ssyncadd.s32 $0xFFFFF800  }
.LBB2_36:
0x21c: {  	s8 =	simm.s32 $0x0;
	s6 =	simm.s32 $0x0  }
.LBB2_41:
0x21d: {  	s6 =	sadd.s32 s8, s6  }
0x21e: {  	p4 =	slt.s32 s6, $0x1  }
.Ltmp32:
0x21f: {  	_ = 	snop;
	(pc) =	sbr.rel @p4 .LBB2_25-.Ltmp32, $1  }
0x220: {  	_ =	sdelay $0x3  }
0x221: {  	s6 =	smin.u32 s6, $0x4  }
0x222: {  	p4 =	sne.s32 s6, $0x1  }
.Ltmp33:
0x223: {  	_ = 	snop;
	(pc) =	sbr.rel @!p4 .LBB2_44-.Ltmp33, $3  }
0x224: {  	_ =	sdelay $0x1  }
0x225: {  	_ =	swait.ge [sflag:s26], $0x800  }
0x226: {  	s6 =	sadd.s32 $0xFFFFFFFF, s6;
	[sflag:s26] =	ssyncset.done $0x0  }
.LBB2_43:
0x227: {  	p4 =	sne.s32 s6, $0x1;
	s6 =	sadd.s32 $0xFFFFFFFF, s6;
	[sflag:s26] =	ssyncadd.s32 $0xFFFFF800  }
.Ltmp34:
0x228: {  	(pc) =	sbr.rel @p4 .LBB2_43-.Ltmp34, $3  }
0x229: {  	_ =	sdelay $0x1  }
0x22a: {  	_ =	swait.ge [sflag:s26], $0x800  }
0x22b: {  	[sflag:s26] =	ssyncset.done $0x0  }
.LBB2_44:
0x22c: {  	[sflag:s26] =	ssyncadd.s32 $0xFFFFF800  }
.LBB2_25:
.Ltmp35:
0x22d: {  	(pc) =	sbr.rel @p3 .LBB2_59-.Ltmp35, $1  }
0x22e: {  	_ =	sdelay $0x3  }
0x22f: {  	s5 =	sadd.s32 $0x2, s5  }
0x230: {  	p3 =	sge.u32 s5, s2  }
0x231: {  	s5 =	sadd.s32 @!p3 s1, s5  }
0x232: {  	s5 =	sshll.u32 @!p3 s5, $0x9  }
0x233: {  	s6 =	simm.s32 @!p3 $0x1000;
	s5 =	sand.u32 @!p3 $0x1FFFFC00, s5  }
0x234: {  	s8 =	simm.s32 @!p3 $0x7A1400;
	s10 =	simm.s32 @!p3 $0xA300;
	s5 =	sadd.s32 @!p3 s7, s5  }
0x235: {  	[tilespmem:s10], [sflag:$0x1] =	stream.strided.gather @!p3 [hbm4b:s5+s6], $0x8000, s8, s6, $0x38;
	[tilespmem:$0x1E300] =	vst v63  }
0x236: {  	p3 =	sge.u32 s0, s4  }
.Ltmp36:
0x237: {  	_ = 	snop;
	(pc) =	sbr.rel @p3 .LBB2_69-.Ltmp36, $4  }
0x238: {  	_ = 	snop  }
0x239: {  	_ =	swait.ge [sflag:s28], $0x8000  }
0x23a: {  	[sflag:s28] =	ssyncset.done $0x0  }
0x23b: {  	[sflag:s28] =	ssyncadd.s32 $0xFFFF8000  }
.Ltmp37:
0x23c: {  	(pc) =	sbr.rel @p1 .LBB2_28-.Ltmp37, $1  }
0x23d: {  	_ =	sdelay $0x3  }
0x23e: {  	p4 =	seq.s32 s9, $0x1  }
.Ltmp38:
0x23f: {  	_ = 	snop;
	(pc) =	sbr.rel @p4 .LBB2_64-.Ltmp38, $4  }
0x240: {  	s0 =	sshll.u32 s0, $0x9  }
0x241: {  	s0 =	sadd.s32 s3, s0  }
0x242: {  	s6 =	simm.s32 $0x4000;
	p3 =	por $0x0, $0x0;
	s5 =	sadd.s32 $0x200, s0  }
0x243: {  	v18 =	vld [tilespmem:s6+$0x0];
	s6 =	sadd.s32 $0xFFFFFFFF, s9;
	v16 =	vmov s0;
	s0 =	simm.s32 $0x0;
	v17 =	vmov s5;
	s5 =	simm.s32 $0x5080  }
0x244: {  	_ =	sdelay $0x3  }
0x245: {  	vm0 =	vge.s32 v18, v16;
	vm1 =	vlt.s32 v18, v17  }
0x246: {  	vm0 =	vmand vm0, vm1  }
0x247: {  	v19 =	vsel vm0, $0x1, v4  }
0x248: {  	(xrf0) =	vadd.scan.msk.s32 $0xffff, v19;
	_ =	sdelay $0x2  }
0x249: {  	v19 =	vmov s0  }
0x24a: {  	v19 =	vadd.s32 $0xFFFFFFFF, v19  }
0x24b: {  	v19 =	vbroadcast v19, $0x0  }
0x24c: {  	v20, _, _ =	vpop (xrf0)  }
0x24d: {  	v19 =	vadd.s32 v20, v19;
	(v2sf) =	vpush v20, $0xF  }
0x24e: {  	v21 =	vld [tilespmem:s5+$0x0]  }
0x24f: {  	p4 =	seq.s32 s6, $0x1  }
.Ltmp39:
0x250: {  	_ = 	snop;
	(pc) =	sbr.rel @p4 .LBB2_66-.Ltmp39, $4  }
0x251: {  	v18 =	vsub.s32 v18, v16  }
0x252: {  	[tilespmem:v19+s24+$0x0] =	vst.idx.msk vm0, v18  }
0x253: {  	s12 =	simm.s32 $0x4010;
	s13 =	sadd.s32 $0xFFFFFFFF, s6;
	[tilespmem:v19+s25+$0x0] =	vst.idx.msk vm0, v21  }
0x254: {  	p3 =	por $0x1, $0x1;
	s8 =	simm.s32 $0x0;
	s6 =	simm.s32 $0x5080;
	v18 =	vld [tilespmem:s12+$0x0]  }
.LBB2_67:
0x255: {  	p4 =	seq.s32 s13, $0x1;
	_ =	sdelay $0x3  }
0x256: {  	vm0 =	vge.s32 v18, v16;
	vm1 =	vlt.s32 v18, v17;
	v18 =	vsub.s32 v18, v16  }
0x257: {  	vm0 =	vmand vm0, vm1  }
0x258: {  	v19 =	vsel vm0, $0x1, v4  }
0x259: {  	(xrf0) =	vadd.scan.msk.s32 $0xffff, v19;
	s10 =	spop (v2sf)  }
0x25a: {  	s8 =	sadd.s32 s8, s10  }
0x25b: {  	v19 =	vmov s8  }
0x25c: {  	v19 =	vadd.s32 $0xFFFFFFFF, v19  }
0x25d: {  	v19 =	vbroadcast v19, $0x0;
	_ =	sdelay $0x1  }
0x25e: {  	v20, _, _ =	vpop (xrf0)  }
0x25f: {  	s6 =	sadd.s32 $0x10, s6;
	v19 =	vadd.s32 v20, v19;
	(v2sf) =	vpush v20, $0xF  }
0x260: {  	v20 =	vld [tilespmem:s6+$0x0];
	_ =	sdelay $0x1  }
.Ltmp40:
0x261: {  	(pc) =	sbr.rel @!p4 .LBB2_67-.Ltmp40, $4  }
0x262: {  	_ = 	snop  }
0x263: {  	[tilespmem:v19+s24+$0x0] =	vst.idx.msk vm0, v18  }
0x264: {  	s12 =	sadd.s32 $0x10, s12;
	[tilespmem:v19+s25+$0x0] =	vst.idx.msk vm0, v20  }
0x265: {  	s13 =	sadd.s32 $0xFFFFFFFF, s13;
	v18 =	vld [tilespmem:s12+$0x0]  }
.LBB2_68:
0x266: {  	_ =	sdelay $0x3  }
0x267: {  	vm0 =	vge.s32 v18, v16;
	vm1 =	vlt.s32 v18, v17  }
0x268: {  	vm0 =	vmand vm0, vm1  }
0x269: {  	v17 =	vsel vm0, $0x1, v4  }
0x26a: {  	(xrf0) =	vadd.scan.msk.s32 $0xffff, v17;
	_ =	sdelay $0x5  }
0x26b: {  	v17, _, _ =	vpop (xrf0)  }
0x26c: {  	(v2sf) =	vpush v17, $0xF;
	_ =	sdelay $0x2  }
0x26d: {  	s10 =	spop @p3 (v2sf)  }
0x26e: {  	s8 =	sadd.s32 @p3 s8, s10  }
0x26f: {  	s0 =	smov.u32 @p3 s8  }
0x270: {  	v19 =	vmov s0  }
0x271: {  	v19 =	vadd.s32 $0xFFFFFFFF, v19  }
0x272: {  	v19 =	vbroadcast v19, $0x0  }
0x273: {  	s6 =	sadd.s32 @p3 $0x10, s6  }
0x274: {  	s5 =	smov.u32 @p3 s6;
	v17 =	vadd.s32 v17, v19  }
0x275: {  	v63 =	vld [tilespmem:s5+$0x0];
	_ =	sdelay $0x2  }
0x276: {  	v16 =	vsub.s32 v18, v16  }
0x277: {  	[tilespmem:v17+s24+$0x0] =	vst.idx.msk vm0, v16;
	s29 =	spop (v2sf)  }
0x278: {  	[tilespmem:v17+s25+$0x0] =	vst.idx.msk vm0, v63;
	s0 =	sadd.s32 s0, s29  }
0x279: {  	p3 =	slt.s32 s0, $0x1  }
.Ltmp41:
0x27a: {  	_ = 	snop;
	(pc) =	sbr.rel @p3 .LBB2_54-.Ltmp41, $2  }
0x27b: {  	_ =	sdelay $0x2  }
0x27c: {  	v16 =	vmov v6  }
0x27d: {  	s8 =	simm.s32 $0x6100  }
0x27e: {  	v16 =	vld.msk [tilespmem:s8+$0x0 ss:$0x0], $0xffff;
	_ =	sdelay $0x4  }
0x27f: {  	v17 =	vshll.u32 v16, $0x3  }
0x280: {  	v16 =	vand.u32 $0x7F, v16;
	v17 =	vand.u32 $0xFFFFFC00, v17  }
0x281: {  	v16 =	vor.u32 v16, v17  }
0x282: {  	v17 =	vadd.s32 v11, v16;
	_ =	sdelay $0x4  }
0x283: {  	v17 =	vld.idx.msk [tilespmem:v17+s23+$0x0], $0xffff  }
0x284: {  	v18 =	vadd.s32 v12, v16;
	_ =	sdelay $0x1  }
0x285: {  	s6 =	simm.s32 $0x0  }
0x286: {  	s5 =	simm.s32 $0x7180;
	s29 =	sand.u32 $0x1F80, s6  }
0x287: {  	v19 =	vld.msk [tilespmem:s5+$0x0 ss:$0x0], $0xffff;
	[tilespmem:s29+$0x1C300] =	vst v17  }
0x288: {  	v17 =	vld.idx.msk [tilespmem:v18+s23+$0x0], $0xffff  }
0x289: {  	v18 =	vadd.s32 v13, v16;
	_ =	sdelay $0x3  }
0x28a: {  	[tilespmem:s29+$0x1C310] =	vst v17  }
0x28b: {  	v17 =	vld.idx.msk [tilespmem:v18+s23+$0x0], $0xffff  }
0x28c: {  	v16 =	vadd.s32 v14, v16;
	_ =	sdelay $0x2  }
0x28d: {  	s10 =	sand.u32 $0xF, s6  }
0x28e: {  	v18 =	vmov s10;
	[tilespmem:s29+$0x1C320] =	vst v17  }
0x28f: {  	vm0 =	veq.s32 v18, v3;
	v16 =	vld.idx.msk [tilespmem:v16+s23+$0x0], $0xffff  }
0x290: {  	v17 =	vsel vm0, v19, v6  }
0x291: {  	p4 =	sne.s32 s0, $0x1;
	p3 =	sne.s32 s10, $0xF  }
.Ltmp42:
0x292: {  	s10 =	sand.u32 @!p3 $0x6000, s6;
	(pc) =	sbr.rel @!p4 .LBB2_54-.Ltmp42, $4  }
0x293: {  	s10 =	sshrl.u32 @!p3 s10, $0x2  }
0x294: {  	s12 =	simm.s32 @!p3 $0x0;
	s10 =	sor.u32 @!p3 $0x1C300, s10;
	vm0 =	vmmov @!p3 $0xffff;
	[tilespmem:s29+$0x1C330] =	vst v16;
	v16 =	vlaneseq.u32 @!p3  }
0x295: {  	[hbm4b:s11+s12] =	stream.indirect_vreg.scatter @!p3 [tilespmem:s10], [sflag:$0x3], $0x80, v17, vm0, $0xb8;
	v16 =	vor.u32 @!p3 $0x8000, v16;
	[tilespmem:$0x1E300] =	vst v63  }
0x296: {  	s13 =	simm.s32 $0x0;
	s8 =	simm.s32 $0x1;
	s12 =	simm.s32 $0x6101;
	v16 =	vpsel p3, v17, v16  }
.LBB2_53:
0x297: {  	v17 =	vld.msk [tilespmem:s12+$0x0 ss:$0x0], $0xffff;
	s10 =	smov.u32 s8;
	s8 =	sadd.s32 $0x1, s8  }
0x298: {  	p3 =	sne.s32 s0, s8;
	_ =	sdelay $0x4  }
0x299: {  	v18 =	vshll.u32 v17, $0x3  }
0x29a: {  	v17 =	vand.u32 $0x7F, v17;
	v18 =	vand.u32 $0xFFFFFC00, v18  }
0x29b: {  	v17 =	vor.u32 v17, v18  }
0x29c: {  	v18 =	vadd.s32 v11, v17;
	_ =	sdelay $0x4  }
0x29d: {  	v18 =	vld.idx.msk [tilespmem:v18+s23+$0x0], $0xffff;
	_ =	sdelay $0x1  }
0x29e: {  	v19 =	vadd.s32 v12, v17;
	_ =	sdelay $0x1  }
0x29f: {  	s6 =	sadd.s32 $0x80, s6  }
0x2a0: {  	s5 =	sadd.s32 $0x1, s5;
	s14 =	sand.u32 $0x1F80, s6  }
0x2a1: {  	v20 =	vld.msk [tilespmem:s5+$0x0 ss:$0x0], $0xffff;
	[tilespmem:s14+$0x1C300] =	vst v18  }
0x2a2: {  	v18 =	vld.idx.msk [tilespmem:v19+s23+$0x0], $0xffff;
	_ =	sdelay $0x1  }
0x2a3: {  	s10 =	sand.u32 $0xF, s10;
	v19 =	vadd.s32 v13, v17  }
0x2a4: {  	v21 =	vmov s10;
	p4 =	sne.s32 s10, $0xF  }
0x2a5: {  	vm0 =	veq.s32 v21, v3;
	v21 =	vlaneseq.u32 @!p4  }
0x2a6: {  	v20 =	vsel vm0, v20, v16;
	v16 =	vor.u32 @!p4 $0x8000, v21  }
0x2a7: {  	v16 =	vpsel p4, v20, v16;
	[tilespmem:s14+$0x1C310] =	vst v18  }
0x2a8: {  	v18 =	vld.idx.msk [tilespmem:v19+s23+$0x0], $0xffff;
	_ =	sdelay $0x1  }
0x2a9: {  	v17 =	vadd.s32 v14, v17;
	_ =	sdelay $0x3  }
0x2aa: {  	[tilespmem:s14+$0x1C320] =	vst v18  }
0x2ab: {  	v17 =	vld.idx.msk [tilespmem:v17+s23+$0x0], $0xffff;
	_ =	sdelay $0x1  }
.Ltmp43:
0x2ac: {  	s13 =	sadd.s32 $0x200, s13;
	(pc) =	sbr.rel @p3 .LBB2_53-.Ltmp43, $4  }
0x2ad: {  	s10 =	sand.u32 @!p4 $0x6000, s13  }
0x2ae: {  	s10 =	sshrl.u32 @!p4 s10, $0x2  }
0x2af: {  	s12 =	sadd.s32 $0x1, s12;
	s20 =	simm.s32 @!p4 $0x0;
	s10 =	sor.u32 @!p4 $0x1C300, s10;
	vm0 =	vmmov @!p4 $0xffff  }
0x2b0: {  	[tilespmem:s14+$0x1C330] =	vst v17;
	[hbm4b:s11+s20] =	stream.indirect_vreg.scatter @!p4 [tilespmem:s10], [sflag:$0x3], $0x80, v20, vm0, $0xb8  }
.LBB2_54:
0x2b1: {  	s5 =	sshra.s32 s0, $0x1F  }
0x2b2: {  	s5 =	sshrl.u32 s5, $0x1C  }
0x2b3: {  	s6 =	sand.u32 $0x8000000F, s0;
	s5 =	sadd.s32 s5, s0  }
0x2b4: {  	p3 =	slt.s32 s6, $0x1;
	s0 =	sshra.s32 s5, $0x4  }
0x2b5: {  	s5 =	sshrl.u32 @!p3 s0, $0x1E  }
0x2b6: {  	s5 =	sadd.s32 @!p3 s5, s0  }
0x2b7: {  	s5 =	sand.u32 @!p3 $0x7FFFC, s5  }
0x2b8: {  	s5 =	ssub.s32 @!p3 s0, s5  }
0x2b9: {  	s5 =	sshll.u32 @!p3 s5, $0xD  }
.Ltmp44:
0x2ba: {  	s5 =	sshra.s32 @!p3 s5, $0x2;
	(pc) =	sbr.rel .LBB2_55-.Ltmp44, $4  }
0x2bb: {  	vm0 =	vmmov @!p3 $0xffff;
	s6 =	simm.s32 @!p3 $0x0;
	s5 =	sadd.s32 @!p3 $0x1C300, s5  }
0x2bc: {  	[hbm4b:s11+s6] =	stream.indirect_vreg.scatter @!p3 [tilespmem:s5], [sflag:$0x3], $0x80, v16, vm0, $0xb8;
	[tilespmem:$0x1E300] =	vst v63  }
0x2bd: {  	s5 =	simm.s32 @!p3 $0x1  }
0x2be: {  	s5 =	simm.s32 @p3 $0x0  }
.LBB2_69:
.Ltmp45:
0x2bf: {  	(pc) =	sbr.rel @p2 .LBB2_70-.Ltmp45, $1  }
0x2c0: {  	_ =	sdelay $0x3  }
0x2c1: {  	p4 =	seq.s32 s31, $0x1  }
.Ltmp46:
0x2c2: {  	_ = 	snop;
	(pc) =	sbr.rel @p4 .LBB2_80-.Ltmp46, $4  }
0x2c3: {  	s0 =	sshll.u32 s0, $0x9  }
0x2c4: {  	s0 =	sadd.s32 s3, s0  }
0x2c5: {  	s6 =	simm.s32 $0x8200;
	p3 =	por $0x0, $0x0;
	s5 =	sadd.s32 $0x200, s0  }
0x2c6: {  	v18 =	vld [tilespmem:s6+$0x0];
	s6 =	sadd.s32 $0xFFFFFFFF, s31;
	v16 =	vmov s0;
	s0 =	simm.s32 $0x0;
	v17 =	vmov s5;
	s5 =	simm.s32 $0x9280  }
0x2c7: {  	_ =	sdelay $0x3  }
0x2c8: {  	vm0 =	vge.s32 v18, v16;
	vm1 =	vlt.s32 v18, v17  }
0x2c9: {  	vm0 =	vmand vm0, vm1  }
0x2ca: {  	v19 =	vsel vm0, $0x1, v4  }
0x2cb: {  	(xrf0) =	vadd.scan.msk.s32 $0xffff, v19;
	_ =	sdelay $0x2  }
0x2cc: {  	v19 =	vmov s0  }
0x2cd: {  	v19 =	vadd.s32 $0xFFFFFFFF, v19  }
0x2ce: {  	v19 =	vbroadcast v19, $0x0  }
0x2cf: {  	v20, _, _ =	vpop (xrf0)  }
0x2d0: {  	v19 =	vadd.s32 v20, v19;
	(v2sf) =	vpush v20, $0xF  }
0x2d1: {  	v21 =	vld [tilespmem:s5+$0x0]  }
0x2d2: {  	p4 =	seq.s32 s6, $0x1  }
.Ltmp47:
0x2d3: {  	_ = 	snop;
	(pc) =	sbr.rel @p4 .LBB2_82-.Ltmp47, $4  }
0x2d4: {  	v18 =	vsub.s32 v18, v16  }
0x2d5: {  	[tilespmem:v19+s24+$0x0] =	vst.idx.msk vm0, v18  }
0x2d6: {  	s12 =	simm.s32 $0x8210;
	s13 =	sadd.s32 $0xFFFFFFFF, s6;
	[tilespmem:v19+s25+$0x0] =	vst.idx.msk vm0, v21  }
0x2d7: {  	p3 =	por $0x1, $0x1;
	s8 =	simm.s32 $0x0;
	s6 =	simm.s32 $0x9280;
	v18 =	vld [tilespmem:s12+$0x0]  }
.LBB2_83:
0x2d8: {  	p4 =	seq.s32 s13, $0x1;
	_ =	sdelay $0x3  }
0x2d9: {  	vm0 =	vge.s32 v18, v16;
	vm1 =	vlt.s32 v18, v17;
	v18 =	vsub.s32 v18, v16  }
0x2da: {  	vm0 =	vmand vm0, vm1  }
0x2db: {  	v19 =	vsel vm0, $0x1, v4  }
0x2dc: {  	(xrf0) =	vadd.scan.msk.s32 $0xffff, v19;
	s10 =	spop (v2sf)  }
0x2dd: {  	s8 =	sadd.s32 s8, s10  }
0x2de: {  	v19 =	vmov s8  }
0x2df: {  	v19 =	vadd.s32 $0xFFFFFFFF, v19  }
0x2e0: {  	v19 =	vbroadcast v19, $0x0;
	_ =	sdelay $0x1  }
0x2e1: {  	v20, _, _ =	vpop (xrf0)  }
0x2e2: {  	s6 =	sadd.s32 $0x10, s6;
	v19 =	vadd.s32 v20, v19;
	(v2sf) =	vpush v20, $0xF  }
0x2e3: {  	v20 =	vld [tilespmem:s6+$0x0];
	_ =	sdelay $0x1  }
.Ltmp48:
0x2e4: {  	(pc) =	sbr.rel @!p4 .LBB2_83-.Ltmp48, $4  }
0x2e5: {  	_ = 	snop  }
0x2e6: {  	[tilespmem:v19+s24+$0x0] =	vst.idx.msk vm0, v18  }
0x2e7: {  	s12 =	sadd.s32 $0x10, s12;
	[tilespmem:v19+s25+$0x0] =	vst.idx.msk vm0, v20  }
0x2e8: {  	s13 =	sadd.s32 $0xFFFFFFFF, s13;
	v18 =	vld [tilespmem:s12+$0x0]  }
.LBB2_84:
0x2e9: {  	_ =	sdelay $0x3  }
0x2ea: {  	vm0 =	vge.s32 v18, v16;
	vm1 =	vlt.s32 v18, v17  }
0x2eb: {  	vm0 =	vmand vm0, vm1  }
0x2ec: {  	v17 =	vsel vm0, $0x1, v4  }
0x2ed: {  	(xrf0) =	vadd.scan.msk.s32 $0xffff, v17;
	_ =	sdelay $0x5  }
0x2ee: {  	v17, _, _ =	vpop (xrf0)  }
0x2ef: {  	(v2sf) =	vpush v17, $0xF;
	_ =	sdelay $0x2  }
0x2f0: {  	s10 =	spop @p3 (v2sf)  }
0x2f1: {  	s8 =	sadd.s32 @p3 s8, s10  }
0x2f2: {  	s0 =	smov.u32 @p3 s8  }
0x2f3: {  	v19 =	vmov s0  }
0x2f4: {  	v19 =	vadd.s32 $0xFFFFFFFF, v19  }
0x2f5: {  	v19 =	vbroadcast v19, $0x0  }
0x2f6: {  	s6 =	sadd.s32 @p3 $0x10, s6  }
0x2f7: {  	s5 =	smov.u32 @p3 s6;
	v17 =	vadd.s32 v17, v19  }
0x2f8: {  	v63 =	vld [tilespmem:s5+$0x0];
	_ =	sdelay $0x2  }
0x2f9: {  	v16 =	vsub.s32 v18, v16  }
0x2fa: {  	[tilespmem:v17+s24+$0x0] =	vst.idx.msk vm0, v16;
	s29 =	spop (v2sf)  }
0x2fb: {  	[tilespmem:v17+s25+$0x0] =	vst.idx.msk vm0, v63;
	s0 =	sadd.s32 s0, s29  }
0x2fc: {  	p3 =	slt.s32 s0, $0x1  }
.Ltmp49:
0x2fd: {  	_ = 	snop;
	(pc) =	sbr.rel @p3 .LBB2_74-.Ltmp49, $2  }
0x2fe: {  	_ =	sdelay $0x2  }
0x2ff: {  	v16 =	vmov v6  }
0x300: {  	s8 =	simm.s32 $0x6100  }
0x301: {  	v16 =	vld.msk [tilespmem:s8+$0x0 ss:$0x0], $0xffff;
	_ =	sdelay $0x4  }
0x302: {  	v17 =	vshll.u32 v16, $0x3  }
0x303: {  	v16 =	vand.u32 $0x7F, v16;
	v17 =	vand.u32 $0xFFFFFC00, v17  }
0x304: {  	v16 =	vor.u32 v16, v17  }
0x305: {  	v17 =	vadd.s32 v11, v16;
	_ =	sdelay $0x4  }
0x306: {  	v17 =	vld.idx.msk [tilespmem:v17+s23+$0x0], $0xffff  }
0x307: {  	v18 =	vadd.s32 v12, v16;
	_ =	sdelay $0x1  }
0x308: {  	s6 =	simm.s32 $0x0  }
0x309: {  	s5 =	simm.s32 $0x7180;
	s29 =	sand.u32 $0x1F80, s6  }
0x30a: {  	v19 =	vld.msk [tilespmem:s5+$0x0 ss:$0x0], $0xffff;
	[tilespmem:s29+$0x1C300] =	vst v17  }
0x30b: {  	v17 =	vld.idx.msk [tilespmem:v18+s23+$0x0], $0xffff  }
0x30c: {  	v18 =	vadd.s32 v13, v16;
	_ =	sdelay $0x3  }
0x30d: {  	[tilespmem:s29+$0x1C310] =	vst v17  }
0x30e: {  	v17 =	vld.idx.msk [tilespmem:v18+s23+$0x0], $0xffff  }
0x30f: {  	v16 =	vadd.s32 v14, v16;
	_ =	sdelay $0x2  }
0x310: {  	s10 =	sand.u32 $0xF, s6  }
0x311: {  	v18 =	vmov s10;
	[tilespmem:s29+$0x1C320] =	vst v17  }
0x312: {  	vm0 =	veq.s32 v18, v3;
	v16 =	vld.idx.msk [tilespmem:v16+s23+$0x0], $0xffff  }
0x313: {  	v17 =	vsel vm0, v19, v6  }
0x314: {  	p4 =	sne.s32 s0, $0x1;
	p3 =	sne.s32 s10, $0xF  }
.Ltmp50:
0x315: {  	s10 =	sand.u32 @!p3 $0x6000, s6;
	(pc) =	sbr.rel @!p4 .LBB2_74-.Ltmp50, $4  }
0x316: {  	s10 =	sshrl.u32 @!p3 s10, $0x2  }
0x317: {  	s12 =	simm.s32 @!p3 $0x0;
	s10 =	sor.u32 @!p3 $0x1C300, s10;
	vm0 =	vmmov @!p3 $0xffff;
	[tilespmem:s29+$0x1C330] =	vst v16;
	v16 =	vlaneseq.u32 @!p3  }
0x318: {  	[hbm4b:s11+s12] =	stream.indirect_vreg.scatter @!p3 [tilespmem:s10], [sflag:$0x3], $0x80, v17, vm0, $0xb8;
	v16 =	vor.u32 @!p3 $0x8000, v16;
	[tilespmem:$0x1E300] =	vst v63  }
0x319: {  	s13 =	simm.s32 $0x0;
	s8 =	simm.s32 $0x1;
	s12 =	simm.s32 $0x6101;
	v16 =	vpsel p3, v17, v16  }
.LBB2_73:
0x31a: {  	v17 =	vld.msk [tilespmem:s12+$0x0 ss:$0x0], $0xffff;
	s10 =	smov.u32 s8;
	s8 =	sadd.s32 $0x1, s8  }
0x31b: {  	p3 =	sne.s32 s0, s8;
	_ =	sdelay $0x4  }
0x31c: {  	v18 =	vshll.u32 v17, $0x3  }
0x31d: {  	v17 =	vand.u32 $0x7F, v17;
	v18 =	vand.u32 $0xFFFFFC00, v18  }
0x31e: {  	v17 =	vor.u32 v17, v18  }
0x31f: {  	v18 =	vadd.s32 v11, v17;
	_ =	sdelay $0x4  }
0x320: {  	v18 =	vld.idx.msk [tilespmem:v18+s23+$0x0], $0xffff;
	_ =	sdelay $0x1  }
0x321: {  	v19 =	vadd.s32 v12, v17;
	_ =	sdelay $0x1  }
0x322: {  	s6 =	sadd.s32 $0x80, s6  }
0x323: {  	s5 =	sadd.s32 $0x1, s5;
	s14 =	sand.u32 $0x1F80, s6  }
0x324: {  	v20 =	vld.msk [tilespmem:s5+$0x0 ss:$0x0], $0xffff;
	[tilespmem:s14+$0x1C300] =	vst v18  }
0x325: {  	v18 =	vld.idx.msk [tilespmem:v19+s23+$0x0], $0xffff;
	_ =	sdelay $0x1  }
0x326: {  	s10 =	sand.u32 $0xF, s10;
	v19 =	vadd.s32 v13, v17  }
0x327: {  	v21 =	vmov s10;
	p4 =	sne.s32 s10, $0xF  }
0x328: {  	vm0 =	veq.s32 v21, v3;
	v21 =	vlaneseq.u32 @!p4  }
0x329: {  	v20 =	vsel vm0, v20, v16;
	v16 =	vor.u32 @!p4 $0x8000, v21  }
0x32a: {  	v16 =	vpsel p4, v20, v16;
	[tilespmem:s14+$0x1C310] =	vst v18  }
0x32b: {  	v18 =	vld.idx.msk [tilespmem:v19+s23+$0x0], $0xffff;
	_ =	sdelay $0x1  }
0x32c: {  	v17 =	vadd.s32 v14, v17;
	_ =	sdelay $0x3  }
0x32d: {  	[tilespmem:s14+$0x1C320] =	vst v18  }
0x32e: {  	v17 =	vld.idx.msk [tilespmem:v17+s23+$0x0], $0xffff;
	_ =	sdelay $0x1  }
.Ltmp51:
0x32f: {  	s13 =	sadd.s32 $0x200, s13;
	(pc) =	sbr.rel @p3 .LBB2_73-.Ltmp51, $4  }
0x330: {  	s10 =	sand.u32 @!p4 $0x6000, s13  }
0x331: {  	s10 =	sshrl.u32 @!p4 s10, $0x2  }
0x332: {  	s12 =	sadd.s32 $0x1, s12;
	s20 =	simm.s32 @!p4 $0x0;
	s10 =	sor.u32 @!p4 $0x1C300, s10;
	vm0 =	vmmov @!p4 $0xffff  }
0x333: {  	[tilespmem:s14+$0x1C330] =	vst v17;
	[hbm4b:s11+s20] =	stream.indirect_vreg.scatter @!p4 [tilespmem:s10], [sflag:$0x3], $0x80, v20, vm0, $0xb8  }
.LBB2_74:
0x334: {  	s5 =	sshra.s32 s0, $0x1F  }
0x335: {  	s5 =	sshrl.u32 s5, $0x1C  }
0x336: {  	s6 =	sand.u32 $0x8000000F, s0;
	s5 =	sadd.s32 s5, s0  }
0x337: {  	p3 =	slt.s32 s6, $0x1;
	s0 =	sshra.s32 s5, $0x4  }
0x338: {  	s5 =	sshrl.u32 @!p3 s0, $0x1E  }
0x339: {  	s5 =	sadd.s32 @!p3 s5, s0  }
0x33a: {  	s5 =	sand.u32 @!p3 $0x7FFFC, s5  }
0x33b: {  	s5 =	ssub.s32 @!p3 s0, s5  }
0x33c: {  	s5 =	sshll.u32 @!p3 s5, $0xD  }
.Ltmp52:
0x33d: {  	s5 =	sshra.s32 @!p3 s5, $0x2;
	(pc) =	sbr.rel .LBB2_75-.Ltmp52, $4  }
0x33e: {  	vm0 =	vmmov @!p3 $0xffff;
	s6 =	simm.s32 @!p3 $0x0;
	s5 =	sadd.s32 @!p3 $0x1C300, s5  }
0x33f: {  	[hbm4b:s11+s6] =	stream.indirect_vreg.scatter @!p3 [tilespmem:s5], [sflag:$0x3], $0x80, v16, vm0, $0xb8;
	[tilespmem:$0x1E300] =	vst v63  }
0x340: {  	s5 =	simm.s32 @!p3 $0x1  }
0x341: {  	s5 =	simm.s32 @p3 $0x0  }
.LBB2_28:
0x342: {  	s5 =	simm.s32 $0x0;
	s0 =	simm.s32 $0x0  }
.LBB2_55:
0x343: {  	s0 =	sadd.s32 s5, s0  }
0x344: {  	p3 =	slt.s32 s0, $0x1  }
.Ltmp53:
0x345: {  	_ = 	snop;
	(pc) =	sbr.rel @p3 .LBB2_59-.Ltmp53, $1  }
0x346: {  	_ =	sdelay $0x3  }
0x347: {  	s0 =	smin.u32 s0, $0x4  }
0x348: {  	p3 =	seq.s32 s0, $0x1  }
.Ltmp54:
0x349: {  	_ = 	snop;
	(pc) =	sbr.rel @p3 .LBB2_58-.Ltmp54, $3  }
0x34a: {  	_ =	sdelay $0x1  }
0x34b: {  	_ =	swait.ge [sflag:s26], $0x800  }
0x34c: {  	s0 =	sadd.s32 $0xFFFFFFFF, s0;
	[sflag:s26] =	ssyncset.done $0x0  }
.LBB2_57:
0x34d: {  	p3 =	seq.s32 s0, $0x1;
	s0 =	sadd.s32 $0xFFFFFFFF, s0;
	[sflag:s26] =	ssyncadd.s32 $0xFFFFF800  }
.Ltmp55:
0x34e: {  	(pc) =	sbr.rel @!p3 .LBB2_57-.Ltmp55, $3  }
0x34f: {  	_ =	sdelay $0x1  }
0x350: {  	_ =	swait.ge [sflag:s26], $0x800  }
0x351: {  	[sflag:s26] =	ssyncset.done $0x0  }
.LBB2_58:
.Ltmp56:
0x352: {  	(pc) =	sbr.rel .LBB2_59-.Ltmp56, $2  }
0x353: {  	_ =	sdelay $0x2  }
0x354: {  	[sflag:s26] =	ssyncadd.s32 $0xFFFFF800  }
.LBB2_70:
0x355: {  	s5 =	simm.s32 $0x0;
	s0 =	simm.s32 $0x0  }
.LBB2_75:
0x356: {  	s0 =	sadd.s32 s5, s0  }
0x357: {  	p3 =	slt.s32 s0, $0x1  }
.Ltmp57:
0x358: {  	_ = 	snop;
	(pc) =	sbr.rel @p3 .LBB2_59-.Ltmp57, $1  }
0x359: {  	_ =	sdelay $0x3  }
0x35a: {  	s0 =	smin.u32 s0, $0x4  }
0x35b: {  	p3 =	sne.s32 s0, $0x1  }
.Ltmp58:
0x35c: {  	_ = 	snop;
	(pc) =	sbr.rel @!p3 .LBB2_78-.Ltmp58, $3  }
0x35d: {  	_ =	sdelay $0x1  }
0x35e: {  	_ =	swait.ge [sflag:s26], $0x800  }
0x35f: {  	s0 =	sadd.s32 $0xFFFFFFFF, s0;
	[sflag:s26] =	ssyncset.done $0x0  }
.LBB2_77:
0x360: {  	p3 =	sne.s32 s0, $0x1;
	s0 =	sadd.s32 $0xFFFFFFFF, s0;
	[sflag:s26] =	ssyncadd.s32 $0xFFFFF800  }
.Ltmp59:
0x361: {  	(pc) =	sbr.rel @p3 .LBB2_77-.Ltmp59, $3  }
0x362: {  	_ =	sdelay $0x1  }
0x363: {  	_ =	swait.ge [sflag:s26], $0x800  }
0x364: {  	[sflag:s26] =	ssyncset.done $0x0  }
.Ltmp60:
0x365: {  	_ = 	snop;
	(pc) =	sbr.rel .LBB2_78-.Ltmp60, $1  }
0x366: {  	_ =	sdelay $0x3  }
.LBB2_30:
.Ltmp61:
0x367: {  	(pc) =	sbr.rel .LBB2_34-.Ltmp61, $2  }
0x368: {  	_ =	sdelay $0x2  }
0x369: {  	s13 =	simm.s32 $0x0;
	s12 =	simm.s32 $0x5080  }
.LBB2_46:
.Ltmp62:
0x36a: {  	(pc) =	sbr.rel .LBB2_50-.Ltmp62, $2  }
0x36b: {  	_ =	sdelay $0x2  }
0x36c: {  	s13 =	simm.s32 $0x0;
	s12 =	simm.s32 $0x9280  }
.LBB2_64:
.Ltmp63:
0x36d: {  	(pc) =	sbr.rel .LBB2_68-.Ltmp63, $2  }
0x36e: {  	_ =	sdelay $0x2  }
0x36f: {  	s8 =	simm.s32 $0x0;
	s6 =	simm.s32 $0x5080  }
.LBB2_80:
.Ltmp64:
0x370: {  	(pc) =	sbr.rel .LBB2_84-.Ltmp64, $2  }
0x371: {  	_ =	sdelay $0x2  }
0x372: {  	s8 =	simm.s32 $0x0;
	s6 =	simm.s32 $0x9280  }
.LBB2_32:
.Ltmp65:
0x373: {  	(pc) =	sbr.rel .LBB2_34-.Ltmp65, $2  }
0x374: {  	_ =	sdelay $0x2  }
0x375: {  	s13 =	simm.s32 $0x0;
	s12 =	simm.s32 $0x5080  }
.LBB2_48:
.Ltmp66:
0x376: {  	(pc) =	sbr.rel .LBB2_50-.Ltmp66, $2  }
0x377: {  	_ =	sdelay $0x2  }
0x378: {  	s13 =	simm.s32 $0x0;
	s12 =	simm.s32 $0x9280  }
.LBB2_66:
.Ltmp67:
0x379: {  	(pc) =	sbr.rel .LBB2_68-.Ltmp67, $2  }
0x37a: {  	_ =	sdelay $0x2  }
0x37b: {  	s8 =	simm.s32 $0x0;
	s6 =	simm.s32 $0x5080  }
.LBB2_82:
.Ltmp68:
0x37c: {  	(pc) =	sbr.rel .LBB2_84-.Ltmp68, $2  }
0x37d: {  	_ =	sdelay $0x2  }
0x37e: {  	s8 =	simm.s32 $0x0;
	s6 =	simm.s32 $0x9280  }
.LBB2_60:
.Ltmp69:
0x37f: {  	(pc) =	sbr.rel @p0 .LBB2_93-.Ltmp69, $2  }
0x380: {  	_ =	sdelay $0x2  }
0x381: {  	s20 =	rddreg [dreg:$0x8]  }
0x382: {  	p1 =	sgt.s32 s31, $0x0  }
.Ltmp70:
0x383: {  	_ = 	snop;
	(pc) =	sbr.rel @!p1 .LBB2_62-.Ltmp70, $2  }
0x384: {  	_ =	sdelay $0x2  }
0x385: {  	s0 =	simm.s32 $0x0  }
0x386: {  	p2 =	seq.s32 s31, $0x1  }
.Ltmp71:
0x387: {  	_ = 	snop;
	(pc) =	sbr.rel @p2 .LBB2_96-.Ltmp71, $3  }
0x388: {  	_ =	sdelay $0x1  }
0x389: {  	s6 =	simm.s32 $0x8200  }
0x38a: {  	s5 =	simm.s32 $0x9280;
	p1 =	por $0x0, $0x0;
	v16 =	vld [tilespmem:s6+$0x0];
	s6 =	sadd.s32 $0xFFFFFFFF, s31  }
0x38b: {  	_ =	sdelay $0x3  }
0x38c: {  	v17 =	vand.u32 $0xFFFFFFC0, v16  }
0x38d: {  	vm0 =	veq.s32 v17, $0xF4200  }
0x38e: {  	v17 =	vsel vm0, $0x1, v4  }
0x38f: {  	(xrf0) =	vadd.scan.msk.s32 $0xffff, v17;
	_ =	sdelay $0x2  }
0x390: {  	v17 =	vmov s0  }
0x391: {  	v17 =	vadd.s32 $0xFFFFFFFF, v17  }
0x392: {  	v17 =	vbroadcast v17, $0x0  }
0x393: {  	v18, _, _ =	vpop (xrf0)  }
0x394: {  	v17 =	vadd.s32 v18, v17;
	(v2sf) =	vpush v18, $0xF  }
0x395: {  	v19 =	vld [tilespmem:s5+$0x0]  }
0x396: {  	p2 =	seq.s32 s6, $0x1  }
.Ltmp72:
0x397: {  	_ = 	snop;
	(pc) =	sbr.rel @p2 .LBB2_98-.Ltmp72, $4  }
0x398: {  	v16 =	vadd.s32 $0xFFF0BE00, v16  }
0x399: {  	[tilespmem:v17+s24+$0x0] =	vst.idx.msk vm0, v16  }
0x39a: {  	s9 =	simm.s32 $0x8210;
	s12 =	sadd.s32 $0xFFFFFFFF, s6;
	[tilespmem:v17+s25+$0x0] =	vst.idx.msk vm0, v19  }
0x39b: {  	p1 =	por $0x1, $0x1;
	s8 =	simm.s32 $0x0;
	s6 =	simm.s32 $0x9280;
	v16 =	vld [tilespmem:s9+$0x0]  }
.LBB2_99:
0x39c: {  	p2 =	seq.s32 s12, $0x1;
	_ =	sdelay $0x3  }
0x39d: {  	v17 =	vand.u32 $0xFFFFFFC0, v16;
	v16 =	vadd.s32 $0xFFF0BE00, v16  }
0x39e: {  	vm0 =	veq.s32 v17, $0xF4200  }
0x39f: {  	v17 =	vsel vm0, $0x1, v4  }
0x3a0: {  	(xrf0) =	vadd.scan.msk.s32 $0xffff, v17;
	s10 =	spop (v2sf)  }
0x3a1: {  	s8 =	sadd.s32 s8, s10  }
0x3a2: {  	v17 =	vmov s8  }
0x3a3: {  	v17 =	vadd.s32 $0xFFFFFFFF, v17  }
0x3a4: {  	v17 =	vbroadcast v17, $0x0;
	_ =	sdelay $0x1  }
0x3a5: {  	v18, _, _ =	vpop (xrf0)  }
0x3a6: {  	s6 =	sadd.s32 $0x10, s6;
	v17 =	vadd.s32 v18, v17;
	(v2sf) =	vpush v18, $0xF  }
0x3a7: {  	v18 =	vld [tilespmem:s6+$0x0];
	_ =	sdelay $0x1  }
.Ltmp73:
0x3a8: {  	(pc) =	sbr.rel @!p2 .LBB2_99-.Ltmp73, $4  }
0x3a9: {  	_ = 	snop  }
0x3aa: {  	[tilespmem:v17+s24+$0x0] =	vst.idx.msk vm0, v16  }
0x3ab: {  	s9 =	sadd.s32 $0x10, s9;
	[tilespmem:v17+s25+$0x0] =	vst.idx.msk vm0, v18  }
0x3ac: {  	s12 =	sadd.s32 $0xFFFFFFFF, s12;
	v16 =	vld [tilespmem:s9+$0x0]  }
.LBB2_100:
0x3ad: {  	_ =	sdelay $0x3  }
0x3ae: {  	v17 =	vand.u32 $0xFFFFFFC0, v16  }
0x3af: {  	vm0 =	veq.s32 v17, $0xF4200  }
0x3b0: {  	v17 =	vsel vm0, $0x1, v4  }
0x3b1: {  	(xrf0) =	vadd.scan.msk.s32 $0xffff, v17;
	_ =	sdelay $0x5  }
0x3b2: {  	v17, _, _ =	vpop (xrf0)  }
0x3b3: {  	(v2sf) =	vpush v17, $0xF;
	_ =	sdelay $0x2  }
0x3b4: {  	s9 =	spop @p1 (v2sf)  }
0x3b5: {  	s8 =	sadd.s32 @p1 s8, s9  }
0x3b6: {  	s0 =	smov.u32 @p1 s8  }
0x3b7: {  	v18 =	vmov s0  }
0x3b8: {  	v18 =	vadd.s32 $0xFFFFFFFF, v18  }
0x3b9: {  	v18 =	vbroadcast v18, $0x0  }
0x3ba: {  	s6 =	sadd.s32 @p1 $0x10, s6  }
0x3bb: {  	s5 =	smov.u32 @p1 s6;
	v17 =	vadd.s32 v17, v18  }
0x3bc: {  	v63 =	vld [tilespmem:s5+$0x0];
	_ =	sdelay $0x2  }
0x3bd: {  	v16 =	vadd.s32 $0xFFF0BE00, v16  }
0x3be: {  	[tilespmem:v17+s24+$0x0] =	vst.idx.msk vm0, v16;
	s31 =	spop (v2sf)  }
0x3bf: {  	[tilespmem:v17+s25+$0x0] =	vst.idx.msk vm0, v63;
	s0 =	sadd.s32 s0, s31  }
0x3c0: {  	p1 =	slt.s32 s0, $0x1  }
.Ltmp74:
0x3c1: {  	_ = 	snop;
	(pc) =	sbr.rel @p1 .LBB2_88-.Ltmp74, $2  }
0x3c2: {  	_ =	sdelay $0x2  }
0x3c3: {  	v19 =	vmov v6  }
0x3c4: {  	s8 =	simm.s32 $0x6100  }
0x3c5: {  	v19 =	vld.msk [tilespmem:s8+$0x0 ss:$0x0], $0xffff;
	_ =	sdelay $0x4  }
0x3c6: {  	v16 =	vadd.s32 v15, v19;
	_ =	sdelay $0x4  }
0x3c7: {  	v17 =	vld.idx.msk [tilespmem:v16+s19+$0x0], $0xffff;
	v16 =	vor.u32 $0x800, v15  }
0x3c8: {  	v18 =	vadd.s32 v16, v19;
	_ =	sdelay $0x1  }
0x3c9: {  	s6 =	simm.s32 $0x0  }
0x3ca: {  	s5 =	simm.s32 $0x7180;
	s31 =	sand.u32 $0x1F80, s6  }
0x3cb: {  	v20 =	vld.msk [tilespmem:s5+$0x0 ss:$0x0], $0xffff;
	[tilespmem:s31+$0x1C300] =	vst v17  }
0x3cc: {  	v17 =	vor.u32 $0x1000, v15;
	v18 =	vld.idx.msk [tilespmem:v18+s19+$0x0], $0xffff  }
0x3cd: {  	v21 =	vadd.s32 v17, v19;
	_ =	sdelay $0x3  }
0x3ce: {  	[tilespmem:s31+$0x1C310] =	vst v18  }
0x3cf: {  	v18 =	vor.u32 $0x1800, v15;
	v21 =	vld.idx.msk [tilespmem:v21+s19+$0x0], $0xffff  }
0x3d0: {  	v19 =	vadd.s32 v18, v19;
	_ =	sdelay $0x2  }
0x3d1: {  	s9 =	sand.u32 $0xF, s6  }
0x3d2: {  	v22 =	vmov s9;
	[tilespmem:s31+$0x1C320] =	vst v21  }
0x3d3: {  	vm0 =	veq.s32 v22, v3;
	v19 =	vld.idx.msk [tilespmem:v19+s19+$0x0], $0xffff  }
0x3d4: {  	v20 =	vsel vm0, v20, v6  }
0x3d5: {  	p2 =	sne.s32 s0, $0x1;
	p1 =	sne.s32 s9, $0xF  }
.Ltmp75:
0x3d6: {  	s9 =	sand.u32 @!p1 $0x6000, s6;
	(pc) =	sbr.rel @!p2 .LBB2_88-.Ltmp75, $4  }
0x3d7: {  	s9 =	sshrl.u32 @!p1 s9, $0x2  }
0x3d8: {  	s10 =	simm.s32 @!p1 $0x0;
	s9 =	sor.u32 @!p1 $0x1C300, s9;
	vm0 =	vmmov @!p1 $0xffff;
	[tilespmem:s31+$0x1C330] =	vst v19;
	v19 =	vlaneseq.u32 @!p1  }
0x3d9: {  	[hbm4b:s11+s10] =	stream.indirect_vreg.scatter @!p1 [tilespmem:s9], [sflag:$0x3], $0x80, v20, vm0, $0xb8;
	v19 =	vor.u32 @!p1 $0x8000, v19;
	[tilespmem:$0x1E300] =	vst v63  }
0x3da: {  	s12 =	simm.s32 $0x0;
	s8 =	simm.s32 $0x1;
	s9 =	simm.s32 $0x6101;
	v19 =	vpsel p1, v20, v19  }
.LBB2_87:
0x3db: {  	v20 =	vld.msk [tilespmem:s9+$0x0 ss:$0x0], $0xffff;
	s10 =	smov.u32 s8;
	s8 =	sadd.s32 $0x1, s8  }
0x3dc: {  	p1 =	sne.s32 s0, s8;
	_ =	sdelay $0x4  }
0x3dd: {  	v21 =	vadd.s32 v15, v20;
	_ =	sdelay $0x4  }
0x3de: {  	v21 =	vld.idx.msk [tilespmem:v21+s19+$0x0], $0xffff;
	_ =	sdelay $0x1  }
0x3df: {  	v22 =	vadd.s32 v16, v20;
	_ =	sdelay $0x1  }
0x3e0: {  	s6 =	sadd.s32 $0x80, s6  }
0x3e1: {  	s5 =	sadd.s32 $0x1, s5;
	s13 =	sand.u32 $0x1F80, s6  }
0x3e2: {  	v23 =	vld.msk [tilespmem:s5+$0x0 ss:$0x0], $0xffff;
	[tilespmem:s13+$0x1C300] =	vst v21  }
0x3e3: {  	v21 =	vld.idx.msk [tilespmem:v22+s19+$0x0], $0xffff;
	_ =	sdelay $0x1  }
0x3e4: {  	s10 =	sand.u32 $0xF, s10;
	v22 =	vadd.s32 v17, v20  }
0x3e5: {  	v24 =	vmov s10;
	p2 =	sne.s32 s10, $0xF  }
0x3e6: {  	vm0 =	veq.s32 v24, v3;
	v24 =	vlaneseq.u32 @!p2  }
0x3e7: {  	v23 =	vsel vm0, v23, v19;
	v19 =	vor.u32 @!p2 $0x8000, v24  }
0x3e8: {  	v19 =	vpsel p2, v23, v19;
	[tilespmem:s13+$0x1C310] =	vst v21  }
0x3e9: {  	v21 =	vld.idx.msk [tilespmem:v22+s19+$0x0], $0xffff;
	_ =	sdelay $0x1  }
0x3ea: {  	v20 =	vadd.s32 v18, v20;
	_ =	sdelay $0x3  }
0x3eb: {  	[tilespmem:s13+$0x1C320] =	vst v21  }
0x3ec: {  	v20 =	vld.idx.msk [tilespmem:v20+s19+$0x0], $0xffff;
	_ =	sdelay $0x1  }
.Ltmp76:
0x3ed: {  	s12 =	sadd.s32 $0x200, s12;
	(pc) =	sbr.rel @p1 .LBB2_87-.Ltmp76, $4  }
0x3ee: {  	s10 =	sand.u32 @!p2 $0x6000, s12  }
0x3ef: {  	s10 =	sshrl.u32 @!p2 s10, $0x2  }
0x3f0: {  	s9 =	sadd.s32 $0x1, s9;
	s14 =	simm.s32 @!p2 $0x0;
	s10 =	sor.u32 @!p2 $0x1C300, s10;
	vm0 =	vmmov @!p2 $0xffff  }
0x3f1: {  	[tilespmem:s13+$0x1C330] =	vst v20;
	[hbm4b:s11+s14] =	stream.indirect_vreg.scatter @!p2 [tilespmem:s10], [sflag:$0x3], $0x80, v23, vm0, $0xb8  }
.LBB2_88:
0x3f2: {  	s5 =	sshra.s32 s0, $0x1F  }
0x3f3: {  	s5 =	sshrl.u32 s5, $0x1C  }
0x3f4: {  	s31 =	sand.u32 $0x8000000F, s0;
	s5 =	sadd.s32 s5, s0  }
0x3f5: {  	p1 =	slt.s32 s31, $0x1;
	s5 =	sshra.s32 s5, $0x4  }
0x3f6: {  	s0 =	sshrl.u32 @!p1 s5, $0x1E  }
0x3f7: {  	s0 =	sadd.s32 @!p1 s0, s5  }
0x3f8: {  	s0 =	sand.u32 @!p1 $0x7FFFC, s0  }
0x3f9: {  	s0 =	ssub.s32 @!p1 s5, s0  }
0x3fa: {  	s0 =	sshll.u32 @!p1 s0, $0xD  }
.Ltmp77:
0x3fb: {  	s0 =	sshra.s32 @!p1 s0, $0x2;
	(pc) =	sbr.rel .LBB2_89-.Ltmp77, $4  }
0x3fc: {  	vm0 =	vmmov @!p1 $0xffff;
	s6 =	simm.s32 @!p1 $0x0;
	s0 =	sadd.s32 @!p1 $0x1C300, s0  }
0x3fd: {  	[hbm4b:s11+s6] =	stream.indirect_vreg.scatter @!p1 [tilespmem:s0], [sflag:$0x3], $0x80, v19, vm0, $0xb8;
	[tilespmem:$0x1E300] =	vst v63  }
0x3fe: {  	s0 =	simm.s32 @!p1 $0x1  }
0x3ff: {  	s0 =	simm.s32 @p1 $0x0  }
.LBB2_62:
0x400: {  	s5 =	simm.s32 $0x0  }
.LBB2_89:
0x401: {  	s0 =	sadd.s32 s0, s5  }
0x402: {  	p1 =	slt.s32 s0, $0x1  }
.Ltmp78:
0x403: {  	_ = 	snop;
	(pc) =	sbr.rel @p1 .LBB2_93-.Ltmp78, $1  }
0x404: {  	_ =	sdelay $0x3  }
0x405: {  	s0 =	smin.u32 s0, $0x4  }
0x406: {  	p1 =	sne.s32 s0, $0x1  }
.Ltmp79:
0x407: {  	_ = 	snop;
	(pc) =	sbr.rel @!p1 .LBB2_92-.Ltmp79, $3  }
0x408: {  	_ =	sdelay $0x1  }
0x409: {  	_ =	swait.ge [sflag:s26], $0x800  }
0x40a: {  	s0 =	sadd.s32 $0xFFFFFFFF, s0;
	[sflag:s26] =	ssyncset.done $0x0  }
.LBB2_91:
0x40b: {  	p1 =	sne.s32 s0, $0x1;
	s0 =	sadd.s32 $0xFFFFFFFF, s0;
	[sflag:s26] =	ssyncadd.s32 $0xFFFFF800  }
.Ltmp80:
0x40c: {  	(pc) =	sbr.rel @p1 .LBB2_91-.Ltmp80, $3  }
0x40d: {  	_ =	sdelay $0x1  }
0x40e: {  	_ =	swait.ge [sflag:s26], $0x800  }
0x40f: {  	[sflag:s26] =	ssyncset.done $0x0  }
.Ltmp81:
0x410: {  	_ = 	snop;
	(pc) =	sbr.rel .LBB2_92-.Ltmp81, $1  }
0x411: {  	_ =	sdelay $0x3  }
.LBB2_7:
.Ltmp82:
0x412: {  	(pc) =	sbr.rel .LBB2_11-.Ltmp82, $2  }
0x413: {  	_ =	sdelay $0x2  }
0x414: {  	s8 =	simm.s32 $0x0;
	s6 =	simm.s32 $0x5080;
	s9 =	simm.s32 $0x0  }
.LBB2_9:
.Ltmp83:
0x415: {  	(pc) =	sbr.rel .LBB2_11-.Ltmp83, $2  }
0x416: {  	_ =	sdelay $0x2  }
0x417: {  	s8 =	simm.s32 $0x0;
	s6 =	simm.s32 $0x5080;
	s9 =	simm.s32 $0x0  }
.LBB2_96:
.Ltmp84:
0x418: {  	(pc) =	sbr.rel .LBB2_100-.Ltmp84, $2  }
0x419: {  	_ =	sdelay $0x2  }
0x41a: {  	s8 =	simm.s32 $0x0;
	s6 =	simm.s32 $0x9280  }
.LBB2_98:
.Ltmp85:
0x41b: {  	(pc) =	sbr.rel .LBB2_100-.Ltmp85, $2  }
0x41c: {  	_ =	sdelay $0x2  }
0x41d: {  	s8 =	simm.s32 $0x0;
	s6 =	simm.s32 $0x9280  }
.LBB2_94:
0x41e: {  	_ =	sfence.sel $0x180000  }
0x41f: {  	[bflag:$0x0] =	sbarrier.arrive $0xFFFF  }
0x420: {  	_ =	strace $0x90000047  }
0x421: {  	s0 =	stileid.u32;
	[bflag:$0x2] =	sbarrier.arrive $0xFFFF  }
0x422: {  	p0 =	sne.s32 s0, $0x0;
	s0 =	rddreg [dreg:$0x5]  }
0x423: {  	s0 =	sadd.s32 @!p0 $0x100000, s0  }
0x424: {  	[sflag:s0] =	ssyncadd.tile.s32 @!p0 $0x1;
	_ =	shalt  }
.Lfunc_end2:
_tile_overlayer_lowered:
.L_overlay_start_2:
0x425: {  	(tag) =	ssettag $0x2  }
0x426: {  	s0 =	rddreg [dreg:$0x0];
	s2 =	stileid.u32  }
0x427: {  	s1 =	rddreg [dreg:$0x1];
	p0 =	sne.s32 s2, $0x0  }
0x428: {  	s3 =	rddreg [dreg:$0x2];
	[bflag:$0x3] =	sbarrier.arrive $0xFFFF;
	s2 =	simm.s32 @!p0 $0x1C04  }
0x429: {  	[timem:s3], [sflag:s2] =	dma.local @!p0 [hbm:s0], s1  }
0x42a: {  	s0 =	simm.s32 @!p0 $0x4  }
0x42b: {  	_ =	swait.ge @!p0 [sflag:s0], s1  }
0x42c: {  	s1 =	ssub.s32 @!p0 $0x0, s1;
	[sflag:s0] =	ssyncset.done @!p0 $0x0  }
0x42d: {  	[sflag:s0] =	ssyncadd.s32 @!p0 s1  }
0x42e: {  	[bflag:$0x3] =	sbarrier.arrive $0xFFFF  }
0x42f: {  	_ =	shalt  }

// kernel: kernel.7.cloned.1.call-start
scs
__scs_entry_jumppad:
0x0: {  	(pc) =	sbr.rel $0x88, $3  }
0x1: {  	(tag) =	ssettag $0x0;
	lr =	simm.s32 $0x1  }
0x2: {  	[smem:$0x3F9E] =	sst lr;
	_ =	strace $0xD0000000  }
0x3: {  	_ = 	snop  }
0x4: {  	_ = 	snop  }
0x5: {  	_ = 	snop  }
0x6: {  	_ = 	snop  }
0x7: {  	_ = 	snop  }
__scs_overlays_trampoline_lowered:
0x8: {  	[smem:$0x3FAD] =	sst s0  }
0x9: {  	[smem:$0x3FAE] =	sst s1  }
0xa: {  	[smem:$0x3FAF] =	sst s2  }
0xb: {  	[smem:$0x3FB0] =	sst s3  }
0xc: {  	[smem:$0x3FB1] =	sst s4  }
0xd: {  	[smem:$0x3FB2] =	sst s5  }
0xe: {  	[smem:$0x3FB3] =	sst s6  }
0xf: {  	[smem:$0x3FB4] =	sst s7  }
0x10: {  	[smem:$0x3FB5] =	sst s8  }
0x11: {  	[smem:$0x3FB6] =	sst s9;
	s0 =	simm.s32 @!p0 $0x0  }
0x12: {  	s1 =	sld [smem:$0x3F9C];
	s0 =	simm.s32 @p0 $0x1  }
0x13: {  	[smem:$0x3FB7] =	sst s0;
	s0 =	simm.s32 @!p1 $0x0  }
0x14: {  	s2 =	sld [smem:$0x3F9B];
	s0 =	simm.s32 @p1 $0x1  }
0x15: {  	[smem:$0x3FB8] =	sst s0;
	s0 =	simm.s32 @!p2 $0x0  }
0x16: {  	s3 =	sld [smem:$0x3FDB];
	s0 =	simm.s32 @p2 $0x1  }
0x17: {  	s4 =	simm.s32 $0x1BF5;
	[smem:$0x3FBA] =	sst s0  }
0x18: {  	s0 =	sld [smem:$0x3F9D];
	_ =	swait.ge [sflag:s4], $0x0  }
0x19: {  	s7 =	sld [smem:$0x3F9E]  }
0x1a: {  	s8 =	sadd.s32 $0xFFFFE003, lr  }
0x1b: {  	s9 =	sadd.s32 $0xFFFFFEF7, lr;
	s5 =	simm.s32 $0xFFFFFFFF;
	p2 =	slt.u32 s8, $0xFFFFF086  }
0x1c: {  	p1 =	slt.u32 s9, $0xF7A;
	s5 =	simm.s32 @!p2 $0x0  }
0x1d: {  	s5 =	simm.s32 @p1 $0x1;
	p0 =	seq.s32 s7, s2  }
0x1e: {  	s7 =	smul.u32 @!p0 $0xF7A, s2;
	p2 =	seq.s32 @!p0 s5, $0x0  }
0x1f: {  	s9 =	smul.u32 $0xF7A, s1;
	s8 =	simm.s32 @!p0 $0x1BF5;
	p2 =	por !p2, p0  }
0x20: {  	[sflag:s8] =	ssyncset.s32 @!p0 $0xFFFFF086;
	s6 =	sadd.s32 @!p0 s3, s7;
	s7 =	simm.s32 @!p0 $0x108  }
0x21: {  	s3 =	sadd.s32 s3, s9;
	s6 =	sadd.s32 @!p0 $0x88, s6;
	s7 =	simm.s32 @p2 $0x1082  }
0x22: {  	[simem:s7], [sflag:s8] =	dma.local @!p0 [hbm:s6], $0xF7A  }
0x23: {  	s9 =	sor.u32 $0xD0000000, s2;
	s6 =	simm.s32 $0x108;
	_ =	swait.ge @!p0 [sflag:s8], $0x0  }
0x24: {  	s3 =	sadd.s32 $0x88, s3;
	s6 =	simm.s32 @!p1 $0x1082;
	[sflag:s4] =	ssyncset.s32 $0xFFFFF086  }
0x25: {  	[simem:s6], [sflag:s4] =	dma.local [hbm:s3], $0xF7A  }
0x26: {  	[smem:$0x3F9E] =	sst s1;
	(tag) =	ssettag s2;
	_ =	strace s9  }
0x27: {  	s1 =	sld [smem:$0x3FAE]  }
0x28: {  	s2 =	sld [smem:$0x3FAF]  }
0x29: {  	s4 =	sld [smem:$0x3FB1]  }
0x2a: {  	p0 =	seq.s32 s5, $0x0;
	s5 =	sld [smem:$0x3FB2]  }
0x2b: {  	s6 =	sld [smem:$0x3FB3]  }
0x2c: {  	s7 =	sld [smem:$0x3FB4]  }
0x2d: {  	s3 =	simm.s32 $0x108;
	s8 =	sld [smem:$0x3FB5]  }
0x2e: {  	s3 =	simm.s32 @!p0 $0x1082;
	s9 =	sld [smem:$0x3FB6]  }
0x2f: {  	lr =	sadd.s32 s0, s3;
	s0 =	sld [smem:$0x3FAD]  }
0x30: {  	s3 =	sld [smem:$0x3FB0]  }
0x31: {  	[smem:$0x3FB9] =	sst s10  }
0x32: {  	s10 =	sld [smem:$0x3FB7];
	_ =	sdelay $0x3  }
0x33: {  	p0 =	seq.s32 s10, $0x1;
	s10 =	sld [smem:$0x3FB9];
	_ =	sdelay $0x3  }
0x34: {  	[smem:$0x3FB9] =	sst s10  }
0x35: {  	s10 =	sld [smem:$0x3FB8];
	_ =	sdelay $0x3  }
0x36: {  	p1 =	seq.s32 s10, $0x1;
	s10 =	sld [smem:$0x3FB9];
	_ =	sdelay $0x3  }
0x37: {  	[smem:$0x3FB9] =	sst s10  }
0x38: {  	s10 =	sld [smem:$0x3FBA]  }
0x39: {  	_ = 	snop;
	(pc) =	sbr.ind lr, $3  }
0x3a: {  	_ = 	snop  }
0x3b: {  	_ = 	snop  }
0x3c: {  	p2 =	seq.s32 s10, $0x1;
	s10 =	sld [smem:$0x3FB9]  }
0x3d: {  	_ =	shalt  }
0x3e: {  	_ =	shalt  }
0x3f: {  	_ =	shalt  }
0x40: {  	_ =	shalt  }
0x41: {  	_ =	shalt  }
0x42: {  	_ =	shalt  }
0x43: {  	_ =	shalt  }
0x44: {  	_ =	shalt  }
0x45: {  	_ =	shalt  }
0x46: {  	_ =	shalt  }
0x47: {  	_ =	shalt  }
0x48: {  	_ =	shalt  }
0x49: {  	_ =	shalt  }
0x4a: {  	_ =	shalt  }
0x4b: {  	_ =	shalt  }
0x4c: {  	_ =	shalt  }
0x4d: {  	_ =	shalt  }
0x4e: {  	_ =	shalt  }
0x4f: {  	_ =	shalt  }
0x50: {  	_ =	shalt  }
0x51: {  	_ =	shalt  }
0x52: {  	_ =	shalt  }
0x53: {  	_ =	shalt  }
0x54: {  	_ =	shalt  }
0x55: {  	_ =	shalt  }
0x56: {  	_ =	shalt  }
0x57: {  	_ =	shalt  }
0x58: {  	_ =	shalt  }
0x59: {  	_ =	shalt  }
0x5a: {  	_ =	shalt  }
0x5b: {  	_ =	shalt  }
0x5c: {  	_ =	shalt  }
0x5d: {  	_ =	shalt  }
0x5e: {  	_ =	shalt  }
0x5f: {  	_ =	shalt  }
0x60: {  	_ =	shalt  }
0x61: {  	_ =	shalt  }
0x62: {  	_ =	shalt  }
0x63: {  	_ =	shalt  }
0x64: {  	_ =	shalt  }
0x65: {  	_ =	shalt  }
0x66: {  	_ =	shalt  }
0x67: {  	_ =	shalt  }
0x68: {  	_ =	shalt  }
0x69: {  	_ =	shalt  }
0x6a: {  	_ =	shalt  }
0x6b: {  	_ =	shalt  }
0x6c: {  	_ =	shalt  }
0x6d: {  	_ =	shalt  }
0x6e: {  	_ =	shalt  }
0x6f: {  	_ =	shalt  }
0x70: {  	_ =	shalt  }
0x71: {  	_ =	shalt  }
0x72: {  	_ =	shalt  }
0x73: {  	_ =	shalt  }
0x74: {  	_ =	shalt  }
0x75: {  	_ =	shalt  }
0x76: {  	_ =	shalt  }
0x77: {  	_ =	shalt  }
0x78: {  	_ =	shalt  }
0x79: {  	_ =	shalt  }
0x7a: {  	_ =	shalt  }
0x7b: {  	_ =	shalt  }
0x7c: {  	_ =	shalt  }
0x7d: {  	_ =	shalt  }
0x7e: {  	_ =	shalt  }
0x7f: {  	_ =	shalt  }
0x80: {  	_ =	shalt  }
0x81: {  	_ =	shalt  }
0x82: {  	_ =	shalt  }
0x83: {  	_ =	shalt  }
0x84: {  	_ =	shalt  }
0x85: {  	_ =	shalt  }
0x86: {  	_ =	shalt  }
0x87: {  	_ =	shalt  }
.Lfunc_end0:
.L_simem_size_0:
called_computation.1_lowered:
.L_overlay_start_0:
0x88: {  	s2 =	sld [smem:$0x3FD9]  }
0x89: {  	s3 =	sld [smem:$0x3FFE];
	_ =	sdelay $0x1  }
0x8a: {  	s1 =	srdreg.scid  }
0x8b: {  	s0 =	sand.u32 $0x1, s1  }
0x8c: {  	s17 =	sshll.u32 s0, $0xA;
	s2 =	sadd.s32 s3, s2  }
0x8d: {  	s2 =	sadd.s32 s2, s17  }
0x8e: {  	[smem:$0x3FC5] =	sst s2  }
0x8f: {  	_ = 	snop  }
0x90: {  	s2 =	sld [smem:$0x3FD0];
	(tm) =	ssettm $0x1  }
0x91: {  	s18 =	sld [smem:$0x3FFB];
	_ =	sdelay $0x3  }
0x92: {  	_ =	strace s18  }
0x93: {  	s3 =	sld [smem:$0x3FFC];
	_ =	sdelay $0x3  }
0x94: {  	_ =	strace s3  }
0x95: {  	s3 =	sld [smem:$0x3FFD];
	_ =	sdelay $0x3  }
0x96: {  	_ =	strace s3  }
0x97: {  	_ =	strace $0x8FFFFFFF  }
0x98: {  	s19 =	sld [smem:$0x3FDB];
	_ =	sdelay $0x1  }
0x99: {  	s4 =	simm.s32 $_scs_section_size  }
0x9a: {  	s5 =	simm.s32 $_size__tile_overlayer_lowered;
	s6 =	simm.s32 $_tile_overlayer_lowered  }
0x9b: {  	s22 =	simm.s32 $0x1BFF;
	s21 =	sshll.u32 s6, $0x1;
	s3 =	sadd.s32 s4, s19  }
0x9c: {  	s7 =	simm.s32 $0x0;
	s20 =	sshll.u32 s5, $0x1;
	s5 =	sadd.s32 s21, s3  }
0x9d: {  	[timem:s7], [sflag:s22] =	dma.local [hbm:s5], s20  }
0x9e: {  	_ =	swait.ge [sflag:s22], s20  }
0x9f: {  	s4 =	ssub.s32 $0x0, s20;
	[sflag:s22] =	ssyncset.done $0x0  }
0xa0: {  	[sflag:s22] =	ssyncadd.s32 s4;
	_ =	sdelay $0x1  }
0xa1: {  	s23 =	simm.s32 $0x1B8B  }
0xa2: {  	_ =	swait.ge [sflag:s23], $0x1  }
0xa3: {  	[sflag:s23] =	ssyncset.done $0x0  }
0xa4: {  	s25 =	simm.s32 $0x1B8E;
	s24 =	sld [smem:$0x3FFE];
	[sflag:s23] =	ssyncadd.s32 $0xFFFFFFFF  }
0xa5: {  	s26 =	simm.s32 $execute0_lowered;
	[smem:$0x3FD2] =	sst s25  }
0xa6: {  	s5 =	sshll.u32 s26, $0x1;
	_ =	strace $0x80000049;
	[dreg:$0x1] =	wrdreg $0xFFFFFFFF  }
0xa7: {  	s28 =	simm.s32 $_size_execute0_lowered;
	s3 =	sadd.s32 s3, s5;
	[dreg:$0x0] =	wrdreg $0x0  }
0xa8: {  	s5 =	sshll.u32 s28, $0x1;
	[dreg:$0x2] =	wrdreg s3  }
0xa9: {  	[dreg:$0x3] =	wrdreg s5  }
0xaa: {  	[dreg:$0x4] =	wrdreg $0xC0  }
0xab: {  	_ =	task [dreg:s7], $0x5FFFF  }
0xac: {  	[dreg:$0x1] =	wrdreg $0xFFFFFFFF  }
0xad: {  	[dreg:$0x0] =	wrdreg $0x60  }
0xae: {  	[dreg:$0x2] =	wrdreg s24  }
0xaf: {  	[dreg:$0x3] =	wrdreg s2  }
0xb0: {  	[dreg:$0x4] =	wrdreg $0x9  }
0xb1: {  	_ =	task.clear_ibuf [dreg:s7], $0x5FFFF;
	_ =	strace $0x90000049  }
0xb2: {  	s29 =	simm.s32 $0x9;
	_ =	strace $0x8000004B  }
0xb3: {  	_ =	swait.ge [sflag:s29], $0x1  }
0xb4: {  	[sflag:s29] =	ssyncadd.s32 $0xFFFFFFFF  }
0xb5: {  	_ =	strace $0x9000004B  }
0xb6: {  	_ =	sfence  }
0xb7: {  	s30 =	sld [smem:$0x0];
	_ =	sdelay $0x2  }
0xb8: {  	s31 =	sshll.u32 s1, $0xD;
	s1 =	sshrl.u32 s1, $0x2  }
0xb9: {  	s3 =	sand.u32 $0x4000, s31;
	s1 =	sadd.s32 s1, s30  }
0xba: {  	s0 =	sor.u32 s3, s0;
	s1 =	sshll.u32 s1, $0x11  }
0xbb: {  	s0 =	sor.u32 s1, s0  }
0xbc: {  	s0 =	sadd.s32 $0x8F2B, s0  }
0xbd: {  	[sflag:s0] =	ssyncadd.remote.s32 $0x1  }
0xbe: {  	_ =	sfence.sel $0xFFFF  }
0xbf: {  	[dreg:$0x0] =	wrdreg $0xFFFFFFFF;
	(pc) =	sbr.abs _section_cstart, $3  }
0xc0: {  	[dreg:$0x1] =	wrdreg $0xFFFFFFFF  }
0xc1: {  	_ =	task.clear_ibuf [dreg:s7], $0x2FFFF;
	_ =	strace $0x9FFFFFFF  }
0xc2: {  	(tm) =	ssettm $0x7FFFFFFF  }
0xc3: {  	_ =	shalt  }
tec
execute0_lowered:
.L_overlay_start_1:
0x0: {  	(tag) =	ssettag $0x1  }
0x1: {  	s4 =	rddreg [dreg:$0x0]  }
0x2: {  	s5 =	rddreg [dreg:$0x1]  }
0x3: {  	s0 =	rddreg [dreg:$0x2];
	s2 =	simm.s32 $0x0;
	s3 =	srdreg.scid  }
0x4: {  	s1 =	stileid.u32;
	s9 =	simm.s32 $0x1;
	s10 =	simm.s32 $0x8000  }
0x5: {  	s11 =	simm.s32 $0x2;
	s12 =	simm.s32 $0x0;
	s3 =	sand.u32 $0x1, s3  }
0x6: {  	vm0 =	vmmov $0x1;
	vm1 =	vmmov $0x3;
	vm2 =	vmmov $0x7;
	[smem:$0x7FF] =	sst s2;
	s7 =	sshll.u32 s1, $0xA;
	s6 =	ssub.s32 $0x2, s3  }
0x7: {  	vm3 =	vmmov $0xf;
	vm4 =	vmmov $0x1f;
	vm5 =	vmmov $0x3f;
	s3 =	sshll.u32 s3, $0x9;
	_ =	strace $0x8000004A;
	s8 =	sshrl.u32 s6, $0x1  }
0x8: {  	vm6 =	vmmov $0x7f;
	vm7 =	vmmov $0xff;
	vm8 =	vmmov $0x1ff;
	s7 =	sor.u32 s3, s7;
	s3 =	sadd.s32 $0x800, s4;
	s4 =	sadd.s32 $0x40800, s4  }
0x9: {  	vm9 =	vmmov $0x3ff;
	vm10 =	vmmov $0x7ff;
	vm11 =	vmmov $0xfff;
	s6 =	ssub.s32 s6, s8;
	s31 =	sshrl.u32 s7, $0x3;
	s7 =	sshll.u32 s7, $0x4  }
0xa: {  	vm12 =	vmmov $0x1fff;
	vm13 =	vmmov $0x3fff;
	vm14 =	vmmov $0x7fff;
	s8 =	simm.s32 $0x4000;
	s5 =	sadd.s32 s5, s31;
	s6 =	smax.u32 s6, $0x1  }
.LBB2_1:
0xb: {  	s13 =	simm.s32 $0x8000;
	s14 =	simm.s32 $0x0  }
.LBB2_2:
0xc: {  	s15 =	sshll.u32 s14, $0xB  }
0xd: {  	s15 =	sor.u32 s7, s15  }
0xe: {  	s17 =	simm.s32 $0x0;
	s16 =	sadd.s32 s3, s15  }
0xf: {  	[tilespmem:s17], [sflag:$0x1] =	stream.linear.gather [hbm4b:s16+s17], $0x4000, $0x38;
	[tilespmem:$0x8200] =	vst v63  }
0x10: {  	s15 =	sadd.s32 s15, s4  }
0x11: {  	[tilespmem:s8], [sflag:$0x1] =	stream.linear.gather [hbm4b:s15+s17], $0x4000, $0x38;
	[tilespmem:$0x8200] =	vst v63  }
0x12: {  	_ =	swait.ge [sflag:s9], $0x4000  }
0x13: {  	[sflag:s9] =	ssyncset.done $0x0  }
0x14: {  	[sflag:s9] =	ssyncadd.s32 $0xFFFFC000  }
0x15: {  	_ =	swait.ge [sflag:s9], $0x4000  }
0x16: {  	[sflag:s9] =	ssyncset.done $0x0  }
0x17: {  	s31 =	simm.s32 $0x0;
	[sflag:s9] =	ssyncadd.s32 $0xFFFFC000  }
0x18: {  	v20 =	vld [tilespmem:s31+$0x730]  }
0x19: {  	v21 =	vld [tilespmem:s31+$0x4730]  }
0x1a: {  	v0 =	vld [tilespmem:s31+$0x780]  }
0x1b: {  	v51 =	vld [tilespmem:s31+$0x4780]  }
0x1c: {  	v52 =	vld [tilespmem:s31+$0x790]  }
0x1d: {  	v53 =	vld [tilespmem:s31+$0x4790]  }
0x1e: {  	v22 =	vld [tilespmem:s31+$0x720]  }
0x1f: {  	v23 =	vld [tilespmem:s31+$0x4720]  }
0x20: {  	v24 =	vld [tilespmem:s31+$0x630]  }
0x21: {  	v25 =	vld [tilespmem:s31+$0x4630]  }
0x22: {  	v54 =	vld [tilespmem:s31+$0x6A0]  }
0x23: {  	v26 =	vld [tilespmem:s31+$0x700]  }
0x24: {  	v27 =	vld [tilespmem:s31+$0x4700]  }
0x25: {  	v28 =	vld [tilespmem:s31+$0x710]  }
0x26: {  	v29 =	vld [tilespmem:s31+$0x4710]  }
0x27: {  	v55 =	vld [tilespmem:s31+$0x5B0]  }
0x28: {  	v56 =	vld [tilespmem:s31+$0x45B0]  }
0x29: {  	v32 =	vld [tilespmem:s31+$0x620]  }
0x2a: {  	v33 =	vld [tilespmem:s31+$0x4620]  }
0x2b: {  	v57 =	vld [tilespmem:s31+$0x680]  }
0x2c: {  	v58 =	vld [tilespmem:s31+$0x4680]  }
0x2d: {  	v59 =	vld [tilespmem:s31+$0x690]  }
0x2e: {  	v60 =	vld [tilespmem:s31+$0x4690]  }
0x2f: {  	v34 =	vld [tilespmem:s31+$0x5A0]  }
0x30: {  	v35 =	vld [tilespmem:s31+$0x45A0]  }
0x31: {  	v36 =	vld [tilespmem:s31+$0x600]  }
0x32: {  	v37 =	vld [tilespmem:s31+$0x4600]  }
0x33: {  	v38 =	vld [tilespmem:s31+$0x610]  }
0x34: {  	v39 =	vld [tilespmem:s31+$0x4610]  }
0x35: {  	v40 =	vld [tilespmem:s31+$0x4B0]  }
0x36: {  	v41 =	vld [tilespmem:s31+$0x44B0]  }
0x37: {  	v61 =	vld [tilespmem:s31+$0x520]  }
0x38: {  	v42 =	vld [tilespmem:s31+$0x580]  }
0x39: {  	v43 =	vld [tilespmem:s31+$0x4580]  }
0x3a: {  	v44 =	vld [tilespmem:s31+$0x590]  }
0x3b: {  	v45 =	vld [tilespmem:s31+$0x4590]  }
0x3c: {  	v46 =	vld [tilespmem:s31+$0x430]  }
0x3d: {  	v47 =	vld [tilespmem:s31+$0x4430]  }
0x3e: {  	v48 =	vld [tilespmem:s31+$0x4A0]  }
0x3f: {  	v49 =	vld [tilespmem:s31+$0x44A0]  }
0x40: {  	v62 =	vld [tilespmem:s31+$0x500]  }
0x41: {  	v63 =	vld [tilespmem:s31+$0x4500]  }
0x42: {  	v4 =	vld [tilespmem:s31+$0x510]  }
0x43: {  	v5 =	vld [tilespmem:s31+$0x4510]  }
0x44: {  	v50 =	vld [tilespmem:s31+$0x420]  }
0x45: {  	v6 =	vld [tilespmem:s31+$0x3A0]  }
0x46: {  	v13 =	vld [tilespmem:s31+$0x320]  }
0x47: {  	v10 =	vld [tilespmem:s31+$0x4320]  }
0x48: {  	v7 =	vld [tilespmem:s31+$0x380]  }
0x49: {  	v8 =	vld [tilespmem:s31+$0x4380]  }
0x4a: {  	v9 =	vld [tilespmem:s31+$0x390]  }
0x4b: {  	v11 =	vld [tilespmem:s31+$0x4390]  }
0x4c: {  	v15 =	vld [tilespmem:s31+$0x2A0]  }
0x4d: {  	v14 =	vld [tilespmem:s31+$0x42A0]  }
0x4e: {  	v3 =	vld [tilespmem:s31+$0x300]  }
0x4f: {  	v2 =	vld [tilespmem:s31+$0x4300]  }
0x50: {  	v1 =	vld [tilespmem:s31+$0x310]  }
0x51: {  	v17 =	vld [tilespmem:s31+$0x1B0]  }
0x52: {  	v16 =	vld [tilespmem:s31+$0x41B0]  }
0x53: {  	v31 =	vld [tilespmem:s31+$0x130]  }
0x54: {  	v30 =	vld [tilespmem:s31+$0x4130]  }
0x55: {  	v19 =	vld [tilespmem:s31+$0x30]  }
0x56: {  	v18 =	vld [tilespmem:s31+$0x4030]  }
0x57: {  	v12 =	vld [tilespmem:s31+$0x120]  }
0x58: {  	[tilespmem:$0x1FE70] =	vst v51;
	v51 =	vld [tilespmem:s31+$0x4420]  }
0x59: {  	[tilespmem:$0x1FE80] =	vst v52;
	v52 =	vld [tilespmem:s31+$0x480]  }
0x5a: {  	[tilespmem:$0x1FE90] =	vst v53;
	v53 =	vld [tilespmem:s31+$0x4480]  }
0x5b: {  	[tilespmem:$0x1FE50] =	vst v54;
	v54 =	vld [tilespmem:s31+$0x490]  }
0x5c: {  	[tilespmem:$0x1FD00] =	vst v55;
	v55 =	vld [tilespmem:s31+$0x4490]  }
0x5d: {  	[tilespmem:$0x1FD10] =	vst v56;
	v56 =	vld [tilespmem:s31+$0x330]  }
0x5e: {  	[tilespmem:$0x1FE10] =	vst v57;
	v57 =	vld [tilespmem:s31+$0x4330]  }
0x5f: {  	[tilespmem:$0x1FE20] =	vst v58;
	v58 =	vld [tilespmem:s31+$0x400]  }
0x60: {  	[tilespmem:$0x1FE30] =	vst v59;
	v59 =	vld [tilespmem:s31+$0x4400]  }
0x61: {  	[tilespmem:$0x1FE40] =	vst v60;
	v60 =	vld [tilespmem:s31+$0x410]  }
0x62: {  	[tilespmem:$0x1FE00] =	vst v61;
	v61 =	vld [tilespmem:s31+$0x4410]  }
0x63: {  	[tilespmem:$0x1FDC0] =	vst v62;
	v62 =	vld [tilespmem:s31+$0x2B0]  }
0x64: {  	[tilespmem:$0x1FDD0] =	vst v63;
	v63 =	vld [tilespmem:s31+$0x42B0]  }
0x65: {  	[tilespmem:$0x1FE60] =	vst v0;
	v0 =	vld [tilespmem:s31+$0x4310]  }
0x66: {  	[tilespmem:$0x1FDE0] =	vst v4;
	v4 =	vld [tilespmem:s31+$0x220]  }
0x67: {  	[tilespmem:$0x1FD70] =	vst v7;
	v7 =	vld [tilespmem:s31+$0x280]  }
0x68: {  	[tilespmem:$0x1FDB0] =	vst v6;
	v6 =	vld [tilespmem:s31+$0x4280]  }
0x69: {  	[tilespmem:$0x1FDF0] =	vst v5;
	v5 =	vld [tilespmem:s31+$0x290]  }
0x6a: {  	[tilespmem:$0x1FD90] =	vst v9;
	v9 =	vld [tilespmem:s31+$0x1A0]  }
0x6b: {  	[tilespmem:$0x1FD80] =	vst v8;
	v8 =	vld [tilespmem:s31+$0x41A0]  }
0x6c: {  	[tilespmem:$0x1FDA0] =	vst v11;
	v11 =	vld [tilespmem:s31+$0x200]  }
0x6d: {  	v26 =	vmul.f32 v27, v26;
	v27 =	vmul.f32 v29, v28;
	v28 =	vld [tilespmem:s31+$0x180]  }
0x6e: {  	v29 =	vmul.f32 v37, v36;
	v37 =	vld [tilespmem:s31+$0x4180]  }
0x6f: {  	v22 =	vmul.f32 v23, v22;
	v23 =	vld [tilespmem:s31+$0x190]  }
0x70: {  	v24 =	vmul.f32 v25, v24;
	v25 =	vld [tilespmem:s31+$0x4020]  }
0x71: {  	v36 =	vmul.f32 v39, v38;
	v39 =	vld [tilespmem:$0x1FD70]  }
0x72: {  	v20 =	vmul.f32 v21, v20;
	v40 =	vmul.f32 v41, v40;
	v41 =	vld [tilespmem:$0x1FD90]  }
0x73: {  	v26 =	vadd.f32 v27, v26;
	v21 =	vadd.f32 v36, v29;
	v27 =	vmul.f32 v33, v32;
	v29 =	vld [tilespmem:s31+$0x4190]  }
0x74: {  	v33 =	vld [tilespmem:s31+$0x20]  }
0x75: {  	v21 =	vadd.f32 v27, v21;
	v27 =	vld [tilespmem:s31+$0x100]  }
0x76: {  	[tilespmem:$0x1FD60] =	vst v4;
	v4 =	vld [tilespmem:s31+$0x4290]  }
0x77: {  	[tilespmem:$0x1FD20] =	vst v11;
	v11 =	vld [tilespmem:s31+$0x4200]  }
0x78: {  	v22 =	vadd.f32 v22, v26;
	v26 =	vmul.f32 v43, v42;
	v43 =	vmul.f32 v53, v52;
	v52 =	vld [tilespmem:s31+$0x110]  }
0x79: {  	v53 =	vld [tilespmem:$0x1FD00]  }
0x7a: {  	v42 =	vmul.f32 v45, v44;
	v44 =	vmul.f32 v55, v54;
	v54 =	vld [tilespmem:$0x1FD10]  }
0x7b: {  	v45 =	vmul.f32 v61, v60;
	v60 =	vld [tilespmem:s31+$0x4000]  }
0x7c: {  	v61 =	vld [tilespmem:s31+$0x0]  }
0x7d: {  	v55 =	vmul.f32 v49, v48;
	v48 =	vmul.f32 v14, v15;
	v14 =	vld [tilespmem:s31+$0x90]  }
0x7e: {  	v49 =	vld [tilespmem:s31+$0x4090]  }
0x7f: {  	v21 =	vadd.f32 v24, v21;
	v24 =	vld [tilespmem:s31+$0x4100]  }
0x80: {  	v20 =	vadd.f32 v20, v22;
	v22 =	vadd.f32 v42, v26;
	v42 =	vld [tilespmem:s31+$0x10]  }
0x81: {  	v15 =	vmul.f32 v63, v62;
	v62 =	vld [tilespmem:$0x1FD20]  }
0x82: {  	v26 =	vmul.f32 v35, v34;
	v35 =	vld [tilespmem:s31+$0x3B0]  }
0x83: {  	v36 =	vld [tilespmem:$0x1FD60]  }
0x84: {  	v32 =	vadd.f32 v44, v43;
	v43 =	vmul.f32 v10, v13;
	v44 =	vld [tilespmem:s31+$0x4010]  }
0x85: {  	v13 =	vmul.f32 v29, v23;
	v23 =	vmul.f32 v57, v56;
	v56 =	vld [tilespmem:s31+$0x4220]  }
0x86: {  	[tilespmem:$0x1FD30] =	vst v11;
	v11 =	vld [tilespmem:s31+$0x210]  }
0x87: {  	v22 =	vadd.f32 v26, v22;
	v26 =	vmul.f32 v59, v58;
	v58 =	vld [tilespmem:s31+$0x4110]  }
0x88: {  	v59 =	vmul.f32 v51, v50;
	v51 =	vmul.f32 v16, v17;
	v16 =	vld [tilespmem:s31+$0x40A0]  }
0x89: {  	v32 =	vadd.f32 v55, v32;
	v55 =	vmul.f32 v49, v14;
	v14 =	vld [tilespmem:s31+$0x4230]  }
0x8a: {  	v38 =	vmul.f32 v54, v53;
	v26 =	vadd.f32 v45, v26;
	v50 =	vmul.f32 v24, v27;
	v24 =	vld [tilespmem:s31+$0xA0]  }
0x8b: {  	v6 =	vmul.f32 v6, v7;
	v4 =	vmul.f32 v4, v5;
	v32 =	vadd.f32 v40, v32;
	[tilespmem:$0x1FD40] =	vst v11;
	v11 =	vld [tilespmem:s31+$0x4210]  }
0x8c: {  	(xrf2) =	vadd.scan.msk.f32 $0xffff, v20;
	v40 =	vld [tilespmem:$0x1FD80];
	v38 =	vadd.f32 v38, v22;
	v22 =	vadd.f32 v59, v26;
	v26 =	vmul.f32 v47, v46  }
0x8d: {  	(xrf2) =	vadd.scan.msk.f32 $0xffff, v21;
	v46 =	vld [tilespmem:s31+$0x80];
	v4 =	vadd.f32 v4, v6  }
0x8e: {  	v2 =	vmul.f32 v2, v3;
	v0 =	vmul.f32 v0, v1;
	v45 =	vadd.f32 v26, v22;
	v22 =	vld [tilespmem:s31+$0x4080];
	(xrf2) =	vadd.scan.msk.f32 $0xffff, v38  }
0x8f: {  	v4 =	vadd.f32 v48, v4;
	(xrf2) =	vadd.scan.msk.f32 $0xffff, v32;
	v32 =	vld [tilespmem:$0x1FD40]  }
0x90: {  	v0 =	vadd.f32 v0, v2;
	[tilespmem:$0x1FD50] =	vst v11;
	v11 =	vld [tilespmem:s31+$0x4120]  }
0x91: {  	v47 =	vmul.f32 v37, v28;
	v4 =	vadd.f32 v15, v4;
	v15 =	vld [tilespmem:$0x1FD50]  }
0x92: {  	v0 =	vadd.f32 v43, v0;
	v37 =	vld [tilespmem:s31+$0x43B0]  }
0x93: {  	v10 =	vmul.f32 v44, v42;
	v42 =	vld [tilespmem:$0x1FDA0];
	v2 =	vadd.f32 v13, v47;
	v13 =	vmul.f32 v58, v52  }
0x94: {  	v1 =	vmul.f32 v60, v61;
	v0 =	vadd.f32 v23, v0;
	v47 =	vld [tilespmem:$0x1FDB0]  }
0x95: {  	v6 =	vadd.f32 v13, v50;
	v13 =	vld [tilespmem:s31+$0x230];
	v54 =	vmul.f32 v22, v46;
	v11 =	vmul.f32 v11, v12  }
0x96: {  	v1 =	vadd.f32 v10, v1;
	v58 =	vmul.f32 v25, v33;
	v10 =	vmul.f32 v15, v32;
	v15 =	vld [tilespmem:s31+$0x43A0]  }
0x97: {  	v52 =	vld [tilespmem:s31+$0x40B0];
	(xrf2) =	vadd.scan.msk.f32 $0xffff, v45;
	v60 =	vmul.f32 v16, v24;
	v53 =	vadd.f32 v11, v6;
	v6 =	vadd.f32 v55, v54  }
0x98: {  	v61 =	vadd.f32 v58, v1;
	(xrf2) =	vadd.scan.msk.f32 $0xffff, v0;
	v12 =	vld [tilespmem:s31+$0xB0]  }
0x99: {  	v58 =	vld [tilespmem:$0x1FE10];
	(xrf2) =	vadd.scan.msk.f32 $0xffff, v4;
	v4 =	vmul.f32 v40, v39;
	v33 =	vadd.f32 v60, v6;
	v6 =	vmul.f32 v42, v41  }
0x9a: {  	v45 =	vmul.f32 v14, v13;
	v14 =	vld [tilespmem:$0x1FE20]  }
0x9b: {  	v17 =	vld [tilespmem:$0x1FE70];
	v4 =	vadd.f32 v6, v4;
	v6 =	vmul.f32 v15, v47  }
0x9c: {  	v63 =	vld [tilespmem:$0x1FD30]  }
0x9d: {  	v5 =	vmul.f32 v37, v35;
	v34 =	vmul.f32 v52, v12;
	v52 =	vld [tilespmem:$0x1FDE0];
	v4 =	vadd.f32 v6, v4  }
0x9e: {  	v15 =	vld [tilespmem:$0x1FE40]  }
0x9f: {  	v4 =	vadd.f32 v5, v4;
	v5 =	vmul.f32 v14, v58;
	v14 =	vld [tilespmem:$0x1FE30]  }
0xa0: {  	v8 =	vmul.f32 v8, v9;
	v12 =	vld [tilespmem:$0x1FDF0]  }
0xa1: {  	v43 =	vld [tilespmem:s31+$0x4520]  }
0xa2: {  	v48 =	vld [tilespmem:s31+$0x4530];
	v2 =	vadd.f32 v8, v2  }
0xa3: {  	v57 =	vmul.f32 v30, v31;
	v50 =	vld [tilespmem:$0x1FDC0]  }
0xa4: {  	v59 =	vmul.f32 v18, v19;
	v2 =	vadd.f32 v51, v2;
	v51 =	vld [tilespmem:$0x1FDD0];
	v14 =	vmul.f32 v15, v14  }
0xa5: {  	v1 =	vmul.f32 v63, v62;
	v11 =	vmul.f32 v12, v52;
	v12 =	vld [tilespmem:s31+$0x46A0]  }
0xa6: {  	v3 =	vadd.f32 v57, v53;
	v5 =	vadd.f32 v14, v5;
	v14 =	vld [tilespmem:$0x1FE50]  }
0xa7: {  	v0 =	vadd.f32 v59, v61;
	(xrf2) =	vadd.scan.msk.f32 $0xffff, v2;
	v2 =	vmul.f32 v56, v36;
	v55 =	vld [tilespmem:$0x1FE00];
	v1 =	vadd.f32 v10, v1  }
0xa8: {  	v62 =	vld [tilespmem:$0x1FE60];
	(xrf2) =	vadd.scan.msk.f32 $0xffff, v3;
	v38 =	vadd.f32 v34, v33  }
0xa9: {  	v46 =	vld [tilespmem:s31+$0x530];
	v44 =	vadd.f32 v2, v1;
	(xrf2) =	vadd.scan.msk.f32 $0xffff, v0  }
0xaa: {  	v63 =	vld [tilespmem:$0x1FE80];
	v9, _, _ =	vpop (xrf2);
	v1 =	vmul.f32 v51, v50;
	(xrf2) =	vadd.scan.msk.f32 $0xffff, v38  }
0xab: {  	v49, _, _ =	vpop (xrf2);
	v56 =	vld [tilespmem:s31+$0x46B0];
	v0 =	vadd.f32 v45, v44;
	v12 =	vmul.f32 v12, v14  }
0xac: {  	v13, _, _ =	vpop (xrf2);
	v53 =	vld [tilespmem:s31+$0x6B0];
	v8 =	vmul.f32 v43, v55;
	v1 =	vadd.f32 v11, v1  }
0xad: {  	v54, _, _ =	vpop (xrf2);
	(xrf2) =	vadd.scan.msk.f32 $0xffff, v0;
	v5 =	vadd.f32 v12, v5;
	v12 =	vld [tilespmem:$0x1FE90]  }
0xae: {  	v59 =	vld [tilespmem:s31+$0x47A0];
	v57, _, _ =	vpop (xrf2);
	v2 =	vmul.f32 v48, v46;
	v1 =	vadd.f32 v8, v1  }
0xaf: {  	v16, _, _ =	vpop (xrf2);
	v15 =	vld [tilespmem:s31+$0x7A0]  }
0xb0: {  	v60, _, _ =	vpop (xrf2);
	(xrf2) =	vadd.scan.msk.f32 $0xffff, v4;
	v1 =	vadd.f32 v2, v1;
	v2 =	vmul.f32 v17, v62;
	v17 =	vld [tilespmem:s31+$0x47B0]  }
0xb1: {  	v61, _, _ =	vpop (xrf2);
	v14 =	vld [tilespmem:s31+$0x7B0]  }
0xb2: {  	v6 =	vmul.f32 v56, v53;
	v18, _, _ =	vpop (xrf2);
	v11 =	vmul.f32 v12, v63  }
0xb3: {  	(xrf2) =	vadd.scan.msk.f32 $0xffff, v1;
	v12, _, _ =	vpop (xrf2)  }
0xb4: {  	v33 =	vmul.f32 v59, v15;
	v32 =	vadd.f32 v6, v5;
	v34, _, _ =	vpop (xrf2);
	v2 =	vadd.f32 v11, v2  }
0xb5: {  	v35 =	vbroadcast v12, $0xF;
	v6 =	vbroadcast v34, $0xF  }
0xb6: {  	v36 =	vbroadcast v18, $0xF;
	v37 =	vmul.f32 v17, v14;
	(xrf2) =	vadd.scan.msk.f32 $0xffff, v32;
	v2 =	vadd.f32 v33, v2  }
0xb7: {  	v4 =	vbroadcast v61, $0xF;
	v39, _, _ =	vpop (xrf2);
	v38 =	vsel vm0, v35, v6  }
0xb8: {  	v6 =	vbroadcast v39, $0xF;
	v1 =	vsel vm1, v38, v36;
	v2 =	vadd.f32 v37, v2  }
0xb9: {  	v40 =	vbroadcast v60, $0xF;
	v1 =	vsel vm2, v1, v4  }
0xba: {  	v41 =	vbroadcast v16, $0xF;
	v42, _, _ =	vpop (xrf2);
	v1 =	vsel vm3, v1, v6;
	(xrf2) =	vadd.scan.msk.f32 $0xffff, v2  }
0xbb: {  	v43 =	vbroadcast v42, $0xF;
	v1 =	vsel vm4, v1, v40  }
0xbc: {  	v0 =	vbroadcast v57, $0xF;
	v1 =	vsel vm5, v1, v41  }
0xbd: {  	v44 =	vbroadcast v54, $0xF;
	v45, _, _ =	vpop (xrf2);
	v1 =	vsel vm6, v1, v43  }
0xbe: {  	v46 =	vbroadcast v45, $0xF;
	v0 =	vsel vm7, v1, v0  }
0xbf: {  	v47 =	vbroadcast v13, $0xF;
	v0 =	vsel vm8, v0, v44  }
0xc0: {  	v48 =	vbroadcast v49, $0xF;
	v49, _, _ =	vpop (xrf2);
	v0 =	vsel vm9, v0, v46  }
0xc1: {  	v50 =	vbroadcast v49, $0xF;
	v0 =	vsel vm10, v0, v47  }
0xc2: {  	v51 =	vbroadcast v9, $0xF;
	v0 =	vsel vm11, v0, v48  }
0xc3: {  	v0 =	vsel vm12, v0, v50  }
0xc4: {  	v0 =	vsel vm13, v0, v51;
	v52, _, _ =	vpop (xrf2)  }
0xc5: {  	v0 =	vsel vm14, v0, v52  }
0xc6: {  	s15 =	simm.s32 $0x800;
	[tilespmem:s13+$0x0] =	vst v0  }
0xc7: {  	v6 =	vld [tilespmem:s15+$0x730]  }
0xc8: {  	v9 =	vld [tilespmem:s15+$0x4730]  }
0xc9: {  	v0 =	vld [tilespmem:s15+$0x780]  }
0xca: {  	v53 =	vld [tilespmem:s15+$0x4780]  }
0xcb: {  	v54 =	vld [tilespmem:s15+$0x790]  }
0xcc: {  	v55 =	vld [tilespmem:s15+$0x4790]  }
0xcd: {  	v56 =	vld [tilespmem:s15+$0x720]  }
0xce: {  	v31 =	vld [tilespmem:s15+$0x4720]  }
0xcf: {  	v11 =	vld [tilespmem:s15+$0x630]  }
0xd0: {  	v12 =	vld [tilespmem:s15+$0x4630]  }
0xd1: {  	v57 =	vld [tilespmem:s15+$0x6A0]  }
0xd2: {  	v26 =	vld [tilespmem:s15+$0x700]  }
0xd3: {  	v32 =	vld [tilespmem:s15+$0x4700]  }
0xd4: {  	v33 =	vld [tilespmem:s15+$0x710]  }
0xd5: {  	v34 =	vld [tilespmem:s15+$0x4710]  }
0xd6: {  	v14 =	vld [tilespmem:s15+$0x5B0]  }
0xd7: {  	v23 =	vld [tilespmem:s15+$0x45B0]  }
0xd8: {  	v58 =	vld [tilespmem:s15+$0x620]  }
0xd9: {  	v63 =	vld [tilespmem:s15+$0x4620]  }
0xda: {  	v59 =	vld [tilespmem:s15+$0x680]  }
0xdb: {  	v60 =	vld [tilespmem:s15+$0x4680]  }
0xdc: {  	v61 =	vld [tilespmem:s15+$0x690]  }
0xdd: {  	v62 =	vld [tilespmem:s15+$0x4690]  }
0xde: {  	v36 =	vld [tilespmem:s15+$0x5A0]  }
0xdf: {  	v35 =	vld [tilespmem:s15+$0x45A0]  }
0xe0: {  	v43 =	vld [tilespmem:s15+$0x600]  }
0xe1: {  	v44 =	vld [tilespmem:s15+$0x4600]  }
0xe2: {  	v45 =	vld [tilespmem:s15+$0x610]  }
0xe3: {  	v46 =	vld [tilespmem:s15+$0x4610]  }
0xe4: {  	v5 =	vld [tilespmem:s15+$0x4B0]  }
0xe5: {  	v7 =	vld [tilespmem:s15+$0x44B0]  }
0xe6: {  	v4 =	vld [tilespmem:s15+$0x520]  }
0xe7: {  	v49 =	vld [tilespmem:s15+$0x580]  }
0xe8: {  	v1 =	vld [tilespmem:s15+$0x4580]  }
0xe9: {  	v2 =	vld [tilespmem:s15+$0x590]  }
0xea: {  	v52 =	vld [tilespmem:s15+$0x4590]  }
0xeb: {  	v3 =	vld [tilespmem:s15+$0x430]  }
0xec: {  	v8 =	vld [tilespmem:s15+$0x500]  }
0xed: {  	v10 =	vld [tilespmem:s15+$0x4500]  }
0xee: {  	v37 =	vld [tilespmem:s15+$0x510]  }
0xef: {  	v38 =	vld [tilespmem:s15+$0x4510]  }
0xf0: {  	v50 =	vld [tilespmem:s15+$0x420]  }
0xf1: {  	v39 =	vld [tilespmem:s15+$0x4420]  }
0xf2: {  	v13 =	vld [tilespmem:s15+$0x330]  }
0xf3: {  	v20 =	vld [tilespmem:s15+$0x4330]  }
0xf4: {  	v40 =	vld [tilespmem:s15+$0x3A0]  }
0xf5: {  	v48 =	vld [tilespmem:s15+$0x4400]  }
0xf6: {  	v47 =	vld [tilespmem:s15+$0x4410]  }
0xf7: {  	v15 =	vld [tilespmem:s15+$0x380]  }
0xf8: {  	v16 =	vld [tilespmem:s15+$0x4380]  }
0xf9: {  	v17 =	vld [tilespmem:s15+$0x390]  }
0xfa: {  	v18 =	vld [tilespmem:s15+$0x4390]  }
0xfb: {  	v41 =	vld [tilespmem:s15+$0x2A0]  }
0xfc: {  	v42 =	vld [tilespmem:s15+$0x42A0]  }
0xfd: {  	v22 =	vld [tilespmem:s15+$0x4300]  }
0xfe: {  	v21 =	vld [tilespmem:s15+$0x4310]  }
0xff: {  	v29 =	vld [tilespmem:s15+$0x1B0]  }
0x100: {  	v30 =	vld [tilespmem:s15+$0x41B0]  }
0x101: {  	v19 =	vld [tilespmem:s15+$0x220]  }
0x102: {  	v27 =	vld [tilespmem:s15+$0x130]  }
0x103: {  	v28 =	vld [tilespmem:s15+$0x4130]  }
0x104: {  	v51 =	vld [tilespmem:s15+$0x1A0]  }
0x105: {  	v24 =	vld [tilespmem:s15+$0x4200]  }
0x106: {  	v25 =	vld [tilespmem:s15+$0x210]  }
0x107: {  	[tilespmem:$0x1FF30] =	vst v4;
	v4 =	vld [tilespmem:s15+$0x4430]  }
0x108: {  	[tilespmem:$0x1FFA0] =	vst v58;
	v58 =	vld [tilespmem:s15+$0x4A0]  }
0x109: {  	[tilespmem:$0x1FEE0] =	vst v57;
	v57 =	vld [tilespmem:s15+$0x44A0]  }
0x10a: {  	[tilespmem:$0x1FEF0] =	vst v59;
	v59 =	vld [tilespmem:s15+$0x480]  }
0x10b: {  	[tilespmem:$0x1FF00] =	vst v60;
	v60 =	vld [tilespmem:s15+$0x4480]  }
0x10c: {  	[tilespmem:$0x1FF10] =	vst v61;
	v61 =	vld [tilespmem:s15+$0x490]  }
0x10d: {  	[tilespmem:$0x1FF20] =	vst v62;
	v62 =	vld [tilespmem:s15+$0x4490]  }
0x10e: {  	[tilespmem:$0x1FEC0] =	vst v54;
	v54 =	vld [tilespmem:s15+$0x400]  }
0x10f: {  	[tilespmem:$0x1FEB0] =	vst v53;
	v53 =	vld [tilespmem:s15+$0x410]  }
0x110: {  	[tilespmem:$0x1FF40] =	vst v8;
	v8 =	vld [tilespmem:s15+$0x2B0]  }
0x111: {  	[tilespmem:$0x1FF50] =	vst v10;
	v10 =	vld [tilespmem:s15+$0x42B0]  }
0x112: {  	[tilespmem:$0x1FF90] =	vst v56;
	v56 =	vld [tilespmem:s15+$0x320]  }
0x113: {  	[tilespmem:$0x1FED0] =	vst v55;
	v55 =	vld [tilespmem:s15+$0x4320]  }
0x114: {  	[tilespmem:$0x1FF70] =	vst v38;
	v38 =	vld [tilespmem:s15+$0x300]  }
0x115: {  	[tilespmem:$0x1FF60] =	vst v37;
	v37 =	vld [tilespmem:s15+$0x310]  }
0x116: {  	[tilespmem:$0x1FFD0] =	vst v42;
	v42 =	vld [tilespmem:s15+$0x280]  }
0x117: {  	[tilespmem:$0x1FF80] =	vst v40;
	v40 =	vld [tilespmem:s15+$0x4280]  }
0x118: {  	[tilespmem:$0x1FFC0] =	vst v41;
	v41 =	vld [tilespmem:s15+$0x290]  }
0x119: {  	[tilespmem:$0x1FFB0] =	vst v39;
	v39 =	vld [tilespmem:s15+$0x4290]  }
0x11a: {  	[tilespmem:$0x1FFE0] =	vst v51;
	v51 =	vld [tilespmem:s15+$0x41A0]  }
0x11b: {  	v32 =	vmul.f32 v32, v26;
	v26 =	vld [tilespmem:s15+$0x4210];
	v43 =	vmul.f32 v44, v43  }
0x11c: {  	v44 =	vmul.f32 v46, v45;
	v45 =	vmul.f32 v1, v49;
	v49 =	vld [tilespmem:s15+$0x190]  }
0x11d: {  	v1 =	vld [tilespmem:s15+$0x100]  }
0x11e: {  	v33 =	vmul.f32 v34, v33;
	v34 =	vld [tilespmem:$0x1FF90]  }
0x11f: {  	v46 =	vmul.f32 v52, v2;
	v52 =	vld [tilespmem:$0x1FFA0]  }
0x120: {  	v5 =	vmul.f32 v7, v5;
	v7 =	vld [tilespmem:$0x1FFB0]  }
0x121: {  	[tilespmem:$0x1FEA0] =	vst v0;
	v0 =	vadd.f32 v33, v32;
	v32 =	vld [tilespmem:s15+$0x4030]  }
0x122: {  	v33 =	vld [tilespmem:s15+$0x120]  }
0x123: {  	v45 =	vadd.f32 v46, v45;
	v46 =	vld [tilespmem:s15+$0x180]  }
0x124: {  	v43 =	vadd.f32 v44, v43;
	v44 =	vld [tilespmem:s15+$0x4180]  }
0x125: {  	v6 =	vmul.f32 v9, v6;
	v35 =	vmul.f32 v35, v36;
	[tilespmem:$0x1FFF0] =	vst v51;
	v51 =	vld [tilespmem:s15+$0x200]  }
0x126: {  	v21 =	vmul.f32 v21, v37;
	v37 =	vld [tilespmem:s15+$0x4000];
	v34 =	vmul.f32 v31, v34  }
0x127: {  	v22 =	vmul.f32 v22, v38;
	v38 =	vld [tilespmem:s15+$0x0];
	v2 =	vmul.f32 v63, v52  }
0x128: {  	v11 =	vmul.f32 v12, v11;
	v39 =	vmul.f32 v39, v41;
	v41 =	vld [tilespmem:s15+$0x4010];
	v0 =	vadd.f32 v34, v0  }
0x129: {  	v35 =	vadd.f32 v35, v45;
	v40 =	vmul.f32 v40, v42;
	v31 =	vld [tilespmem:s15+$0x30];
	v9 =	vadd.f32 v2, v43  }
0x12a: {  	v52 =	vmul.f32 v23, v14;
	v63 =	vmul.f32 v57, v58;
	v57 =	vld [tilespmem:$0x1FFC0];
	v0 =	vadd.f32 v6, v0  }
0x12b: {  	v58 =	vld [tilespmem:$0x1FFD0];
	v36 =	vadd.f32 v11, v9  }
0x12c: {  	v40 =	vadd.f32 v39, v40;
	v39 =	vld [tilespmem:s15+$0x10];
	v45 =	vadd.f32 v52, v35;
	(xrf2) =	vadd.scan.msk.f32 $0xffff, v0  }
0x12d: {  	v60 =	vmul.f32 v60, v59;
	v62 =	vmul.f32 v62, v61;
	v34 =	vld [tilespmem:s15+$0x4120];
	(xrf2) =	vadd.scan.msk.f32 $0xffff, v36  }
0x12e: {  	v48 =	vmul.f32 v48, v54;
	v47 =	vmul.f32 v47, v53;
	v43 =	vld [tilespmem:s15+$0x4190];
	(xrf2) =	vadd.scan.msk.f32 $0xffff, v45  }
0x12f: {  	v21 =	vadd.f32 v21, v22;
	v52 =	vld [tilespmem:s15+$0x4100]  }
0x130: {  	v22 =	vmul.f32 v55, v56;
	v6 =	vadd.f32 v47, v48;
	v48 =	vld [tilespmem:s15+$0x110];
	v0 =	vadd.f32 v62, v60  }
0x131: {  	v9 =	vmul.f32 v7, v50;
	v11 =	vld [tilespmem:s15+$0x4110]  }
0x132: {  	v21 =	vadd.f32 v22, v21;
	v22 =	vmul.f32 v20, v13;
	v62 =	vld [tilespmem:$0x1FFE0];
	v0 =	vadd.f32 v63, v0  }
0x133: {  	v56 =	vmul.f32 v4, v3;
	v55 =	vadd.f32 v9, v6;
	v63 =	vld [tilespmem:$0x1FFF0]  }
0x134: {  	v35 =	vld [tilespmem:s15+$0x20];
	v59 =	vmul.f32 v58, v57;
	v22 =	vadd.f32 v22, v21;
	v0 =	vadd.f32 v5, v0  }
0x135: {  	v44 =	vmul.f32 v44, v46;
	v36 =	vld [tilespmem:s15+$0x4020];
	v43 =	vmul.f32 v43, v49;
	v42 =	vadd.f32 v56, v55  }
0x136: {  	v61 =	vmul.f32 v10, v8;
	v60 =	vadd.f32 v59, v40;
	v40 =	vld [tilespmem:s15+$0x80];
	(xrf2) =	vadd.scan.msk.f32 $0xffff, v0;
	v54, _, _ =	vpop (xrf2)  }
0x137: {  	v47 =	vmul.f32 v52, v1;
	v45 =	vadd.f32 v43, v44;
	v43 =	vld [tilespmem:s15+$0x90];
	(xrf2) =	vadd.scan.msk.f32 $0xffff, v42;
	v21, _, _ =	vpop (xrf2)  }
0x138: {  	s16 =	smov.u32 s13;
	s17 =	simm.s32 $0x4000;
	v48 =	vmul.f32 v11, v48;
	v44 =	vadd.f32 v61, v60;
	v46 =	vmul.f32 v63, v62;
	v42 =	vld [tilespmem:s15+$0x4080];
	(xrf2) =	vadd.scan.msk.f32 $0xffff, v22;
	v22, _, _ =	vpop (xrf2)  }
.LBB2_3:
0x139: {  	v49 =	vld [tilespmem:s15+$0x4090]  }
0x13a: {  	v9 =	vld [tilespmem:s15+$0x40A0]  }
0x13b: {  	v10 =	vld [tilespmem:s15+$0xB0]  }
0x13c: {  	v50 =	vld [tilespmem:s15+$0x4230]  }
0x13d: {  	v15 =	vmul.f32 v16, v15;
	v16 =	vmul.f32 v18, v17;
	v17 =	vld [tilespmem:s15+$0x4520]  }
0x13e: {  	v52 =	vld [tilespmem:$0x1FF40]  }
0x13f: {  	v1 =	vld [tilespmem:$0x1FF50]  }
0x140: {  	v53 =	vld [tilespmem:$0x1FF60]  }
0x141: {  	v55 =	vld [tilespmem:$0x1FF70]  }
0x142: {  	v12 =	vld [tilespmem:s15+$0x46A0]  }
0x143: {  	v56 =	vld [tilespmem:$0x1FF30]  }
0x144: {  	v57 =	vld [tilespmem:s15+$0x46B0]  }
0x145: {  	v58 =	vld [tilespmem:$0x1FEF0]  }
0x146: {  	v59 =	vld [tilespmem:$0x1FF00]  }
0x147: {  	v60 =	vld [tilespmem:$0x1FF10]  }
0x148: {  	v61 =	vld [tilespmem:$0x1FF20]  }
0x149: {  	v62 =	vld [tilespmem:$0x1FEE0];
	v45 =	vadd.f32 v46, v45;
	v0 =	vmul.f32 v30, v29;
	v33 =	vmul.f32 v34, v33  }
0x14a: {  	v6 =	vadd.f32 v48, v47;
	v30 =	vld [tilespmem:s15+$0xA0];
	v7 =	vmul.f32 v37, v38;
	v8 =	vmul.f32 v41, v39  }
0x14b: {  	(xrf2) =	vadd.scan.msk.f32 $0xffff, v44;
	v47 =	vld [tilespmem:s15+$0x4220];
	v15 =	vadd.f32 v16, v15;
	v27 =	vmul.f32 v28, v27;
	v11 =	vmul.f32 v36, v35  }
0x14c: {  	v44 =	vld [tilespmem:s15+$0x40B0];
	v31 =	vmul.f32 v32, v31;
	v0 =	vadd.f32 v0, v45;
	v33 =	vadd.f32 v33, v6  }
0x14d: {  	v48 =	vld [tilespmem:s15+$0x230];
	v46 =	vmul.f32 v49, v43;
	v28 =	vadd.f32 v8, v7;
	v45 =	vmul.f32 v42, v40  }
0x14e: {  	v16 =	vld [tilespmem:s15+$0x4530];
	v23 =	vmul.f32 v24, v51;
	v24 =	vmul.f32 v26, v25;
	v29, _, _ =	vpop (xrf2);
	(xrf2) =	vadd.scan.msk.f32 $0xffff, v0;
	v27 =	vadd.f32 v27, v33  }
0x14f: {  	v25 =	vld [tilespmem:s15+$0x43A0];
	v28 =	vadd.f32 v11, v28;
	v49 =	vadd.f32 v46, v45;
	v30 =	vmul.f32 v9, v30  }
0x150: {  	v51 =	vld [tilespmem:$0x1FF80];
	v23 =	vadd.f32 v24, v23;
	v20 =	vmul.f32 v47, v19  }
0x151: {  	v24 =	vld [tilespmem:s15+$0x43B0];
	v39, _, _ =	vpop (xrf2);
	(xrf2) =	vadd.scan.msk.f32 $0xffff, v27;
	v27 =	vadd.f32 v31, v28;
	v28 =	vadd.f32 v30, v49;
	v30 =	vmul.f32 v44, v10  }
0x152: {  	v31 =	vld [tilespmem:s15+$0x3B0]  }
0x153: {  	v32 =	vld [tilespmem:$0x1FEB0];
	v20 =	vadd.f32 v20, v23;
	v23 =	vmul.f32 v50, v48;
	v26, _, _ =	vpop (xrf2);
	(xrf2) =	vadd.scan.msk.f32 $0xffff, v27;
	v27 =	vadd.f32 v30, v28  }
0x154: {  	v35 =	vld [tilespmem:$0x1FEC0];
	v11 =	vmul.f32 v55, v53;
	v10 =	vmul.f32 v1, v52  }
0x155: {  	v14 =	vmul.f32 v25, v51;
	v18, _, _ =	vpop (xrf2);
	v28 =	vld [tilespmem:s15+$0x530];
	(xrf2) =	vadd.scan.msk.f32 $0xffff, v27  }
0x156: {  	v36 =	vld [tilespmem:$0x1FED0];
	v9 =	vmul.f32 v17, v56;
	v20 =	vadd.f32 v23, v20;
	v10 =	vadd.f32 v11, v10  }
0x157: {  	v23 =	vld [tilespmem:s15+$0x6B0];
	v14 =	vadd.f32 v14, v15;
	v15 =	vmul.f32 v24, v31  }
0x158: {  	v9 =	vadd.f32 v9, v10;
	v10 =	vld [tilespmem:$0x1FEA0];
	v13, _, _ =	vpop (xrf2);
	(xrf2) =	vadd.scan.msk.f32 $0xffff, v20  }
0x159: {  	v5 =	vmul.f32 v59, v58;
	v6 =	vmul.f32 v61, v60;
	v7 =	vld [tilespmem:s15+$0x7A0];
	v14 =	vadd.f32 v15, v14  }
0x15a: {  	v15 =	vld [tilespmem:s15+$0x47A0];
	v16 =	vmul.f32 v16, v28  }
0x15b: {  	v63 =	vld [tilespmem:s15+$0x7B0];
	v4 =	vmul.f32 v12, v62;
	v5 =	vadd.f32 v6, v5;
	v8, _, _ =	vpop (xrf2);
	(xrf2) =	vadd.scan.msk.f32 $0xffff, v14  }
0x15c: {  	v3 =	vld [tilespmem:s15+$0x47B0];
	v0 =	vmul.f32 v36, v35;
	v9 =	vadd.f32 v16, v9  }
0x15d: {  	v12 =	vadd.f32 v4, v5;
	v34 =	vmul.f32 v57, v23;
	v2 =	vmul.f32 v32, v10  }
0x15e: {  	v33, _, _ =	vpop (xrf2);
	(xrf2) =	vadd.scan.msk.f32 $0xffff, v9  }
0x15f: {  	v37 =	vadd.f32 v34, v12;
	v0 =	vadd.f32 v0, v2;
	v38 =	vmul.f32 v15, v7;
	v40, _, _ =	vpop (xrf2)  }
0x160: {  	v41 =	vbroadcast v33, $0xF;
	v42 =	vbroadcast v40, $0xF  }
0x161: {  	v44 =	vmul.f32 v3, v63;
	v43 =	vbroadcast v8, $0xF;
	v0 =	vadd.f32 v38, v0;
	(xrf2) =	vadd.scan.msk.f32 $0xffff, v37  }
0x162: {  	v46 =	vbroadcast v13, $0xF;
	v45 =	vsel vm0, v41, v42;
	v47, _, _ =	vpop (xrf2)  }
0x163: {  	v0 =	vadd.f32 v44, v0;
	v1 =	vsel vm1, v45, v43;
	v48 =	vbroadcast v47, $0xF  }
0x164: {  	v49 =	vbroadcast v18, $0xF;
	v1 =	vsel vm2, v1, v46  }
0x165: {  	v50 =	vbroadcast v26, $0xF;
	v51, _, _ =	vpop (xrf2);
	(xrf2) =	vadd.scan.msk.f32 $0xffff, v0;
	v1 =	vsel vm3, v1, v48  }
0x166: {  	v53 =	vbroadcast v51, $0xF;
	v52 =	vsel vm4, v1, v49  }
0x167: {  	v55 =	vbroadcast v39, $0xF;
	v0 =	vsel vm5, v52, v50  }
0x168: {  	v56 =	vbroadcast v29, $0xF;
	v57, _, _ =	vpop (xrf2);
	v0 =	vsel vm6, v0, v53  }
0x169: {  	v58 =	vbroadcast v57, $0xF;
	v0 =	vsel vm7, v0, v55  }
0x16a: {  	v59 =	vbroadcast v22, $0xF;
	v0 =	vsel vm8, v0, v56  }
0x16b: {  	v60 =	vbroadcast v21, $0xF;
	v61, _, _ =	vpop (xrf2);
	v0 =	vsel vm9, v0, v58  }
0x16c: {  	v3 =	vbroadcast v61, $0xF;
	v0 =	vsel vm10, v0, v59  }
0x16d: {  	v62 =	vbroadcast v54, $0xF;
	v0 =	vsel vm11, v0, v60  }
0x16e: {  	v0 =	vsel vm12, v0, v3  }
0x16f: {  	v63, _, _ =	vpop (xrf2);
	v0 =	vsel vm13, v0, v62  }
0x170: {  	s16 =	sadd.s32 $0x10, s16;
	v0 =	vsel vm14, v0, v63  }
0x171: {  	s15 =	sshra.s32 s17, $0x2;
	[tilespmem:s16+$0x0] =	vst v0  }
0x172: {  	v0 =	vld [tilespmem:s15+$0x730]  }
0x173: {  	v21 =	vld [tilespmem:s15+$0x4730]  }
0x174: {  	v4 =	vld [tilespmem:s15+$0x780]  }
0x175: {  	v5 =	vld [tilespmem:s15+$0x4780]  }
0x176: {  	v6 =	vld [tilespmem:s15+$0x790]  }
0x177: {  	v7 =	vld [tilespmem:s15+$0x4790]  }
0x178: {  	v26 =	vld [tilespmem:s15+$0x720]  }
0x179: {  	v31 =	vld [tilespmem:s15+$0x4720]  }
0x17a: {  	v35 =	vld [tilespmem:s15+$0x630]  }
0x17b: {  	v37 =	vld [tilespmem:s15+$0x4630]  }
0x17c: {  	v8 =	vld [tilespmem:s15+$0x6A0]  }
0x17d: {  	v24 =	vld [tilespmem:s15+$0x700]  }
0x17e: {  	v25 =	vld [tilespmem:s15+$0x4700]  }
0x17f: {  	v32 =	vld [tilespmem:s15+$0x710]  }
0x180: {  	v48 =	vld [tilespmem:s15+$0x4710]  }
0x181: {  	v9 =	vld [tilespmem:s15+$0x5B0]  }
0x182: {  	v22 =	vld [tilespmem:s15+$0x45B0]  }
0x183: {  	v33 =	vld [tilespmem:s15+$0x620]  }
0x184: {  	v34 =	vld [tilespmem:s15+$0x4620]  }
0x185: {  	v10 =	vld [tilespmem:s15+$0x680]  }
0x186: {  	v11 =	vld [tilespmem:s15+$0x4680]  }
0x187: {  	v36 =	vld [tilespmem:s15+$0x690]  }
0x188: {  	v38 =	vld [tilespmem:s15+$0x4690]  }
0x189: {  	v43 =	vld [tilespmem:s15+$0x5A0]  }
0x18a: {  	v46 =	vld [tilespmem:s15+$0x45A0]  }
0x18b: {  	v53 =	vld [tilespmem:s15+$0x600]  }
0x18c: {  	v54 =	vld [tilespmem:s15+$0x4600]  }
0x18d: {  	v55 =	vld [tilespmem:s15+$0x610]  }
0x18e: {  	v56 =	vld [tilespmem:s15+$0x4610]  }
0x18f: {  	v39 =	vld [tilespmem:s15+$0x4B0]  }
0x190: {  	v41 =	vld [tilespmem:s15+$0x44B0]  }
0x191: {  	v40 =	vld [tilespmem:s15+$0x520]  }
0x192: {  	v57 =	vld [tilespmem:s15+$0x580]  }
0x193: {  	v58 =	vld [tilespmem:s15+$0x4580]  }
0x194: {  	v59 =	vld [tilespmem:s15+$0x590]  }
0x195: {  	v60 =	vld [tilespmem:s15+$0x4590]  }
0x196: {  	v42 =	vld [tilespmem:s15+$0x430]  }
0x197: {  	v44 =	vld [tilespmem:s15+$0x4430]  }
0x198: {  	v52 =	vld [tilespmem:s15+$0x44A0]  }
0x199: {  	v45 =	vld [tilespmem:s15+$0x500]  }
0x19a: {  	v47 =	vld [tilespmem:s15+$0x4500]  }
0x19b: {  	v49 =	vld [tilespmem:s15+$0x510]  }
0x19c: {  	v50 =	vld [tilespmem:s15+$0x4510]  }
0x19d: {  	v61 =	vld [tilespmem:s15+$0x480]  }
0x19e: {  	v62 =	vld [tilespmem:s15+$0x4480]  }
0x19f: {  	v63 =	vld [tilespmem:s15+$0x490]  }
0x1a0: {  	v51 =	vld [tilespmem:s15+$0x3A0]  }
0x1a1: {  	v1 =	vld [tilespmem:s15+$0x400]  }
0x1a2: {  	v2 =	vld [tilespmem:s15+$0x4400]  }
0x1a3: {  	v3 =	vld [tilespmem:s15+$0x410]  }
0x1a4: {  	v23 =	vld [tilespmem:s15+$0x4380]  }
0x1a5: {  	v12 =	vld [tilespmem:s15+$0x4310]  }
0x1a6: {  	v29 =	vld [tilespmem:s15+$0x1B0]  }
0x1a7: {  	v30 =	vld [tilespmem:s15+$0x41B0]  }
0x1a8: {  	v19 =	vld [tilespmem:s15+$0x220]  }
0x1a9: {  	v13 =	vld [tilespmem:s15+$0x280]  }
0x1aa: {  	v14 =	vld [tilespmem:s15+$0x4280]  }
0x1ab: {  	v15 =	vld [tilespmem:s15+$0x290]  }
0x1ac: {  	v16 =	vld [tilespmem:s15+$0x4290]  }
0x1ad: {  	v27 =	vld [tilespmem:s15+$0x130]  }
0x1ae: {  	v28 =	vld [tilespmem:s15+$0x4130]  }
0x1af: {  	v17 =	vld [tilespmem:s15+$0x1A0]  }
0x1b0: {  	v18 =	vld [tilespmem:s15+$0x41A0]  }
0x1b1: {  	[tilespmem:$0x1FF10] =	vst v36;
	v36 =	vld [tilespmem:s15+$0x4A0]  }
0x1b2: {  	[tilespmem:$0x1FF60] =	vst v49;
	v49 =	vld [tilespmem:s15+$0x420]  }
0x1b3: {  	[tilespmem:$0x1FF20] =	vst v38;
	v38 =	vld [tilespmem:s15+$0x4420]  }
0x1b4: {  	[tilespmem:$0x1FCB0] =	vst v0;
	v0 =	vld [tilespmem:s15+$0x4490]  }
0x1b5: {  	[tilespmem:$0x1FF30] =	vst v40;
	v40 =	vld [tilespmem:s15+$0x330]  }
0x1b6: {  	[tilespmem:$0x1FCD0] =	vst v39;
	v39 =	vld [tilespmem:s15+$0x4330]  }
0x1b7: {  	[tilespmem:$0x1FEA0] =	vst v4;
	v4 =	vld [tilespmem:s15+$0x4410]  }
0x1b8: {  	[tilespmem:$0x1FCE0] =	vst v42;
	v42 =	vld [tilespmem:s15+$0x2B0]  }
0x1b9: {  	[tilespmem:$0x1FF40] =	vst v45;
	v45 =	vld [tilespmem:s15+$0x42B0]  }
0x1ba: {  	[tilespmem:$0x1FEB0] =	vst v5;
	v5 =	vld [tilespmem:s15+$0x320]  }
0x1bb: {  	[tilespmem:$0x1FEC0] =	vst v6;
	v6 =	vld [tilespmem:s15+$0x4320]  }
0x1bc: {  	[tilespmem:$0x1FF70] =	vst v50;
	v50 =	vld [tilespmem:s15+$0x380]  }
0x1bd: {  	[tilespmem:$0x1FF50] =	vst v47;
	v47 =	vld [tilespmem:s15+$0x390]  }
0x1be: {  	[tilespmem:$0x1FCF0] =	vst v44;
	v44 =	vld [tilespmem:s15+$0x4390]  }
0x1bf: {  	[tilespmem:$0x1FED0] =	vst v7;
	v7 =	vld [tilespmem:s15+$0x2A0]  }
0x1c0: {  	[tilespmem:$0x1FEE0] =	vst v8;
	v8 =	vld [tilespmem:s15+$0x42A0]  }
0x1c1: {  	[tilespmem:$0x1FCC0] =	vst v9;
	v9 =	vld [tilespmem:s15+$0x300]  }
0x1c2: {  	[tilespmem:$0x1FEF0] =	vst v10;
	v10 =	vld [tilespmem:s15+$0x4300]  }
0x1c3: {  	[tilespmem:$0x1FF00] =	vst v11;
	v11 =	vld [tilespmem:s15+$0x310]  }
0x1c4: {  	[tilespmem:$0x1FF80] =	vst v51;
	v51 =	vld [tilespmem:s15+$0x200]  }
0x1c5: {  	v20 =	vmul.f32 v25, v24;
	v24 =	vld [tilespmem:s15+$0x4200]  }
0x1c6: {  	v32 =	vmul.f32 v48, v32;
	v25 =	vld [tilespmem:s15+$0x210]  }
0x1c7: {  	v48 =	vmul.f32 v54, v53;
	v53 =	vmul.f32 v56, v55;
	v56 =	vld [tilespmem:$0x1FCB0]  }
0x1c8: {  	v60 =	vmul.f32 v60, v59;
	v59 =	vld [tilespmem:$0x1FCC0]  }
0x1c9: {  	v43 =	vmul.f32 v46, v43;
	v46 =	vld [tilespmem:$0x1FCF0]  }
0x1ca: {  	v20 =	vadd.f32 v32, v20;
	v32 =	vmul.f32 v31, v26;
	v26 =	vld [tilespmem:s15+$0x4210]  }
0x1cb: {  	v58 =	vmul.f32 v58, v57;
	v31 =	vld [tilespmem:s15+$0x30]  }
0x1cc: {  	v48 =	vadd.f32 v53, v48;
	v53 =	vmul.f32 v34, v33;
	v33 =	vld [tilespmem:s15+$0x120]  }
0x1cd: {  	v34 =	vld [tilespmem:s15+$0x4120];
	v57 =	vadd.f32 v60, v58  }
0x1ce: {  	v20 =	vadd.f32 v32, v20;
	v32 =	vld [tilespmem:s15+$0x4030]  }
0x1cf: {  	v35 =	vmul.f32 v37, v35;
	v37 =	vadd.f32 v43, v57;
	v43 =	vld [tilespmem:s15+$0x4190]  }
0x1d0: {  	v60 =	vmul.f32 v52, v36;
	v36 =	vld [tilespmem:s15+$0x4020];
	v21 =	vmul.f32 v21, v56  }
0x1d1: {  	v58 =	vmul.f32 v62, v61;
	v0 =	vmul.f32 v0, v63;
	v63 =	vld [tilespmem:$0x1FCD0]  }
0x1d2: {  	v61 =	vmul.f32 v4, v3;
	v3 =	vld [tilespmem:s15+$0x4100];
	v20 =	vadd.f32 v21, v20;
	v21 =	vadd.f32 v53, v48  }
0x1d3: {  	v22 =	vmul.f32 v22, v59;
	v59 =	vmul.f32 v39, v40;
	v39 =	vld [tilespmem:s15+$0x10]  }
0x1d4: {  	v40 =	vld [tilespmem:s15+$0x80];
	v21 =	vadd.f32 v35, v21  }
0x1d5: {  	v48 =	vld [tilespmem:s15+$0x180];
	v62 =	vadd.f32 v22, v37;
	(xrf2) =	vadd.scan.msk.f32 $0xffff, v20  }
0x1d6: {  	v53 =	vld [tilespmem:s15+$0x190];
	(xrf2) =	vadd.scan.msk.f32 $0xffff, v21  }
0x1d7: {  	v0 =	vadd.f32 v0, v58;
	v4 =	vmul.f32 v41, v63;
	v41 =	vld [tilespmem:$0x1FCE0];
	(xrf2) =	vadd.scan.msk.f32 $0xffff, v62  }
0x1d8: {  	v1 =	vmul.f32 v2, v1;
	v9 =	vmul.f32 v10, v9;
	v22 =	vld [tilespmem:s15+$0x100]  }
0x1d9: {  	v37 =	vmul.f32 v38, v49;
	v38 =	vmul.f32 v12, v11;
	v0 =	vadd.f32 v60, v0;
	v20 =	vld [tilespmem:s15+$0x4180]  }
0x1da: {  	v57 =	vmul.f32 v16, v15;
	v5 =	vmul.f32 v6, v5;
	v1 =	vadd.f32 v61, v1;
	v11 =	vld [tilespmem:s15+$0x4110]  }
0x1db: {  	v49 =	vmul.f32 v14, v13;
	v35 =	vld [tilespmem:s15+$0x20];
	v9 =	vadd.f32 v38, v9;
	v0 =	vadd.f32 v4, v0  }
0x1dc: {  	p0 =	sne.s32 s17, $0xE000;
	v16 =	vmovc v23;
	v60 =	vmul.f32 v8, v7;
	v1 =	vadd.f32 v37, v1;
	v4 =	vld [tilespmem:s15+$0x110];
	v2 =	vmul.f32 v46, v41  }
.Ltmp0:
0x1dd: {  	v37 =	vld [tilespmem:s15+$0x4000];
	v63 =	vmul.f32 v45, v42;
	v58 =	vadd.f32 v5, v9;
	(xrf2) =	vadd.scan.msk.f32 $0xffff, v0;
	v0 =	vadd.f32 v57, v49;
	(pc) =	sbr.rel @p0 .LBB2_3-.Ltmp0, $4  }
0x1de: {  	v15 =	vmovc v50;
	v38 =	vld [tilespmem:s15+$0x0];
	v62 =	vmul.f32 v43, v53;
	v61 =	vmul.f32 v20, v48;
	v1 =	vadd.f32 v2, v1  }
0x1df: {  	v42 =	vld [tilespmem:s15+$0x4080];
	v46 =	vmul.f32 v18, v17;
	v0 =	vadd.f32 v60, v0;
	v2 =	vadd.f32 v59, v58;
	v54, _, _ =	vpop (xrf2)  }
0x1e0: {  	v43 =	vld [tilespmem:s15+$0x90];
	v18 =	vmov v44;
	v17 =	vmov v47;
	v47 =	vmul.f32 v3, v22;
	(xrf2) =	vadd.scan.msk.f32 $0xffff, v1;
	v21, _, _ =	vpop (xrf2)  }
0x1e1: {  	s17 =	sadd.s32 $0x2000, s17;
	v41 =	vld [tilespmem:s15+$0x4010];
	v45 =	vadd.f32 v62, v61;
	v48 =	vmul.f32 v11, v4;
	v44 =	vadd.f32 v63, v0;
	(xrf2) =	vadd.scan.msk.f32 $0xffff, v2;
	v22, _, _ =	vpop (xrf2)  }
0x1e2: {  	v0 =	vld [tilespmem:s15+$0x4090]  }
0x1e3: {  	v1 =	vld [tilespmem:s15+$0xA0]  }
0x1e4: {  	v4 =	vld [tilespmem:s15+$0x40A0]  }
0x1e5: {  	v7 =	vld [tilespmem:s15+$0xB0]  }
0x1e6: {  	v6 =	vmul.f32 v34, v33;
	v33 =	vld [tilespmem:s15+$0x40B0]  }
0x1e7: {  	v10 =	vld [tilespmem:s15+$0x4220]  }
0x1e8: {  	v12 =	vld [tilespmem:s15+$0x230]  }
0x1e9: {  	v14 =	vld [tilespmem:s15+$0x43A0]  }
0x1ea: {  	v50 =	vld [tilespmem:s15+$0x4520]  }
0x1eb: {  	v52 =	vld [tilespmem:s15+$0x530]  }
0x1ec: {  	v53 =	vld [tilespmem:$0x1FF80]  }
0x1ed: {  	v55 =	vld [tilespmem:s15+$0x4530]  }
0x1ee: {  	v57 =	vld [tilespmem:$0x1FF40]  }
0x1ef: {  	v58 =	vld [tilespmem:$0x1FF50]  }
0x1f0: {  	v59 =	vld [tilespmem:$0x1FF60]  }
0x1f1: {  	v60 =	vld [tilespmem:$0x1FF70]  }
0x1f2: {  	v61 =	vld [tilespmem:s15+$0x46A0]  }
0x1f3: {  	v3 =	vmul.f32 v30, v29;
	v11 =	vmul.f32 v28, v27;
	v62 =	vld [tilespmem:s15+$0x6B0]  }
0x1f4: {  	v13 =	vmul.f32 v32, v31;
	v49 =	vmul.f32 v18, v17;
	v17 =	vld [tilespmem:$0x1FF30]  }
0x1f5: {  	v18 =	vld [tilespmem:s15+$0x46B0];
	v2 =	vadd.f32 v46, v45;
	v8 =	vmul.f32 v37, v38;
	v9 =	vmul.f32 v41, v39  }
0x1f6: {  	v20 =	vld [tilespmem:$0x1FEF0];
	v5 =	vadd.f32 v48, v47;
	v34 =	vmul.f32 v42, v40;
	v0 =	vmul.f32 v0, v43  }
0x1f7: {  	v23 =	vld [tilespmem:$0x1FF00];
	v37 =	vmul.f32 v36, v35;
	v40 =	vmul.f32 v24, v51;
	v8 =	vadd.f32 v9, v8  }
0x1f8: {  	v38 =	vld [tilespmem:s15+$0x4230];
	v5 =	vadd.f32 v6, v5;
	v1 =	vmul.f32 v4, v1;
	v0 =	vadd.f32 v0, v34  }
0x1f9: {  	v31 =	vld [tilespmem:$0x1FEE0];
	v2 =	vadd.f32 v3, v2;
	v41 =	vmul.f32 v26, v25;
	v39 =	vadd.f32 v37, v8  }
0x1fa: {  	(xrf2) =	vadd.scan.msk.f32 $0xffff, v44;
	v47 =	vld [tilespmem:s15+$0x43B0];
	v5 =	vadd.f32 v11, v5;
	v42 =	vmul.f32 v33, v7;
	v0 =	vadd.f32 v1, v0  }
0x1fb: {  	v43 =	vld [tilespmem:s15+$0x3B0];
	(xrf2) =	vadd.scan.msk.f32 $0xffff, v2;
	v46 =	vmul.f32 v10, v19;
	v45 =	vadd.f32 v41, v40;
	v44 =	vadd.f32 v13, v39  }
0x1fc: {  	v48 =	vmul.f32 v16, v15;
	v24 =	vld [tilespmem:$0x1FF10];
	(xrf2) =	vadd.scan.msk.f32 $0xffff, v5;
	v0 =	vadd.f32 v42, v0  }
0x1fd: {  	v25 =	vld [tilespmem:$0x1FF20];
	v4 =	vmul.f32 v38, v12;
	v51 =	vadd.f32 v46, v45;
	(xrf2) =	vadd.scan.msk.f32 $0xffff, v44  }
0x1fe: {  	v35 =	vld [tilespmem:$0x1FEB0];
	v5 =	vmul.f32 v14, v53;
	v1 =	vadd.f32 v49, v48;
	(xrf2) =	vadd.scan.msk.f32 $0xffff, v0  }
0x1ff: {  	v2 =	vmul.f32 v58, v57;
	v38 =	vld [tilespmem:$0x1FEC0];
	v56 =	vadd.f32 v4, v51;
	v4 =	vmul.f32 v60, v59  }
0x200: {  	v34 =	vld [tilespmem:$0x1FEA0];
	v3 =	vmul.f32 v47, v43;
	v1 =	vadd.f32 v5, v1  }
0x201: {  	v63, _, _ =	vpop (xrf2);
	v39 =	vld [tilespmem:$0x1FED0];
	v2 =	vadd.f32 v4, v2;
	v4 =	vmul.f32 v50, v17;
	(xrf2) =	vadd.scan.msk.f32 $0xffff, v56  }
0x202: {  	v29 =	vld [tilespmem:s15+$0x47A0];
	v19, _, _ =	vpop (xrf2);
	v11 =	vmul.f32 v25, v24;
	v1 =	vadd.f32 v3, v1;
	v3 =	vmul.f32 v23, v20  }
0x203: {  	v26 =	vld [tilespmem:s15+$0x7A0];
	v28 =	vmul.f32 v55, v52;
	v27, _, _ =	vpop (xrf2);
	v2 =	vadd.f32 v4, v2  }
0x204: {  	v32 =	vld [tilespmem:s15+$0x7B0];
	v10 =	vmul.f32 v61, v31;
	v30, _, _ =	vpop (xrf2);
	v3 =	vadd.f32 v11, v3;
	(xrf2) =	vadd.scan.msk.f32 $0xffff, v1  }
0x205: {  	v36 =	vld [tilespmem:s15+$0x47B0];
	v5 =	vmul.f32 v18, v62;
	v33, _, _ =	vpop (xrf2);
	v2 =	vadd.f32 v28, v2  }
0x206: {  	v4 =	vmul.f32 v35, v34;
	v9 =	vmul.f32 v39, v38;
	v37, _, _ =	vpop (xrf2);
	v3 =	vadd.f32 v10, v3  }
0x207: {  	(xrf2) =	vadd.scan.msk.f32 $0xffff, v2;
	v40, _, _ =	vpop (xrf2)  }
0x208: {  	v43 =	vmul.f32 v29, v26;
	v42 =	vadd.f32 v9, v4;
	v41 =	vadd.f32 v5, v3;
	v44, _, _ =	vpop (xrf2)  }
0x209: {  	v45 =	vbroadcast v40, $0xF;
	v5 =	vbroadcast v44, $0xF  }
0x20a: {  	v47 =	vmul.f32 v36, v32;
	v46 =	vbroadcast v37, $0xF;
	v3 =	vadd.f32 v43, v42;
	(xrf2) =	vadd.scan.msk.f32 $0xffff, v41  }
0x20b: {  	v1 =	vbroadcast v33, $0xF;
	v49, _, _ =	vpop (xrf2);
	v48 =	vsel vm0, v45, v5  }
0x20c: {  	v3 =	vadd.f32 v47, v3;
	v5 =	vbroadcast v49, $0xF;
	v2 =	vsel vm1, v48, v46  }
0x20d: {  	v50 =	vbroadcast v30, $0xF;
	v1 =	vsel vm2, v2, v1  }
0x20e: {  	v51 =	vbroadcast v27, $0xF;
	(xrf2) =	vadd.scan.msk.f32 $0xffff, v3;
	v52, _, _ =	vpop (xrf2);
	v1 =	vsel vm3, v1, v5  }
0x20f: {  	v53 =	vbroadcast v52, $0xF;
	v1 =	vsel vm4, v1, v50  }
0x210: {  	v0 =	vbroadcast v19, $0xF;
	v1 =	vsel vm5, v1, v51  }
0x211: {  	v55 =	vbroadcast v63, $0xF;
	v56, _, _ =	vpop (xrf2);
	v1 =	vsel vm6, v1, v53  }
0x212: {  	v57 =	vbroadcast v56, $0xF;
	v0 =	vsel vm7, v1, v0  }
0x213: {  	v58 =	vbroadcast v22, $0xF;
	v0 =	vsel vm8, v0, v55  }
0x214: {  	s14 =	sadd.s32 $0x1, s14;
	v59 =	vbroadcast v21, $0xF;
	v60, _, _ =	vpop (xrf2);
	v0 =	vsel vm9, v0, v57  }
0x215: {  	p0 =	sne.s32 s14, $0x4;
	v61 =	vbroadcast v60, $0xF;
	v0 =	vsel vm10, v0, v58  }
.Ltmp1:
0x216: {  	v62 =	vbroadcast v54, $0xF;
	v0 =	vsel vm11, v0, v59;
	(pc) =	sbr.rel @p0 .LBB2_2-.Ltmp1, $4  }
0x217: {  	v0 =	vsel vm12, v0, v61  }
0x218: {  	v63, _, _ =	vpop (xrf2);
	v0 =	vsel vm13, v0, v62  }
0x219: {  	s31 =	sadd.s32 $0x10, s16;
	v0 =	vsel vm14, v0, v63  }
0x21a: {  	s13 =	sadd.s32 $0x80, s13;
	[tilespmem:s31+$0x0] =	vst v0  }
0x21b: {  	s12 =	sadd.s32 $0x1, s12  }
0x21c: {  	p0 =	sne.s32 s12, s6  }
.Ltmp2:
0x21d: {  	_ = 	snop;
	(pc) =	sbr.rel @p0 .LBB2_1-.Ltmp2, $4  }
0x21e: {  	[hbm4b:s5+s2] =	stream.linear.scatter [tilespmem:s10], [sflag:$0x2], $0x200, $0x38;
	[tilespmem:$0x8200] =	vst v63  }
0x21f: {  	_ =	swait.ge [sflag:s11], $0x200  }
0x220: {  	[sflag:s11] =	ssyncset.done $0x0  }
0x221: {  	[sflag:s11] =	ssyncadd.s32 $0xFFFFFE00  }
0x222: {  	_ =	sfence.sel $0x180000  }
0x223: {  	[bflag:$0x0] =	sbarrier.arrive $0xFFFF  }
0x224: {  	p0 =	sne.s32 s1, $0x0;
	_ =	strace $0x9000004A  }
0x225: {  	s0 =	sadd.s32 @!p0 $0x100000, s0;
	[bflag:$0x2] =	sbarrier.arrive $0xFFFF  }
0x226: {  	[sflag:s0] =	ssyncadd.tile.s32 @!p0 $0x1;
	_ =	shalt  }
.Lfunc_end2:
_tile_overlayer_lowered:
.L_overlay_start_2:
0x227: {  	(tag) =	ssettag $0x2  }
0x228: {  	s0 =	rddreg [dreg:$0x0];
	s2 =	stileid.u32  }
0x229: {  	s1 =	rddreg [dreg:$0x1];
	p0 =	sne.s32 s2, $0x0  }
0x22a: {  	s3 =	rddreg [dreg:$0x2];
	[bflag:$0x3] =	sbarrier.arrive $0xFFFF;
	s2 =	simm.s32 @!p0 $0x1C02  }
0x22b: {  	[timem:s3], [sflag:s2] =	dma.local @!p0 [hbm:s0], s1  }
0x22c: {  	s0 =	simm.s32 @!p0 $0x2  }
0x22d: {  	_ =	swait.ge @!p0 [sflag:s0], s1  }
0x22e: {  	s1 =	ssub.s32 @!p0 $0x0, s1;
	[sflag:s0] =	ssyncset.done @!p0 $0x0  }
0x22f: {  	[sflag:s0] =	ssyncadd.s32 @!p0 s1  }
0x230: {  	[bflag:$0x3] =	sbarrier.arrive $0xFFFF  }
0x231: {  	_ =	shalt  }

</sc_bundles>
